<compile_context>
chip_gen: v7x
topology: tpu7x:2x2x1
jax: 0.10.2.dev20260603
libtpu: 0.0.44.dev20260713+nightly
codegen_flags: <defaults>
</compile_context>

<pallas_src>
import functools

import jax
import jax.numpy as jnp
from jax import lax
from jax.experimental import pallas as pl
from jax.experimental.pallas import tpu as pltpu
from jax.experimental.pallas import tpu_sc as plsc

N = 100000
E = 6400000
D = 16
DEG_COL = 10

NC = 2
NS = 16
NW = NC * NS
EPW = E // NW

CH = 80
KG = 10
GROUP = CH * KG
NGROUPS = EPW // GROUP

K = 50000
KP = 51200
KPW = KP // NW
CH3 = 80
NCH3 = KPW // CH3



_BLK0 = 5000


def _build_x_body(real_ref, cat_ref, emb_ref, out_ref):
    cat = cat_ref[:]
    onehot = (lax.broadcasted_iota(jnp.int32, (_BLK0, 6), 1) == cat)
    emb = jnp.dot(onehot.astype(jnp.float32), emb_ref[:],
                  preferred_element_type=jnp.float32)
    out_ref[:] = jnp.concatenate(
        [real_ref[:], emb,
         jnp.ones((_BLK0, 1), jnp.float32),
         jnp.zeros((_BLK0, D - DEG_COL - 1), jnp.float32)], axis=1)


def _build_x(real, cat, emb_table):
    return pl.pallas_call(
        _build_x_body,
        grid=(N // _BLK0,),
        in_specs=[
            pl.BlockSpec((_BLK0, 5), lambda i: (i, 0)),
            pl.BlockSpec((_BLK0, 1), lambda i: (i, 0)),
            pl.BlockSpec((6, 5), lambda i: (0, 0)),
        ],
        out_specs=pl.BlockSpec((_BLK0, D), lambda i: (i, 0)),
        out_shape=jax.ShapeDtypeStruct((N, D), jnp.float32),
    )(real, cat, emb_table)



_MESH = plsc.VectorSubcoreMesh(core_axis_name="c", subcore_axis_name="s")
_SC_PARAMS = pltpu.CompilerParams(use_tc_tiling_on_sc=False)


@functools.partial(
    pl.kernel,
    out_type=jax.ShapeDtypeStruct((NC, N, D), jnp.float32),
    mesh=_MESH,
    compiler_params=_SC_PARAMS,
    scratch_types=[
        pltpu.VMEM((2, GROUP), jnp.int32),
        pltpu.VMEM((3, GROUP), jnp.int32),
        pltpu.VMEM((2, GROUP, D), jnp.float32),
        pltpu.VMEM_SHARED((N, D), jnp.float32),
        pltpu.SemaphoreType.DMA,
        pltpu.SemaphoreType.DMA,
        pltpu.SemaphoreType.DMA,
    ],
)
def _sc_aggregate(edges_hbm, x_hbm, zeros_hbm, out_hbm,
                  sidx, didx, rows, acc, gsem, ssem, isem):
    c = lax.axis_index("c")
    s = lax.axis_index("s")
    wid = c * NS + s
    rpt = N // NS

    pltpu.sync_copy(zeros_hbm.at[s], acc.at[pl.ds(s * rpt, rpt)])
    plsc.subcore_barrier()

    base = wid * EPW

    pltpu.async_copy(edges_hbm.at[0, pl.ds(base, GROUP)], sidx.at[0], isem)
    pltpu.async_copy(edges_hbm.at[1, pl.ds(base, GROUP)], didx.at[0], isem)

    @pl.loop(0, NGROUPS)
    def _group(g):
        cur = lax.rem(g, 2)
        nxt = 1 - cur
        cur3 = lax.rem(g, 3)
        nxt3 = lax.rem(g + 1, 3)

        @pl.when(g >= 2)
        def _():
            pltpu.make_async_copy(
                x_hbm.at[pl.ds(0, GROUP)], rows.at[cur], ssem).wait()

        pltpu.make_async_copy(
            edges_hbm.at[0, pl.ds(0, GROUP)], sidx.at[cur], isem).wait()
        pltpu.make_async_copy(
            edges_hbm.at[1, pl.ds(0, GROUP)], didx.at[cur3], isem).wait()

        descs = []
        for j in range(KG):
            descs.append(pltpu.async_copy(
                x_hbm.at[sidx.at[cur, pl.ds(j * CH, CH)]],
                rows.at[cur, pl.ds(j * CH, CH)], gsem))

        @pl.when(g + 1 < NGROUPS)
        def _():
            off = base + (g + 1) * GROUP
            pltpu.async_copy(edges_hbm.at[0, pl.ds(off, GROUP)],
                             sidx.at[nxt], isem)
            pltpu.async_copy(edges_hbm.at[1, pl.ds(off, GROUP)],
                             didx.at[nxt3], isem)

        for d_ in descs:
            d_.wait()

        for j in range(KG):
            pltpu.async_copy(rows.at[cur, pl.ds(j * CH, CH)],
                             acc.at[didx.at[cur3, pl.ds(j * CH, CH)]],
                             ssem, add=True)

    pltpu.make_async_copy(x_hbm.at[pl.ds(0, GROUP)], rows.at[0], ssem).wait()
    pltpu.make_async_copy(x_hbm.at[pl.ds(0, GROUP)], rows.at[1], ssem).wait()

    plsc.subcore_barrier()
    pltpu.sync_copy(acc.at[pl.ds(s * rpt, rpt)],
                    out_hbm.at[c, pl.ds(s * rpt, rpt)])




@functools.partial(
    pl.kernel,
    out_type=jax.ShapeDtypeStruct((NC, KP, D), jnp.float32),
    mesh=_MESH,
    compiler_params=_SC_PARAMS,
    scratch_types=[
        pltpu.VMEM((KPW,), jnp.int32),
        pltpu.VMEM((NC, KPW, D), jnp.float32),
        pltpu.SemaphoreType.DMA,
    ],
)
def _sc_gather(aggs_hbm, mask_hbm, out_hbm, midx, vals, sem):
    c = lax.axis_index("c")
    s = lax.axis_index("s")
    wid = c * NS + s
    base = wid * KPW
    pltpu.sync_copy(mask_hbm.at[pl.ds(base, KPW)], midx)
    descs = []
    for cc in range(NC):
        for j in range(NCH3):
            descs.append(pltpu.async_copy(
                aggs_hbm.at[cc].at[midx.at[pl.ds(j * CH3, CH3)]],
                vals.at[cc, pl.ds(j * CH3, CH3)], sem))
    for d in descs:
        d.wait()
    for cc in range(NC):
        pltpu.sync_copy(vals.at[cc], out_hbm.at[cc, pl.ds(base, KPW)])



_BLK2 = 6400


def _mlp_body(sel_ref, w0_ref, b0_ref, w1_ref, b1_ref, w2_ref, b2_ref,
              out_ref):
    t = sel_ref[0] + sel_ref[1]
    deg = jnp.maximum(t[:, DEG_COL:DEG_COL + 1], 1.0)
    sm = t / deg
    h = jnp.maximum(jnp.dot(sm, w0_ref[:], preferred_element_type=jnp.float32)
                    + b0_ref[:], 0.0)
    h = jnp.maximum(jnp.dot(h, w1_ref[:], preferred_element_type=jnp.float32)
                    + b1_ref[:], 0.0)
    lo = jnp.dot(h, w2_ref[:], preferred_element_type=jnp.float32) + b2_ref[:]
    out_ref[:] = lo + jnp.zeros((1, 8), jnp.float32)


def _mlp_head(sel, w0, b0, w1, b1, w2, b2):
    full = lambda shape: pl.BlockSpec(shape, lambda i: tuple(0 for _ in shape))
    return pl.pallas_call(
        _mlp_body,
        grid=(KP // _BLK2,),
        in_specs=[
            pl.BlockSpec((2, _BLK2, D), lambda i: (0, i, 0)),
            full((D, 16)), full((1, 16)),
            full((16, 24)), full((1, 24)),
            full((24, 1)), full((1, 1)),
        ],
        out_specs=pl.BlockSpec((_BLK2, 8), lambda i: (i, 0)),
        out_shape=jax.ShapeDtypeStruct((KP, 8), jnp.float32),
    )(sel, w0, b0, w1, b1, w2, b2)



_R4 = KP // 128


def _softmax_body(sel_ref, out_ref):
    x = sel_ref[:]
    flat_idx = (lax.broadcasted_iota(jnp.int32, (_R4, 128), 0) * 128
                + lax.broadcasted_iota(jnp.int32, (_R4, 128), 1))
    valid = flat_idx < K
    neg = jnp.full_like(x, -jnp.inf)
    m = jnp.max(jnp.where(valid, x, neg))
    e = jnp.where(valid, jnp.exp(x - m), 0.0)
    out_ref[:] = e / jnp.sum(e)


def _softmax(sel2):
    return pl.pallas_call(
        _softmax_body,
        out_shape=jax.ShapeDtypeStruct((_R4, 128), jnp.float32),
    )(sel2)




def kernel(edge_index, real_features, cat_features, mask, emb_table,
           W_gcn, b_gcn, W1, b1, W2, b2):
    x_aug = _build_x(real_features, cat_features, emb_table)

    zeros = jnp.zeros((NS, N // NS, D), jnp.float32)
    aggs = _sc_aggregate(edge_index, x_aug, zeros)

    mask_p = jnp.concatenate([mask, jnp.zeros((KP - K,), jnp.int32)])
    sel = _sc_gather(aggs, mask_p)

    w0 = jnp.zeros((D, 16), jnp.float32).at[:DEG_COL].set(W_gcn)
    logits = _mlp_head(sel, w0, b_gcn.reshape(1, 16),
                       W1, b1.reshape(1, 24), W2, b2.reshape(1, 1))

    probs = _softmax(logits[:, 0].reshape(_R4, 128))
    return probs.reshape(-1)[:K]

# --- scband reference (transcript-rebuilt; emitter-appended) ---
"""Pipeline reference for scband-policy-net-29300266893880 (READ-ONLY COPY).

The authoritative reference and input builder live on the scoring server;
editing this copy changes nothing except your own understanding.
"""

import jax, jax.numpy as jnp
import numpy as np

N = 100000
E = 6400000
REAL_DIM = 5
CAT_VOCAB = 6
EMB_DIM = 5
OUT_DIM = 16
MASK_K = 50000


def setup_inputs(seed: int = 0) -> dict:
    key = jax.random.key(seed)
    ks = jax.random.split(key, 12)
    edge_index = jax.random.randint(ks[0], (2, E), 0, N, dtype=jnp.int32)
    real_features = jax.random.normal(ks[1], (N, REAL_DIM), dtype=jnp.float32)
    cat_features = jax.random.randint(ks[2], (N, 1), 0, CAT_VOCAB, dtype=jnp.int32)
    mask = jax.random.randint(ks[3], (MASK_K,), 0, N, dtype=jnp.int32)
    # learned parameters
    in_dim = REAL_DIM + EMB_DIM
    emb_table = jax.random.normal(ks[4], (CAT_VOCAB, EMB_DIM), dtype=jnp.float32) * 0.1
    W_gcn = jax.random.normal(ks[5], (in_dim, OUT_DIM), dtype=jnp.float32) * (1.0 / np.sqrt(in_dim))
    b_gcn = jnp.zeros((OUT_DIM,), dtype=jnp.float32)
    W1 = jax.random.normal(ks[6], (16, 24), dtype=jnp.float32) * (1.0 / np.sqrt(16))
    b1 = jnp.zeros((24,), dtype=jnp.float32)
    W2 = jax.random.normal(ks[7], (24, 1), dtype=jnp.float32) * (1.0 / np.sqrt(24))
    b2 = jnp.zeros((1,), dtype=jnp.float32)
    return {
        "edge_index": edge_index,
        "real_features": real_features,
        "cat_features": cat_features,
        "mask": mask,
        "emb_table": emb_table,
        "W_gcn": W_gcn,
        "b_gcn": b_gcn,
        "W1": W1,
        "b1": b1,
        "W2": W2,
        "b2": b2,
    }


def reference(edge_index, real_features, cat_features, mask, emb_table, W_gcn, b_gcn, W1, b1, W2, b2):
    # GCN: embed categorical features, concat with real features
    emb = jnp.take(emb_table, cat_features[:, 0], axis=0)  # [N, EMB_DIM]
    x = jnp.concatenate([real_features, emb], axis=1)       # [N, REAL_DIM+EMB_DIM]
    src = edge_index[0]
    dst = edge_index[1]
    n = x.shape[0]
    # mean-aggregate neighbor features (gather by src, scatter-add by dst)
    gathered = jnp.take(x, src, axis=0)                      # [E, in_dim]
    agg = jax.ops.segment_sum(gathered, dst, num_segments=n)
    deg = jax.ops.segment_sum(jnp.ones((src.shape[0],), dtype=x.dtype), dst, num_segments=n)
    agg = agg / jnp.maximum(deg, 1.0)[:, None]
    h = jax.nn.relu(agg @ W_gcn + b_gcn)                      # [N, 16]
    # PolicyNet head
    h = jax.nn.relu(h @ W1 + b1)                              # [N, 24]
    logits = h @ W2 + b2                                      # [N, 1]
    sel = jnp.take(logits, mask.flatten(), axis=0)            # [K, 1]
    probs = jax.nn.softmax(sel, axis=0)
    return probs.flatten()

if __name__ == "__main__":
    import jax
    _d = setup_inputs()
    print(jax.jit(kernel)(*tuple(_d.values())))

</pallas_src>

<mosaic_0001>
#map = affine_map<(d0, d1) -> (0, 0)>
#map1 = affine_map<(d0, d1) -> (0, 0, 0)>
module attributes {stable_mosaic.version = 14 : i64} {
  func.func @_sc_aggregate(%arg0: i32, %arg1: i32, %arg2: memref<2x6400000xi32, #tpu.memory_space<hbm>>, %arg3: memref<100000x16xf32, #tpu.memory_space<hbm>>, %arg4: memref<16x6250x16xf32, #tpu.memory_space<hbm>>, %arg5: memref<2x100000x16xf32, #tpu.memory_space<hbm>>, %arg6: memref<2x800xi32, #tpu.memory_space<vmem>>, %arg7: memref<3x800xi32, #tpu.memory_space<vmem>>, %arg8: memref<2x800x16xf32, #tpu.memory_space<vmem>>, %arg9: memref<100000x16xf32, #tpu.memory_space<vmem_shared>>, %arg10: memref<!tpu.dma_semaphore, #tpu.memory_space<semaphore_mem>>, %arg11: memref<!tpu.dma_semaphore, #tpu.memory_space<semaphore_mem>>, %arg12: memref<!tpu.dma_semaphore, #tpu.memory_space<semaphore_mem>>) attributes {dimension_semantics = [#tpu.dimension_semantics<core_parallel>, #tpu.dimension_semantics<subcore_parallel>], iteration_bounds = array<i64: 2, 16>, scalar_prefetch = 0 : i64, scratch_operands = 7 : i64, tpu.core_type = #tpu.core_type<sc_vector_subcore>, window_params = [{transform_indices = #map}, {transform_indices = #map}, {transform_indices = #map1}, {transform_indices = #map1}]} {
    %mul3A = arith.constant 16 : i32
    %mul3A_0 = arith.muli %arg0, %mul3A : i32
    %add3A = arith.addi %mul3A_0, %arg1 : i32
    %mul3A_1 = arith.constant 6250 : i32
    %mul3A_2 = arith.muli %arg1, %mul3A_1 : i32
    "tpu.region"() ({
      %run_scoped3A = tpu.sem_alloc : memref<!tpu.dma_semaphore, #tpu.memory_space<semaphore_mem>>
      %dma_start3A_66 = arith.constant 0 : i32
      %dma_start3A_67 = tpu.memref_slice %arg9[%mul3A_2, %dma_start3A_66] : memref<100000x16xf32, #tpu.memory_space<vmem_shared>> -> memref<6250x16xf32, #tpu.memory_space<vmem_shared>>
      %dma_start3A_68 = arith.constant 0 : i32
      %dma_start3A_69 = arith.constant 0 : i32
      %dma_start3A_70 = tpu.memref_slice %arg4[%arg1, %dma_start3A_68, %dma_start3A_69] : memref<16x6250x16xf32, #tpu.memory_space<hbm>> -> memref<1x6250x16xf32, #tpu.memory_space<hbm>>
      %dma_start3A_71 = tpu.memref_squeeze %dma_start3A_70 : memref<1x6250x16xf32, #tpu.memory_space<hbm>> -> memref<6250x16xf32, #tpu.memory_space<hbm>>
      tpu.enqueue_dma source(%dma_start3A_71 : memref<6250x16xf32, #tpu.memory_space<hbm>>) target(%dma_start3A_67 : memref<6250x16xf32, #tpu.memory_space<vmem_shared>>) target_semaphore(%run_scoped3A : memref<!tpu.dma_semaphore, #tpu.memory_space<semaphore_mem>>)
      %dma_wait3A_72 = arith.constant 0 : i32
      %dma_wait3A_73 = tpu.memref_slice %arg9[%mul3A_2, %dma_wait3A_72] : memref<100000x16xf32, #tpu.memory_space<vmem_shared>> -> memref<6250x16xf32, #tpu.memory_space<vmem_shared>>
      %dma_wait3A_74 = arith.constant 0 : i32
      %dma_wait3A_75 = arith.constant 0 : i32
      %dma_wait3A_76 = tpu.memref_slice %arg4[%arg1, %dma_wait3A_74, %dma_wait3A_75] : memref<16x6250x16xf32, #tpu.memory_space<hbm>> -> memref<1x6250x16xf32, #tpu.memory_space<hbm>>
      %dma_wait3A_77 = tpu.memref_squeeze %dma_wait3A_76 : memref<1x6250x16xf32, #tpu.memory_space<hbm>> -> memref<6250x16xf32, #tpu.memory_space<hbm>>
      tpu.wait_dma2 semaphore(%run_scoped3A : memref<!tpu.dma_semaphore, #tpu.memory_space<semaphore_mem>>) src(%dma_wait3A_77 : memref<6250x16xf32, #tpu.memory_space<hbm>>) dst(%dma_wait3A_73 : memref<6250x16xf32, #tpu.memory_space<vmem_shared>>)
      tpu.yield
    }) : () -> ()
    %barrier3A = arith.constant 0 : index
    tpu.barrier barrier_id(%barrier3A)
    %mul3A_3 = arith.constant 200000 : i32
    %mul3A_4 = arith.muli %add3A, %mul3A_3 : i32
    %dma_start3A = arith.constant 0 : i32
    %dma_start3A_5 = arith.constant 0 : i32
    %dma_start3A_6 = arith.constant 0 : i32
    %dma_start3A_7 = tpu.memref_slice %arg6[%dma_start3A_5, %dma_start3A_6] : memref<2x800xi32, #tpu.memory_space<vmem>> -> memref<1x800xi32, #tpu.memory_space<vmem>>
    %dma_start3A_8 = tpu.memref_squeeze %dma_start3A_7 : memref<1x800xi32, #tpu.memory_space<vmem>> -> memref<800xi32, #tpu.memory_space<vmem>>
    %dma_start3A_9 = tpu.memref_slice %arg2[%dma_start3A, %mul3A_4] : memref<2x6400000xi32, #tpu.memory_space<hbm>> -> memref<1x800xi32, #tpu.memory_space<hbm>>
    %dma_start3A_10 = tpu.memref_squeeze %dma_start3A_9 : memref<1x800xi32, #tpu.memory_space<hbm>> -> memref<800xi32, #tpu.memory_space<hbm>>
    %dma_start3A_11 = arith.constant 0 : i32
    %dma_start3A_12 = tpu.memref_slice %arg6[%dma_start3A_5, %dma_start3A_11] : memref<2x800xi32, #tpu.memory_space<vmem>> -> memref<1x800xi32, #tpu.memory_space<vmem>>
    %dma_start3A_13 = tpu.memref_squeeze %dma_start3A_12 : memref<1x800xi32, #tpu.memory_space<vmem>> -> memref<800xi32, #tpu.memory_space<vmem>>
    %dma_start3A_14 = tpu.memref_slice %arg2[%dma_start3A, %mul3A_4] : memref<2x6400000xi32, #tpu.memory_space<hbm>> -> memref<1x800xi32, #tpu.memory_space<hbm>>
    %dma_start3A_15 = tpu.memref_squeeze %dma_start3A_14 : memref<1x800xi32, #tpu.memory_space<hbm>> -> memref<800xi32, #tpu.memory_space<hbm>>
    tpu.enqueue_dma source(%dma_start3A_15 : memref<800xi32, #tpu.memory_space<hbm>>) target(%dma_start3A_13 : memref<800xi32, #tpu.memory_space<vmem>>) target_semaphore(%arg12 : memref<!tpu.dma_semaphore, #tpu.memory_space<semaphore_mem>>)
    %dma_start3A_16 = arith.constant 1 : i32
    %dma_start3A_17 = arith.constant 0 : i32
    %dma_start3A_18 = arith.constant 0 : i32
    %dma_start3A_19 = tpu.memref_slice %arg7[%dma_start3A_17, %dma_start3A_18] : memref<3x800xi32, #tpu.memory_space<vmem>> -> memref<1x800xi32, #tpu.memory_space<vmem>>
    %dma_start3A_20 = tpu.memref_squeeze %dma_start3A_19 : memref<1x800xi32, #tpu.memory_space<vmem>> -> memref<800xi32, #tpu.memory_space<vmem>>
    %dma_start3A_21 = tpu.memref_slice %arg2[%dma_start3A_16, %mul3A_4] : memref<2x6400000xi32, #tpu.memory_space<hbm>> -> memref<1x800xi32, #tpu.memory_space<hbm>>
    %dma_start3A_22 = tpu.memref_squeeze %dma_start3A_21 : memref<1x800xi32, #tpu.memory_space<hbm>> -> memref<800xi32, #tpu.memory_space<hbm>>
    %dma_start3A_23 = arith.constant 0 : i32
    %dma_start3A_24 = tpu.memref_slice %arg7[%dma_start3A_17, %dma_start3A_23] : memref<3x800xi32, #tpu.memory_space<vmem>> -> memref<1x800xi32, #tpu.memory_space<vmem>>
    %dma_start3A_25 = tpu.memref_squeeze %dma_start3A_24 : memref<1x800xi32, #tpu.memory_space<vmem>> -> memref<800xi32, #tpu.memory_space<vmem>>
    %dma_start3A_26 = tpu.memref_slice %arg2[%dma_start3A_16, %mul3A_4] : memref<2x6400000xi32, #tpu.memory_space<hbm>> -> memref<1x800xi32, #tpu.memory_space<hbm>>
    %dma_start3A_27 = tpu.memref_squeeze %dma_start3A_26 : memref<1x800xi32, #tpu.memory_space<hbm>> -> memref<800xi32, #tpu.memory_space<hbm>>
    tpu.enqueue_dma source(%dma_start3A_27 : memref<800xi32, #tpu.memory_space<hbm>>) target(%dma_start3A_25 : memref<800xi32, #tpu.memory_space<vmem>>) target_semaphore(%arg12 : memref<!tpu.dma_semaphore, #tpu.memory_space<semaphore_mem>>)
    %scan3A = arith.constant 0 : i32
    %scan3A_28 = arith.constant 250 : i32
    %scan3A_29 = arith.addi %scan3A, %scan3A_28 : i32
    %scan3A_30 = arith.constant 1 : i32
    scf.for %scan3A_66 = %scan3A to %scan3A_29 step %scan3A_30  : i32 {
      %mul3A_67 = arith.constant 1 : i32
      %mul3A_68 = arith.muli %scan3A_66, %mul3A_67 : i32
      %add3A_69 = arith.constant 0 : i32
      %add3A_70 = arith.addi %add3A_69, %mul3A_68 : i32
      %rem3A = arith.constant 2 : i32
      %rem3A_71 = arith.remsi %add3A_70, %rem3A : i32
      %sub3A = arith.constant 1 : i32
      %sub3A_72 = arith.subi %sub3A, %rem3A_71 : i32
      %rem3A_73 = arith.constant 3 : i32
      %rem3A_74 = arith.remsi %add3A_70, %rem3A_73 : i32
      %add3A_75 = arith.constant 1 : i32
      %add3A_76 = arith.addi %add3A_70, %add3A_75 : i32
      %rem3A_77 = arith.constant 3 : i32
      %rem3A_78 = arith.remsi %add3A_76, %rem3A_77 : i32
      %ge3A = arith.constant 2 : i32
      %ge3A_79 = arith.cmpi sge, %add3A_70, %ge3A : i32
      %convert_element_type3A = arith.extui %ge3A_79 : i1 to i32
      %cond3A = arith.constant 0 : i32
      %cond3A_80 = arith.cmpi ne, %convert_element_type3A, %cond3A : i32
      scf.if %cond3A_80 {
        %dma_wait3A_413 = arith.constant 0 : i32
        %dma_wait3A_414 = arith.constant 0 : i32
        %dma_wait3A_415 = tpu.memref_slice %arg8[%rem3A_71, %dma_wait3A_413, %dma_wait3A_414] : memref<2x800x16xf32, #tpu.memory_space<vmem>> -> memref<1x800x16xf32, #tpu.memory_space<vmem>>
        %dma_wait3A_416 = tpu.memref_squeeze %dma_wait3A_415 : memref<1x800x16xf32, #tpu.memory_space<vmem>> -> memref<800x16xf32, #tpu.memory_space<vmem>>
        %dma_wait3A_417 = arith.constant 0 : i32
        %dma_wait3A_418 = arith.constant 0 : i32
        %dma_wait3A_419 = tpu.memref_slice %arg3[%dma_wait3A_417, %dma_wait3A_418] : memref<100000x16xf32, #tpu.memory_space<hbm>> -> memref<800x16xf32, #tpu.memory_space<hbm>>
        %dma_wait3A_420 = arith.constant 0 : i32
        %dma_wait3A_421 = arith.constant 0 : i32
        %dma_wait3A_422 = tpu.memref_slice %arg8[%rem3A_71, %dma_wait3A_420, %dma_wait3A_421] : memref<2x800x16xf32, #tpu.memory_space<vmem>> -> memref<1x800x16xf32, #tpu.memory_space<vmem>>
        %dma_wait3A_423 = tpu.memref_squeeze %dma_wait3A_422 : memref<1x800x16xf32, #tpu.memory_space<vmem>> -> memref<800x16xf32, #tpu.memory_space<vmem>>
        %dma_wait3A_424 = arith.constant 0 : i32
        %dma_wait3A_425 = arith.constant 0 : i32
        %dma_wait3A_426 = tpu.memref_slice %arg3[%dma_wait3A_424, %dma_wait3A_425] : memref<100000x16xf32, #tpu.memory_space<hbm>> -> memref<800x16xf32, #tpu.memory_space<hbm>>
        tpu.wait_dma2 semaphore(%arg11 : memref<!tpu.dma_semaphore, #tpu.memory_space<semaphore_mem>>) src(%dma_wait3A_426 : memref<800x16xf32, #tpu.memory_space<hbm>>) dst(%dma_wait3A_423 : memref<800x16xf32, #tpu.memory_space<vmem>>)
      } else {
      }
      %dma_wait3A_81 = arith.constant 0 : i32
      %dma_wait3A_82 = arith.constant 0 : i32
      %dma_wait3A_83 = tpu.memref_slice %arg6[%rem3A_71, %dma_wait3A_82] : memref<2x800xi32, #tpu.memory_space<vmem>> -> memref<1x800xi32, #tpu.memory_space<vmem>>
      %dma_wait3A_84 = tpu.memref_squeeze %dma_wait3A_83 : memref<1x800xi32, #tpu.memory_space<vmem>> -> memref<800xi32, #tpu.memory_space<vmem>>
      %dma_wait3A_85 = arith.constant 0 : i32
      %dma_wait3A_86 = tpu.memref_slice %arg2[%dma_wait3A_81, %dma_wait3A_85] : memref<2x6400000xi32, #tpu.memory_space<hbm>> -> memref<1x800xi32, #tpu.memory_space<hbm>>
      %dma_wait3A_87 = tpu.memref_squeeze %dma_wait3A_86 : memref<1x800xi32, #tpu.memory_space<hbm>> -> memref<800xi32, #tpu.memory_space<hbm>>
      %dma_wait3A_88 = arith.constant 0 : i32
      %dma_wait3A_89 = tpu.memref_slice %arg6[%rem3A_71, %dma_wait3A_88] : memref<2x800xi32, #tpu.memory_space<vmem>> -> memref<1x800xi32, #tpu.memory_space<vmem>>
      %dma_wait3A_90 = tpu.memref_squeeze %dma_wait3A_89 : memref<1x800xi32, #tpu.memory_space<vmem>> -> memref<800xi32, #tpu.memory_space<vmem>>
      %dma_wait3A_91 = arith.constant 0 : i32
      %dma_wait3A_92 = tpu.memref_slice %arg2[%dma_wait3A_81, %dma_wait3A_91] : memref<2x6400000xi32, #tpu.memory_space<hbm>> -> memref<1x800xi32, #tpu.memory_space<hbm>>
      %dma_wait3A_93 = tpu.memref_squeeze %dma_wait3A_92 : memref<1x800xi32, #tpu.memory_space<hbm>> -> memref<800xi32, #tpu.memory_space<hbm>>
      tpu.wait_dma2 semaphore(%arg12 : memref<!tpu.dma_semaphore, #tpu.memory_space<semaphore_mem>>) src(%dma_wait3A_93 : memref<800xi32, #tpu.memory_space<hbm>>) dst(%dma_wait3A_90 : memref<800xi32, #tpu.memory_space<vmem>>)
      %dma_wait3A_94 = arith.constant 1 : i32
      %dma_wait3A_95 = arith.constant 0 : i32
      %dma_wait3A_96 = tpu.memref_slice %arg7[%rem3A_74, %dma_wait3A_95] : memref<3x800xi32, #tpu.memory_space<vmem>> -> memref<1x800xi32, #tpu.memory_space<vmem>>
      %dma_wait3A_97 = tpu.memref_squeeze %dma_wait3A_96 : memref<1x800xi32, #tpu.memory_space<vmem>> -> memref<800xi32, #tpu.memory_space<vmem>>
      %dma_wait3A_98 = arith.constant 0 : i32
      %dma_wait3A_99 = tpu.memref_slice %arg2[%dma_wait3A_94, %dma_wait3A_98] : memref<2x6400000xi32, #tpu.memory_space<hbm>> -> memref<1x800xi32, #tpu.memory_space<hbm>>
      %dma_wait3A_100 = tpu.memref_squeeze %dma_wait3A_99 : memref<1x800xi32, #tpu.memory_space<hbm>> -> memref<800xi32, #tpu.memory_space<hbm>>
      %dma_wait3A_101 = arith.constant 0 : i32
      %dma_wait3A_102 = tpu.memref_slice %arg7[%rem3A_74, %dma_wait3A_101] : memref<3x800xi32, #tpu.memory_space<vmem>> -> memref<1x800xi32, #tpu.memory_space<vmem>>
      %dma_wait3A_103 = tpu.memref_squeeze %dma_wait3A_102 : memref<1x800xi32, #tpu.memory_space<vmem>> -> memref<800xi32, #tpu.memory_space<vmem>>
      %dma_wait3A_104 = arith.constant 0 : i32
      %dma_wait3A_105 = tpu.memref_slice %arg2[%dma_wait3A_94, %dma_wait3A_104] : memref<2x6400000xi32, #tpu.memory_space<hbm>> -> memref<1x800xi32, #tpu.memory_space<hbm>>
      %dma_wait3A_106 = tpu.memref_squeeze %dma_wait3A_105 : memref<1x800xi32, #tpu.memory_space<hbm>> -> memref<800xi32, #tpu.memory_space<hbm>>
      tpu.wait_dma2 semaphore(%arg12 : memref<!tpu.dma_semaphore, #tpu.memory_space<semaphore_mem>>) src(%dma_wait3A_106 : memref<800xi32, #tpu.memory_space<hbm>>) dst(%dma_wait3A_103 : memref<800xi32, #tpu.memory_space<vmem>>)
      %dma_start3A_107 = arith.constant 0 : i32
      %dma_start3A_108 = arith.constant 0 : i32
      %dma_start3A_109 = tpu.memref_slice %arg8[%rem3A_71, %dma_start3A_107, %dma_start3A_108] : memref<2x800x16xf32, #tpu.memory_space<vmem>> -> memref<1x80x16xf32, #tpu.memory_space<vmem>>
      %dma_start3A_110 = tpu.memref_squeeze %dma_start3A_109 : memref<1x80x16xf32, #tpu.memory_space<vmem>> -> memref<80x16xf32, #tpu.memory_space<vmem>>
      %dma_start3A_111 = arith.constant 0 : i32
      %dma_start3A_112 = tpu.memref_slice %arg6[%rem3A_71, %dma_start3A_111] : memref<2x800xi32, #tpu.memory_space<vmem>> -> memref<1x80xi32, #tpu.memory_space<vmem>>
      %dma_start3A_113 = tpu.memref_squeeze %dma_start3A_112 : memref<1x80xi32, #tpu.memory_space<vmem>> -> memref<80xi32, #tpu.memory_space<vmem>>
      %dma_start3A_114 = arith.constant 0 : i32
      %dma_start3A_115 = arith.constant 0 : i32
      %dma_start3A_116 = tpu.memref_slice %arg3[%dma_start3A_114, %dma_start3A_115] : memref<100000x16xf32, #tpu.memory_space<hbm>> -> memref<100000x16xf32, #tpu.memory_space<hbm>>
      tpu.enqueue_indirect_dma source(%dma_start3A_116 : memref<100000x16xf32, #tpu.memory_space<hbm>>) target(%dma_start3A_110 : memref<80x16xf32, #tpu.memory_space<vmem>>) offsets(%dma_start3A_113 : memref<80xi32, #tpu.memory_space<vmem>>) semaphore(%arg10 : memref<!tpu.dma_semaphore, #tpu.memory_space<semaphore_mem>>)
      %dma_start3A_117 = arith.constant 80 : i32
      %dma_start3A_118 = arith.constant 0 : i32
      %dma_start3A_119 = tpu.memref_slice %arg8[%rem3A_71, %dma_start3A_117, %dma_start3A_118] : memref<2x800x16xf32, #tpu.memory_space<vmem>> -> memref<1x80x16xf32, #tpu.memory_space<vmem>>
      %dma_start3A_120 = tpu.memref_squeeze %dma_start3A_119 : memref<1x80x16xf32, #tpu.memory_space<vmem>> -> memref<80x16xf32, #tpu.memory_space<vmem>>
      %dma_start3A_121 = arith.constant 80 : i32
      %dma_start3A_122 = tpu.memref_slice %arg6[%rem3A_71, %dma_start3A_121] : memref<2x800xi32, #tpu.memory_space<vmem>> -> memref<1x80xi32, #tpu.memory_space<vmem>>
      %dma_start3A_123 = tpu.memref_squeeze %dma_start3A_122 : memref<1x80xi32, #tpu.memory_space<vmem>> -> memref<80xi32, #tpu.memory_space<vmem>>
      %dma_start3A_124 = arith.constant 0 : i32
      %dma_start3A_125 = arith.constant 0 : i32
      %dma_start3A_126 = tpu.memref_slice %arg3[%dma_start3A_124, %dma_start3A_125] : memref<100000x16xf32, #tpu.memory_space<hbm>> -> memref<100000x16xf32, #tpu.memory_space<hbm>>
      tpu.enqueue_indirect_dma source(%dma_start3A_126 : memref<100000x16xf32, #tpu.memory_space<hbm>>) target(%dma_start3A_120 : memref<80x16xf32, #tpu.memory_space<vmem>>) offsets(%dma_start3A_123 : memref<80xi32, #tpu.memory_space<vmem>>) semaphore(%arg10 : memref<!tpu.dma_semaphore, #tpu.memory_space<semaphore_mem>>)
      %dma_start3A_127 = arith.constant 160 : i32
      %dma_start3A_128 = arith.constant 0 : i32
      %dma_start3A_129 = tpu.memref_slice %arg8[%rem3A_71, %dma_start3A_127, %dma_start3A_128] : memref<2x800x16xf32, #tpu.memory_space<vmem>> -> memref<1x80x16xf32, #tpu.memory_space<vmem>>
      %dma_start3A_130 = tpu.memref_squeeze %dma_start3A_129 : memref<1x80x16xf32, #tpu.memory_space<vmem>> -> memref<80x16xf32, #tpu.memory_space<vmem>>
      %dma_start3A_131 = arith.constant 160 : i32
      %dma_start3A_132 = tpu.memref_slice %arg6[%rem3A_71, %dma_start3A_131] : memref<2x800xi32, #tpu.memory_space<vmem>> -> memref<1x80xi32, #tpu.memory_space<vmem>>
      %dma_start3A_133 = tpu.memref_squeeze %dma_start3A_132 : memref<1x80xi32, #tpu.memory_space<vmem>> -> memref<80xi32, #tpu.memory_space<vmem>>
      %dma_start3A_134 = arith.constant 0 : i32
      %dma_start3A_135 = arith.constant 0 : i32
      %dma_start3A_136 = tpu.memref_slice %arg3[%dma_start3A_134, %dma_start3A_135] : memref<100000x16xf32, #tpu.memory_space<hbm>> -> memref<100000x16xf32, #tpu.memory_space<hbm>>
      tpu.enqueue_indirect_dma source(%dma_start3A_136 : memref<100000x16xf32, #tpu.memory_space<hbm>>) target(%dma_start3A_130 : memref<80x16xf32, #tpu.memory_space<vmem>>) offsets(%dma_start3A_133 : memref<80xi32, #tpu.memory_space<vmem>>) semaphore(%arg10 : memref<!tpu.dma_semaphore, #tpu.memory_space<semaphore_mem>>)
      %dma_start3A_137 = arith.constant 240 : i32
      %dma_start3A_138 = arith.constant 0 : i32
      %dma_start3A_139 = tpu.memref_slice %arg8[%rem3A_71, %dma_start3A_137, %dma_start3A_138] : memref<2x800x16xf32, #tpu.memory_space<vmem>> -> memref<1x80x16xf32, #tpu.memory_space<vmem>>
      %dma_start3A_140 = tpu.memref_squeeze %dma_start3A_139 : memref<1x80x16xf32, #tpu.memory_space<vmem>> -> memref<80x16xf32, #tpu.memory_space<vmem>>
      %dma_start3A_141 = arith.constant 240 : i32
      %dma_start3A_142 = tpu.memref_slice %arg6[%rem3A_71, %dma_start3A_141] : memref<2x800xi32, #tpu.memory_space<vmem>> -> memref<1x80xi32, #tpu.memory_space<vmem>>
      %dma_start3A_143 = tpu.memref_squeeze %dma_start3A_142 : memref<1x80xi32, #tpu.memory_space<vmem>> -> memref<80xi32, #tpu.memory_space<vmem>>
      %dma_start3A_144 = arith.constant 0 : i32
      %dma_start3A_145 = arith.constant 0 : i32
      %dma_start3A_146 = tpu.memref_slice %arg3[%dma_start3A_144, %dma_start3A_145] : memref<100000x16xf32, #tpu.memory_space<hbm>> -> memref<100000x16xf32, #tpu.memory_space<hbm>>
      tpu.enqueue_indirect_dma source(%dma_start3A_146 : memref<100000x16xf32, #tpu.memory_space<hbm>>) target(%dma_start3A_140 : memref<80x16xf32, #tpu.memory_space<vmem>>) offsets(%dma_start3A_143 : memref<80xi32, #tpu.memory_space<vmem>>) semaphore(%arg10 : memref<!tpu.dma_semaphore, #tpu.memory_space<semaphore_mem>>)
      %dma_start3A_147 = arith.constant 320 : i32
      %dma_start3A_148 = arith.constant 0 : i32
      %dma_start3A_149 = tpu.memref_slice %arg8[%rem3A_71, %dma_start3A_147, %dma_start3A_148] : memref<2x800x16xf32, #tpu.memory_space<vmem>> -> memref<1x80x16xf32, #tpu.memory_space<vmem>>
      %dma_start3A_150 = tpu.memref_squeeze %dma_start3A_149 : memref<1x80x16xf32, #tpu.memory_space<vmem>> -> memref<80x16xf32, #tpu.memory_space<vmem>>
      %dma_start3A_151 = arith.constant 320 : i32
      %dma_start3A_152 = tpu.memref_slice %arg6[%rem3A_71, %dma_start3A_151] : memref<2x800xi32, #tpu.memory_space<vmem>> -> memref<1x80xi32, #tpu.memory_space<vmem>>
      %dma_start3A_153 = tpu.memref_squeeze %dma_start3A_152 : memref<1x80xi32, #tpu.memory_space<vmem>> -> memref<80xi32, #tpu.memory_space<vmem>>
      %dma_start3A_154 = arith.constant 0 : i32
      %dma_start3A_155 = arith.constant 0 : i32
      %dma_start3A_156 = tpu.memref_slice %arg3[%dma_start3A_154, %dma_start3A_155] : memref<100000x16xf32, #tpu.memory_space<hbm>> -> memref<100000x16xf32, #tpu.memory_space<hbm>>
      tpu.enqueue_indirect_dma source(%dma_start3A_156 : memref<100000x16xf32, #tpu.memory_space<hbm>>) target(%dma_start3A_150 : memref<80x16xf32, #tpu.memory_space<vmem>>) offsets(%dma_start3A_153 : memref<80xi32, #tpu.memory_space<vmem>>) semaphore(%arg10 : memref<!tpu.dma_semaphore, #tpu.memory_space<semaphore_mem>>)
      %dma_start3A_157 = arith.constant 400 : i32
      %dma_start3A_158 = arith.constant 0 : i32
      %dma_start3A_159 = tpu.memref_slice %arg8[%rem3A_71, %dma_start3A_157, %dma_start3A_158] : memref<2x800x16xf32, #tpu.memory_space<vmem>> -> memref<1x80x16xf32, #tpu.memory_space<vmem>>
      %dma_start3A_160 = tpu.memref_squeeze %dma_start3A_159 : memref<1x80x16xf32, #tpu.memory_space<vmem>> -> memref<80x16xf32, #tpu.memory_space<vmem>>
      %dma_start3A_161 = arith.constant 400 : i32
      %dma_start3A_162 = tpu.memref_slice %arg6[%rem3A_71, %dma_start3A_161] : memref<2x800xi32, #tpu.memory_space<vmem>> -> memref<1x80xi32, #tpu.memory_space<vmem>>
      %dma_start3A_163 = tpu.memref_squeeze %dma_start3A_162 : memref<1x80xi32, #tpu.memory_space<vmem>> -> memref<80xi32, #tpu.memory_space<vmem>>
      %dma_start3A_164 = arith.constant 0 : i32
      %dma_start3A_165 = arith.constant 0 : i32
      %dma_start3A_166 = tpu.memref_slice %arg3[%dma_start3A_164, %dma_start3A_165] : memref<100000x16xf32, #tpu.memory_space<hbm>> -> memref<100000x16xf32, #tpu.memory_space<hbm>>
      tpu.enqueue_indirect_dma source(%dma_start3A_166 : memref<100000x16xf32, #tpu.memory_space<hbm>>) target(%dma_start3A_160 : memref<80x16xf32, #tpu.memory_space<vmem>>) offsets(%dma_start3A_163 : memref<80xi32, #tpu.memory_space<vmem>>) semaphore(%arg10 : memref<!tpu.dma_semaphore, #tpu.memory_space<semaphore_mem>>)
      %dma_start3A_167 = arith.constant 480 : i32
      %dma_start3A_168 = arith.constant 0 : i32
      %dma_start3A_169 = tpu.memref_slice %arg8[%rem3A_71, %dma_start3A_167, %dma_start3A_168] : memref<2x800x16xf32, #tpu.memory_space<vmem>> -> memref<1x80x16xf32, #tpu.memory_space<vmem>>
      %dma_start3A_170 = tpu.memref_squeeze %dma_start3A_169 : memref<1x80x16xf32, #tpu.memory_space<vmem>> -> memref<80x16xf32, #tpu.memory_space<vmem>>
      %dma_start3A_171 = arith.constant 480 : i32
      %dma_start3A_172 = tpu.memref_slice %arg6[%rem3A_71, %dma_start3A_171] : memref<2x800xi32, #tpu.memory_space<vmem>> -> memref<1x80xi32, #tpu.memory_space<vmem>>
      %dma_start3A_173 = tpu.memref_squeeze %dma_start3A_172 : memref<1x80xi32, #tpu.memory_space<vmem>> -> memref<80xi32, #tpu.memory_space<vmem>>
      %dma_start3A_174 = arith.constant 0 : i32
      %dma_start3A_175 = arith.constant 0 : i32
      %dma_start3A_176 = tpu.memref_slice %arg3[%dma_start3A_174, %dma_start3A_175] : memref<100000x16xf32, #tpu.memory_space<hbm>> -> memref<100000x16xf32, #tpu.memory_space<hbm>>
      tpu.enqueue_indirect_dma source(%dma_start3A_176 : memref<100000x16xf32, #tpu.memory_space<hbm>>) target(%dma_start3A_170 : memref<80x16xf32, #tpu.memory_space<vmem>>) offsets(%dma_start3A_173 : memref<80xi32, #tpu.memory_space<vmem>>) semaphore(%arg10 : memref<!tpu.dma_semaphore, #tpu.memory_space<semaphore_mem>>)
      %dma_start3A_177 = arith.constant 560 : i32
      %dma_start3A_178 = arith.constant 0 : i32
      %dma_start3A_179 = tpu.memref_slice %arg8[%rem3A_71, %dma_start3A_177, %dma_start3A_178] : memref<2x800x16xf32, #tpu.memory_space<vmem>> -> memref<1x80x16xf32, #tpu.memory_space<vmem>>
      %dma_start3A_180 = tpu.memref_squeeze %dma_start3A_179 : memref<1x80x16xf32, #tpu.memory_space<vmem>> -> memref<80x16xf32, #tpu.memory_space<vmem>>
      %dma_start3A_181 = arith.constant 560 : i32
      %dma_start3A_182 = tpu.memref_slice %arg6[%rem3A_71, %dma_start3A_181] : memref<2x800xi32, #tpu.memory_space<vmem>> -> memref<1x80xi32, #tpu.memory_space<vmem>>
      %dma_start3A_183 = tpu.memref_squeeze %dma_start3A_182 : memref<1x80xi32, #tpu.memory_space<vmem>> -> memref<80xi32, #tpu.memory_space<vmem>>
      %dma_start3A_184 = arith.constant 0 : i32
      %dma_start3A_185 = arith.constant 0 : i32
      %dma_start3A_186 = tpu.memref_slice %arg3[%dma_start3A_184, %dma_start3A_185] : memref<100000x16xf32, #tpu.memory_space<hbm>> -> memref<100000x16xf32, #tpu.memory_space<hbm>>
      tpu.enqueue_indirect_dma source(%dma_start3A_186 : memref<100000x16xf32, #tpu.memory_space<hbm>>) target(%dma_start3A_180 : memref<80x16xf32, #tpu.memory_space<vmem>>) offsets(%dma_start3A_183 : memref<80xi32, #tpu.memory_space<vmem>>) semaphore(%arg10 : memref<!tpu.dma_semaphore, #tpu.memory_space<semaphore_mem>>)
      %dma_start3A_187 = arith.constant 640 : i32
      %dma_start3A_188 = arith.constant 0 : i32
      %dma_start3A_189 = tpu.memref_slice %arg8[%rem3A_71, %dma_start3A_187, %dma_start3A_188] : memref<2x800x16xf32, #tpu.memory_space<vmem>> -> memref<1x80x16xf32, #tpu.memory_space<vmem>>
      %dma_start3A_190 = tpu.memref_squeeze %dma_start3A_189 : memref<1x80x16xf32, #tpu.memory_space<vmem>> -> memref<80x16xf32, #tpu.memory_space<vmem>>
      %dma_start3A_191 = arith.constant 640 : i32
      %dma_start3A_192 = tpu.memref_slice %arg6[%rem3A_71, %dma_start3A_191] : memref<2x800xi32, #tpu.memory_space<vmem>> -> memref<1x80xi32, #tpu.memory_space<vmem>>
      %dma_start3A_193 = tpu.memref_squeeze %dma_start3A_192 : memref<1x80xi32, #tpu.memory_space<vmem>> -> memref<80xi32, #tpu.memory_space<vmem>>
      %dma_start3A_194 = arith.constant 0 : i32
      %dma_start3A_195 = arith.constant 0 : i32
      %dma_start3A_196 = tpu.memref_slice %arg3[%dma_start3A_194, %dma_start3A_195] : memref<100000x16xf32, #tpu.memory_space<hbm>> -> memref<100000x16xf32, #tpu.memory_space<hbm>>
      tpu.enqueue_indirect_dma source(%dma_start3A_196 : memref<100000x16xf32, #tpu.memory_space<hbm>>) target(%dma_start3A_190 : memref<80x16xf32, #tpu.memory_space<vmem>>) offsets(%dma_start3A_193 : memref<80xi32, #tpu.memory_space<vmem>>) semaphore(%arg10 : memref<!tpu.dma_semaphore, #tpu.memory_space<semaphore_mem>>)
      %dma_start3A_197 = arith.constant 720 : i32
      %dma_start3A_198 = arith.constant 0 : i32
      %dma_start3A_199 = tpu.memref_slice %arg8[%rem3A_71, %dma_start3A_197, %dma_start3A_198] : memref<2x800x16xf32, #tpu.memory_space<vmem>> -> memref<1x80x16xf32, #tpu.memory_space<vmem>>
      %dma_start3A_200 = tpu.memref_squeeze %dma_start3A_199 : memref<1x80x16xf32, #tpu.memory_space<vmem>> -> memref<80x16xf32, #tpu.memory_space<vmem>>
      %dma_start3A_201 = arith.constant 720 : i32
      %dma_start3A_202 = tpu.memref_slice %arg6[%rem3A_71, %dma_start3A_201] : memref<2x800xi32, #tpu.memory_space<vmem>> -> memref<1x80xi32, #tpu.memory_space<vmem>>
      %dma_start3A_203 = tpu.memref_squeeze %dma_start3A_202 : memref<1x80xi32, #tpu.memory_space<vmem>> -> memref<80xi32, #tpu.memory_space<vmem>>
      %dma_start3A_204 = arith.constant 0 : i32
      %dma_start3A_205 = arith.constant 0 : i32
      %dma_start3A_206 = tpu.memref_slice %arg3[%dma_start3A_204, %dma_start3A_205] : memref<100000x16xf32, #tpu.memory_space<hbm>> -> memref<100000x16xf32, #tpu.memory_space<hbm>>
      tpu.enqueue_indirect_dma source(%dma_start3A_206 : memref<100000x16xf32, #tpu.memory_space<hbm>>) target(%dma_start3A_200 : memref<80x16xf32, #tpu.memory_space<vmem>>) offsets(%dma_start3A_203 : memref<80xi32, #tpu.memory_space<vmem>>) semaphore(%arg10 : memref<!tpu.dma_semaphore, #tpu.memory_space<semaphore_mem>>)
      %add3A_207 = arith.constant 1 : i32
      %add3A_208 = arith.addi %add3A_70, %add3A_207 : i32
      %lt3A = arith.constant 250 : i32
      %lt3A_209 = arith.cmpi slt, %add3A_208, %lt3A : i32
      %convert_element_type3A_210 = arith.extui %lt3A_209 : i1 to i32
      %cond3A_211 = arith.constant 0 : i32
      %cond3A_212 = arith.cmpi ne, %convert_element_type3A_210, %cond3A_211 : i32
      scf.if %cond3A_212 {
        %add3A_413 = arith.constant 1 : i32
        %add3A_414 = arith.addi %add3A_70, %add3A_413 : i32
        %mul3A_415 = arith.constant 800 : i32
        %mul3A_416 = arith.muli %add3A_414, %mul3A_415 : i32
        %add3A_417 = arith.addi %mul3A_4, %mul3A_416 : i32
        %dma_start3A_418 = arith.constant 0 : i32
        %dma_start3A_419 = arith.constant 0 : i32
        %dma_start3A_420 = tpu.memref_slice %arg6[%sub3A_72, %dma_start3A_419] : memref<2x800xi32, #tpu.memory_space<vmem>> -> memref<1x800xi32, #tpu.memory_space<vmem>>
        %dma_start3A_421 = tpu.memref_squeeze %dma_start3A_420 : memref<1x800xi32, #tpu.memory_space<vmem>> -> memref<800xi32, #tpu.memory_space<vmem>>
        %dma_start3A_422 = tpu.memref_slice %arg2[%dma_start3A_418, %add3A_417] : memref<2x6400000xi32, #tpu.memory_space<hbm>> -> memref<1x800xi32, #tpu.memory_space<hbm>>
        %dma_start3A_423 = tpu.memref_squeeze %dma_start3A_422 : memref<1x800xi32, #tpu.memory_space<hbm>> -> memref<800xi32, #tpu.memory_space<hbm>>
        %dma_start3A_424 = arith.constant 0 : i32
        %dma_start3A_425 = tpu.memref_slice %arg6[%sub3A_72, %dma_start3A_424] : memref<2x800xi32, #tpu.memory_space<vmem>> -> memref<1x800xi32, #tpu.memory_space<vmem>>
        %dma_start3A_426 = tpu.memref_squeeze %dma_start3A_425 : memref<1x800xi32, #tpu.memory_space<vmem>> -> memref<800xi32, #tpu.memory_space<vmem>>
        %dma_start3A_427 = tpu.memref_slice %arg2[%dma_start3A_418, %add3A_417] : memref<2x6400000xi32, #tpu.memory_space<hbm>> -> memref<1x800xi32, #tpu.memory_space<hbm>>
        %dma_start3A_428 = tpu.memref_squeeze %dma_start3A_427 : memref<1x800xi32, #tpu.memory_space<hbm>> -> memref<800xi32, #tpu.memory_space<hbm>>
        tpu.enqueue_dma source(%dma_start3A_428 : memref<800xi32, #tpu.memory_space<hbm>>) target(%dma_start3A_426 : memref<800xi32, #tpu.memory_space<vmem>>) target_semaphore(%arg12 : memref<!tpu.dma_semaphore, #tpu.memory_space<semaphore_mem>>)
        %dma_start3A_429 = arith.constant 1 : i32
        %dma_start3A_430 = arith.constant 0 : i32
        %dma_start3A_431 = tpu.memref_slice %arg7[%rem3A_78, %dma_start3A_430] : memref<3x800xi32, #tpu.memory_space<vmem>> -> memref<1x800xi32, #tpu.memory_space<vmem>>
        %dma_start3A_432 = tpu.memref_squeeze %dma_start3A_431 : memref<1x800xi32, #tpu.memory_space<vmem>> -> memref<800xi32, #tpu.memory_space<vmem>>
        %dma_start3A_433 = tpu.memref_slice %arg2[%dma_start3A_429, %add3A_417] : memref<2x6400000xi32, #tpu.memory_space<hbm>> -> memref<1x800xi32, #tpu.memory_space<hbm>>
        %dma_start3A_434 = tpu.memref_squeeze %dma_start3A_433 : memref<1x800xi32, #tpu.memory_space<hbm>> -> memref<800xi32, #tpu.memory_space<hbm>>
        %dma_start3A_435 = arith.constant 0 : i32
        %dma_start3A_436 = tpu.memref_slice %arg7[%rem3A_78, %dma_start3A_435] : memref<3x800xi32, #tpu.memory_space<vmem>> -> memref<1x800xi32, #tpu.memory_space<vmem>>
        %dma_start3A_437 = tpu.memref_squeeze %dma_start3A_436 : memref<1x800xi32, #tpu.memory_space<vmem>> -> memref<800xi32, #tpu.memory_space<vmem>>
        %dma_start3A_438 = tpu.memref_slice %arg2[%dma_start3A_429, %add3A_417] : memref<2x6400000xi32, #tpu.memory_space<hbm>> -> memref<1x800xi32, #tpu.memory_space<hbm>>
        %dma_start3A_439 = tpu.memref_squeeze %dma_start3A_438 : memref<1x800xi32, #tpu.memory_space<hbm>> -> memref<800xi32, #tpu.memory_space<hbm>>
        tpu.enqueue_dma source(%dma_start3A_439 : memref<800xi32, #tpu.memory_space<hbm>>) target(%dma_start3A_437 : memref<800xi32, #tpu.memory_space<vmem>>) target_semaphore(%arg12 : memref<!tpu.dma_semaphore, #tpu.memory_space<semaphore_mem>>)
      } else {
      }
      %dma_wait3A_213 = arith.constant 0 : i32
      %dma_wait3A_214 = arith.constant 0 : i32
      %dma_wait3A_215 = tpu.memref_slice %arg8[%rem3A_71, %dma_wait3A_213, %dma_wait3A_214] : memref<2x800x16xf32, #tpu.memory_space<vmem>> -> memref<1x80x16xf32, #tpu.memory_space<vmem>>
      %dma_wait3A_216 = tpu.memref_squeeze %dma_wait3A_215 : memref<1x80x16xf32, #tpu.memory_space<vmem>> -> memref<80x16xf32, #tpu.memory_space<vmem>>
      %dma_wait3A_217 = arith.constant 0 : i32
      %dma_wait3A_218 = tpu.memref_slice %arg6[%rem3A_71, %dma_wait3A_217] : memref<2x800xi32, #tpu.memory_space<vmem>> -> memref<1x80xi32, #tpu.memory_space<vmem>>
      %dma_wait3A_219 = tpu.memref_squeeze %dma_wait3A_218 : memref<1x80xi32, #tpu.memory_space<vmem>> -> memref<80xi32, #tpu.memory_space<vmem>>
      %dma_wait3A_220 = arith.constant 0 : i32
      %dma_wait3A_221 = arith.constant 0 : i32
      %dma_wait3A_222 = tpu.memref_slice %arg3[%dma_wait3A_220, %dma_wait3A_221] : memref<100000x16xf32, #tpu.memory_space<hbm>> -> memref<100000x16xf32, #tpu.memory_space<hbm>>
      tpu.wait_indirect_dma semaphore(%arg10 : memref<!tpu.dma_semaphore, #tpu.memory_space<semaphore_mem>>) src(%dma_wait3A_222 : memref<100000x16xf32, #tpu.memory_space<hbm>>) dst(%dma_wait3A_216 : memref<80x16xf32, #tpu.memory_space<vmem>>)
      %dma_wait3A_223 = arith.constant 80 : i32
      %dma_wait3A_224 = arith.constant 0 : i32
      %dma_wait3A_225 = tpu.memref_slice %arg8[%rem3A_71, %dma_wait3A_223, %dma_wait3A_224] : memref<2x800x16xf32, #tpu.memory_space<vmem>> -> memref<1x80x16xf32, #tpu.memory_space<vmem>>
      %dma_wait3A_226 = tpu.memref_squeeze %dma_wait3A_225 : memref<1x80x16xf32, #tpu.memory_space<vmem>> -> memref<80x16xf32, #tpu.memory_space<vmem>>
      %dma_wait3A_227 = arith.constant 80 : i32
      %dma_wait3A_228 = tpu.memref_slice %arg6[%rem3A_71, %dma_wait3A_227] : memref<2x800xi32, #tpu.memory_space<vmem>> -> memref<1x80xi32, #tpu.memory_space<vmem>>
      %dma_wait3A_229 = tpu.memref_squeeze %dma_wait3A_228 : memref<1x80xi32, #tpu.memory_space<vmem>> -> memref<80xi32, #tpu.memory_space<vmem>>
      %dma_wait3A_230 = arith.constant 0 : i32
      %dma_wait3A_231 = arith.constant 0 : i32
      %dma_wait3A_232 = tpu.memref_slice %arg3[%dma_wait3A_230, %dma_wait3A_231] : memref<100000x16xf32, #tpu.memory_space<hbm>> -> memref<100000x16xf32, #tpu.memory_space<hbm>>
      tpu.wait_indirect_dma semaphore(%arg10 : memref<!tpu.dma_semaphore, #tpu.memory_space<semaphore_mem>>) src(%dma_wait3A_232 : memref<100000x16xf32, #tpu.memory_space<hbm>>) dst(%dma_wait3A_226 : memref<80x16xf32, #tpu.memory_space<vmem>>)
      %dma_wait3A_233 = arith.constant 160 : i32
      %dma_wait3A_234 = arith.constant 0 : i32
      %dma_wait3A_235 = tpu.memref_slice %arg8[%rem3A_71, %dma_wait3A_233, %dma_wait3A_234] : memref<2x800x16xf32, #tpu.memory_space<vmem>> -> memref<1x80x16xf32, #tpu.memory_space<vmem>>
      %dma_wait3A_236 = tpu.memref_squeeze %dma_wait3A_235 : memref<1x80x16xf32, #tpu.memory_space<vmem>> -> memref<80x16xf32, #tpu.memory_space<vmem>>
      %dma_wait3A_237 = arith.constant 160 : i32
      %dma_wait3A_238 = tpu.memref_slice %arg6[%rem3A_71, %dma_wait3A_237] : memref<2x800xi32, #tpu.memory_space<vmem>> -> memref<1x80xi32, #tpu.memory_space<vmem>>
      %dma_wait3A_239 = tpu.memref_squeeze %dma_wait3A_238 : memref<1x80xi32, #tpu.memory_space<vmem>> -> memref<80xi32, #tpu.memory_space<vmem>>
      %dma_wait3A_240 = arith.constant 0 : i32
      %dma_wait3A_241 = arith.constant 0 : i32
      %dma_wait3A_242 = tpu.memref_slice %arg3[%dma_wait3A_240, %dma_wait3A_241] : memref<100000x16xf32, #tpu.memory_space<hbm>> -> memref<100000x16xf32, #tpu.memory_space<hbm>>
      tpu.wait_indirect_dma semaphore(%arg10 : memref<!tpu.dma_semaphore, #tpu.memory_space<semaphore_mem>>) src(%dma_wait3A_242 : memref<100000x16xf32, #tpu.memory_space<hbm>>) dst(%dma_wait3A_236 : memref<80x16xf32, #tpu.memory_space<vmem>>)
      %dma_wait3A_243 = arith.constant 240 : i32
      %dma_wait3A_244 = arith.constant 0 : i32
      %dma_wait3A_245 = tpu.memref_slice %arg8[%rem3A_71, %dma_wait3A_243, %dma_wait3A_244] : memref<2x800x16xf32, #tpu.memory_space<vmem>> -> memref<1x80x16xf32, #tpu.memory_space<vmem>>
      %dma_wait3A_246 = tpu.memref_squeeze %dma_wait3A_245 : memref<1x80x16xf32, #tpu.memory_space<vmem>> -> memref<80x16xf32, #tpu.memory_space<vmem>>
      %dma_wait3A_247 = arith.constant 240 : i32
      %dma_wait3A_248 = tpu.memref_slice %arg6[%rem3A_71, %dma_wait3A_247] : memref<2x800xi32, #tpu.memory_space<vmem>> -> memref<1x80xi32, #tpu.memory_space<vmem>>
      %dma_wait3A_249 = tpu.memref_squeeze %dma_wait3A_248 : memref<1x80xi32, #tpu.memory_space<vmem>> -> memref<80xi32, #tpu.memory_space<vmem>>
      %dma_wait3A_250 = arith.constant 0 : i32
      %dma_wait3A_251 = arith.constant 0 : i32
      %dma_wait3A_252 = tpu.memref_slice %arg3[%dma_wait3A_250, %dma_wait3A_251] : memref<100000x16xf32, #tpu.memory_space<hbm>> -> memref<100000x16xf32, #tpu.memory_space<hbm>>
      tpu.wait_indirect_dma semaphore(%arg10 : memref<!tpu.dma_semaphore, #tpu.memory_space<semaphore_mem>>) src(%dma_wait3A_252 : memref<100000x16xf32, #tpu.memory_space<hbm>>) dst(%dma_wait3A_246 : memref<80x16xf32, #tpu.memory_space<vmem>>)
      %dma_wait3A_253 = arith.constant 320 : i32
      %dma_wait3A_254 = arith.constant 0 : i32
      %dma_wait3A_255 = tpu.memref_slice %arg8[%rem3A_71, %dma_wait3A_253, %dma_wait3A_254] : memref<2x800x16xf32, #tpu.memory_space<vmem>> -> memref<1x80x16xf32, #tpu.memory_space<vmem>>
      %dma_wait3A_256 = tpu.memref_squeeze %dma_wait3A_255 : memref<1x80x16xf32, #tpu.memory_space<vmem>> -> memref<80x16xf32, #tpu.memory_space<vmem>>
      %dma_wait3A_257 = arith.constant 320 : i32
      %dma_wait3A_258 = tpu.memref_slice %arg6[%rem3A_71, %dma_wait3A_257] : memref<2x800xi32, #tpu.memory_space<vmem>> -> memref<1x80xi32, #tpu.memory_space<vmem>>
      %dma_wait3A_259 = tpu.memref_squeeze %dma_wait3A_258 : memref<1x80xi32, #tpu.memory_space<vmem>> -> memref<80xi32, #tpu.memory_space<vmem>>
      %dma_wait3A_260 = arith.constant 0 : i32
      %dma_wait3A_261 = arith.constant 0 : i32
      %dma_wait3A_262 = tpu.memref_slice %arg3[%dma_wait3A_260, %dma_wait3A_261] : memref<100000x16xf32, #tpu.memory_space<hbm>> -> memref<100000x16xf32, #tpu.memory_space<hbm>>
      tpu.wait_indirect_dma semaphore(%arg10 : memref<!tpu.dma_semaphore, #tpu.memory_space<semaphore_mem>>) src(%dma_wait3A_262 : memref<100000x16xf32, #tpu.memory_space<hbm>>) dst(%dma_wait3A_256 : memref<80x16xf32, #tpu.memory_space<vmem>>)
      %dma_wait3A_263 = arith.constant 400 : i32
      %dma_wait3A_264 = arith.constant 0 : i32
      %dma_wait3A_265 = tpu.memref_slice %arg8[%rem3A_71, %dma_wait3A_263, %dma_wait3A_264] : memref<2x800x16xf32, #tpu.memory_space<vmem>> -> memref<1x80x16xf32, #tpu.memory_space<vmem>>
      %dma_wait3A_266 = tpu.memref_squeeze %dma_wait3A_265 : memref<1x80x16xf32, #tpu.memory_space<vmem>> -> memref<80x16xf32, #tpu.memory_space<vmem>>
      %dma_wait3A_267 = arith.constant 400 : i32
      %dma_wait3A_268 = tpu.memref_slice %arg6[%rem3A_71, %dma_wait3A_267] : memref<2x800xi32, #tpu.memory_space<vmem>> -> memref<1x80xi32, #tpu.memory_space<vmem>>
      %dma_wait3A_269 = tpu.memref_squeeze %dma_wait3A_268 : memref<1x80xi32, #tpu.memory_space<vmem>> -> memref<80xi32, #tpu.memory_space<vmem>>
      %dma_wait3A_270 = arith.constant 0 : i32
      %dma_wait3A_271 = arith.constant 0 : i32
      %dma_wait3A_272 = tpu.memref_slice %arg3[%dma_wait3A_270, %dma_wait3A_271] : memref<100000x16xf32, #tpu.memory_space<hbm>> -> memref<100000x16xf32, #tpu.memory_space<hbm>>
      tpu.wait_indirect_dma semaphore(%arg10 : memref<!tpu.dma_semaphore, #tpu.memory_space<semaphore_mem>>) src(%dma_wait3A_272 : memref<100000x16xf32, #tpu.memory_space<hbm>>) dst(%dma_wait3A_266 : memref<80x16xf32, #tpu.memory_space<vmem>>)
      %dma_wait3A_273 = arith.constant 480 : i32
      %dma_wait3A_274 = arith.constant 0 : i32
      %dma_wait3A_275 = tpu.memref_slice %arg8[%rem3A_71, %dma_wait3A_273, %dma_wait3A_274] : memref<2x800x16xf32, #tpu.memory_space<vmem>> -> memref<1x80x16xf32, #tpu.memory_space<vmem>>
      %dma_wait3A_276 = tpu.memref_squeeze %dma_wait3A_275 : memref<1x80x16xf32, #tpu.memory_space<vmem>> -> memref<80x16xf32, #tpu.memory_space<vmem>>
      %dma_wait3A_277 = arith.constant 480 : i32
      %dma_wait3A_278 = tpu.memref_slice %arg6[%rem3A_71, %dma_wait3A_277] : memref<2x800xi32, #tpu.memory_space<vmem>> -> memref<1x80xi32, #tpu.memory_space<vmem>>
      %dma_wait3A_279 = tpu.memref_squeeze %dma_wait3A_278 : memref<1x80xi32, #tpu.memory_space<vmem>> -> memref<80xi32, #tpu.memory_space<vmem>>
      %dma_wait3A_280 = arith.constant 0 : i32
      %dma_wait3A_281 = arith.constant 0 : i32
      %dma_wait3A_282 = tpu.memref_slice %arg3[%dma_wait3A_280, %dma_wait3A_281] : memref<100000x16xf32, #tpu.memory_space<hbm>> -> memref<100000x16xf32, #tpu.memory_space<hbm>>
      tpu.wait_indirect_dma semaphore(%arg10 : memref<!tpu.dma_semaphore, #tpu.memory_space<semaphore_mem>>) src(%dma_wait3A_282 : memref<100000x16xf32, #tpu.memory_space<hbm>>) dst(%dma_wait3A_276 : memref<80x16xf32, #tpu.memory_space<vmem>>)
      %dma_wait3A_283 = arith.constant 560 : i32
      %dma_wait3A_284 = arith.constant 0 : i32
      %dma_wait3A_285 = tpu.memref_slice %arg8[%rem3A_71, %dma_wait3A_283, %dma_wait3A_284] : memref<2x800x16xf32, #tpu.memory_space<vmem>> -> memref<1x80x16xf32, #tpu.memory_space<vmem>>
      %dma_wait3A_286 = tpu.memref_squeeze %dma_wait3A_285 : memref<1x80x16xf32, #tpu.memory_space<vmem>> -> memref<80x16xf32, #tpu.memory_space<vmem>>
      %dma_wait3A_287 = arith.constant 560 : i32
      %dma_wait3A_288 = tpu.memref_slice %arg6[%rem3A_71, %dma_wait3A_287] : memref<2x800xi32, #tpu.memory_space<vmem>> -> memref<1x80xi32, #tpu.memory_space<vmem>>
      %dma_wait3A_289 = tpu.memref_squeeze %dma_wait3A_288 : memref<1x80xi32, #tpu.memory_space<vmem>> -> memref<80xi32, #tpu.memory_space<vmem>>
      %dma_wait3A_290 = arith.constant 0 : i32
      %dma_wait3A_291 = arith.constant 0 : i32
      %dma_wait3A_292 = tpu.memref_slice %arg3[%dma_wait3A_290, %dma_wait3A_291] : memref<100000x16xf32, #tpu.memory_space<hbm>> -> memref<100000x16xf32, #tpu.memory_space<hbm>>
      tpu.wait_indirect_dma semaphore(%arg10 : memref<!tpu.dma_semaphore, #tpu.memory_space<semaphore_mem>>) src(%dma_wait3A_292 : memref<100000x16xf32, #tpu.memory_space<hbm>>) dst(%dma_wait3A_286 : memref<80x16xf32, #tpu.memory_space<vmem>>)
      %dma_wait3A_293 = arith.constant 640 : i32
      %dma_wait3A_294 = arith.constant 0 : i32
      %dma_wait3A_295 = tpu.memref_slice %arg8[%rem3A_71, %dma_wait3A_293, %dma_wait3A_294] : memref<2x800x16xf32, #tpu.memory_space<vmem>> -> memref<1x80x16xf32, #tpu.memory_space<vmem>>
      %dma_wait3A_296 = tpu.memref_squeeze %dma_wait3A_295 : memref<1x80x16xf32, #tpu.memory_space<vmem>> -> memref<80x16xf32, #tpu.memory_space<vmem>>
      %dma_wait3A_297 = arith.constant 640 : i32
      %dma_wait3A_298 = tpu.memref_slice %arg6[%rem3A_71, %dma_wait3A_297] : memref<2x800xi32, #tpu.memory_space<vmem>> -> memref<1x80xi32, #tpu.memory_space<vmem>>
      %dma_wait3A_299 = tpu.memref_squeeze %dma_wait3A_298 : memref<1x80xi32, #tpu.memory_space<vmem>> -> memref<80xi32, #tpu.memory_space<vmem>>
      %dma_wait3A_300 = arith.constant 0 : i32
      %dma_wait3A_301 = arith.constant 0 : i32
      %dma_wait3A_302 = tpu.memref_slice %arg3[%dma_wait3A_300, %dma_wait3A_301] : memref<100000x16xf32, #tpu.memory_space<hbm>> -> memref<100000x16xf32, #tpu.memory_space<hbm>>
      tpu.wait_indirect_dma semaphore(%arg10 : memref<!tpu.dma_semaphore, #tpu.memory_space<semaphore_mem>>) src(%dma_wait3A_302 : memref<100000x16xf32, #tpu.memory_space<hbm>>) dst(%dma_wait3A_296 : memref<80x16xf32, #tpu.memory_space<vmem>>)
      %dma_wait3A_303 = arith.constant 720 : i32
      %dma_wait3A_304 = arith.constant 0 : i32
      %dma_wait3A_305 = tpu.memref_slice %arg8[%rem3A_71, %dma_wait3A_303, %dma_wait3A_304] : memref<2x800x16xf32, #tpu.memory_space<vmem>> -> memref<1x80x16xf32, #tpu.memory_space<vmem>>
      %dma_wait3A_306 = tpu.memref_squeeze %dma_wait3A_305 : memref<1x80x16xf32, #tpu.memory_space<vmem>> -> memref<80x16xf32, #tpu.memory_space<vmem>>
      %dma_wait3A_307 = arith.constant 720 : i32
      %dma_wait3A_308 = tpu.memref_slice %arg6[%rem3A_71, %dma_wait3A_307] : memref<2x800xi32, #tpu.memory_space<vmem>> -> memref<1x80xi32, #tpu.memory_space<vmem>>
      %dma_wait3A_309 = tpu.memref_squeeze %dma_wait3A_308 : memref<1x80xi32, #tpu.memory_space<vmem>> -> memref<80xi32, #tpu.memory_space<vmem>>
      %dma_wait3A_310 = arith.constant 0 : i32
      %dma_wait3A_311 = arith.constant 0 : i32
      %dma_wait3A_312 = tpu.memref_slice %arg3[%dma_wait3A_310, %dma_wait3A_311] : memref<100000x16xf32, #tpu.memory_space<hbm>> -> memref<100000x16xf32, #tpu.memory_space<hbm>>
      tpu.wait_indirect_dma semaphore(%arg10 : memref<!tpu.dma_semaphore, #tpu.memory_space<semaphore_mem>>) src(%dma_wait3A_312 : memref<100000x16xf32, #tpu.memory_space<hbm>>) dst(%dma_wait3A_306 : memref<80x16xf32, #tpu.memory_space<vmem>>)
      %dma_start3A_313 = arith.constant 0 : i32
      %dma_start3A_314 = arith.constant 0 : i32
      %dma_start3A_315 = tpu.memref_slice %arg8[%rem3A_71, %dma_start3A_313, %dma_start3A_314] : memref<2x800x16xf32, #tpu.memory_space<vmem>> -> memref<1x80x16xf32, #tpu.memory_space<vmem>>
      %dma_start3A_316 = tpu.memref_squeeze %dma_start3A_315 : memref<1x80x16xf32, #tpu.memory_space<vmem>> -> memref<80x16xf32, #tpu.memory_space<vmem>>
      %dma_start3A_317 = arith.constant 0 : i32
      %dma_start3A_318 = tpu.memref_slice %arg7[%rem3A_74, %dma_start3A_317] : memref<3x800xi32, #tpu.memory_space<vmem>> -> memref<1x80xi32, #tpu.memory_space<vmem>>
      %dma_start3A_319 = tpu.memref_squeeze %dma_start3A_318 : memref<1x80xi32, #tpu.memory_space<vmem>> -> memref<80xi32, #tpu.memory_space<vmem>>
      %dma_start3A_320 = arith.constant 0 : i32
      %dma_start3A_321 = arith.constant 0 : i32
      %dma_start3A_322 = tpu.memref_slice %arg9[%dma_start3A_320, %dma_start3A_321] : memref<100000x16xf32, #tpu.memory_space<vmem_shared>> -> memref<100000x16xf32, #tpu.memory_space<vmem_shared>>
      tpu.enqueue_indirect_dma source(%dma_start3A_316 : memref<80x16xf32, #tpu.memory_space<vmem>>) target(%dma_start3A_322 : memref<100000x16xf32, #tpu.memory_space<vmem_shared>>) offsets(%dma_start3A_319 : memref<80xi32, #tpu.memory_space<vmem>>) semaphore(%arg11 : memref<!tpu.dma_semaphore, #tpu.memory_space<semaphore_mem>>) {add = true}
      %dma_start3A_323 = arith.constant 80 : i32
      %dma_start3A_324 = arith.constant 0 : i32
      %dma_start3A_325 = tpu.memref_slice %arg8[%rem3A_71, %dma_start3A_323, %dma_start3A_324] : memref<2x800x16xf32, #tpu.memory_space<vmem>> -> memref<1x80x16xf32, #tpu.memory_space<vmem>>
      %dma_start3A_326 = tpu.memref_squeeze %dma_start3A_325 : memref<1x80x16xf32, #tpu.memory_space<vmem>> -> memref<80x16xf32, #tpu.memory_space<vmem>>
      %dma_start3A_327 = arith.constant 80 : i32
      %dma_start3A_328 = tpu.memref_slice %arg7[%rem3A_74, %dma_start3A_327] : memref<3x800xi32, #tpu.memory_space<vmem>> -> memref<1x80xi32, #tpu.memory_space<vmem>>
      %dma_start3A_329 = tpu.memref_squeeze %dma_start3A_328 : memref<1x80xi32, #tpu.memory_space<vmem>> -> memref<80xi32, #tpu.memory_space<vmem>>
      %dma_start3A_330 = arith.constant 0 : i32
      %dma_start3A_331 = arith.constant 0 : i32
      %dma_start3A_332 = tpu.memref_slice %arg9[%dma_start3A_330, %dma_start3A_331] : memref<100000x16xf32, #tpu.memory_space<vmem_shared>> -> memref<100000x16xf32, #tpu.memory_space<vmem_shared>>
      tpu.enqueue_indirect_dma source(%dma_start3A_326 : memref<80x16xf32, #tpu.memory_space<vmem>>) target(%dma_start3A_332 : memref<100000x16xf32, #tpu.memory_space<vmem_shared>>) offsets(%dma_start3A_329 : memref<80xi32, #tpu.memory_space<vmem>>) semaphore(%arg11 : memref<!tpu.dma_semaphore, #tpu.memory_space<semaphore_mem>>) {add = true}
      %dma_start3A_333 = arith.constant 160 : i32
      %dma_start3A_334 = arith.constant 0 : i32
      %dma_start3A_335 = tpu.memref_slice %arg8[%rem3A_71, %dma_start3A_333, %dma_start3A_334] : memref<2x800x16xf32, #tpu.memory_space<vmem>> -> memref<1x80x16xf32, #tpu.memory_space<vmem>>
      %dma_start3A_336 = tpu.memref_squeeze %dma_start3A_335 : memref<1x80x16xf32, #tpu.memory_space<vmem>> -> memref<80x16xf32, #tpu.memory_space<vmem>>
      %dma_start3A_337 = arith.constant 160 : i32
      %dma_start3A_338 = tpu.memref_slice %arg7[%rem3A_74, %dma_start3A_337] : memref<3x800xi32, #tpu.memory_space<vmem>> -> memref<1x80xi32, #tpu.memory_space<vmem>>
      %dma_start3A_339 = tpu.memref_squeeze %dma_start3A_338 : memref<1x80xi32, #tpu.memory_space<vmem>> -> memref<80xi32, #tpu.memory_space<vmem>>
      %dma_start3A_340 = arith.constant 0 : i32
      %dma_start3A_341 = arith.constant 0 : i32
      %dma_start3A_342 = tpu.memref_slice %arg9[%dma_start3A_340, %dma_start3A_341] : memref<100000x16xf32, #tpu.memory_space<vmem_shared>> -> memref<100000x16xf32, #tpu.memory_space<vmem_shared>>
      tpu.enqueue_indirect_dma source(%dma_start3A_336 : memref<80x16xf32, #tpu.memory_space<vmem>>) target(%dma_start3A_342 : memref<100000x16xf32, #tpu.memory_space<vmem_shared>>) offsets(%dma_start3A_339 : memref<80xi32, #tpu.memory_space<vmem>>) semaphore(%arg11 : memref<!tpu.dma_semaphore, #tpu.memory_space<semaphore_mem>>) {add = true}
      %dma_start3A_343 = arith.constant 240 : i32
      %dma_start3A_344 = arith.constant 0 : i32
      %dma_start3A_345 = tpu.memref_slice %arg8[%rem3A_71, %dma_start3A_343, %dma_start3A_344] : memref<2x800x16xf32, #tpu.memory_space<vmem>> -> memref<1x80x16xf32, #tpu.memory_space<vmem>>
      %dma_start3A_346 = tpu.memref_squeeze %dma_start3A_345 : memref<1x80x16xf32, #tpu.memory_space<vmem>> -> memref<80x16xf32, #tpu.memory_space<vmem>>
      %dma_start3A_347 = arith.constant 240 : i32
      %dma_start3A_348 = tpu.memref_slice %arg7[%rem3A_74, %dma_start3A_347] : memref<3x800xi32, #tpu.memory_space<vmem>> -> memref<1x80xi32, #tpu.memory_space<vmem>>
      %dma_start3A_349 = tpu.memref_squeeze %dma_start3A_348 : memref<1x80xi32, #tpu.memory_space<vmem>> -> memref<80xi32, #tpu.memory_space<vmem>>
      %dma_start3A_350 = arith.constant 0 : i32
      %dma_start3A_351 = arith.constant 0 : i32
      %dma_start3A_352 = tpu.memref_slice %arg9[%dma_start3A_350, %dma_start3A_351] : memref<100000x16xf32, #tpu.memory_space<vmem_shared>> -> memref<100000x16xf32, #tpu.memory_space<vmem_shared>>
      tpu.enqueue_indirect_dma source(%dma_start3A_346 : memref<80x16xf32, #tpu.memory_space<vmem>>) target(%dma_start3A_352 : memref<100000x16xf32, #tpu.memory_space<vmem_shared>>) offsets(%dma_start3A_349 : memref<80xi32, #tpu.memory_space<vmem>>) semaphore(%arg11 : memref<!tpu.dma_semaphore, #tpu.memory_space<semaphore_mem>>) {add = true}
      %dma_start3A_353 = arith.constant 320 : i32
      %dma_start3A_354 = arith.constant 0 : i32
      %dma_start3A_355 = tpu.memref_slice %arg8[%rem3A_71, %dma_start3A_353, %dma_start3A_354] : memref<2x800x16xf32, #tpu.memory_space<vmem>> -> memref<1x80x16xf32, #tpu.memory_space<vmem>>
      %dma_start3A_356 = tpu.memref_squeeze %dma_start3A_355 : memref<1x80x16xf32, #tpu.memory_space<vmem>> -> memref<80x16xf32, #tpu.memory_space<vmem>>
      %dma_start3A_357 = arith.constant 320 : i32
      %dma_start3A_358 = tpu.memref_slice %arg7[%rem3A_74, %dma_start3A_357] : memref<3x800xi32, #tpu.memory_space<vmem>> -> memref<1x80xi32, #tpu.memory_space<vmem>>
      %dma_start3A_359 = tpu.memref_squeeze %dma_start3A_358 : memref<1x80xi32, #tpu.memory_space<vmem>> -> memref<80xi32, #tpu.memory_space<vmem>>
      %dma_start3A_360 = arith.constant 0 : i32
      %dma_start3A_361 = arith.constant 0 : i32
      %dma_start3A_362 = tpu.memref_slice %arg9[%dma_start3A_360, %dma_start3A_361] : memref<100000x16xf32, #tpu.memory_space<vmem_shared>> -> memref<100000x16xf32, #tpu.memory_space<vmem_shared>>
      tpu.enqueue_indirect_dma source(%dma_start3A_356 : memref<80x16xf32, #tpu.memory_space<vmem>>) target(%dma_start3A_362 : memref<100000x16xf32, #tpu.memory_space<vmem_shared>>) offsets(%dma_start3A_359 : memref<80xi32, #tpu.memory_space<vmem>>) semaphore(%arg11 : memref<!tpu.dma_semaphore, #tpu.memory_space<semaphore_mem>>) {add = true}
      %dma_start3A_363 = arith.constant 400 : i32
      %dma_start3A_364 = arith.constant 0 : i32
      %dma_start3A_365 = tpu.memref_slice %arg8[%rem3A_71, %dma_start3A_363, %dma_start3A_364] : memref<2x800x16xf32, #tpu.memory_space<vmem>> -> memref<1x80x16xf32, #tpu.memory_space<vmem>>
      %dma_start3A_366 = tpu.memref_squeeze %dma_start3A_365 : memref<1x80x16xf32, #tpu.memory_space<vmem>> -> memref<80x16xf32, #tpu.memory_space<vmem>>
      %dma_start3A_367 = arith.constant 400 : i32
      %dma_start3A_368 = tpu.memref_slice %arg7[%rem3A_74, %dma_start3A_367] : memref<3x800xi32, #tpu.memory_space<vmem>> -> memref<1x80xi32, #tpu.memory_space<vmem>>
      %dma_start3A_369 = tpu.memref_squeeze %dma_start3A_368 : memref<1x80xi32, #tpu.memory_space<vmem>> -> memref<80xi32, #tpu.memory_space<vmem>>
      %dma_start3A_370 = arith.constant 0 : i32
      %dma_start3A_371 = arith.constant 0 : i32
      %dma_start3A_372 = tpu.memref_slice %arg9[%dma_start3A_370, %dma_start3A_371] : memref<100000x16xf32, #tpu.memory_space<vmem_shared>> -> memref<100000x16xf32, #tpu.memory_space<vmem_shared>>
      tpu.enqueue_indirect_dma source(%dma_start3A_366 : memref<80x16xf32, #tpu.memory_space<vmem>>) target(%dma_start3A_372 : memref<100000x16xf32, #tpu.memory_space<vmem_shared>>) offsets(%dma_start3A_369 : memref<80xi32, #tpu.memory_space<vmem>>) semaphore(%arg11 : memref<!tpu.dma_semaphore, #tpu.memory_space<semaphore_mem>>) {add = true}
      %dma_start3A_373 = arith.constant 480 : i32
      %dma_start3A_374 = arith.constant 0 : i32
      %dma_start3A_375 = tpu.memref_slice %arg8[%rem3A_71, %dma_start3A_373, %dma_start3A_374] : memref<2x800x16xf32, #tpu.memory_space<vmem>> -> memref<1x80x16xf32, #tpu.memory_space<vmem>>
      %dma_start3A_376 = tpu.memref_squeeze %dma_start3A_375 : memref<1x80x16xf32, #tpu.memory_space<vmem>> -> memref<80x16xf32, #tpu.memory_space<vmem>>
      %dma_start3A_377 = arith.constant 480 : i32
      %dma_start3A_378 = tpu.memref_slice %arg7[%rem3A_74, %dma_start3A_377] : memref<3x800xi32, #tpu.memory_space<vmem>> -> memref<1x80xi32, #tpu.memory_space<vmem>>
      %dma_start3A_379 = tpu.memref_squeeze %dma_start3A_378 : memref<1x80xi32, #tpu.memory_space<vmem>> -> memref<80xi32, #tpu.memory_space<vmem>>
      %dma_start3A_380 = arith.constant 0 : i32
      %dma_start3A_381 = arith.constant 0 : i32
      %dma_start3A_382 = tpu.memref_slice %arg9[%dma_start3A_380, %dma_start3A_381] : memref<100000x16xf32, #tpu.memory_space<vmem_shared>> -> memref<100000x16xf32, #tpu.memory_space<vmem_shared>>
      tpu.enqueue_indirect_dma source(%dma_start3A_376 : memref<80x16xf32, #tpu.memory_space<vmem>>) target(%dma_start3A_382 : memref<100000x16xf32, #tpu.memory_space<vmem_shared>>) offsets(%dma_start3A_379 : memref<80xi32, #tpu.memory_space<vmem>>) semaphore(%arg11 : memref<!tpu.dma_semaphore, #tpu.memory_space<semaphore_mem>>) {add = true}
      %dma_start3A_383 = arith.constant 560 : i32
      %dma_start3A_384 = arith.constant 0 : i32
      %dma_start3A_385 = tpu.memref_slice %arg8[%rem3A_71, %dma_start3A_383, %dma_start3A_384] : memref<2x800x16xf32, #tpu.memory_space<vmem>> -> memref<1x80x16xf32, #tpu.memory_space<vmem>>
      %dma_start3A_386 = tpu.memref_squeeze %dma_start3A_385 : memref<1x80x16xf32, #tpu.memory_space<vmem>> -> memref<80x16xf32, #tpu.memory_space<vmem>>
      %dma_start3A_387 = arith.constant 560 : i32
      %dma_start3A_388 = tpu.memref_slice %arg7[%rem3A_74, %dma_start3A_387] : memref<3x800xi32, #tpu.memory_space<vmem>> -> memref<1x80xi32, #tpu.memory_space<vmem>>
      %dma_start3A_389 = tpu.memref_squeeze %dma_start3A_388 : memref<1x80xi32, #tpu.memory_space<vmem>> -> memref<80xi32, #tpu.memory_space<vmem>>
      %dma_start3A_390 = arith.constant 0 : i32
      %dma_start3A_391 = arith.constant 0 : i32
      %dma_start3A_392 = tpu.memref_slice %arg9[%dma_start3A_390, %dma_start3A_391] : memref<100000x16xf32, #tpu.memory_space<vmem_shared>> -> memref<100000x16xf32, #tpu.memory_space<vmem_shared>>
      tpu.enqueue_indirect_dma source(%dma_start3A_386 : memref<80x16xf32, #tpu.memory_space<vmem>>) target(%dma_start3A_392 : memref<100000x16xf32, #tpu.memory_space<vmem_shared>>) offsets(%dma_start3A_389 : memref<80xi32, #tpu.memory_space<vmem>>) semaphore(%arg11 : memref<!tpu.dma_semaphore, #tpu.memory_space<semaphore_mem>>) {add = true}
      %dma_start3A_393 = arith.constant 640 : i32
      %dma_start3A_394 = arith.constant 0 : i32
      %dma_start3A_395 = tpu.memref_slice %arg8[%rem3A_71, %dma_start3A_393, %dma_start3A_394] : memref<2x800x16xf32, #tpu.memory_space<vmem>> -> memref<1x80x16xf32, #tpu.memory_space<vmem>>
      %dma_start3A_396 = tpu.memref_squeeze %dma_start3A_395 : memref<1x80x16xf32, #tpu.memory_space<vmem>> -> memref<80x16xf32, #tpu.memory_space<vmem>>
      %dma_start3A_397 = arith.constant 640 : i32
      %dma_start3A_398 = tpu.memref_slice %arg7[%rem3A_74, %dma_start3A_397] : memref<3x800xi32, #tpu.memory_space<vmem>> -> memref<1x80xi32, #tpu.memory_space<vmem>>
      %dma_start3A_399 = tpu.memref_squeeze %dma_start3A_398 : memref<1x80xi32, #tpu.memory_space<vmem>> -> memref<80xi32, #tpu.memory_space<vmem>>
      %dma_start3A_400 = arith.constant 0 : i32
      %dma_start3A_401 = arith.constant 0 : i32
      %dma_start3A_402 = tpu.memref_slice %arg9[%dma_start3A_400, %dma_start3A_401] : memref<100000x16xf32, #tpu.memory_space<vmem_shared>> -> memref<100000x16xf32, #tpu.memory_space<vmem_shared>>
      tpu.enqueue_indirect_dma source(%dma_start3A_396 : memref<80x16xf32, #tpu.memory_space<vmem>>) target(%dma_start3A_402 : memref<100000x16xf32, #tpu.memory_space<vmem_shared>>) offsets(%dma_start3A_399 : memref<80xi32, #tpu.memory_space<vmem>>) semaphore(%arg11 : memref<!tpu.dma_semaphore, #tpu.memory_space<semaphore_mem>>) {add = true}
      %dma_start3A_403 = arith.constant 720 : i32
      %dma_start3A_404 = arith.constant 0 : i32
      %dma_start3A_405 = tpu.memref_slice %arg8[%rem3A_71, %dma_start3A_403, %dma_start3A_404] : memref<2x800x16xf32, #tpu.memory_space<vmem>> -> memref<1x80x16xf32, #tpu.memory_space<vmem>>
      %dma_start3A_406 = tpu.memref_squeeze %dma_start3A_405 : memref<1x80x16xf32, #tpu.memory_space<vmem>> -> memref<80x16xf32, #tpu.memory_space<vmem>>
      %dma_start3A_407 = arith.constant 720 : i32
      %dma_start3A_408 = tpu.memref_slice %arg7[%rem3A_74, %dma_start3A_407] : memref<3x800xi32, #tpu.memory_space<vmem>> -> memref<1x80xi32, #tpu.memory_space<vmem>>
      %dma_start3A_409 = tpu.memref_squeeze %dma_start3A_408 : memref<1x80xi32, #tpu.memory_space<vmem>> -> memref<80xi32, #tpu.memory_space<vmem>>
      %dma_start3A_410 = arith.constant 0 : i32
      %dma_start3A_411 = arith.constant 0 : i32
      %dma_start3A_412 = tpu.memref_slice %arg9[%dma_start3A_410, %dma_start3A_411] : memref<100000x16xf32, #tpu.memory_space<vmem_shared>> -> memref<100000x16xf32, #tpu.memory_space<vmem_shared>>
      tpu.enqueue_indirect_dma source(%dma_start3A_406 : memref<80x16xf32, #tpu.memory_space<vmem>>) target(%dma_start3A_412 : memref<100000x16xf32, #tpu.memory_space<vmem_shared>>) offsets(%dma_start3A_409 : memref<80xi32, #tpu.memory_space<vmem>>) semaphore(%arg11 : memref<!tpu.dma_semaphore, #tpu.memory_space<semaphore_mem>>) {add = true}
    }
    %scan3A_31 = arith.constant 250 : i32
    %dma_wait3A = arith.constant 0 : i32
    %dma_wait3A_32 = arith.constant 0 : i32
    %dma_wait3A_33 = arith.constant 0 : i32
    %dma_wait3A_34 = tpu.memref_slice %arg8[%dma_wait3A, %dma_wait3A_32, %dma_wait3A_33] : memref<2x800x16xf32, #tpu.memory_space<vmem>> -> memref<1x800x16xf32, #tpu.memory_space<vmem>>
    %dma_wait3A_35 = tpu.memref_squeeze %dma_wait3A_34 : memref<1x800x16xf32, #tpu.memory_space<vmem>> -> memref<800x16xf32, #tpu.memory_space<vmem>>
    %dma_wait3A_36 = arith.constant 0 : i32
    %dma_wait3A_37 = arith.constant 0 : i32
    %dma_wait3A_38 = tpu.memref_slice %arg3[%dma_wait3A_36, %dma_wait3A_37] : memref<100000x16xf32, #tpu.memory_space<hbm>> -> memref<800x16xf32, #tpu.memory_space<hbm>>
    %dma_wait3A_39 = arith.constant 0 : i32
    %dma_wait3A_40 = arith.constant 0 : i32
    %dma_wait3A_41 = tpu.memref_slice %arg8[%dma_wait3A, %dma_wait3A_39, %dma_wait3A_40] : memref<2x800x16xf32, #tpu.memory_space<vmem>> -> memref<1x800x16xf32, #tpu.memory_space<vmem>>
    %dma_wait3A_42 = tpu.memref_squeeze %dma_wait3A_41 : memref<1x800x16xf32, #tpu.memory_space<vmem>> -> memref<800x16xf32, #tpu.memory_space<vmem>>
    %dma_wait3A_43 = arith.constant 0 : i32
    %dma_wait3A_44 = arith.constant 0 : i32
    %dma_wait3A_45 = tpu.memref_slice %arg3[%dma_wait3A_43, %dma_wait3A_44] : memref<100000x16xf32, #tpu.memory_space<hbm>> -> memref<800x16xf32, #tpu.memory_space<hbm>>
    tpu.wait_dma2 semaphore(%arg11 : memref<!tpu.dma_semaphore, #tpu.memory_space<semaphore_mem>>) src(%dma_wait3A_45 : memref<800x16xf32, #tpu.memory_space<hbm>>) dst(%dma_wait3A_42 : memref<800x16xf32, #tpu.memory_space<vmem>>)
    %dma_wait3A_46 = arith.constant 1 : i32
    %dma_wait3A_47 = arith.constant 0 : i32
    %dma_wait3A_48 = arith.constant 0 : i32
    %dma_wait3A_49 = tpu.memref_slice %arg8[%dma_wait3A_46, %dma_wait3A_47, %dma_wait3A_48] : memref<2x800x16xf32, #tpu.memory_space<vmem>> -> memref<1x800x16xf32, #tpu.memory_space<vmem>>
    %dma_wait3A_50 = tpu.memref_squeeze %dma_wait3A_49 : memref<1x800x16xf32, #tpu.memory_space<vmem>> -> memref<800x16xf32, #tpu.memory_space<vmem>>
    %dma_wait3A_51 = arith.constant 0 : i32
    %dma_wait3A_52 = arith.constant 0 : i32
    %dma_wait3A_53 = tpu.memref_slice %arg3[%dma_wait3A_51, %dma_wait3A_52] : memref<100000x16xf32, #tpu.memory_space<hbm>> -> memref<800x16xf32, #tpu.memory_space<hbm>>
    %dma_wait3A_54 = arith.constant 0 : i32
    %dma_wait3A_55 = arith.constant 0 : i32
    %dma_wait3A_56 = tpu.memref_slice %arg8[%dma_wait3A_46, %dma_wait3A_54, %dma_wait3A_55] : memref<2x800x16xf32, #tpu.memory_space<vmem>> -> memref<1x800x16xf32, #tpu.memory_space<vmem>>
    %dma_wait3A_57 = tpu.memref_squeeze %dma_wait3A_56 : memref<1x800x16xf32, #tpu.memory_space<vmem>> -> memref<800x16xf32, #tpu.memory_space<vmem>>
    %dma_wait3A_58 = arith.constant 0 : i32
    %dma_wait3A_59 = arith.constant 0 : i32
    %dma_wait3A_60 = tpu.memref_slice %arg3[%dma_wait3A_58, %dma_wait3A_59] : memref<100000x16xf32, #tpu.memory_space<hbm>> -> memref<800x16xf32, #tpu.memory_space<hbm>>
    tpu.wait_dma2 semaphore(%arg11 : memref<!tpu.dma_semaphore, #tpu.memory_space<semaphore_mem>>) src(%dma_wait3A_60 : memref<800x16xf32, #tpu.memory_space<hbm>>) dst(%dma_wait3A_57 : memref<800x16xf32, #tpu.memory_space<vmem>>)
    %barrier3A_61 = arith.constant 0 : index
    tpu.barrier barrier_id(%barrier3A_61)
    %mul3A_62 = arith.constant 6250 : i32
    %mul3A_63 = arith.muli %arg1, %mul3A_62 : i32
    %mul3A_64 = arith.constant 6250 : i32
    %mul3A_65 = arith.muli %arg1, %mul3A_64 : i32
    "tpu.region"() ({
      %run_scoped3A = tpu.sem_alloc : memref<!tpu.dma_semaphore, #tpu.memory_space<semaphore_mem>>
      %dma_start3A_66 = arith.constant 0 : i32
      %dma_start3A_67 = tpu.memref_slice %arg5[%arg0, %mul3A_65, %dma_start3A_66] : memref<2x100000x16xf32, #tpu.memory_space<hbm>> -> memref<1x6250x16xf32, #tpu.memory_space<hbm>>
      %dma_start3A_68 = tpu.memref_squeeze %dma_start3A_67 : memref<1x6250x16xf32, #tpu.memory_space<hbm>> -> memref<6250x16xf32, #tpu.memory_space<hbm>>
      %dma_start3A_69 = arith.constant 0 : i32
      %dma_start3A_70 = tpu.memref_slice %arg9[%mul3A_63, %dma_start3A_69] : memref<100000x16xf32, #tpu.memory_space<vmem_shared>> -> memref<6250x16xf32, #tpu.memory_space<vmem_shared>>
      tpu.enqueue_dma source(%dma_start3A_70 : memref<6250x16xf32, #tpu.memory_space<vmem_shared>>) target(%dma_start3A_68 : memref<6250x16xf32, #tpu.memory_space<hbm>>) target_semaphore(%run_scoped3A : memref<!tpu.dma_semaphore, #tpu.memory_space<semaphore_mem>>)
      %dma_wait3A_71 = arith.constant 0 : i32
      %dma_wait3A_72 = tpu.memref_slice %arg5[%arg0, %mul3A_65, %dma_wait3A_71] : memref<2x100000x16xf32, #tpu.memory_space<hbm>> -> memref<1x6250x16xf32, #tpu.memory_space<hbm>>
      %dma_wait3A_73 = tpu.memref_squeeze %dma_wait3A_72 : memref<1x6250x16xf32, #tpu.memory_space<hbm>> -> memref<6250x16xf32, #tpu.memory_space<hbm>>
      %dma_wait3A_74 = arith.constant 0 : i32
      %dma_wait3A_75 = tpu.memref_slice %arg9[%mul3A_63, %dma_wait3A_74] : memref<100000x16xf32, #tpu.memory_space<vmem_shared>> -> memref<6250x16xf32, #tpu.memory_space<vmem_shared>>
      tpu.wait_dma2 semaphore(%run_scoped3A : memref<!tpu.dma_semaphore, #tpu.memory_space<semaphore_mem>>) src(%dma_wait3A_75 : memref<6250x16xf32, #tpu.memory_space<vmem_shared>>) dst(%dma_wait3A_73 : memref<6250x16xf32, #tpu.memory_space<hbm>>)
      tpu.yield
    }) : () -> ()
    return
  }
}

#map = affine_map<(d0, d1) -> (0, 0, 0)>
#map1 = affine_map<(d0, d1) -> (0)>
module attributes {stable_mosaic.version = 14 : i64} {
  func.func @_sc_gather(%arg0: i32, %arg1: i32, %arg2: memref<2x100000x16xf32, #tpu.memory_space<hbm>>, %arg3: memref<51200xi32, #tpu.memory_space<hbm>>, %arg4: memref<2x51200x16xf32, #tpu.memory_space<hbm>>, %arg5: memref<1600xi32, #tpu.memory_space<vmem>>, %arg6: memref<2x1600x16xf32, #tpu.memory_space<vmem>>, %arg7: memref<!tpu.dma_semaphore, #tpu.memory_space<semaphore_mem>>) attributes {dimension_semantics = [#tpu.dimension_semantics<core_parallel>, #tpu.dimension_semantics<subcore_parallel>], iteration_bounds = array<i64: 2, 16>, scalar_prefetch = 0 : i64, scratch_operands = 3 : i64, tpu.core_type = #tpu.core_type<sc_vector_subcore>, window_params = [{transform_indices = #map}, {transform_indices = #map1}, {transform_indices = #map}]} {
    %mul3A = arith.constant 16 : i32
    %mul3A_0 = arith.muli %arg0, %mul3A : i32
    %add3A = arith.addi %mul3A_0, %arg1 : i32
    %mul3A_1 = arith.constant 1600 : i32
    %mul3A_2 = arith.muli %add3A, %mul3A_1 : i32
    "tpu.region"() ({
      %run_scoped3A_1204 = tpu.sem_alloc : memref<!tpu.dma_semaphore, #tpu.memory_space<semaphore_mem>>
      %dma_start3A_1205 = tpu.memref_slice %arg3[%mul3A_2] : memref<51200xi32, #tpu.memory_space<hbm>> -> memref<1600xi32, #tpu.memory_space<hbm>>
      %dma_start3A_1206 = tpu.memref_slice %arg3[%mul3A_2] : memref<51200xi32, #tpu.memory_space<hbm>> -> memref<1600xi32, #tpu.memory_space<hbm>>
      tpu.enqueue_dma source(%dma_start3A_1206 : memref<1600xi32, #tpu.memory_space<hbm>>) target(%arg5 : memref<1600xi32, #tpu.memory_space<vmem>>) target_semaphore(%run_scoped3A_1204 : memref<!tpu.dma_semaphore, #tpu.memory_space<semaphore_mem>>)
      %dma_wait3A_1207 = tpu.memref_slice %arg3[%mul3A_2] : memref<51200xi32, #tpu.memory_space<hbm>> -> memref<1600xi32, #tpu.memory_space<hbm>>
      %dma_wait3A_1208 = tpu.memref_slice %arg3[%mul3A_2] : memref<51200xi32, #tpu.memory_space<hbm>> -> memref<1600xi32, #tpu.memory_space<hbm>>
      tpu.wait_dma2 semaphore(%run_scoped3A_1204 : memref<!tpu.dma_semaphore, #tpu.memory_space<semaphore_mem>>) src(%dma_wait3A_1208 : memref<1600xi32, #tpu.memory_space<hbm>>) dst(%arg5 : memref<1600xi32, #tpu.memory_space<vmem>>)
      tpu.yield
    }) : () -> ()
    %dma_start3A = arith.constant 0 : i32
    %dma_start3A_3 = arith.constant 0 : i32
    %dma_start3A_4 = arith.constant 0 : i32
    %dma_start3A_5 = arith.constant 0 : i32
    %dma_start3A_6 = tpu.memref_slice %arg6[%dma_start3A_3, %dma_start3A_4, %dma_start3A_5] : memref<2x1600x16xf32, #tpu.memory_space<vmem>> -> memref<1x80x16xf32, #tpu.memory_space<vmem>>
    %dma_start3A_7 = tpu.memref_squeeze %dma_start3A_6 : memref<1x80x16xf32, #tpu.memory_space<vmem>> -> memref<80x16xf32, #tpu.memory_space<vmem>>
    %dma_start3A_8 = arith.constant 0 : i32
    %dma_start3A_9 = tpu.memref_slice %arg5[%dma_start3A_8] : memref<1600xi32, #tpu.memory_space<vmem>> -> memref<80xi32, #tpu.memory_space<vmem>>
    %dma_start3A_10 = arith.constant 0 : i32
    %dma_start3A_11 = arith.constant 0 : i32
    %dma_start3A_12 = tpu.memref_slice %arg2[%dma_start3A, %dma_start3A_10, %dma_start3A_11] : memref<2x100000x16xf32, #tpu.memory_space<hbm>> -> memref<1x100000x16xf32, #tpu.memory_space<hbm>>
    %dma_start3A_13 = tpu.memref_squeeze %dma_start3A_12 : memref<1x100000x16xf32, #tpu.memory_space<hbm>> -> memref<100000x16xf32, #tpu.memory_space<hbm>>
    %dma_start3A_14 = arith.constant 0 : i32
    %dma_start3A_15 = arith.constant 0 : i32
    %dma_start3A_16 = tpu.memref_slice %dma_start3A_13[%dma_start3A_14, %dma_start3A_15] : memref<100000x16xf32, #tpu.memory_space<hbm>> -> memref<100000x16xf32, #tpu.memory_space<hbm>>
    tpu.enqueue_indirect_dma source(%dma_start3A_16 : memref<100000x16xf32, #tpu.memory_space<hbm>>) target(%dma_start3A_7 : memref<80x16xf32, #tpu.memory_space<vmem>>) offsets(%dma_start3A_9 : memref<80xi32, #tpu.memory_space<vmem>>) semaphore(%arg7 : memref<!tpu.dma_semaphore, #tpu.memory_space<semaphore_mem>>)
    %dma_start3A_17 = arith.constant 0 : i32
    %dma_start3A_18 = arith.constant 0 : i32
    %dma_start3A_19 = arith.constant 80 : i32
    %dma_start3A_20 = arith.constant 0 : i32
    %dma_start3A_21 = tpu.memref_slice %arg6[%dma_start3A_18, %dma_start3A_19, %dma_start3A_20] : memref<2x1600x16xf32, #tpu.memory_space<vmem>> -> memref<1x80x16xf32, #tpu.memory_space<vmem>>
    %dma_start3A_22 = tpu.memref_squeeze %dma_start3A_21 : memref<1x80x16xf32, #tpu.memory_space<vmem>> -> memref<80x16xf32, #tpu.memory_space<vmem>>
    %dma_start3A_23 = arith.constant 80 : i32
    %dma_start3A_24 = tpu.memref_slice %arg5[%dma_start3A_23] : memref<1600xi32, #tpu.memory_space<vmem>> -> memref<80xi32, #tpu.memory_space<vmem>>
    %dma_start3A_25 = arith.constant 0 : i32
    %dma_start3A_26 = arith.constant 0 : i32
    %dma_start3A_27 = tpu.memref_slice %arg2[%dma_start3A_17, %dma_start3A_25, %dma_start3A_26] : memref<2x100000x16xf32, #tpu.memory_space<hbm>> -> memref<1x100000x16xf32, #tpu.memory_space<hbm>>
    %dma_start3A_28 = tpu.memref_squeeze %dma_start3A_27 : memref<1x100000x16xf32, #tpu.memory_space<hbm>> -> memref<100000x16xf32, #tpu.memory_space<hbm>>
    %dma_start3A_29 = arith.constant 0 : i32
    %dma_start3A_30 = arith.constant 0 : i32
    %dma_start3A_31 = tpu.memref_slice %dma_start3A_28[%dma_start3A_29, %dma_start3A_30] : memref<100000x16xf32, #tpu.memory_space<hbm>> -> memref<100000x16xf32, #tpu.memory_space<hbm>>
    tpu.enqueue_indirect_dma source(%dma_start3A_31 : memref<100000x16xf32, #tpu.memory_space<hbm>>) target(%dma_start3A_22 : memref<80x16xf32, #tpu.memory_space<vmem>>) offsets(%dma_start3A_24 : memref<80xi32, #tpu.memory_space<vmem>>) semaphore(%arg7 : memref<!tpu.dma_semaphore, #tpu.memory_space<semaphore_mem>>)
    %dma_start3A_32 = arith.constant 0 : i32
    %dma_start3A_33 = arith.constant 0 : i32
    %dma_start3A_34 = arith.constant 160 : i32
    %dma_start3A_35 = arith.constant 0 : i32
    %dma_start3A_36 = tpu.memref_slice %arg6[%dma_start3A_33, %dma_start3A_34, %dma_start3A_35] : memref<2x1600x16xf32, #tpu.memory_space<vmem>> -> memref<1x80x16xf32, #tpu.memory_space<vmem>>
    %dma_start3A_37 = tpu.memref_squeeze %dma_start3A_36 : memref<1x80x16xf32, #tpu.memory_space<vmem>> -> memref<80x16xf32, #tpu.memory_space<vmem>>
    %dma_start3A_38 = arith.constant 160 : i32
    %dma_start3A_39 = tpu.memref_slice %arg5[%dma_start3A_38] : memref<1600xi32, #tpu.memory_space<vmem>> -> memref<80xi32, #tpu.memory_space<vmem>>
    %dma_start3A_40 = arith.constant 0 : i32
    %dma_start3A_41 = arith.constant 0 : i32
    %dma_start3A_42 = tpu.memref_slice %arg2[%dma_start3A_32, %dma_start3A_40, %dma_start3A_41] : memref<2x100000x16xf32, #tpu.memory_space<hbm>> -> memref<1x100000x16xf32, #tpu.memory_space<hbm>>
    %dma_start3A_43 = tpu.memref_squeeze %dma_start3A_42 : memref<1x100000x16xf32, #tpu.memory_space<hbm>> -> memref<100000x16xf32, #tpu.memory_space<hbm>>
    %dma_start3A_44 = arith.constant 0 : i32
    %dma_start3A_45 = arith.constant 0 : i32
    %dma_start3A_46 = tpu.memref_slice %dma_start3A_43[%dma_start3A_44, %dma_start3A_45] : memref<100000x16xf32, #tpu.memory_space<hbm>> -> memref<100000x16xf32, #tpu.memory_space<hbm>>
    tpu.enqueue_indirect_dma source(%dma_start3A_46 : memref<100000x16xf32, #tpu.memory_space<hbm>>) target(%dma_start3A_37 : memref<80x16xf32, #tpu.memory_space<vmem>>) offsets(%dma_start3A_39 : memref<80xi32, #tpu.memory_space<vmem>>) semaphore(%arg7 : memref<!tpu.dma_semaphore, #tpu.memory_space<semaphore_mem>>)
    %dma_start3A_47 = arith.constant 0 : i32
    %dma_start3A_48 = arith.constant 0 : i32
    %dma_start3A_49 = arith.constant 240 : i32
    %dma_start3A_50 = arith.constant 0 : i32
    %dma_start3A_51 = tpu.memref_slice %arg6[%dma_start3A_48, %dma_start3A_49, %dma_start3A_50] : memref<2x1600x16xf32, #tpu.memory_space<vmem>> -> memref<1x80x16xf32, #tpu.memory_space<vmem>>
    %dma_start3A_52 = tpu.memref_squeeze %dma_start3A_51 : memref<1x80x16xf32, #tpu.memory_space<vmem>> -> memref<80x16xf32, #tpu.memory_space<vmem>>
    %dma_start3A_53 = arith.constant 240 : i32
    %dma_start3A_54 = tpu.memref_slice %arg5[%dma_start3A_53] : memref<1600xi32, #tpu.memory_space<vmem>> -> memref<80xi32, #tpu.memory_space<vmem>>
    %dma_start3A_55 = arith.constant 0 : i32
    %dma_start3A_56 = arith.constant 0 : i32
    %dma_start3A_57 = tpu.memref_slice %arg2[%dma_start3A_47, %dma_start3A_55, %dma_start3A_56] : memref<2x100000x16xf32, #tpu.memory_space<hbm>> -> memref<1x100000x16xf32, #tpu.memory_space<hbm>>
    %dma_start3A_58 = tpu.memref_squeeze %dma_start3A_57 : memref<1x100000x16xf32, #tpu.memory_space<hbm>> -> memref<100000x16xf32, #tpu.memory_space<hbm>>
    %dma_start3A_59 = arith.constant 0 : i32
    %dma_start3A_60 = arith.constant 0 : i32
    %dma_start3A_61 = tpu.memref_slice %dma_start3A_58[%dma_start3A_59, %dma_start3A_60] : memref<100000x16xf32, #tpu.memory_space<hbm>> -> memref<100000x16xf32, #tpu.memory_space<hbm>>
    tpu.enqueue_indirect_dma source(%dma_start3A_61 : memref<100000x16xf32, #tpu.memory_space<hbm>>) target(%dma_start3A_52 : memref<80x16xf32, #tpu.memory_space<vmem>>) offsets(%dma_start3A_54 : memref<80xi32, #tpu.memory_space<vmem>>) semaphore(%arg7 : memref<!tpu.dma_semaphore, #tpu.memory_space<semaphore_mem>>)
    %dma_start3A_62 = arith.constant 0 : i32
    %dma_start3A_63 = arith.constant 0 : i32
    %dma_start3A_64 = arith.constant 320 : i32
    %dma_start3A_65 = arith.constant 0 : i32
    %dma_start3A_66 = tpu.memref_slice %arg6[%dma_start3A_63, %dma_start3A_64, %dma_start3A_65] : memref<2x1600x16xf32, #tpu.memory_space<vmem>> -> memref<1x80x16xf32, #tpu.memory_space<vmem>>
    %dma_start3A_67 = tpu.memref_squeeze %dma_start3A_66 : memref<1x80x16xf32, #tpu.memory_space<vmem>> -> memref<80x16xf32, #tpu.memory_space<vmem>>
    %dma_start3A_68 = arith.constant 320 : i32
    %dma_start3A_69 = tpu.memref_slice %arg5[%dma_start3A_68] : memref<1600xi32, #tpu.memory_space<vmem>> -> memref<80xi32, #tpu.memory_space<vmem>>
    %dma_start3A_70 = arith.constant 0 : i32
    %dma_start3A_71 = arith.constant 0 : i32
    %dma_start3A_72 = tpu.memref_slice %arg2[%dma_start3A_62, %dma_start3A_70, %dma_start3A_71] : memref<2x100000x16xf32, #tpu.memory_space<hbm>> -> memref<1x100000x16xf32, #tpu.memory_space<hbm>>
    %dma_start3A_73 = tpu.memref_squeeze %dma_start3A_72 : memref<1x100000x16xf32, #tpu.memory_space<hbm>> -> memref<100000x16xf32, #tpu.memory_space<hbm>>
    %dma_start3A_74 = arith.constant 0 : i32
    %dma_start3A_75 = arith.constant 0 : i32
    %dma_start3A_76 = tpu.memref_slice %dma_start3A_73[%dma_start3A_74, %dma_start3A_75] : memref<100000x16xf32, #tpu.memory_space<hbm>> -> memref<100000x16xf32, #tpu.memory_space<hbm>>
    tpu.enqueue_indirect_dma source(%dma_start3A_76 : memref<100000x16xf32, #tpu.memory_space<hbm>>) target(%dma_start3A_67 : memref<80x16xf32, #tpu.memory_space<vmem>>) offsets(%dma_start3A_69 : memref<80xi32, #tpu.memory_space<vmem>>) semaphore(%arg7 : memref<!tpu.dma_semaphore, #tpu.memory_space<semaphore_mem>>)
    %dma_start3A_77 = arith.constant 0 : i32
    %dma_start3A_78 = arith.constant 0 : i32
    %dma_start3A_79 = arith.constant 400 : i32
    %dma_start3A_80 = arith.constant 0 : i32
    %dma_start3A_81 = tpu.memref_slice %arg6[%dma_start3A_78, %dma_start3A_79, %dma_start3A_80] : memref<2x1600x16xf32, #tpu.memory_space<vmem>> -> memref<1x80x16xf32, #tpu.memory_space<vmem>>
    %dma_start3A_82 = tpu.memref_squeeze %dma_start3A_81 : memref<1x80x16xf32, #tpu.memory_space<vmem>> -> memref<80x16xf32, #tpu.memory_space<vmem>>
    %dma_start3A_83 = arith.constant 400 : i32
    %dma_start3A_84 = tpu.memref_slice %arg5[%dma_start3A_83] : memref<1600xi32, #tpu.memory_space<vmem>> -> memref<80xi32, #tpu.memory_space<vmem>>
    %dma_start3A_85 = arith.constant 0 : i32
    %dma_start3A_86 = arith.constant 0 : i32
    %dma_start3A_87 = tpu.memref_slice %arg2[%dma_start3A_77, %dma_start3A_85, %dma_start3A_86] : memref<2x100000x16xf32, #tpu.memory_space<hbm>> -> memref<1x100000x16xf32, #tpu.memory_space<hbm>>
    %dma_start3A_88 = tpu.memref_squeeze %dma_start3A_87 : memref<1x100000x16xf32, #tpu.memory_space<hbm>> -> memref<100000x16xf32, #tpu.memory_space<hbm>>
    %dma_start3A_89 = arith.constant 0 : i32
    %dma_start3A_90 = arith.constant 0 : i32
    %dma_start3A_91 = tpu.memref_slice %dma_start3A_88[%dma_start3A_89, %dma_start3A_90] : memref<100000x16xf32, #tpu.memory_space<hbm>> -> memref<100000x16xf32, #tpu.memory_space<hbm>>
    tpu.enqueue_indirect_dma source(%dma_start3A_91 : memref<100000x16xf32, #tpu.memory_space<hbm>>) target(%dma_start3A_82 : memref<80x16xf32, #tpu.memory_space<vmem>>) offsets(%dma_start3A_84 : memref<80xi32, #tpu.memory_space<vmem>>) semaphore(%arg7 : memref<!tpu.dma_semaphore, #tpu.memory_space<semaphore_mem>>)
    %dma_start3A_92 = arith.constant 0 : i32
    %dma_start3A_93 = arith.constant 0 : i32
    %dma_start3A_94 = arith.constant 480 : i32
    %dma_start3A_95 = arith.constant 0 : i32
    %dma_start3A_96 = tpu.memref_slice %arg6[%dma_start3A_93, %dma_start3A_94, %dma_start3A_95] : memref<2x1600x16xf32, #tpu.memory_space<vmem>> -> memref<1x80x16xf32, #tpu.memory_space<vmem>>
    %dma_start3A_97 = tpu.memref_squeeze %dma_start3A_96 : memref<1x80x16xf32, #tpu.memory_space<vmem>> -> memref<80x16xf32, #tpu.memory_space<vmem>>
    %dma_start3A_98 = arith.constant 480 : i32
    %dma_start3A_99 = tpu.memref_slice %arg5[%dma_start3A_98] : memref<1600xi32, #tpu.memory_space<vmem>> -> memref<80xi32, #tpu.memory_space<vmem>>
    %dma_start3A_100 = arith.constant 0 : i32
    %dma_start3A_101 = arith.constant 0 : i32
    %dma_start3A_102 = tpu.memref_slice %arg2[%dma_start3A_92, %dma_start3A_100, %dma_start3A_101] : memref<2x100000x16xf32, #tpu.memory_space<hbm>> -> memref<1x100000x16xf32, #tpu.memory_space<hbm>>
    %dma_start3A_103 = tpu.memref_squeeze %dma_start3A_102 : memref<1x100000x16xf32, #tpu.memory_space<hbm>> -> memref<100000x16xf32, #tpu.memory_space<hbm>>
    %dma_start3A_104 = arith.constant 0 : i32
    %dma_start3A_105 = arith.constant 0 : i32
    %dma_start3A_106 = tpu.memref_slice %dma_start3A_103[%dma_start3A_104, %dma_start3A_105] : memref<100000x16xf32, #tpu.memory_space<hbm>> -> memref<100000x16xf32, #tpu.memory_space<hbm>>
    tpu.enqueue_indirect_dma source(%dma_start3A_106 : memref<100000x16xf32, #tpu.memory_space<hbm>>) target(%dma_start3A_97 : memref<80x16xf32, #tpu.memory_space<vmem>>) offsets(%dma_start3A_99 : memref<80xi32, #tpu.memory_space<vmem>>) semaphore(%arg7 : memref<!tpu.dma_semaphore, #tpu.memory_space<semaphore_mem>>)
    %dma_start3A_107 = arith.constant 0 : i32
    %dma_start3A_108 = arith.constant 0 : i32
    %dma_start3A_109 = arith.constant 560 : i32
    %dma_start3A_110 = arith.constant 0 : i32
    %dma_start3A_111 = tpu.memref_slice %arg6[%dma_start3A_108, %dma_start3A_109, %dma_start3A_110] : memref<2x1600x16xf32, #tpu.memory_space<vmem>> -> memref<1x80x16xf32, #tpu.memory_space<vmem>>
    %dma_start3A_112 = tpu.memref_squeeze %dma_start3A_111 : memref<1x80x16xf32, #tpu.memory_space<vmem>> -> memref<80x16xf32, #tpu.memory_space<vmem>>
    %dma_start3A_113 = arith.constant 560 : i32
    %dma_start3A_114 = tpu.memref_slice %arg5[%dma_start3A_113] : memref<1600xi32, #tpu.memory_space<vmem>> -> memref<80xi32, #tpu.memory_space<vmem>>
    %dma_start3A_115 = arith.constant 0 : i32
    %dma_start3A_116 = arith.constant 0 : i32
    %dma_start3A_117 = tpu.memref_slice %arg2[%dma_start3A_107, %dma_start3A_115, %dma_start3A_116] : memref<2x100000x16xf32, #tpu.memory_space<hbm>> -> memref<1x100000x16xf32, #tpu.memory_space<hbm>>
    %dma_start3A_118 = tpu.memref_squeeze %dma_start3A_117 : memref<1x100000x16xf32, #tpu.memory_space<hbm>> -> memref<100000x16xf32, #tpu.memory_space<hbm>>
    %dma_start3A_119 = arith.constant 0 : i32
    %dma_start3A_120 = arith.constant 0 : i32
    %dma_start3A_121 = tpu.memref_slice %dma_start3A_118[%dma_start3A_119, %dma_start3A_120] : memref<100000x16xf32, #tpu.memory_space<hbm>> -> memref<100000x16xf32, #tpu.memory_space<hbm>>
    tpu.enqueue_indirect_dma source(%dma_start3A_121 : memref<100000x16xf32, #tpu.memory_space<hbm>>) target(%dma_start3A_112 : memref<80x16xf32, #tpu.memory_space<vmem>>) offsets(%dma_start3A_114 : memref<80xi32, #tpu.memory_space<vmem>>) semaphore(%arg7 : memref<!tpu.dma_semaphore, #tpu.memory_space<semaphore_mem>>)
    %dma_start3A_122 = arith.constant 0 : i32
    %dma_start3A_123 = arith.constant 0 : i32
    %dma_start3A_124 = arith.constant 640 : i32
    %dma_start3A_125 = arith.constant 0 : i32
    %dma_start3A_126 = tpu.memref_slice %arg6[%dma_start3A_123, %dma_start3A_124, %dma_start3A_125] : memref<2x1600x16xf32, #tpu.memory_space<vmem>> -> memref<1x80x16xf32, #tpu.memory_space<vmem>>
    %dma_start3A_127 = tpu.memref_squeeze %dma_start3A_126 : memref<1x80x16xf32, #tpu.memory_space<vmem>> -> memref<80x16xf32, #tpu.memory_space<vmem>>
    %dma_start3A_128 = arith.constant 640 : i32
    %dma_start3A_129 = tpu.memref_slice %arg5[%dma_start3A_128] : memref<1600xi32, #tpu.memory_space<vmem>> -> memref<80xi32, #tpu.memory_space<vmem>>
    %dma_start3A_130 = arith.constant 0 : i32
    %dma_start3A_131 = arith.constant 0 : i32
    %dma_start3A_132 = tpu.memref_slice %arg2[%dma_start3A_122, %dma_start3A_130, %dma_start3A_131] : memref<2x100000x16xf32, #tpu.memory_space<hbm>> -> memref<1x100000x16xf32, #tpu.memory_space<hbm>>
    %dma_start3A_133 = tpu.memref_squeeze %dma_start3A_132 : memref<1x100000x16xf32, #tpu.memory_space<hbm>> -> memref<100000x16xf32, #tpu.memory_space<hbm>>
    %dma_start3A_134 = arith.constant 0 : i32
    %dma_start3A_135 = arith.constant 0 : i32
    %dma_start3A_136 = tpu.memref_slice %dma_start3A_133[%dma_start3A_134, %dma_start3A_135] : memref<100000x16xf32, #tpu.memory_space<hbm>> -> memref<100000x16xf32, #tpu.memory_space<hbm>>
    tpu.enqueue_indirect_dma source(%dma_start3A_136 : memref<100000x16xf32, #tpu.memory_space<hbm>>) target(%dma_start3A_127 : memref<80x16xf32, #tpu.memory_space<vmem>>) offsets(%dma_start3A_129 : memref<80xi32, #tpu.memory_space<vmem>>) semaphore(%arg7 : memref<!tpu.dma_semaphore, #tpu.memory_space<semaphore_mem>>)
    %dma_start3A_137 = arith.constant 0 : i32
    %dma_start3A_138 = arith.constant 0 : i32
    %dma_start3A_139 = arith.constant 720 : i32
    %dma_start3A_140 = arith.constant 0 : i32
    %dma_start3A_141 = tpu.memref_slice %arg6[%dma_start3A_138, %dma_start3A_139, %dma_start3A_140] : memref<2x1600x16xf32, #tpu.memory_space<vmem>> -> memref<1x80x16xf32, #tpu.memory_space<vmem>>
    %dma_start3A_142 = tpu.memref_squeeze %dma_start3A_141 : memref<1x80x16xf32, #tpu.memory_space<vmem>> -> memref<80x16xf32, #tpu.memory_space<vmem>>
    %dma_start3A_143 = arith.constant 720 : i32
    %dma_start3A_144 = tpu.memref_slice %arg5[%dma_start3A_143] : memref<1600xi32, #tpu.memory_space<vmem>> -> memref<80xi32, #tpu.memory_space<vmem>>
    %dma_start3A_145 = arith.constant 0 : i32
    %dma_start3A_146 = arith.constant 0 : i32
    %dma_start3A_147 = tpu.memref_slice %arg2[%dma_start3A_137, %dma_start3A_145, %dma_start3A_146] : memref<2x100000x16xf32, #tpu.memory_space<hbm>> -> memref<1x100000x16xf32, #tpu.memory_space<hbm>>
    %dma_start3A_148 = tpu.memref_squeeze %dma_start3A_147 : memref<1x100000x16xf32, #tpu.memory_space<hbm>> -> memref<100000x16xf32, #tpu.memory_space<hbm>>
    %dma_start3A_149 = arith.constant 0 : i32
    %dma_start3A_150 = arith.constant 0 : i32
    %dma_start3A_151 = tpu.memref_slice %dma_start3A_148[%dma_start3A_149, %dma_start3A_150] : memref<100000x16xf32, #tpu.memory_space<hbm>> -> memref<100000x16xf32, #tpu.memory_space<hbm>>
    tpu.enqueue_indirect_dma source(%dma_start3A_151 : memref<100000x16xf32, #tpu.memory_space<hbm>>) target(%dma_start3A_142 : memref<80x16xf32, #tpu.memory_space<vmem>>) offsets(%dma_start3A_144 : memref<80xi32, #tpu.memory_space<vmem>>) semaphore(%arg7 : memref<!tpu.dma_semaphore, #tpu.memory_space<semaphore_mem>>)
    %dma_start3A_152 = arith.constant 0 : i32
    %dma_start3A_153 = arith.constant 0 : i32
    %dma_start3A_154 = arith.constant 800 : i32
    %dma_start3A_155 = arith.constant 0 : i32
    %dma_start3A_156 = tpu.memref_slice %arg6[%dma_start3A_153, %dma_start3A_154, %dma_start3A_155] : memref<2x1600x16xf32, #tpu.memory_space<vmem>> -> memref<1x80x16xf32, #tpu.memory_space<vmem>>
    %dma_start3A_157 = tpu.memref_squeeze %dma_start3A_156 : memref<1x80x16xf32, #tpu.memory_space<vmem>> -> memref<80x16xf32, #tpu.memory_space<vmem>>
    %dma_start3A_158 = arith.constant 800 : i32
    %dma_start3A_159 = tpu.memref_slice %arg5[%dma_start3A_158] : memref<1600xi32, #tpu.memory_space<vmem>> -> memref<80xi32, #tpu.memory_space<vmem>>
    %dma_start3A_160 = arith.constant 0 : i32
    %dma_start3A_161 = arith.constant 0 : i32
    %dma_start3A_162 = tpu.memref_slice %arg2[%dma_start3A_152, %dma_start3A_160, %dma_start3A_161] : memref<2x100000x16xf32, #tpu.memory_space<hbm>> -> memref<1x100000x16xf32, #tpu.memory_space<hbm>>
    %dma_start3A_163 = tpu.memref_squeeze %dma_start3A_162 : memref<1x100000x16xf32, #tpu.memory_space<hbm>> -> memref<100000x16xf32, #tpu.memory_space<hbm>>
    %dma_start3A_164 = arith.constant 0 : i32
    %dma_start3A_165 = arith.constant 0 : i32
    %dma_start3A_166 = tpu.memref_slice %dma_start3A_163[%dma_start3A_164, %dma_start3A_165] : memref<100000x16xf32, #tpu.memory_space<hbm>> -> memref<100000x16xf32, #tpu.memory_space<hbm>>
    tpu.enqueue_indirect_dma source(%dma_start3A_166 : memref<100000x16xf32, #tpu.memory_space<hbm>>) target(%dma_start3A_157 : memref<80x16xf32, #tpu.memory_space<vmem>>) offsets(%dma_start3A_159 : memref<80xi32, #tpu.memory_space<vmem>>) semaphore(%arg7 : memref<!tpu.dma_semaphore, #tpu.memory_space<semaphore_mem>>)
    %dma_start3A_167 = arith.constant 0 : i32
    %dma_start3A_168 = arith.constant 0 : i32
    %dma_start3A_169 = arith.constant 880 : i32
    %dma_start3A_170 = arith.constant 0 : i32
    %dma_start3A_171 = tpu.memref_slice %arg6[%dma_start3A_168, %dma_start3A_169, %dma_start3A_170] : memref<2x1600x16xf32, #tpu.memory_space<vmem>> -> memref<1x80x16xf32, #tpu.memory_space<vmem>>
    %dma_start3A_172 = tpu.memref_squeeze %dma_start3A_171 : memref<1x80x16xf32, #tpu.memory_space<vmem>> -> memref<80x16xf32, #tpu.memory_space<vmem>>
    %dma_start3A_173 = arith.constant 880 : i32
    %dma_start3A_174 = tpu.memref_slice %arg5[%dma_start3A_173] : memref<1600xi32, #tpu.memory_space<vmem>> -> memref<80xi32, #tpu.memory_space<vmem>>
    %dma_start3A_175 = arith.constant 0 : i32
    %dma_start3A_176 = arith.constant 0 : i32
    %dma_start3A_177 = tpu.memref_slice %arg2[%dma_start3A_167, %dma_start3A_175, %dma_start3A_176] : memref<2x100000x16xf32, #tpu.memory_space<hbm>> -> memref<1x100000x16xf32, #tpu.memory_space<hbm>>
    %dma_start3A_178 = tpu.memref_squeeze %dma_start3A_177 : memref<1x100000x16xf32, #tpu.memory_space<hbm>> -> memref<100000x16xf32, #tpu.memory_space<hbm>>
    %dma_start3A_179 = arith.constant 0 : i32
    %dma_start3A_180 = arith.constant 0 : i32
    %dma_start3A_181 = tpu.memref_slice %dma_start3A_178[%dma_start3A_179, %dma_start3A_180] : memref<100000x16xf32, #tpu.memory_space<hbm>> -> memref<100000x16xf32, #tpu.memory_space<hbm>>
    tpu.enqueue_indirect_dma source(%dma_start3A_181 : memref<100000x16xf32, #tpu.memory_space<hbm>>) target(%dma_start3A_172 : memref<80x16xf32, #tpu.memory_space<vmem>>) offsets(%dma_start3A_174 : memref<80xi32, #tpu.memory_space<vmem>>) semaphore(%arg7 : memref<!tpu.dma_semaphore, #tpu.memory_space<semaphore_mem>>)
    %dma_start3A_182 = arith.constant 0 : i32
    %dma_start3A_183 = arith.constant 0 : i32
    %dma_start3A_184 = arith.constant 960 : i32
    %dma_start3A_185 = arith.constant 0 : i32
    %dma_start3A_186 = tpu.memref_slice %arg6[%dma_start3A_183, %dma_start3A_184, %dma_start3A_185] : memref<2x1600x16xf32, #tpu.memory_space<vmem>> -> memref<1x80x16xf32, #tpu.memory_space<vmem>>
    %dma_start3A_187 = tpu.memref_squeeze %dma_start3A_186 : memref<1x80x16xf32, #tpu.memory_space<vmem>> -> memref<80x16xf32, #tpu.memory_space<vmem>>
    %dma_start3A_188 = arith.constant 960 : i32
    %dma_start3A_189 = tpu.memref_slice %arg5[%dma_start3A_188] : memref<1600xi32, #tpu.memory_space<vmem>> -> memref<80xi32, #tpu.memory_space<vmem>>
    %dma_start3A_190 = arith.constant 0 : i32
    %dma_start3A_191 = arith.constant 0 : i32
    %dma_start3A_192 = tpu.memref_slice %arg2[%dma_start3A_182, %dma_start3A_190, %dma_start3A_191] : memref<2x100000x16xf32, #tpu.memory_space<hbm>> -> memref<1x100000x16xf32, #tpu.memory_space<hbm>>
    %dma_start3A_193 = tpu.memref_squeeze %dma_start3A_192 : memref<1x100000x16xf32, #tpu.memory_space<hbm>> -> memref<100000x16xf32, #tpu.memory_space<hbm>>
    %dma_start3A_194 = arith.constant 0 : i32
    %dma_start3A_195 = arith.constant 0 : i32
    %dma_start3A_196 = tpu.memref_slice %dma_start3A_193[%dma_start3A_194, %dma_start3A_195] : memref<100000x16xf32, #tpu.memory_space<hbm>> -> memref<100000x16xf32, #tpu.memory_space<hbm>>
    tpu.enqueue_indirect_dma source(%dma_start3A_196 : memref<100000x16xf32, #tpu.memory_space<hbm>>) target(%dma_start3A_187 : memref<80x16xf32, #tpu.memory_space<vmem>>) offsets(%dma_start3A_189 : memref<80xi32, #tpu.memory_space<vmem>>) semaphore(%arg7 : memref<!tpu.dma_semaphore, #tpu.memory_space<semaphore_mem>>)
    %dma_start3A_197 = arith.constant 0 : i32
    %dma_start3A_198 = arith.constant 0 : i32
    %dma_start3A_199 = arith.constant 1040 : i32
    %dma_start3A_200 = arith.constant 0 : i32
    %dma_start3A_201 = tpu.memref_slice %arg6[%dma_start3A_198, %dma_start3A_199, %dma_start3A_200] : memref<2x1600x16xf32, #tpu.memory_space<vmem>> -> memref<1x80x16xf32, #tpu.memory_space<vmem>>
    %dma_start3A_202 = tpu.memref_squeeze %dma_start3A_201 : memref<1x80x16xf32, #tpu.memory_space<vmem>> -> memref<80x16xf32, #tpu.memory_space<vmem>>
    %dma_start3A_203 = arith.constant 1040 : i32
    %dma_start3A_204 = tpu.memref_slice %arg5[%dma_start3A_203] : memref<1600xi32, #tpu.memory_space<vmem>> -> memref<80xi32, #tpu.memory_space<vmem>>
    %dma_start3A_205 = arith.constant 0 : i32
    %dma_start3A_206 = arith.constant 0 : i32
    %dma_start3A_207 = tpu.memref_slice %arg2[%dma_start3A_197, %dma_start3A_205, %dma_start3A_206] : memref<2x100000x16xf32, #tpu.memory_space<hbm>> -> memref<1x100000x16xf32, #tpu.memory_space<hbm>>
    %dma_start3A_208 = tpu.memref_squeeze %dma_start3A_207 : memref<1x100000x16xf32, #tpu.memory_space<hbm>> -> memref<100000x16xf32, #tpu.memory_space<hbm>>
    %dma_start3A_209 = arith.constant 0 : i32
    %dma_start3A_210 = arith.constant 0 : i32
    %dma_start3A_211 = tpu.memref_slice %dma_start3A_208[%dma_start3A_209, %dma_start3A_210] : memref<100000x16xf32, #tpu.memory_space<hbm>> -> memref<100000x16xf32, #tpu.memory_space<hbm>>
    tpu.enqueue_indirect_dma source(%dma_start3A_211 : memref<100000x16xf32, #tpu.memory_space<hbm>>) target(%dma_start3A_202 : memref<80x16xf32, #tpu.memory_space<vmem>>) offsets(%dma_start3A_204 : memref<80xi32, #tpu.memory_space<vmem>>) semaphore(%arg7 : memref<!tpu.dma_semaphore, #tpu.memory_space<semaphore_mem>>)
    %dma_start3A_212 = arith.constant 0 : i32
    %dma_start3A_213 = arith.constant 0 : i32
    %dma_start3A_214 = arith.constant 1120 : i32
    %dma_start3A_215 = arith.constant 0 : i32
    %dma_start3A_216 = tpu.memref_slice %arg6[%dma_start3A_213, %dma_start3A_214, %dma_start3A_215] : memref<2x1600x16xf32, #tpu.memory_space<vmem>> -> memref<1x80x16xf32, #tpu.memory_space<vmem>>
    %dma_start3A_217 = tpu.memref_squeeze %dma_start3A_216 : memref<1x80x16xf32, #tpu.memory_space<vmem>> -> memref<80x16xf32, #tpu.memory_space<vmem>>
    %dma_start3A_218 = arith.constant 1120 : i32
    %dma_start3A_219 = tpu.memref_slice %arg5[%dma_start3A_218] : memref<1600xi32, #tpu.memory_space<vmem>> -> memref<80xi32, #tpu.memory_space<vmem>>
    %dma_start3A_220 = arith.constant 0 : i32
    %dma_start3A_221 = arith.constant 0 : i32
    %dma_start3A_222 = tpu.memref_slice %arg2[%dma_start3A_212, %dma_start3A_220, %dma_start3A_221] : memref<2x100000x16xf32, #tpu.memory_space<hbm>> -> memref<1x100000x16xf32, #tpu.memory_space<hbm>>
    %dma_start3A_223 = tpu.memref_squeeze %dma_start3A_222 : memref<1x100000x16xf32, #tpu.memory_space<hbm>> -> memref<100000x16xf32, #tpu.memory_space<hbm>>
    %dma_start3A_224 = arith.constant 0 : i32
    %dma_start3A_225 = arith.constant 0 : i32
    %dma_start3A_226 = tpu.memref_slice %dma_start3A_223[%dma_start3A_224, %dma_start3A_225] : memref<100000x16xf32, #tpu.memory_space<hbm>> -> memref<100000x16xf32, #tpu.memory_space<hbm>>
    tpu.enqueue_indirect_dma source(%dma_start3A_226 : memref<100000x16xf32, #tpu.memory_space<hbm>>) target(%dma_start3A_217 : memref<80x16xf32, #tpu.memory_space<vmem>>) offsets(%dma_start3A_219 : memref<80xi32, #tpu.memory_space<vmem>>) semaphore(%arg7 : memref<!tpu.dma_semaphore, #tpu.memory_space<semaphore_mem>>)
    %dma_start3A_227 = arith.constant 0 : i32
    %dma_start3A_228 = arith.constant 0 : i32
    %dma_start3A_229 = arith.constant 1200 : i32
    %dma_start3A_230 = arith.constant 0 : i32
    %dma_start3A_231 = tpu.memref_slice %arg6[%dma_start3A_228, %dma_start3A_229, %dma_start3A_230] : memref<2x1600x16xf32, #tpu.memory_space<vmem>> -> memref<1x80x16xf32, #tpu.memory_space<vmem>>
    %dma_start3A_232 = tpu.memref_squeeze %dma_start3A_231 : memref<1x80x16xf32, #tpu.memory_space<vmem>> -> memref<80x16xf32, #tpu.memory_space<vmem>>
    %dma_start3A_233 = arith.constant 1200 : i32
    %dma_start3A_234 = tpu.memref_slice %arg5[%dma_start3A_233] : memref<1600xi32, #tpu.memory_space<vmem>> -> memref<80xi32, #tpu.memory_space<vmem>>
    %dma_start3A_235 = arith.constant 0 : i32
    %dma_start3A_236 = arith.constant 0 : i32
    %dma_start3A_237 = tpu.memref_slice %arg2[%dma_start3A_227, %dma_start3A_235, %dma_start3A_236] : memref<2x100000x16xf32, #tpu.memory_space<hbm>> -> memref<1x100000x16xf32, #tpu.memory_space<hbm>>
    %dma_start3A_238 = tpu.memref_squeeze %dma_start3A_237 : memref<1x100000x16xf32, #tpu.memory_space<hbm>> -> memref<100000x16xf32, #tpu.memory_space<hbm>>
    %dma_start3A_239 = arith.constant 0 : i32
    %dma_start3A_240 = arith.constant 0 : i32
    %dma_start3A_241 = tpu.memref_slice %dma_start3A_238[%dma_start3A_239, %dma_start3A_240] : memref<100000x16xf32, #tpu.memory_space<hbm>> -> memref<100000x16xf32, #tpu.memory_space<hbm>>
    tpu.enqueue_indirect_dma source(%dma_start3A_241 : memref<100000x16xf32, #tpu.memory_space<hbm>>) target(%dma_start3A_232 : memref<80x16xf32, #tpu.memory_space<vmem>>) offsets(%dma_start3A_234 : memref<80xi32, #tpu.memory_space<vmem>>) semaphore(%arg7 : memref<!tpu.dma_semaphore, #tpu.memory_space<semaphore_mem>>)
    %dma_start3A_242 = arith.constant 0 : i32
    %dma_start3A_243 = arith.constant 0 : i32
    %dma_start3A_244 = arith.constant 1280 : i32
    %dma_start3A_245 = arith.constant 0 : i32
    %dma_start3A_246 = tpu.memref_slice %arg6[%dma_start3A_243, %dma_start3A_244, %dma_start3A_245] : memref<2x1600x16xf32, #tpu.memory_space<vmem>> -> memref<1x80x16xf32, #tpu.memory_space<vmem>>
    %dma_start3A_247 = tpu.memref_squeeze %dma_start3A_246 : memref<1x80x16xf32, #tpu.memory_space<vmem>> -> memref<80x16xf32, #tpu.memory_space<vmem>>
    %dma_start3A_248 = arith.constant 1280 : i32
    %dma_start3A_249 = tpu.memref_slice %arg5[%dma_start3A_248] : memref<1600xi32, #tpu.memory_space<vmem>> -> memref<80xi32, #tpu.memory_space<vmem>>
    %dma_start3A_250 = arith.constant 0 : i32
    %dma_start3A_251 = arith.constant 0 : i32
    %dma_start3A_252 = tpu.memref_slice %arg2[%dma_start3A_242, %dma_start3A_250, %dma_start3A_251] : memref<2x100000x16xf32, #tpu.memory_space<hbm>> -> memref<1x100000x16xf32, #tpu.memory_space<hbm>>
    %dma_start3A_253 = tpu.memref_squeeze %dma_start3A_252 : memref<1x100000x16xf32, #tpu.memory_space<hbm>> -> memref<100000x16xf32, #tpu.memory_space<hbm>>
    %dma_start3A_254 = arith.constant 0 : i32
    %dma_start3A_255 = arith.constant 0 : i32
    %dma_start3A_256 = tpu.memref_slice %dma_start3A_253[%dma_start3A_254, %dma_start3A_255] : memref<100000x16xf32, #tpu.memory_space<hbm>> -> memref<100000x16xf32, #tpu.memory_space<hbm>>
    tpu.enqueue_indirect_dma source(%dma_start3A_256 : memref<100000x16xf32, #tpu.memory_space<hbm>>) target(%dma_start3A_247 : memref<80x16xf32, #tpu.memory_space<vmem>>) offsets(%dma_start3A_249 : memref<80xi32, #tpu.memory_space<vmem>>) semaphore(%arg7 : memref<!tpu.dma_semaphore, #tpu.memory_space<semaphore_mem>>)
    %dma_start3A_257 = arith.constant 0 : i32
    %dma_start3A_258 = arith.constant 0 : i32
    %dma_start3A_259 = arith.constant 1360 : i32
    %dma_start3A_260 = arith.constant 0 : i32
    %dma_start3A_261 = tpu.memref_slice %arg6[%dma_start3A_258, %dma_start3A_259, %dma_start3A_260] : memref<2x1600x16xf32, #tpu.memory_space<vmem>> -> memref<1x80x16xf32, #tpu.memory_space<vmem>>
    %dma_start3A_262 = tpu.memref_squeeze %dma_start3A_261 : memref<1x80x16xf32, #tpu.memory_space<vmem>> -> memref<80x16xf32, #tpu.memory_space<vmem>>
    %dma_start3A_263 = arith.constant 1360 : i32
    %dma_start3A_264 = tpu.memref_slice %arg5[%dma_start3A_263] : memref<1600xi32, #tpu.memory_space<vmem>> -> memref<80xi32, #tpu.memory_space<vmem>>
    %dma_start3A_265 = arith.constant 0 : i32
    %dma_start3A_266 = arith.constant 0 : i32
    %dma_start3A_267 = tpu.memref_slice %arg2[%dma_start3A_257, %dma_start3A_265, %dma_start3A_266] : memref<2x100000x16xf32, #tpu.memory_space<hbm>> -> memref<1x100000x16xf32, #tpu.memory_space<hbm>>
    %dma_start3A_268 = tpu.memref_squeeze %dma_start3A_267 : memref<1x100000x16xf32, #tpu.memory_space<hbm>> -> memref<100000x16xf32, #tpu.memory_space<hbm>>
    %dma_start3A_269 = arith.constant 0 : i32
    %dma_start3A_270 = arith.constant 0 : i32
    %dma_start3A_271 = tpu.memref_slice %dma_start3A_268[%dma_start3A_269, %dma_start3A_270] : memref<100000x16xf32, #tpu.memory_space<hbm>> -> memref<100000x16xf32, #tpu.memory_space<hbm>>
    tpu.enqueue_indirect_dma source(%dma_start3A_271 : memref<100000x16xf32, #tpu.memory_space<hbm>>) target(%dma_start3A_262 : memref<80x16xf32, #tpu.memory_space<vmem>>) offsets(%dma_start3A_264 : memref<80xi32, #tpu.memory_space<vmem>>) semaphore(%arg7 : memref<!tpu.dma_semaphore, #tpu.memory_space<semaphore_mem>>)
    %dma_start3A_272 = arith.constant 0 : i32
    %dma_start3A_273 = arith.constant 0 : i32
    %dma_start3A_274 = arith.constant 1440 : i32
    %dma_start3A_275 = arith.constant 0 : i32
    %dma_start3A_276 = tpu.memref_slice %arg6[%dma_start3A_273, %dma_start3A_274, %dma_start3A_275] : memref<2x1600x16xf32, #tpu.memory_space<vmem>> -> memref<1x80x16xf32, #tpu.memory_space<vmem>>
    %dma_start3A_277 = tpu.memref_squeeze %dma_start3A_276 : memref<1x80x16xf32, #tpu.memory_space<vmem>> -> memref<80x16xf32, #tpu.memory_space<vmem>>
    %dma_start3A_278 = arith.constant 1440 : i32
    %dma_start3A_279 = tpu.memref_slice %arg5[%dma_start3A_278] : memref<1600xi32, #tpu.memory_space<vmem>> -> memref<80xi32, #tpu.memory_space<vmem>>
    %dma_start3A_280 = arith.constant 0 : i32
    %dma_start3A_281 = arith.constant 0 : i32
    %dma_start3A_282 = tpu.memref_slice %arg2[%dma_start3A_272, %dma_start3A_280, %dma_start3A_281] : memref<2x100000x16xf32, #tpu.memory_space<hbm>> -> memref<1x100000x16xf32, #tpu.memory_space<hbm>>
    %dma_start3A_283 = tpu.memref_squeeze %dma_start3A_282 : memref<1x100000x16xf32, #tpu.memory_space<hbm>> -> memref<100000x16xf32, #tpu.memory_space<hbm>>
    %dma_start3A_284 = arith.constant 0 : i32
    %dma_start3A_285 = arith.constant 0 : i32
    %dma_start3A_286 = tpu.memref_slice %dma_start3A_283[%dma_start3A_284, %dma_start3A_285] : memref<100000x16xf32, #tpu.memory_space<hbm>> -> memref<100000x16xf32, #tpu.memory_space<hbm>>
    tpu.enqueue_indirect_dma source(%dma_start3A_286 : memref<100000x16xf32, #tpu.memory_space<hbm>>) target(%dma_start3A_277 : memref<80x16xf32, #tpu.memory_space<vmem>>) offsets(%dma_start3A_279 : memref<80xi32, #tpu.memory_space<vmem>>) semaphore(%arg7 : memref<!tpu.dma_semaphore, #tpu.memory_space<semaphore_mem>>)
    %dma_start3A_287 = arith.constant 0 : i32
    %dma_start3A_288 = arith.constant 0 : i32
    %dma_start3A_289 = arith.constant 1520 : i32
    %dma_start3A_290 = arith.constant 0 : i32
    %dma_start3A_291 = tpu.memref_slice %arg6[%dma_start3A_288, %dma_start3A_289, %dma_start3A_290] : memref<2x1600x16xf32, #tpu.memory_space<vmem>> -> memref<1x80x16xf32, #tpu.memory_space<vmem>>
    %dma_start3A_292 = tpu.memref_squeeze %dma_start3A_291 : memref<1x80x16xf32, #tpu.memory_space<vmem>> -> memref<80x16xf32, #tpu.memory_space<vmem>>
    %dma_start3A_293 = arith.constant 1520 : i32
    %dma_start3A_294 = tpu.memref_slice %arg5[%dma_start3A_293] : memref<1600xi32, #tpu.memory_space<vmem>> -> memref<80xi32, #tpu.memory_space<vmem>>
    %dma_start3A_295 = arith.constant 0 : i32
    %dma_start3A_296 = arith.constant 0 : i32
    %dma_start3A_297 = tpu.memref_slice %arg2[%dma_start3A_287, %dma_start3A_295, %dma_start3A_296] : memref<2x100000x16xf32, #tpu.memory_space<hbm>> -> memref<1x100000x16xf32, #tpu.memory_space<hbm>>
    %dma_start3A_298 = tpu.memref_squeeze %dma_start3A_297 : memref<1x100000x16xf32, #tpu.memory_space<hbm>> -> memref<100000x16xf32, #tpu.memory_space<hbm>>
    %dma_start3A_299 = arith.constant 0 : i32
    %dma_start3A_300 = arith.constant 0 : i32
    %dma_start3A_301 = tpu.memref_slice %dma_start3A_298[%dma_start3A_299, %dma_start3A_300] : memref<100000x16xf32, #tpu.memory_space<hbm>> -> memref<100000x16xf32, #tpu.memory_space<hbm>>
    tpu.enqueue_indirect_dma source(%dma_start3A_301 : memref<100000x16xf32, #tpu.memory_space<hbm>>) target(%dma_start3A_292 : memref<80x16xf32, #tpu.memory_space<vmem>>) offsets(%dma_start3A_294 : memref<80xi32, #tpu.memory_space<vmem>>) semaphore(%arg7 : memref<!tpu.dma_semaphore, #tpu.memory_space<semaphore_mem>>)
    %dma_start3A_302 = arith.constant 1 : i32
    %dma_start3A_303 = arith.constant 1 : i32
    %dma_start3A_304 = arith.constant 0 : i32
    %dma_start3A_305 = arith.constant 0 : i32
    %dma_start3A_306 = tpu.memref_slice %arg6[%dma_start3A_303, %dma_start3A_304, %dma_start3A_305] : memref<2x1600x16xf32, #tpu.memory_space<vmem>> -> memref<1x80x16xf32, #tpu.memory_space<vmem>>
    %dma_start3A_307 = tpu.memref_squeeze %dma_start3A_306 : memref<1x80x16xf32, #tpu.memory_space<vmem>> -> memref<80x16xf32, #tpu.memory_space<vmem>>
    %dma_start3A_308 = arith.constant 0 : i32
    %dma_start3A_309 = tpu.memref_slice %arg5[%dma_start3A_308] : memref<1600xi32, #tpu.memory_space<vmem>> -> memref<80xi32, #tpu.memory_space<vmem>>
    %dma_start3A_310 = arith.constant 0 : i32
    %dma_start3A_311 = arith.constant 0 : i32
    %dma_start3A_312 = tpu.memref_slice %arg2[%dma_start3A_302, %dma_start3A_310, %dma_start3A_311] : memref<2x100000x16xf32, #tpu.memory_space<hbm>> -> memref<1x100000x16xf32, #tpu.memory_space<hbm>>
    %dma_start3A_313 = tpu.memref_squeeze %dma_start3A_312 : memref<1x100000x16xf32, #tpu.memory_space<hbm>> -> memref<100000x16xf32, #tpu.memory_space<hbm>>
    %dma_start3A_314 = arith.constant 0 : i32
    %dma_start3A_315 = arith.constant 0 : i32
    %dma_start3A_316 = tpu.memref_slice %dma_start3A_313[%dma_start3A_314, %dma_start3A_315] : memref<100000x16xf32, #tpu.memory_space<hbm>> -> memref<100000x16xf32, #tpu.memory_space<hbm>>
    tpu.enqueue_indirect_dma source(%dma_start3A_316 : memref<100000x16xf32, #tpu.memory_space<hbm>>) target(%dma_start3A_307 : memref<80x16xf32, #tpu.memory_space<vmem>>) offsets(%dma_start3A_309 : memref<80xi32, #tpu.memory_space<vmem>>) semaphore(%arg7 : memref<!tpu.dma_semaphore, #tpu.memory_space<semaphore_mem>>)
    %dma_start3A_317 = arith.constant 1 : i32
    %dma_start3A_318 = arith.constant 1 : i32
    %dma_start3A_319 = arith.constant 80 : i32
    %dma_start3A_320 = arith.constant 0 : i32
    %dma_start3A_321 = tpu.memref_slice %arg6[%dma_start3A_318, %dma_start3A_319, %dma_start3A_320] : memref<2x1600x16xf32, #tpu.memory_space<vmem>> -> memref<1x80x16xf32, #tpu.memory_space<vmem>>
    %dma_start3A_322 = tpu.memref_squeeze %dma_start3A_321 : memref<1x80x16xf32, #tpu.memory_space<vmem>> -> memref<80x16xf32, #tpu.memory_space<vmem>>
    %dma_start3A_323 = arith.constant 80 : i32
    %dma_start3A_324 = tpu.memref_slice %arg5[%dma_start3A_323] : memref<1600xi32, #tpu.memory_space<vmem>> -> memref<80xi32, #tpu.memory_space<vmem>>
    %dma_start3A_325 = arith.constant 0 : i32
    %dma_start3A_326 = arith.constant 0 : i32
    %dma_start3A_327 = tpu.memref_slice %arg2[%dma_start3A_317, %dma_start3A_325, %dma_start3A_326] : memref<2x100000x16xf32, #tpu.memory_space<hbm>> -> memref<1x100000x16xf32, #tpu.memory_space<hbm>>
    %dma_start3A_328 = tpu.memref_squeeze %dma_start3A_327 : memref<1x100000x16xf32, #tpu.memory_space<hbm>> -> memref<100000x16xf32, #tpu.memory_space<hbm>>
    %dma_start3A_329 = arith.constant 0 : i32
    %dma_start3A_330 = arith.constant 0 : i32
    %dma_start3A_331 = tpu.memref_slice %dma_start3A_328[%dma_start3A_329, %dma_start3A_330] : memref<100000x16xf32, #tpu.memory_space<hbm>> -> memref<100000x16xf32, #tpu.memory_space<hbm>>
    tpu.enqueue_indirect_dma source(%dma_start3A_331 : memref<100000x16xf32, #tpu.memory_space<hbm>>) target(%dma_start3A_322 : memref<80x16xf32, #tpu.memory_space<vmem>>) offsets(%dma_start3A_324 : memref<80xi32, #tpu.memory_space<vmem>>) semaphore(%arg7 : memref<!tpu.dma_semaphore, #tpu.memory_space<semaphore_mem>>)
    %dma_start3A_332 = arith.constant 1 : i32
    %dma_start3A_333 = arith.constant 1 : i32
    %dma_start3A_334 = arith.constant 160 : i32
    %dma_start3A_335 = arith.constant 0 : i32
    %dma_start3A_336 = tpu.memref_slice %arg6[%dma_start3A_333, %dma_start3A_334, %dma_start3A_335] : memref<2x1600x16xf32, #tpu.memory_space<vmem>> -> memref<1x80x16xf32, #tpu.memory_space<vmem>>
    %dma_start3A_337 = tpu.memref_squeeze %dma_start3A_336 : memref<1x80x16xf32, #tpu.memory_space<vmem>> -> memref<80x16xf32, #tpu.memory_space<vmem>>
    %dma_start3A_338 = arith.constant 160 : i32
    %dma_start3A_339 = tpu.memref_slice %arg5[%dma_start3A_338] : memref<1600xi32, #tpu.memory_space<vmem>> -> memref<80xi32, #tpu.memory_space<vmem>>
    %dma_start3A_340 = arith.constant 0 : i32
    %dma_start3A_341 = arith.constant 0 : i32
    %dma_start3A_342 = tpu.memref_slice %arg2[%dma_start3A_332, %dma_start3A_340, %dma_start3A_341] : memref<2x100000x16xf32, #tpu.memory_space<hbm>> -> memref<1x100000x16xf32, #tpu.memory_space<hbm>>
    %dma_start3A_343 = tpu.memref_squeeze %dma_start3A_342 : memref<1x100000x16xf32, #tpu.memory_space<hbm>> -> memref<100000x16xf32, #tpu.memory_space<hbm>>
    %dma_start3A_344 = arith.constant 0 : i32
    %dma_start3A_345 = arith.constant 0 : i32
    %dma_start3A_346 = tpu.memref_slice %dma_start3A_343[%dma_start3A_344, %dma_start3A_345] : memref<100000x16xf32, #tpu.memory_space<hbm>> -> memref<100000x16xf32, #tpu.memory_space<hbm>>
    tpu.enqueue_indirect_dma source(%dma_start3A_346 : memref<100000x16xf32, #tpu.memory_space<hbm>>) target(%dma_start3A_337 : memref<80x16xf32, #tpu.memory_space<vmem>>) offsets(%dma_start3A_339 : memref<80xi32, #tpu.memory_space<vmem>>) semaphore(%arg7 : memref<!tpu.dma_semaphore, #tpu.memory_space<semaphore_mem>>)
    %dma_start3A_347 = arith.constant 1 : i32
    %dma_start3A_348 = arith.constant 1 : i32
    %dma_start3A_349 = arith.constant 240 : i32
    %dma_start3A_350 = arith.constant 0 : i32
    %dma_start3A_351 = tpu.memref_slice %arg6[%dma_start3A_348, %dma_start3A_349, %dma_start3A_350] : memref<2x1600x16xf32, #tpu.memory_space<vmem>> -> memref<1x80x16xf32, #tpu.memory_space<vmem>>
    %dma_start3A_352 = tpu.memref_squeeze %dma_start3A_351 : memref<1x80x16xf32, #tpu.memory_space<vmem>> -> memref<80x16xf32, #tpu.memory_space<vmem>>
    %dma_start3A_353 = arith.constant 240 : i32
    %dma_start3A_354 = tpu.memref_slice %arg5[%dma_start3A_353] : memref<1600xi32, #tpu.memory_space<vmem>> -> memref<80xi32, #tpu.memory_space<vmem>>
    %dma_start3A_355 = arith.constant 0 : i32
    %dma_start3A_356 = arith.constant 0 : i32
    %dma_start3A_357 = tpu.memref_slice %arg2[%dma_start3A_347, %dma_start3A_355, %dma_start3A_356] : memref<2x100000x16xf32, #tpu.memory_space<hbm>> -> memref<1x100000x16xf32, #tpu.memory_space<hbm>>
    %dma_start3A_358 = tpu.memref_squeeze %dma_start3A_357 : memref<1x100000x16xf32, #tpu.memory_space<hbm>> -> memref<100000x16xf32, #tpu.memory_space<hbm>>
    %dma_start3A_359 = arith.constant 0 : i32
    %dma_start3A_360 = arith.constant 0 : i32
    %dma_start3A_361 = tpu.memref_slice %dma_start3A_358[%dma_start3A_359, %dma_start3A_360] : memref<100000x16xf32, #tpu.memory_space<hbm>> -> memref<100000x16xf32, #tpu.memory_space<hbm>>
    tpu.enqueue_indirect_dma source(%dma_start3A_361 : memref<100000x16xf32, #tpu.memory_space<hbm>>) target(%dma_start3A_352 : memref<80x16xf32, #tpu.memory_space<vmem>>) offsets(%dma_start3A_354 : memref<80xi32, #tpu.memory_space<vmem>>) semaphore(%arg7 : memref<!tpu.dma_semaphore, #tpu.memory_space<semaphore_mem>>)
    %dma_start3A_362 = arith.constant 1 : i32
    %dma_start3A_363 = arith.constant 1 : i32
    %dma_start3A_364 = arith.constant 320 : i32
    %dma_start3A_365 = arith.constant 0 : i32
    %dma_start3A_366 = tpu.memref_slice %arg6[%dma_start3A_363, %dma_start3A_364, %dma_start3A_365] : memref<2x1600x16xf32, #tpu.memory_space<vmem>> -> memref<1x80x16xf32, #tpu.memory_space<vmem>>
    %dma_start3A_367 = tpu.memref_squeeze %dma_start3A_366 : memref<1x80x16xf32, #tpu.memory_space<vmem>> -> memref<80x16xf32, #tpu.memory_space<vmem>>
    %dma_start3A_368 = arith.constant 320 : i32
    %dma_start3A_369 = tpu.memref_slice %arg5[%dma_start3A_368] : memref<1600xi32, #tpu.memory_space<vmem>> -> memref<80xi32, #tpu.memory_space<vmem>>
    %dma_start3A_370 = arith.constant 0 : i32
    %dma_start3A_371 = arith.constant 0 : i32
    %dma_start3A_372 = tpu.memref_slice %arg2[%dma_start3A_362, %dma_start3A_370, %dma_start3A_371] : memref<2x100000x16xf32, #tpu.memory_space<hbm>> -> memref<1x100000x16xf32, #tpu.memory_space<hbm>>
    %dma_start3A_373 = tpu.memref_squeeze %dma_start3A_372 : memref<1x100000x16xf32, #tpu.memory_space<hbm>> -> memref<100000x16xf32, #tpu.memory_space<hbm>>
    %dma_start3A_374 = arith.constant 0 : i32
    %dma_start3A_375 = arith.constant 0 : i32
    %dma_start3A_376 = tpu.memref_slice %dma_start3A_373[%dma_start3A_374, %dma_start3A_375] : memref<100000x16xf32, #tpu.memory_space<hbm>> -> memref<100000x16xf32, #tpu.memory_space<hbm>>
    tpu.enqueue_indirect_dma source(%dma_start3A_376 : memref<100000x16xf32, #tpu.memory_space<hbm>>) target(%dma_start3A_367 : memref<80x16xf32, #tpu.memory_space<vmem>>) offsets(%dma_start3A_369 : memref<80xi32, #tpu.memory_space<vmem>>) semaphore(%arg7 : memref<!tpu.dma_semaphore, #tpu.memory_space<semaphore_mem>>)
    %dma_start3A_377 = arith.constant 1 : i32
    %dma_start3A_378 = arith.constant 1 : i32
    %dma_start3A_379 = arith.constant 400 : i32
    %dma_start3A_380 = arith.constant 0 : i32
    %dma_start3A_381 = tpu.memref_slice %arg6[%dma_start3A_378, %dma_start3A_379, %dma_start3A_380] : memref<2x1600x16xf32, #tpu.memory_space<vmem>> -> memref<1x80x16xf32, #tpu.memory_space<vmem>>
    %dma_start3A_382 = tpu.memref_squeeze %dma_start3A_381 : memref<1x80x16xf32, #tpu.memory_space<vmem>> -> memref<80x16xf32, #tpu.memory_space<vmem>>
    %dma_start3A_383 = arith.constant 400 : i32
    %dma_start3A_384 = tpu.memref_slice %arg5[%dma_start3A_383] : memref<1600xi32, #tpu.memory_space<vmem>> -> memref<80xi32, #tpu.memory_space<vmem>>
    %dma_start3A_385 = arith.constant 0 : i32
    %dma_start3A_386 = arith.constant 0 : i32
    %dma_start3A_387 = tpu.memref_slice %arg2[%dma_start3A_377, %dma_start3A_385, %dma_start3A_386] : memref<2x100000x16xf32, #tpu.memory_space<hbm>> -> memref<1x100000x16xf32, #tpu.memory_space<hbm>>
    %dma_start3A_388 = tpu.memref_squeeze %dma_start3A_387 : memref<1x100000x16xf32, #tpu.memory_space<hbm>> -> memref<100000x16xf32, #tpu.memory_space<hbm>>
    %dma_start3A_389 = arith.constant 0 : i32
    %dma_start3A_390 = arith.constant 0 : i32
    %dma_start3A_391 = tpu.memref_slice %dma_start3A_388[%dma_start3A_389, %dma_start3A_390] : memref<100000x16xf32, #tpu.memory_space<hbm>> -> memref<100000x16xf32, #tpu.memory_space<hbm>>
    tpu.enqueue_indirect_dma source(%dma_start3A_391 : memref<100000x16xf32, #tpu.memory_space<hbm>>) target(%dma_start3A_382 : memref<80x16xf32, #tpu.memory_space<vmem>>) offsets(%dma_start3A_384 : memref<80xi32, #tpu.memory_space<vmem>>) semaphore(%arg7 : memref<!tpu.dma_semaphore, #tpu.memory_space<semaphore_mem>>)
    %dma_start3A_392 = arith.constant 1 : i32
    %dma_start3A_393 = arith.constant 1 : i32
    %dma_start3A_394 = arith.constant 480 : i32
    %dma_start3A_395 = arith.constant 0 : i32
    %dma_start3A_396 = tpu.memref_slice %arg6[%dma_start3A_393, %dma_start3A_394, %dma_start3A_395] : memref<2x1600x16xf32, #tpu.memory_space<vmem>> -> memref<1x80x16xf32, #tpu.memory_space<vmem>>
    %dma_start3A_397 = tpu.memref_squeeze %dma_start3A_396 : memref<1x80x16xf32, #tpu.memory_space<vmem>> -> memref<80x16xf32, #tpu.memory_space<vmem>>
    %dma_start3A_398 = arith.constant 480 : i32
    %dma_start3A_399 = tpu.memref_slice %arg5[%dma_start3A_398] : memref<1600xi32, #tpu.memory_space<vmem>> -> memref<80xi32, #tpu.memory_space<vmem>>
    %dma_start3A_400 = arith.constant 0 : i32
    %dma_start3A_401 = arith.constant 0 : i32
    %dma_start3A_402 = tpu.memref_slice %arg2[%dma_start3A_392, %dma_start3A_400, %dma_start3A_401] : memref<2x100000x16xf32, #tpu.memory_space<hbm>> -> memref<1x100000x16xf32, #tpu.memory_space<hbm>>
    %dma_start3A_403 = tpu.memref_squeeze %dma_start3A_402 : memref<1x100000x16xf32, #tpu.memory_space<hbm>> -> memref<100000x16xf32, #tpu.memory_space<hbm>>
    %dma_start3A_404 = arith.constant 0 : i32
    %dma_start3A_405 = arith.constant 0 : i32
    %dma_start3A_406 = tpu.memref_slice %dma_start3A_403[%dma_start3A_404, %dma_start3A_405] : memref<100000x16xf32, #tpu.memory_space<hbm>> -> memref<100000x16xf32, #tpu.memory_space<hbm>>
    tpu.enqueue_indirect_dma source(%dma_start3A_406 : memref<100000x16xf32, #tpu.memory_space<hbm>>) target(%dma_start3A_397 : memref<80x16xf32, #tpu.memory_space<vmem>>) offsets(%dma_start3A_399 : memref<80xi32, #tpu.memory_space<vmem>>) semaphore(%arg7 : memref<!tpu.dma_semaphore, #tpu.memory_space<semaphore_mem>>)
    %dma_start3A_407 = arith.constant 1 : i32
    %dma_start3A_408 = arith.constant 1 : i32
    %dma_start3A_409 = arith.constant 560 : i32
    %dma_start3A_410 = arith.constant 0 : i32
    %dma_start3A_411 = tpu.memref_slice %arg6[%dma_start3A_408, %dma_start3A_409, %dma_start3A_410] : memref<2x1600x16xf32, #tpu.memory_space<vmem>> -> memref<1x80x16xf32, #tpu.memory_space<vmem>>
    %dma_start3A_412 = tpu.memref_squeeze %dma_start3A_411 : memref<1x80x16xf32, #tpu.memory_space<vmem>> -> memref<80x16xf32, #tpu.memory_space<vmem>>
    %dma_start3A_413 = arith.constant 560 : i32
    %dma_start3A_414 = tpu.memref_slice %arg5[%dma_start3A_413] : memref<1600xi32, #tpu.memory_space<vmem>> -> memref<80xi32, #tpu.memory_space<vmem>>
    %dma_start3A_415 = arith.constant 0 : i32
    %dma_start3A_416 = arith.constant 0 : i32
    %dma_start3A_417 = tpu.memref_slice %arg2[%dma_start3A_407, %dma_start3A_415, %dma_start3A_416] : memref<2x100000x16xf32, #tpu.memory_space<hbm>> -> memref<1x100000x16xf32, #tpu.memory_space<hbm>>
    %dma_start3A_418 = tpu.memref_squeeze %dma_start3A_417 : memref<1x100000x16xf32, #tpu.memory_space<hbm>> -> memref<100000x16xf32, #tpu.memory_space<hbm>>
    %dma_start3A_419 = arith.constant 0 : i32
    %dma_start3A_420 = arith.constant 0 : i32
    %dma_start3A_421 = tpu.memref_slice %dma_start3A_418[%dma_start3A_419, %dma_start3A_420] : memref<100000x16xf32, #tpu.memory_space<hbm>> -> memref<100000x16xf32, #tpu.memory_space<hbm>>
    tpu.enqueue_indirect_dma source(%dma_start3A_421 : memref<100000x16xf32, #tpu.memory_space<hbm>>) target(%dma_start3A_412 : memref<80x16xf32, #tpu.memory_space<vmem>>) offsets(%dma_start3A_414 : memref<80xi32, #tpu.memory_space<vmem>>) semaphore(%arg7 : memref<!tpu.dma_semaphore, #tpu.memory_space<semaphore_mem>>)
    %dma_start3A_422 = arith.constant 1 : i32
    %dma_start3A_423 = arith.constant 1 : i32
    %dma_start3A_424 = arith.constant 640 : i32
    %dma_start3A_425 = arith.constant 0 : i32
    %dma_start3A_426 = tpu.memref_slice %arg6[%dma_start3A_423, %dma_start3A_424, %dma_start3A_425] : memref<2x1600x16xf32, #tpu.memory_space<vmem>> -> memref<1x80x16xf32, #tpu.memory_space<vmem>>
    %dma_start3A_427 = tpu.memref_squeeze %dma_start3A_426 : memref<1x80x16xf32, #tpu.memory_space<vmem>> -> memref<80x16xf32, #tpu.memory_space<vmem>>
    %dma_start3A_428 = arith.constant 640 : i32
    %dma_start3A_429 = tpu.memref_slice %arg5[%dma_start3A_428] : memref<1600xi32, #tpu.memory_space<vmem>> -> memref<80xi32, #tpu.memory_space<vmem>>
    %dma_start3A_430 = arith.constant 0 : i32
    %dma_start3A_431 = arith.constant 0 : i32
    %dma_start3A_432 = tpu.memref_slice %arg2[%dma_start3A_422, %dma_start3A_430, %dma_start3A_431] : memref<2x100000x16xf32, #tpu.memory_space<hbm>> -> memref<1x100000x16xf32, #tpu.memory_space<hbm>>
    %dma_start3A_433 = tpu.memref_squeeze %dma_start3A_432 : memref<1x100000x16xf32, #tpu.memory_space<hbm>> -> memref<100000x16xf32, #tpu.memory_space<hbm>>
    %dma_start3A_434 = arith.constant 0 : i32
    %dma_start3A_435 = arith.constant 0 : i32
    %dma_start3A_436 = tpu.memref_slice %dma_start3A_433[%dma_start3A_434, %dma_start3A_435] : memref<100000x16xf32, #tpu.memory_space<hbm>> -> memref<100000x16xf32, #tpu.memory_space<hbm>>
    tpu.enqueue_indirect_dma source(%dma_start3A_436 : memref<100000x16xf32, #tpu.memory_space<hbm>>) target(%dma_start3A_427 : memref<80x16xf32, #tpu.memory_space<vmem>>) offsets(%dma_start3A_429 : memref<80xi32, #tpu.memory_space<vmem>>) semaphore(%arg7 : memref<!tpu.dma_semaphore, #tpu.memory_space<semaphore_mem>>)
    %dma_start3A_437 = arith.constant 1 : i32
    %dma_start3A_438 = arith.constant 1 : i32
    %dma_start3A_439 = arith.constant 720 : i32
    %dma_start3A_440 = arith.constant 0 : i32
    %dma_start3A_441 = tpu.memref_slice %arg6[%dma_start3A_438, %dma_start3A_439, %dma_start3A_440] : memref<2x1600x16xf32, #tpu.memory_space<vmem>> -> memref<1x80x16xf32, #tpu.memory_space<vmem>>
    %dma_start3A_442 = tpu.memref_squeeze %dma_start3A_441 : memref<1x80x16xf32, #tpu.memory_space<vmem>> -> memref<80x16xf32, #tpu.memory_space<vmem>>
    %dma_start3A_443 = arith.constant 720 : i32
    %dma_start3A_444 = tpu.memref_slice %arg5[%dma_start3A_443] : memref<1600xi32, #tpu.memory_space<vmem>> -> memref<80xi32, #tpu.memory_space<vmem>>
    %dma_start3A_445 = arith.constant 0 : i32
    %dma_start3A_446 = arith.constant 0 : i32
    %dma_start3A_447 = tpu.memref_slice %arg2[%dma_start3A_437, %dma_start3A_445, %dma_start3A_446] : memref<2x100000x16xf32, #tpu.memory_space<hbm>> -> memref<1x100000x16xf32, #tpu.memory_space<hbm>>
    %dma_start3A_448 = tpu.memref_squeeze %dma_start3A_447 : memref<1x100000x16xf32, #tpu.memory_space<hbm>> -> memref<100000x16xf32, #tpu.memory_space<hbm>>
    %dma_start3A_449 = arith.constant 0 : i32
    %dma_start3A_450 = arith.constant 0 : i32
    %dma_start3A_451 = tpu.memref_slice %dma_start3A_448[%dma_start3A_449, %dma_start3A_450] : memref<100000x16xf32, #tpu.memory_space<hbm>> -> memref<100000x16xf32, #tpu.memory_space<hbm>>
    tpu.enqueue_indirect_dma source(%dma_start3A_451 : memref<100000x16xf32, #tpu.memory_space<hbm>>) target(%dma_start3A_442 : memref<80x16xf32, #tpu.memory_space<vmem>>) offsets(%dma_start3A_444 : memref<80xi32, #tpu.memory_space<vmem>>) semaphore(%arg7 : memref<!tpu.dma_semaphore, #tpu.memory_space<semaphore_mem>>)
    %dma_start3A_452 = arith.constant 1 : i32
    %dma_start3A_453 = arith.constant 1 : i32
    %dma_start3A_454 = arith.constant 800 : i32
    %dma_start3A_455 = arith.constant 0 : i32
    %dma_start3A_456 = tpu.memref_slice %arg6[%dma_start3A_453, %dma_start3A_454, %dma_start3A_455] : memref<2x1600x16xf32, #tpu.memory_space<vmem>> -> memref<1x80x16xf32, #tpu.memory_space<vmem>>
    %dma_start3A_457 = tpu.memref_squeeze %dma_start3A_456 : memref<1x80x16xf32, #tpu.memory_space<vmem>> -> memref<80x16xf32, #tpu.memory_space<vmem>>
    %dma_start3A_458 = arith.constant 800 : i32
    %dma_start3A_459 = tpu.memref_slice %arg5[%dma_start3A_458] : memref<1600xi32, #tpu.memory_space<vmem>> -> memref<80xi32, #tpu.memory_space<vmem>>
    %dma_start3A_460 = arith.constant 0 : i32
    %dma_start3A_461 = arith.constant 0 : i32
    %dma_start3A_462 = tpu.memref_slice %arg2[%dma_start3A_452, %dma_start3A_460, %dma_start3A_461] : memref<2x100000x16xf32, #tpu.memory_space<hbm>> -> memref<1x100000x16xf32, #tpu.memory_space<hbm>>
    %dma_start3A_463 = tpu.memref_squeeze %dma_start3A_462 : memref<1x100000x16xf32, #tpu.memory_space<hbm>> -> memref<100000x16xf32, #tpu.memory_space<hbm>>
    %dma_start3A_464 = arith.constant 0 : i32
    %dma_start3A_465 = arith.constant 0 : i32
    %dma_start3A_466 = tpu.memref_slice %dma_start3A_463[%dma_start3A_464, %dma_start3A_465] : memref<100000x16xf32, #tpu.memory_space<hbm>> -> memref<100000x16xf32, #tpu.memory_space<hbm>>
    tpu.enqueue_indirect_dma source(%dma_start3A_466 : memref<100000x16xf32, #tpu.memory_space<hbm>>) target(%dma_start3A_457 : memref<80x16xf32, #tpu.memory_space<vmem>>) offsets(%dma_start3A_459 : memref<80xi32, #tpu.memory_space<vmem>>) semaphore(%arg7 : memref<!tpu.dma_semaphore, #tpu.memory_space<semaphore_mem>>)
    %dma_start3A_467 = arith.constant 1 : i32
    %dma_start3A_468 = arith.constant 1 : i32
    %dma_start3A_469 = arith.constant 880 : i32
    %dma_start3A_470 = arith.constant 0 : i32
    %dma_start3A_471 = tpu.memref_slice %arg6[%dma_start3A_468, %dma_start3A_469, %dma_start3A_470] : memref<2x1600x16xf32, #tpu.memory_space<vmem>> -> memref<1x80x16xf32, #tpu.memory_space<vmem>>
    %dma_start3A_472 = tpu.memref_squeeze %dma_start3A_471 : memref<1x80x16xf32, #tpu.memory_space<vmem>> -> memref<80x16xf32, #tpu.memory_space<vmem>>
    %dma_start3A_473 = arith.constant 880 : i32
    %dma_start3A_474 = tpu.memref_slice %arg5[%dma_start3A_473] : memref<1600xi32, #tpu.memory_space<vmem>> -> memref<80xi32, #tpu.memory_space<vmem>>
    %dma_start3A_475 = arith.constant 0 : i32
    %dma_start3A_476 = arith.constant 0 : i32
    %dma_start3A_477 = tpu.memref_slice %arg2[%dma_start3A_467, %dma_start3A_475, %dma_start3A_476] : memref<2x100000x16xf32, #tpu.memory_space<hbm>> -> memref<1x100000x16xf32, #tpu.memory_space<hbm>>
    %dma_start3A_478 = tpu.memref_squeeze %dma_start3A_477 : memref<1x100000x16xf32, #tpu.memory_space<hbm>> -> memref<100000x16xf32, #tpu.memory_space<hbm>>
    %dma_start3A_479 = arith.constant 0 : i32
    %dma_start3A_480 = arith.constant 0 : i32
    %dma_start3A_481 = tpu.memref_slice %dma_start3A_478[%dma_start3A_479, %dma_start3A_480] : memref<100000x16xf32, #tpu.memory_space<hbm>> -> memref<100000x16xf32, #tpu.memory_space<hbm>>
    tpu.enqueue_indirect_dma source(%dma_start3A_481 : memref<100000x16xf32, #tpu.memory_space<hbm>>) target(%dma_start3A_472 : memref<80x16xf32, #tpu.memory_space<vmem>>) offsets(%dma_start3A_474 : memref<80xi32, #tpu.memory_space<vmem>>) semaphore(%arg7 : memref<!tpu.dma_semaphore, #tpu.memory_space<semaphore_mem>>)
    %dma_start3A_482 = arith.constant 1 : i32
    %dma_start3A_483 = arith.constant 1 : i32
    %dma_start3A_484 = arith.constant 960 : i32
    %dma_start3A_485 = arith.constant 0 : i32
    %dma_start3A_486 = tpu.memref_slice %arg6[%dma_start3A_483, %dma_start3A_484, %dma_start3A_485] : memref<2x1600x16xf32, #tpu.memory_space<vmem>> -> memref<1x80x16xf32, #tpu.memory_space<vmem>>
    %dma_start3A_487 = tpu.memref_squeeze %dma_start3A_486 : memref<1x80x16xf32, #tpu.memory_space<vmem>> -> memref<80x16xf32, #tpu.memory_space<vmem>>
    %dma_start3A_488 = arith.constant 960 : i32
    %dma_start3A_489 = tpu.memref_slice %arg5[%dma_start3A_488] : memref<1600xi32, #tpu.memory_space<vmem>> -> memref<80xi32, #tpu.memory_space<vmem>>
    %dma_start3A_490 = arith.constant 0 : i32
    %dma_start3A_491 = arith.constant 0 : i32
    %dma_start3A_492 = tpu.memref_slice %arg2[%dma_start3A_482, %dma_start3A_490, %dma_start3A_491] : memref<2x100000x16xf32, #tpu.memory_space<hbm>> -> memref<1x100000x16xf32, #tpu.memory_space<hbm>>
    %dma_start3A_493 = tpu.memref_squeeze %dma_start3A_492 : memref<1x100000x16xf32, #tpu.memory_space<hbm>> -> memref<100000x16xf32, #tpu.memory_space<hbm>>
    %dma_start3A_494 = arith.constant 0 : i32
    %dma_start3A_495 = arith.constant 0 : i32
    %dma_start3A_496 = tpu.memref_slice %dma_start3A_493[%dma_start3A_494, %dma_start3A_495] : memref<100000x16xf32, #tpu.memory_space<hbm>> -> memref<100000x16xf32, #tpu.memory_space<hbm>>
    tpu.enqueue_indirect_dma source(%dma_start3A_496 : memref<100000x16xf32, #tpu.memory_space<hbm>>) target(%dma_start3A_487 : memref<80x16xf32, #tpu.memory_space<vmem>>) offsets(%dma_start3A_489 : memref<80xi32, #tpu.memory_space<vmem>>) semaphore(%arg7 : memref<!tpu.dma_semaphore, #tpu.memory_space<semaphore_mem>>)
    %dma_start3A_497 = arith.constant 1 : i32
    %dma_start3A_498 = arith.constant 1 : i32
    %dma_start3A_499 = arith.constant 1040 : i32
    %dma_start3A_500 = arith.constant 0 : i32
    %dma_start3A_501 = tpu.memref_slice %arg6[%dma_start3A_498, %dma_start3A_499, %dma_start3A_500] : memref<2x1600x16xf32, #tpu.memory_space<vmem>> -> memref<1x80x16xf32, #tpu.memory_space<vmem>>
    %dma_start3A_502 = tpu.memref_squeeze %dma_start3A_501 : memref<1x80x16xf32, #tpu.memory_space<vmem>> -> memref<80x16xf32, #tpu.memory_space<vmem>>
    %dma_start3A_503 = arith.constant 1040 : i32
    %dma_start3A_504 = tpu.memref_slice %arg5[%dma_start3A_503] : memref<1600xi32, #tpu.memory_space<vmem>> -> memref<80xi32, #tpu.memory_space<vmem>>
    %dma_start3A_505 = arith.constant 0 : i32
    %dma_start3A_506 = arith.constant 0 : i32
    %dma_start3A_507 = tpu.memref_slice %arg2[%dma_start3A_497, %dma_start3A_505, %dma_start3A_506] : memref<2x100000x16xf32, #tpu.memory_space<hbm>> -> memref<1x100000x16xf32, #tpu.memory_space<hbm>>
    %dma_start3A_508 = tpu.memref_squeeze %dma_start3A_507 : memref<1x100000x16xf32, #tpu.memory_space<hbm>> -> memref<100000x16xf32, #tpu.memory_space<hbm>>
    %dma_start3A_509 = arith.constant 0 : i32
    %dma_start3A_510 = arith.constant 0 : i32
    %dma_start3A_511 = tpu.memref_slice %dma_start3A_508[%dma_start3A_509, %dma_start3A_510] : memref<100000x16xf32, #tpu.memory_space<hbm>> -> memref<100000x16xf32, #tpu.memory_space<hbm>>
    tpu.enqueue_indirect_dma source(%dma_start3A_511 : memref<100000x16xf32, #tpu.memory_space<hbm>>) target(%dma_start3A_502 : memref<80x16xf32, #tpu.memory_space<vmem>>) offsets(%dma_start3A_504 : memref<80xi32, #tpu.memory_space<vmem>>) semaphore(%arg7 : memref<!tpu.dma_semaphore, #tpu.memory_space<semaphore_mem>>)
    %dma_start3A_512 = arith.constant 1 : i32
    %dma_start3A_513 = arith.constant 1 : i32
    %dma_start3A_514 = arith.constant 1120 : i32
    %dma_start3A_515 = arith.constant 0 : i32
    %dma_start3A_516 = tpu.memref_slice %arg6[%dma_start3A_513, %dma_start3A_514, %dma_start3A_515] : memref<2x1600x16xf32, #tpu.memory_space<vmem>> -> memref<1x80x16xf32, #tpu.memory_space<vmem>>
    %dma_start3A_517 = tpu.memref_squeeze %dma_start3A_516 : memref<1x80x16xf32, #tpu.memory_space<vmem>> -> memref<80x16xf32, #tpu.memory_space<vmem>>
    %dma_start3A_518 = arith.constant 1120 : i32
    %dma_start3A_519 = tpu.memref_slice %arg5[%dma_start3A_518] : memref<1600xi32, #tpu.memory_space<vmem>> -> memref<80xi32, #tpu.memory_space<vmem>>
    %dma_start3A_520 = arith.constant 0 : i32
    %dma_start3A_521 = arith.constant 0 : i32
    %dma_start3A_522 = tpu.memref_slice %arg2[%dma_start3A_512, %dma_start3A_520, %dma_start3A_521] : memref<2x100000x16xf32, #tpu.memory_space<hbm>> -> memref<1x100000x16xf32, #tpu.memory_space<hbm>>
    %dma_start3A_523 = tpu.memref_squeeze %dma_start3A_522 : memref<1x100000x16xf32, #tpu.memory_space<hbm>> -> memref<100000x16xf32, #tpu.memory_space<hbm>>
    %dma_start3A_524 = arith.constant 0 : i32
    %dma_start3A_525 = arith.constant 0 : i32
    %dma_start3A_526 = tpu.memref_slice %dma_start3A_523[%dma_start3A_524, %dma_start3A_525] : memref<100000x16xf32, #tpu.memory_space<hbm>> -> memref<100000x16xf32, #tpu.memory_space<hbm>>
    tpu.enqueue_indirect_dma source(%dma_start3A_526 : memref<100000x16xf32, #tpu.memory_space<hbm>>) target(%dma_start3A_517 : memref<80x16xf32, #tpu.memory_space<vmem>>) offsets(%dma_start3A_519 : memref<80xi32, #tpu.memory_space<vmem>>) semaphore(%arg7 : memref<!tpu.dma_semaphore, #tpu.memory_space<semaphore_mem>>)
    %dma_start3A_527 = arith.constant 1 : i32
    %dma_start3A_528 = arith.constant 1 : i32
    %dma_start3A_529 = arith.constant 1200 : i32
    %dma_start3A_530 = arith.constant 0 : i32
    %dma_start3A_531 = tpu.memref_slice %arg6[%dma_start3A_528, %dma_start3A_529, %dma_start3A_530] : memref<2x1600x16xf32, #tpu.memory_space<vmem>> -> memref<1x80x16xf32, #tpu.memory_space<vmem>>
    %dma_start3A_532 = tpu.memref_squeeze %dma_start3A_531 : memref<1x80x16xf32, #tpu.memory_space<vmem>> -> memref<80x16xf32, #tpu.memory_space<vmem>>
    %dma_start3A_533 = arith.constant 1200 : i32
    %dma_start3A_534 = tpu.memref_slice %arg5[%dma_start3A_533] : memref<1600xi32, #tpu.memory_space<vmem>> -> memref<80xi32, #tpu.memory_space<vmem>>
    %dma_start3A_535 = arith.constant 0 : i32
    %dma_start3A_536 = arith.constant 0 : i32
    %dma_start3A_537 = tpu.memref_slice %arg2[%dma_start3A_527, %dma_start3A_535, %dma_start3A_536] : memref<2x100000x16xf32, #tpu.memory_space<hbm>> -> memref<1x100000x16xf32, #tpu.memory_space<hbm>>
    %dma_start3A_538 = tpu.memref_squeeze %dma_start3A_537 : memref<1x100000x16xf32, #tpu.memory_space<hbm>> -> memref<100000x16xf32, #tpu.memory_space<hbm>>
    %dma_start3A_539 = arith.constant 0 : i32
    %dma_start3A_540 = arith.constant 0 : i32
    %dma_start3A_541 = tpu.memref_slice %dma_start3A_538[%dma_start3A_539, %dma_start3A_540] : memref<100000x16xf32, #tpu.memory_space<hbm>> -> memref<100000x16xf32, #tpu.memory_space<hbm>>
    tpu.enqueue_indirect_dma source(%dma_start3A_541 : memref<100000x16xf32, #tpu.memory_space<hbm>>) target(%dma_start3A_532 : memref<80x16xf32, #tpu.memory_space<vmem>>) offsets(%dma_start3A_534 : memref<80xi32, #tpu.memory_space<vmem>>) semaphore(%arg7 : memref<!tpu.dma_semaphore, #tpu.memory_space<semaphore_mem>>)
    %dma_start3A_542 = arith.constant 1 : i32
    %dma_start3A_543 = arith.constant 1 : i32
    %dma_start3A_544 = arith.constant 1280 : i32
    %dma_start3A_545 = arith.constant 0 : i32
    %dma_start3A_546 = tpu.memref_slice %arg6[%dma_start3A_543, %dma_start3A_544, %dma_start3A_545] : memref<2x1600x16xf32, #tpu.memory_space<vmem>> -> memref<1x80x16xf32, #tpu.memory_space<vmem>>
    %dma_start3A_547 = tpu.memref_squeeze %dma_start3A_546 : memref<1x80x16xf32, #tpu.memory_space<vmem>> -> memref<80x16xf32, #tpu.memory_space<vmem>>
    %dma_start3A_548 = arith.constant 1280 : i32
    %dma_start3A_549 = tpu.memref_slice %arg5[%dma_start3A_548] : memref<1600xi32, #tpu.memory_space<vmem>> -> memref<80xi32, #tpu.memory_space<vmem>>
    %dma_start3A_550 = arith.constant 0 : i32
    %dma_start3A_551 = arith.constant 0 : i32
    %dma_start3A_552 = tpu.memref_slice %arg2[%dma_start3A_542, %dma_start3A_550, %dma_start3A_551] : memref<2x100000x16xf32, #tpu.memory_space<hbm>> -> memref<1x100000x16xf32, #tpu.memory_space<hbm>>
    %dma_start3A_553 = tpu.memref_squeeze %dma_start3A_552 : memref<1x100000x16xf32, #tpu.memory_space<hbm>> -> memref<100000x16xf32, #tpu.memory_space<hbm>>
    %dma_start3A_554 = arith.constant 0 : i32
    %dma_start3A_555 = arith.constant 0 : i32
    %dma_start3A_556 = tpu.memref_slice %dma_start3A_553[%dma_start3A_554, %dma_start3A_555] : memref<100000x16xf32, #tpu.memory_space<hbm>> -> memref<100000x16xf32, #tpu.memory_space<hbm>>
    tpu.enqueue_indirect_dma source(%dma_start3A_556 : memref<100000x16xf32, #tpu.memory_space<hbm>>) target(%dma_start3A_547 : memref<80x16xf32, #tpu.memory_space<vmem>>) offsets(%dma_start3A_549 : memref<80xi32, #tpu.memory_space<vmem>>) semaphore(%arg7 : memref<!tpu.dma_semaphore, #tpu.memory_space<semaphore_mem>>)
    %dma_start3A_557 = arith.constant 1 : i32
    %dma_start3A_558 = arith.constant 1 : i32
    %dma_start3A_559 = arith.constant 1360 : i32
    %dma_start3A_560 = arith.constant 0 : i32
    %dma_start3A_561 = tpu.memref_slice %arg6[%dma_start3A_558, %dma_start3A_559, %dma_start3A_560] : memref<2x1600x16xf32, #tpu.memory_space<vmem>> -> memref<1x80x16xf32, #tpu.memory_space<vmem>>
    %dma_start3A_562 = tpu.memref_squeeze %dma_start3A_561 : memref<1x80x16xf32, #tpu.memory_space<vmem>> -> memref<80x16xf32, #tpu.memory_space<vmem>>
    %dma_start3A_563 = arith.constant 1360 : i32
    %dma_start3A_564 = tpu.memref_slice %arg5[%dma_start3A_563] : memref<1600xi32, #tpu.memory_space<vmem>> -> memref<80xi32, #tpu.memory_space<vmem>>
    %dma_start3A_565 = arith.constant 0 : i32
    %dma_start3A_566 = arith.constant 0 : i32
    %dma_start3A_567 = tpu.memref_slice %arg2[%dma_start3A_557, %dma_start3A_565, %dma_start3A_566] : memref<2x100000x16xf32, #tpu.memory_space<hbm>> -> memref<1x100000x16xf32, #tpu.memory_space<hbm>>
    %dma_start3A_568 = tpu.memref_squeeze %dma_start3A_567 : memref<1x100000x16xf32, #tpu.memory_space<hbm>> -> memref<100000x16xf32, #tpu.memory_space<hbm>>
    %dma_start3A_569 = arith.constant 0 : i32
    %dma_start3A_570 = arith.constant 0 : i32
    %dma_start3A_571 = tpu.memref_slice %dma_start3A_568[%dma_start3A_569, %dma_start3A_570] : memref<100000x16xf32, #tpu.memory_space<hbm>> -> memref<100000x16xf32, #tpu.memory_space<hbm>>
    tpu.enqueue_indirect_dma source(%dma_start3A_571 : memref<100000x16xf32, #tpu.memory_space<hbm>>) target(%dma_start3A_562 : memref<80x16xf32, #tpu.memory_space<vmem>>) offsets(%dma_start3A_564 : memref<80xi32, #tpu.memory_space<vmem>>) semaphore(%arg7 : memref<!tpu.dma_semaphore, #tpu.memory_space<semaphore_mem>>)
    %dma_start3A_572 = arith.constant 1 : i32
    %dma_start3A_573 = arith.constant 1 : i32
    %dma_start3A_574 = arith.constant 1440 : i32
    %dma_start3A_575 = arith.constant 0 : i32
    %dma_start3A_576 = tpu.memref_slice %arg6[%dma_start3A_573, %dma_start3A_574, %dma_start3A_575] : memref<2x1600x16xf32, #tpu.memory_space<vmem>> -> memref<1x80x16xf32, #tpu.memory_space<vmem>>
    %dma_start3A_577 = tpu.memref_squeeze %dma_start3A_576 : memref<1x80x16xf32, #tpu.memory_space<vmem>> -> memref<80x16xf32, #tpu.memory_space<vmem>>
    %dma_start3A_578 = arith.constant 1440 : i32
    %dma_start3A_579 = tpu.memref_slice %arg5[%dma_start3A_578] : memref<1600xi32, #tpu.memory_space<vmem>> -> memref<80xi32, #tpu.memory_space<vmem>>
    %dma_start3A_580 = arith.constant 0 : i32
    %dma_start3A_581 = arith.constant 0 : i32
    %dma_start3A_582 = tpu.memref_slice %arg2[%dma_start3A_572, %dma_start3A_580, %dma_start3A_581] : memref<2x100000x16xf32, #tpu.memory_space<hbm>> -> memref<1x100000x16xf32, #tpu.memory_space<hbm>>
    %dma_start3A_583 = tpu.memref_squeeze %dma_start3A_582 : memref<1x100000x16xf32, #tpu.memory_space<hbm>> -> memref<100000x16xf32, #tpu.memory_space<hbm>>
    %dma_start3A_584 = arith.constant 0 : i32
    %dma_start3A_585 = arith.constant 0 : i32
    %dma_start3A_586 = tpu.memref_slice %dma_start3A_583[%dma_start3A_584, %dma_start3A_585] : memref<100000x16xf32, #tpu.memory_space<hbm>> -> memref<100000x16xf32, #tpu.memory_space<hbm>>
    tpu.enqueue_indirect_dma source(%dma_start3A_586 : memref<100000x16xf32, #tpu.memory_space<hbm>>) target(%dma_start3A_577 : memref<80x16xf32, #tpu.memory_space<vmem>>) offsets(%dma_start3A_579 : memref<80xi32, #tpu.memory_space<vmem>>) semaphore(%arg7 : memref<!tpu.dma_semaphore, #tpu.memory_space<semaphore_mem>>)
    %dma_start3A_587 = arith.constant 1 : i32
    %dma_start3A_588 = arith.constant 1 : i32
    %dma_start3A_589 = arith.constant 1520 : i32
    %dma_start3A_590 = arith.constant 0 : i32
    %dma_start3A_591 = tpu.memref_slice %arg6[%dma_start3A_588, %dma_start3A_589, %dma_start3A_590] : memref<2x1600x16xf32, #tpu.memory_space<vmem>> -> memref<1x80x16xf32, #tpu.memory_space<vmem>>
    %dma_start3A_592 = tpu.memref_squeeze %dma_start3A_591 : memref<1x80x16xf32, #tpu.memory_space<vmem>> -> memref<80x16xf32, #tpu.memory_space<vmem>>
    %dma_start3A_593 = arith.constant 1520 : i32
    %dma_start3A_594 = tpu.memref_slice %arg5[%dma_start3A_593] : memref<1600xi32, #tpu.memory_space<vmem>> -> memref<80xi32, #tpu.memory_space<vmem>>
    %dma_start3A_595 = arith.constant 0 : i32
    %dma_start3A_596 = arith.constant 0 : i32
    %dma_start3A_597 = tpu.memref_slice %arg2[%dma_start3A_587, %dma_start3A_595, %dma_start3A_596] : memref<2x100000x16xf32, #tpu.memory_space<hbm>> -> memref<1x100000x16xf32, #tpu.memory_space<hbm>>
    %dma_start3A_598 = tpu.memref_squeeze %dma_start3A_597 : memref<1x100000x16xf32, #tpu.memory_space<hbm>> -> memref<100000x16xf32, #tpu.memory_space<hbm>>
    %dma_start3A_599 = arith.constant 0 : i32
    %dma_start3A_600 = arith.constant 0 : i32
    %dma_start3A_601 = tpu.memref_slice %dma_start3A_598[%dma_start3A_599, %dma_start3A_600] : memref<100000x16xf32, #tpu.memory_space<hbm>> -> memref<100000x16xf32, #tpu.memory_space<hbm>>
    tpu.enqueue_indirect_dma source(%dma_start3A_601 : memref<100000x16xf32, #tpu.memory_space<hbm>>) target(%dma_start3A_592 : memref<80x16xf32, #tpu.memory_space<vmem>>) offsets(%dma_start3A_594 : memref<80xi32, #tpu.memory_space<vmem>>) semaphore(%arg7 : memref<!tpu.dma_semaphore, #tpu.memory_space<semaphore_mem>>)
    %dma_wait3A = arith.constant 0 : i32
    %dma_wait3A_602 = arith.constant 0 : i32
    %dma_wait3A_603 = arith.constant 0 : i32
    %dma_wait3A_604 = arith.constant 0 : i32
    %dma_wait3A_605 = tpu.memref_slice %arg6[%dma_wait3A_602, %dma_wait3A_603, %dma_wait3A_604] : memref<2x1600x16xf32, #tpu.memory_space<vmem>> -> memref<1x80x16xf32, #tpu.memory_space<vmem>>
    %dma_wait3A_606 = tpu.memref_squeeze %dma_wait3A_605 : memref<1x80x16xf32, #tpu.memory_space<vmem>> -> memref<80x16xf32, #tpu.memory_space<vmem>>
    %dma_wait3A_607 = arith.constant 0 : i32
    %dma_wait3A_608 = tpu.memref_slice %arg5[%dma_wait3A_607] : memref<1600xi32, #tpu.memory_space<vmem>> -> memref<80xi32, #tpu.memory_space<vmem>>
    %dma_wait3A_609 = arith.constant 0 : i32
    %dma_wait3A_610 = arith.constant 0 : i32
    %dma_wait3A_611 = tpu.memref_slice %arg2[%dma_wait3A, %dma_wait3A_609, %dma_wait3A_610] : memref<2x100000x16xf32, #tpu.memory_space<hbm>> -> memref<1x100000x16xf32, #tpu.memory_space<hbm>>
    %dma_wait3A_612 = tpu.memref_squeeze %dma_wait3A_611 : memref<1x100000x16xf32, #tpu.memory_space<hbm>> -> memref<100000x16xf32, #tpu.memory_space<hbm>>
    %dma_wait3A_613 = arith.constant 0 : i32
    %dma_wait3A_614 = arith.constant 0 : i32
    %dma_wait3A_615 = tpu.memref_slice %dma_wait3A_612[%dma_wait3A_613, %dma_wait3A_614] : memref<100000x16xf32, #tpu.memory_space<hbm>> -> memref<100000x16xf32, #tpu.memory_space<hbm>>
    tpu.wait_indirect_dma semaphore(%arg7 : memref<!tpu.dma_semaphore, #tpu.memory_space<semaphore_mem>>) src(%dma_wait3A_615 : memref<100000x16xf32, #tpu.memory_space<hbm>>) dst(%dma_wait3A_606 : memref<80x16xf32, #tpu.memory_space<vmem>>)
    %dma_wait3A_616 = arith.constant 0 : i32
    %dma_wait3A_617 = arith.constant 0 : i32
    %dma_wait3A_618 = arith.constant 80 : i32
    %dma_wait3A_619 = arith.constant 0 : i32
    %dma_wait3A_620 = tpu.memref_slice %arg6[%dma_wait3A_617, %dma_wait3A_618, %dma_wait3A_619] : memref<2x1600x16xf32, #tpu.memory_space<vmem>> -> memref<1x80x16xf32, #tpu.memory_space<vmem>>
    %dma_wait3A_621 = tpu.memref_squeeze %dma_wait3A_620 : memref<1x80x16xf32, #tpu.memory_space<vmem>> -> memref<80x16xf32, #tpu.memory_space<vmem>>
    %dma_wait3A_622 = arith.constant 80 : i32
    %dma_wait3A_623 = tpu.memref_slice %arg5[%dma_wait3A_622] : memref<1600xi32, #tpu.memory_space<vmem>> -> memref<80xi32, #tpu.memory_space<vmem>>
    %dma_wait3A_624 = arith.constant 0 : i32
    %dma_wait3A_625 = arith.constant 0 : i32
    %dma_wait3A_626 = tpu.memref_slice %arg2[%dma_wait3A_616, %dma_wait3A_624, %dma_wait3A_625] : memref<2x100000x16xf32, #tpu.memory_space<hbm>> -> memref<1x100000x16xf32, #tpu.memory_space<hbm>>
    %dma_wait3A_627 = tpu.memref_squeeze %dma_wait3A_626 : memref<1x100000x16xf32, #tpu.memory_space<hbm>> -> memref<100000x16xf32, #tpu.memory_space<hbm>>
    %dma_wait3A_628 = arith.constant 0 : i32
    %dma_wait3A_629 = arith.constant 0 : i32
    %dma_wait3A_630 = tpu.memref_slice %dma_wait3A_627[%dma_wait3A_628, %dma_wait3A_629] : memref<100000x16xf32, #tpu.memory_space<hbm>> -> memref<100000x16xf32, #tpu.memory_space<hbm>>
    tpu.wait_indirect_dma semaphore(%arg7 : memref<!tpu.dma_semaphore, #tpu.memory_space<semaphore_mem>>) src(%dma_wait3A_630 : memref<100000x16xf32, #tpu.memory_space<hbm>>) dst(%dma_wait3A_621 : memref<80x16xf32, #tpu.memory_space<vmem>>)
    %dma_wait3A_631 = arith.constant 0 : i32
    %dma_wait3A_632 = arith.constant 0 : i32
    %dma_wait3A_633 = arith.constant 160 : i32
    %dma_wait3A_634 = arith.constant 0 : i32
    %dma_wait3A_635 = tpu.memref_slice %arg6[%dma_wait3A_632, %dma_wait3A_633, %dma_wait3A_634] : memref<2x1600x16xf32, #tpu.memory_space<vmem>> -> memref<1x80x16xf32, #tpu.memory_space<vmem>>
    %dma_wait3A_636 = tpu.memref_squeeze %dma_wait3A_635 : memref<1x80x16xf32, #tpu.memory_space<vmem>> -> memref<80x16xf32, #tpu.memory_space<vmem>>
    %dma_wait3A_637 = arith.constant 160 : i32
    %dma_wait3A_638 = tpu.memref_slice %arg5[%dma_wait3A_637] : memref<1600xi32, #tpu.memory_space<vmem>> -> memref<80xi32, #tpu.memory_space<vmem>>
    %dma_wait3A_639 = arith.constant 0 : i32
    %dma_wait3A_640 = arith.constant 0 : i32
    %dma_wait3A_641 = tpu.memref_slice %arg2[%dma_wait3A_631, %dma_wait3A_639, %dma_wait3A_640] : memref<2x100000x16xf32, #tpu.memory_space<hbm>> -> memref<1x100000x16xf32, #tpu.memory_space<hbm>>
    %dma_wait3A_642 = tpu.memref_squeeze %dma_wait3A_641 : memref<1x100000x16xf32, #tpu.memory_space<hbm>> -> memref<100000x16xf32, #tpu.memory_space<hbm>>
    %dma_wait3A_643 = arith.constant 0 : i32
    %dma_wait3A_644 = arith.constant 0 : i32
    %dma_wait3A_645 = tpu.memref_slice %dma_wait3A_642[%dma_wait3A_643, %dma_wait3A_644] : memref<100000x16xf32, #tpu.memory_space<hbm>> -> memref<100000x16xf32, #tpu.memory_space<hbm>>
    tpu.wait_indirect_dma semaphore(%arg7 : memref<!tpu.dma_semaphore, #tpu.memory_space<semaphore_mem>>) src(%dma_wait3A_645 : memref<100000x16xf32, #tpu.memory_space<hbm>>) dst(%dma_wait3A_636 : memref<80x16xf32, #tpu.memory_space<vmem>>)
    %dma_wait3A_646 = arith.constant 0 : i32
    %dma_wait3A_647 = arith.constant 0 : i32
    %dma_wait3A_648 = arith.constant 240 : i32
    %dma_wait3A_649 = arith.constant 0 : i32
    %dma_wait3A_650 = tpu.memref_slice %arg6[%dma_wait3A_647, %dma_wait3A_648, %dma_wait3A_649] : memref<2x1600x16xf32, #tpu.memory_space<vmem>> -> memref<1x80x16xf32, #tpu.memory_space<vmem>>
    %dma_wait3A_651 = tpu.memref_squeeze %dma_wait3A_650 : memref<1x80x16xf32, #tpu.memory_space<vmem>> -> memref<80x16xf32, #tpu.memory_space<vmem>>
    %dma_wait3A_652 = arith.constant 240 : i32
    %dma_wait3A_653 = tpu.memref_slice %arg5[%dma_wait3A_652] : memref<1600xi32, #tpu.memory_space<vmem>> -> memref<80xi32, #tpu.memory_space<vmem>>
    %dma_wait3A_654 = arith.constant 0 : i32
    %dma_wait3A_655 = arith.constant 0 : i32
    %dma_wait3A_656 = tpu.memref_slice %arg2[%dma_wait3A_646, %dma_wait3A_654, %dma_wait3A_655] : memref<2x100000x16xf32, #tpu.memory_space<hbm>> -> memref<1x100000x16xf32, #tpu.memory_space<hbm>>
    %dma_wait3A_657 = tpu.memref_squeeze %dma_wait3A_656 : memref<1x100000x16xf32, #tpu.memory_space<hbm>> -> memref<100000x16xf32, #tpu.memory_space<hbm>>
    %dma_wait3A_658 = arith.constant 0 : i32
    %dma_wait3A_659 = arith.constant 0 : i32
    %dma_wait3A_660 = tpu.memref_slice %dma_wait3A_657[%dma_wait3A_658, %dma_wait3A_659] : memref<100000x16xf32, #tpu.memory_space<hbm>> -> memref<100000x16xf32, #tpu.memory_space<hbm>>
    tpu.wait_indirect_dma semaphore(%arg7 : memref<!tpu.dma_semaphore, #tpu.memory_space<semaphore_mem>>) src(%dma_wait3A_660 : memref<100000x16xf32, #tpu.memory_space<hbm>>) dst(%dma_wait3A_651 : memref<80x16xf32, #tpu.memory_space<vmem>>)
    %dma_wait3A_661 = arith.constant 0 : i32
    %dma_wait3A_662 = arith.constant 0 : i32
    %dma_wait3A_663 = arith.constant 320 : i32
    %dma_wait3A_664 = arith.constant 0 : i32
    %dma_wait3A_665 = tpu.memref_slice %arg6[%dma_wait3A_662, %dma_wait3A_663, %dma_wait3A_664] : memref<2x1600x16xf32, #tpu.memory_space<vmem>> -> memref<1x80x16xf32, #tpu.memory_space<vmem>>
    %dma_wait3A_666 = tpu.memref_squeeze %dma_wait3A_665 : memref<1x80x16xf32, #tpu.memory_space<vmem>> -> memref<80x16xf32, #tpu.memory_space<vmem>>
    %dma_wait3A_667 = arith.constant 320 : i32
    %dma_wait3A_668 = tpu.memref_slice %arg5[%dma_wait3A_667] : memref<1600xi32, #tpu.memory_space<vmem>> -> memref<80xi32, #tpu.memory_space<vmem>>
    %dma_wait3A_669 = arith.constant 0 : i32
    %dma_wait3A_670 = arith.constant 0 : i32
    %dma_wait3A_671 = tpu.memref_slice %arg2[%dma_wait3A_661, %dma_wait3A_669, %dma_wait3A_670] : memref<2x100000x16xf32, #tpu.memory_space<hbm>> -> memref<1x100000x16xf32, #tpu.memory_space<hbm>>
    %dma_wait3A_672 = tpu.memref_squeeze %dma_wait3A_671 : memref<1x100000x16xf32, #tpu.memory_space<hbm>> -> memref<100000x16xf32, #tpu.memory_space<hbm>>
    %dma_wait3A_673 = arith.constant 0 : i32
    %dma_wait3A_674 = arith.constant 0 : i32
    %dma_wait3A_675 = tpu.memref_slice %dma_wait3A_672[%dma_wait3A_673, %dma_wait3A_674] : memref<100000x16xf32, #tpu.memory_space<hbm>> -> memref<100000x16xf32, #tpu.memory_space<hbm>>
    tpu.wait_indirect_dma semaphore(%arg7 : memref<!tpu.dma_semaphore, #tpu.memory_space<semaphore_mem>>) src(%dma_wait3A_675 : memref<100000x16xf32, #tpu.memory_space<hbm>>) dst(%dma_wait3A_666 : memref<80x16xf32, #tpu.memory_space<vmem>>)
    %dma_wait3A_676 = arith.constant 0 : i32
    %dma_wait3A_677 = arith.constant 0 : i32
    %dma_wait3A_678 = arith.constant 400 : i32
    %dma_wait3A_679 = arith.constant 0 : i32
    %dma_wait3A_680 = tpu.memref_slice %arg6[%dma_wait3A_677, %dma_wait3A_678, %dma_wait3A_679] : memref<2x1600x16xf32, #tpu.memory_space<vmem>> -> memref<1x80x16xf32, #tpu.memory_space<vmem>>
    %dma_wait3A_681 = tpu.memref_squeeze %dma_wait3A_680 : memref<1x80x16xf32, #tpu.memory_space<vmem>> -> memref<80x16xf32, #tpu.memory_space<vmem>>
    %dma_wait3A_682 = arith.constant 400 : i32
    %dma_wait3A_683 = tpu.memref_slice %arg5[%dma_wait3A_682] : memref<1600xi32, #tpu.memory_space<vmem>> -> memref<80xi32, #tpu.memory_space<vmem>>
    %dma_wait3A_684 = arith.constant 0 : i32
    %dma_wait3A_685 = arith.constant 0 : i32
    %dma_wait3A_686 = tpu.memref_slice %arg2[%dma_wait3A_676, %dma_wait3A_684, %dma_wait3A_685] : memref<2x100000x16xf32, #tpu.memory_space<hbm>> -> memref<1x100000x16xf32, #tpu.memory_space<hbm>>
    %dma_wait3A_687 = tpu.memref_squeeze %dma_wait3A_686 : memref<1x100000x16xf32, #tpu.memory_space<hbm>> -> memref<100000x16xf32, #tpu.memory_space<hbm>>
    %dma_wait3A_688 = arith.constant 0 : i32
    %dma_wait3A_689 = arith.constant 0 : i32
    %dma_wait3A_690 = tpu.memref_slice %dma_wait3A_687[%dma_wait3A_688, %dma_wait3A_689] : memref<100000x16xf32, #tpu.memory_space<hbm>> -> memref<100000x16xf32, #tpu.memory_space<hbm>>
    tpu.wait_indirect_dma semaphore(%arg7 : memref<!tpu.dma_semaphore, #tpu.memory_space<semaphore_mem>>) src(%dma_wait3A_690 : memref<100000x16xf32, #tpu.memory_space<hbm>>) dst(%dma_wait3A_681 : memref<80x16xf32, #tpu.memory_space<vmem>>)
    %dma_wait3A_691 = arith.constant 0 : i32
    %dma_wait3A_692 = arith.constant 0 : i32
    %dma_wait3A_693 = arith.constant 480 : i32
    %dma_wait3A_694 = arith.constant 0 : i32
    %dma_wait3A_695 = tpu.memref_slice %arg6[%dma_wait3A_692, %dma_wait3A_693, %dma_wait3A_694] : memref<2x1600x16xf32, #tpu.memory_space<vmem>> -> memref<1x80x16xf32, #tpu.memory_space<vmem>>
    %dma_wait3A_696 = tpu.memref_squeeze %dma_wait3A_695 : memref<1x80x16xf32, #tpu.memory_space<vmem>> -> memref<80x16xf32, #tpu.memory_space<vmem>>
    %dma_wait3A_697 = arith.constant 480 : i32
    %dma_wait3A_698 = tpu.memref_slice %arg5[%dma_wait3A_697] : memref<1600xi32, #tpu.memory_space<vmem>> -> memref<80xi32, #tpu.memory_space<vmem>>
    %dma_wait3A_699 = arith.constant 0 : i32
    %dma_wait3A_700 = arith.constant 0 : i32
    %dma_wait3A_701 = tpu.memref_slice %arg2[%dma_wait3A_691, %dma_wait3A_699, %dma_wait3A_700] : memref<2x100000x16xf32, #tpu.memory_space<hbm>> -> memref<1x100000x16xf32, #tpu.memory_space<hbm>>
    %dma_wait3A_702 = tpu.memref_squeeze %dma_wait3A_701 : memref<1x100000x16xf32, #tpu.memory_space<hbm>> -> memref<100000x16xf32, #tpu.memory_space<hbm>>
    %dma_wait3A_703 = arith.constant 0 : i32
    %dma_wait3A_704 = arith.constant 0 : i32
    %dma_wait3A_705 = tpu.memref_slice %dma_wait3A_702[%dma_wait3A_703, %dma_wait3A_704] : memref<100000x16xf32, #tpu.memory_space<hbm>> -> memref<100000x16xf32, #tpu.memory_space<hbm>>
    tpu.wait_indirect_dma semaphore(%arg7 : memref<!tpu.dma_semaphore, #tpu.memory_space<semaphore_mem>>) src(%dma_wait3A_705 : memref<100000x16xf32, #tpu.memory_space<hbm>>) dst(%dma_wait3A_696 : memref<80x16xf32, #tpu.memory_space<vmem>>)
    %dma_wait3A_706 = arith.constant 0 : i32
    %dma_wait3A_707 = arith.constant 0 : i32
    %dma_wait3A_708 = arith.constant 560 : i32
    %dma_wait3A_709 = arith.constant 0 : i32
    %dma_wait3A_710 = tpu.memref_slice %arg6[%dma_wait3A_707, %dma_wait3A_708, %dma_wait3A_709] : memref<2x1600x16xf32, #tpu.memory_space<vmem>> -> memref<1x80x16xf32, #tpu.memory_space<vmem>>
    %dma_wait3A_711 = tpu.memref_squeeze %dma_wait3A_710 : memref<1x80x16xf32, #tpu.memory_space<vmem>> -> memref<80x16xf32, #tpu.memory_space<vmem>>
    %dma_wait3A_712 = arith.constant 560 : i32
    %dma_wait3A_713 = tpu.memref_slice %arg5[%dma_wait3A_712] : memref<1600xi32, #tpu.memory_space<vmem>> -> memref<80xi32, #tpu.memory_space<vmem>>
    %dma_wait3A_714 = arith.constant 0 : i32
    %dma_wait3A_715 = arith.constant 0 : i32
    %dma_wait3A_716 = tpu.memref_slice %arg2[%dma_wait3A_706, %dma_wait3A_714, %dma_wait3A_715] : memref<2x100000x16xf32, #tpu.memory_space<hbm>> -> memref<1x100000x16xf32, #tpu.memory_space<hbm>>
    %dma_wait3A_717 = tpu.memref_squeeze %dma_wait3A_716 : memref<1x100000x16xf32, #tpu.memory_space<hbm>> -> memref<100000x16xf32, #tpu.memory_space<hbm>>
    %dma_wait3A_718 = arith.constant 0 : i32
    %dma_wait3A_719 = arith.constant 0 : i32
    %dma_wait3A_720 = tpu.memref_slice %dma_wait3A_717[%dma_wait3A_718, %dma_wait3A_719] : memref<100000x16xf32, #tpu.memory_space<hbm>> -> memref<100000x16xf32, #tpu.memory_space<hbm>>
    tpu.wait_indirect_dma semaphore(%arg7 : memref<!tpu.dma_semaphore, #tpu.memory_space<semaphore_mem>>) src(%dma_wait3A_720 : memref<100000x16xf32, #tpu.memory_space<hbm>>) dst(%dma_wait3A_711 : memref<80x16xf32, #tpu.memory_space<vmem>>)
    %dma_wait3A_721 = arith.constant 0 : i32
    %dma_wait3A_722 = arith.constant 0 : i32
    %dma_wait3A_723 = arith.constant 640 : i32
    %dma_wait3A_724 = arith.constant 0 : i32
    %dma_wait3A_725 = tpu.memref_slice %arg6[%dma_wait3A_722, %dma_wait3A_723, %dma_wait3A_724] : memref<2x1600x16xf32, #tpu.memory_space<vmem>> -> memref<1x80x16xf32, #tpu.memory_space<vmem>>
    %dma_wait3A_726 = tpu.memref_squeeze %dma_wait3A_725 : memref<1x80x16xf32, #tpu.memory_space<vmem>> -> memref<80x16xf32, #tpu.memory_space<vmem>>
    %dma_wait3A_727 = arith.constant 640 : i32
    %dma_wait3A_728 = tpu.memref_slice %arg5[%dma_wait3A_727] : memref<1600xi32, #tpu.memory_space<vmem>> -> memref<80xi32, #tpu.memory_space<vmem>>
    %dma_wait3A_729 = arith.constant 0 : i32
    %dma_wait3A_730 = arith.constant 0 : i32
    %dma_wait3A_731 = tpu.memref_slice %arg2[%dma_wait3A_721, %dma_wait3A_729, %dma_wait3A_730] : memref<2x100000x16xf32, #tpu.memory_space<hbm>> -> memref<1x100000x16xf32, #tpu.memory_space<hbm>>
    %dma_wait3A_732 = tpu.memref_squeeze %dma_wait3A_731 : memref<1x100000x16xf32, #tpu.memory_space<hbm>> -> memref<100000x16xf32, #tpu.memory_space<hbm>>
    %dma_wait3A_733 = arith.constant 0 : i32
    %dma_wait3A_734 = arith.constant 0 : i32
    %dma_wait3A_735 = tpu.memref_slice %dma_wait3A_732[%dma_wait3A_733, %dma_wait3A_734] : memref<100000x16xf32, #tpu.memory_space<hbm>> -> memref<100000x16xf32, #tpu.memory_space<hbm>>
    tpu.wait_indirect_dma semaphore(%arg7 : memref<!tpu.dma_semaphore, #tpu.memory_space<semaphore_mem>>) src(%dma_wait3A_735 : memref<100000x16xf32, #tpu.memory_space<hbm>>) dst(%dma_wait3A_726 : memref<80x16xf32, #tpu.memory_space<vmem>>)
    %dma_wait3A_736 = arith.constant 0 : i32
    %dma_wait3A_737 = arith.constant 0 : i32
    %dma_wait3A_738 = arith.constant 720 : i32
    %dma_wait3A_739 = arith.constant 0 : i32
    %dma_wait3A_740 = tpu.memref_slice %arg6[%dma_wait3A_737, %dma_wait3A_738, %dma_wait3A_739] : memref<2x1600x16xf32, #tpu.memory_space<vmem>> -> memref<1x80x16xf32, #tpu.memory_space<vmem>>
    %dma_wait3A_741 = tpu.memref_squeeze %dma_wait3A_740 : memref<1x80x16xf32, #tpu.memory_space<vmem>> -> memref<80x16xf32, #tpu.memory_space<vmem>>
    %dma_wait3A_742 = arith.constant 720 : i32
    %dma_wait3A_743 = tpu.memref_slice %arg5[%dma_wait3A_742] : memref<1600xi32, #tpu.memory_space<vmem>> -> memref<80xi32, #tpu.memory_space<vmem>>
    %dma_wait3A_744 = arith.constant 0 : i32
    %dma_wait3A_745 = arith.constant 0 : i32
    %dma_wait3A_746 = tpu.memref_slice %arg2[%dma_wait3A_736, %dma_wait3A_744, %dma_wait3A_745] : memref<2x100000x16xf32, #tpu.memory_space<hbm>> -> memref<1x100000x16xf32, #tpu.memory_space<hbm>>
    %dma_wait3A_747 = tpu.memref_squeeze %dma_wait3A_746 : memref<1x100000x16xf32, #tpu.memory_space<hbm>> -> memref<100000x16xf32, #tpu.memory_space<hbm>>
    %dma_wait3A_748 = arith.constant 0 : i32
    %dma_wait3A_749 = arith.constant 0 : i32
    %dma_wait3A_750 = tpu.memref_slice %dma_wait3A_747[%dma_wait3A_748, %dma_wait3A_749] : memref<100000x16xf32, #tpu.memory_space<hbm>> -> memref<100000x16xf32, #tpu.memory_space<hbm>>
    tpu.wait_indirect_dma semaphore(%arg7 : memref<!tpu.dma_semaphore, #tpu.memory_space<semaphore_mem>>) src(%dma_wait3A_750 : memref<100000x16xf32, #tpu.memory_space<hbm>>) dst(%dma_wait3A_741 : memref<80x16xf32, #tpu.memory_space<vmem>>)
    %dma_wait3A_751 = arith.constant 0 : i32
    %dma_wait3A_752 = arith.constant 0 : i32
    %dma_wait3A_753 = arith.constant 800 : i32
    %dma_wait3A_754 = arith.constant 0 : i32
    %dma_wait3A_755 = tpu.memref_slice %arg6[%dma_wait3A_752, %dma_wait3A_753, %dma_wait3A_754] : memref<2x1600x16xf32, #tpu.memory_space<vmem>> -> memref<1x80x16xf32, #tpu.memory_space<vmem>>
    %dma_wait3A_756 = tpu.memref_squeeze %dma_wait3A_755 : memref<1x80x16xf32, #tpu.memory_space<vmem>> -> memref<80x16xf32, #tpu.memory_space<vmem>>
    %dma_wait3A_757 = arith.constant 800 : i32
    %dma_wait3A_758 = tpu.memref_slice %arg5[%dma_wait3A_757] : memref<1600xi32, #tpu.memory_space<vmem>> -> memref<80xi32, #tpu.memory_space<vmem>>
    %dma_wait3A_759 = arith.constant 0 : i32
    %dma_wait3A_760 = arith.constant 0 : i32
    %dma_wait3A_761 = tpu.memref_slice %arg2[%dma_wait3A_751, %dma_wait3A_759, %dma_wait3A_760] : memref<2x100000x16xf32, #tpu.memory_space<hbm>> -> memref<1x100000x16xf32, #tpu.memory_space<hbm>>
    %dma_wait3A_762 = tpu.memref_squeeze %dma_wait3A_761 : memref<1x100000x16xf32, #tpu.memory_space<hbm>> -> memref<100000x16xf32, #tpu.memory_space<hbm>>
    %dma_wait3A_763 = arith.constant 0 : i32
    %dma_wait3A_764 = arith.constant 0 : i32
    %dma_wait3A_765 = tpu.memref_slice %dma_wait3A_762[%dma_wait3A_763, %dma_wait3A_764] : memref<100000x16xf32, #tpu.memory_space<hbm>> -> memref<100000x16xf32, #tpu.memory_space<hbm>>
    tpu.wait_indirect_dma semaphore(%arg7 : memref<!tpu.dma_semaphore, #tpu.memory_space<semaphore_mem>>) src(%dma_wait3A_765 : memref<100000x16xf32, #tpu.memory_space<hbm>>) dst(%dma_wait3A_756 : memref<80x16xf32, #tpu.memory_space<vmem>>)
    %dma_wait3A_766 = arith.constant 0 : i32
    %dma_wait3A_767 = arith.constant 0 : i32
    %dma_wait3A_768 = arith.constant 880 : i32
    %dma_wait3A_769 = arith.constant 0 : i32
    %dma_wait3A_770 = tpu.memref_slice %arg6[%dma_wait3A_767, %dma_wait3A_768, %dma_wait3A_769] : memref<2x1600x16xf32, #tpu.memory_space<vmem>> -> memref<1x80x16xf32, #tpu.memory_space<vmem>>
    %dma_wait3A_771 = tpu.memref_squeeze %dma_wait3A_770 : memref<1x80x16xf32, #tpu.memory_space<vmem>> -> memref<80x16xf32, #tpu.memory_space<vmem>>
    %dma_wait3A_772 = arith.constant 880 : i32
    %dma_wait3A_773 = tpu.memref_slice %arg5[%dma_wait3A_772] : memref<1600xi32, #tpu.memory_space<vmem>> -> memref<80xi32, #tpu.memory_space<vmem>>
    %dma_wait3A_774 = arith.constant 0 : i32
    %dma_wait3A_775 = arith.constant 0 : i32
    %dma_wait3A_776 = tpu.memref_slice %arg2[%dma_wait3A_766, %dma_wait3A_774, %dma_wait3A_775] : memref<2x100000x16xf32, #tpu.memory_space<hbm>> -> memref<1x100000x16xf32, #tpu.memory_space<hbm>>
    %dma_wait3A_777 = tpu.memref_squeeze %dma_wait3A_776 : memref<1x100000x16xf32, #tpu.memory_space<hbm>> -> memref<100000x16xf32, #tpu.memory_space<hbm>>
    %dma_wait3A_778 = arith.constant 0 : i32
    %dma_wait3A_779 = arith.constant 0 : i32
    %dma_wait3A_780 = tpu.memref_slice %dma_wait3A_777[%dma_wait3A_778, %dma_wait3A_779] : memref<100000x16xf32, #tpu.memory_space<hbm>> -> memref<100000x16xf32, #tpu.memory_space<hbm>>
    tpu.wait_indirect_dma semaphore(%arg7 : memref<!tpu.dma_semaphore, #tpu.memory_space<semaphore_mem>>) src(%dma_wait3A_780 : memref<100000x16xf32, #tpu.memory_space<hbm>>) dst(%dma_wait3A_771 : memref<80x16xf32, #tpu.memory_space<vmem>>)
    %dma_wait3A_781 = arith.constant 0 : i32
    %dma_wait3A_782 = arith.constant 0 : i32
    %dma_wait3A_783 = arith.constant 960 : i32
    %dma_wait3A_784 = arith.constant 0 : i32
    %dma_wait3A_785 = tpu.memref_slice %arg6[%dma_wait3A_782, %dma_wait3A_783, %dma_wait3A_784] : memref<2x1600x16xf32, #tpu.memory_space<vmem>> -> memref<1x80x16xf32, #tpu.memory_space<vmem>>
    %dma_wait3A_786 = tpu.memref_squeeze %dma_wait3A_785 : memref<1x80x16xf32, #tpu.memory_space<vmem>> -> memref<80x16xf32, #tpu.memory_space<vmem>>
    %dma_wait3A_787 = arith.constant 960 : i32
    %dma_wait3A_788 = tpu.memref_slice %arg5[%dma_wait3A_787] : memref<1600xi32, #tpu.memory_space<vmem>> -> memref<80xi32, #tpu.memory_space<vmem>>
    %dma_wait3A_789 = arith.constant 0 : i32
    %dma_wait3A_790 = arith.constant 0 : i32
    %dma_wait3A_791 = tpu.memref_slice %arg2[%dma_wait3A_781, %dma_wait3A_789, %dma_wait3A_790] : memref<2x100000x16xf32, #tpu.memory_space<hbm>> -> memref<1x100000x16xf32, #tpu.memory_space<hbm>>
    %dma_wait3A_792 = tpu.memref_squeeze %dma_wait3A_791 : memref<1x100000x16xf32, #tpu.memory_space<hbm>> -> memref<100000x16xf32, #tpu.memory_space<hbm>>
    %dma_wait3A_793 = arith.constant 0 : i32
    %dma_wait3A_794 = arith.constant 0 : i32
    %dma_wait3A_795 = tpu.memref_slice %dma_wait3A_792[%dma_wait3A_793, %dma_wait3A_794] : memref<100000x16xf32, #tpu.memory_space<hbm>> -> memref<100000x16xf32, #tpu.memory_space<hbm>>
    tpu.wait_indirect_dma semaphore(%arg7 : memref<!tpu.dma_semaphore, #tpu.memory_space<semaphore_mem>>) src(%dma_wait3A_795 : memref<100000x16xf32, #tpu.memory_space<hbm>>) dst(%dma_wait3A_786 : memref<80x16xf32, #tpu.memory_space<vmem>>)
    %dma_wait3A_796 = arith.constant 0 : i32
    %dma_wait3A_797 = arith.constant 0 : i32
    %dma_wait3A_798 = arith.constant 1040 : i32
    %dma_wait3A_799 = arith.constant 0 : i32
    %dma_wait3A_800 = tpu.memref_slice %arg6[%dma_wait3A_797, %dma_wait3A_798, %dma_wait3A_799] : memref<2x1600x16xf32, #tpu.memory_space<vmem>> -> memref<1x80x16xf32, #tpu.memory_space<vmem>>
    %dma_wait3A_801 = tpu.memref_squeeze %dma_wait3A_800 : memref<1x80x16xf32, #tpu.memory_space<vmem>> -> memref<80x16xf32, #tpu.memory_space<vmem>>
    %dma_wait3A_802 = arith.constant 1040 : i32
    %dma_wait3A_803 = tpu.memref_slice %arg5[%dma_wait3A_802] : memref<1600xi32, #tpu.memory_space<vmem>> -> memref<80xi32, #tpu.memory_space<vmem>>
    %dma_wait3A_804 = arith.constant 0 : i32
    %dma_wait3A_805 = arith.constant 0 : i32
    %dma_wait3A_806 = tpu.memref_slice %arg2[%dma_wait3A_796, %dma_wait3A_804, %dma_wait3A_805] : memref<2x100000x16xf32, #tpu.memory_space<hbm>> -> memref<1x100000x16xf32, #tpu.memory_space<hbm>>
    %dma_wait3A_807 = tpu.memref_squeeze %dma_wait3A_806 : memref<1x100000x16xf32, #tpu.memory_space<hbm>> -> memref<100000x16xf32, #tpu.memory_space<hbm>>
    %dma_wait3A_808 = arith.constant 0 : i32
    %dma_wait3A_809 = arith.constant 0 : i32
    %dma_wait3A_810 = tpu.memref_slice %dma_wait3A_807[%dma_wait3A_808, %dma_wait3A_809] : memref<100000x16xf32, #tpu.memory_space<hbm>> -> memref<100000x16xf32, #tpu.memory_space<hbm>>
    tpu.wait_indirect_dma semaphore(%arg7 : memref<!tpu.dma_semaphore, #tpu.memory_space<semaphore_mem>>) src(%dma_wait3A_810 : memref<100000x16xf32, #tpu.memory_space<hbm>>) dst(%dma_wait3A_801 : memref<80x16xf32, #tpu.memory_space<vmem>>)
    %dma_wait3A_811 = arith.constant 0 : i32
    %dma_wait3A_812 = arith.constant 0 : i32
    %dma_wait3A_813 = arith.constant 1120 : i32
    %dma_wait3A_814 = arith.constant 0 : i32
    %dma_wait3A_815 = tpu.memref_slice %arg6[%dma_wait3A_812, %dma_wait3A_813, %dma_wait3A_814] : memref<2x1600x16xf32, #tpu.memory_space<vmem>> -> memref<1x80x16xf32, #tpu.memory_space<vmem>>
    %dma_wait3A_816 = tpu.memref_squeeze %dma_wait3A_815 : memref<1x80x16xf32, #tpu.memory_space<vmem>> -> memref<80x16xf32, #tpu.memory_space<vmem>>
    %dma_wait3A_817 = arith.constant 1120 : i32
    %dma_wait3A_818 = tpu.memref_slice %arg5[%dma_wait3A_817] : memref<1600xi32, #tpu.memory_space<vmem>> -> memref<80xi32, #tpu.memory_space<vmem>>
    %dma_wait3A_819 = arith.constant 0 : i32
    %dma_wait3A_820 = arith.constant 0 : i32
    %dma_wait3A_821 = tpu.memref_slice %arg2[%dma_wait3A_811, %dma_wait3A_819, %dma_wait3A_820] : memref<2x100000x16xf32, #tpu.memory_space<hbm>> -> memref<1x100000x16xf32, #tpu.memory_space<hbm>>
    %dma_wait3A_822 = tpu.memref_squeeze %dma_wait3A_821 : memref<1x100000x16xf32, #tpu.memory_space<hbm>> -> memref<100000x16xf32, #tpu.memory_space<hbm>>
    %dma_wait3A_823 = arith.constant 0 : i32
    %dma_wait3A_824 = arith.constant 0 : i32
    %dma_wait3A_825 = tpu.memref_slice %dma_wait3A_822[%dma_wait3A_823, %dma_wait3A_824] : memref<100000x16xf32, #tpu.memory_space<hbm>> -> memref<100000x16xf32, #tpu.memory_space<hbm>>
    tpu.wait_indirect_dma semaphore(%arg7 : memref<!tpu.dma_semaphore, #tpu.memory_space<semaphore_mem>>) src(%dma_wait3A_825 : memref<100000x16xf32, #tpu.memory_space<hbm>>) dst(%dma_wait3A_816 : memref<80x16xf32, #tpu.memory_space<vmem>>)
    %dma_wait3A_826 = arith.constant 0 : i32
    %dma_wait3A_827 = arith.constant 0 : i32
    %dma_wait3A_828 = arith.constant 1200 : i32
    %dma_wait3A_829 = arith.constant 0 : i32
    %dma_wait3A_830 = tpu.memref_slice %arg6[%dma_wait3A_827, %dma_wait3A_828, %dma_wait3A_829] : memref<2x1600x16xf32, #tpu.memory_space<vmem>> -> memref<1x80x16xf32, #tpu.memory_space<vmem>>
    %dma_wait3A_831 = tpu.memref_squeeze %dma_wait3A_830 : memref<1x80x16xf32, #tpu.memory_space<vmem>> -> memref<80x16xf32, #tpu.memory_space<vmem>>
    %dma_wait3A_832 = arith.constant 1200 : i32
    %dma_wait3A_833 = tpu.memref_slice %arg5[%dma_wait3A_832] : memref<1600xi32, #tpu.memory_space<vmem>> -> memref<80xi32, #tpu.memory_space<vmem>>
    %dma_wait3A_834 = arith.constant 0 : i32
    %dma_wait3A_835 = arith.constant 0 : i32
    %dma_wait3A_836 = tpu.memref_slice %arg2[%dma_wait3A_826, %dma_wait3A_834, %dma_wait3A_835] : memref<2x100000x16xf32, #tpu.memory_space<hbm>> -> memref<1x100000x16xf32, #tpu.memory_space<hbm>>
    %dma_wait3A_837 = tpu.memref_squeeze %dma_wait3A_836 : memref<1x100000x16xf32, #tpu.memory_space<hbm>> -> memref<100000x16xf32, #tpu.memory_space<hbm>>
    %dma_wait3A_838 = arith.constant 0 : i32
    %dma_wait3A_839 = arith.constant 0 : i32
    %dma_wait3A_840 = tpu.memref_slice %dma_wait3A_837[%dma_wait3A_838, %dma_wait3A_839] : memref<100000x16xf32, #tpu.memory_space<hbm>> -> memref<100000x16xf32, #tpu.memory_space<hbm>>
    tpu.wait_indirect_dma semaphore(%arg7 : memref<!tpu.dma_semaphore, #tpu.memory_space<semaphore_mem>>) src(%dma_wait3A_840 : memref<100000x16xf32, #tpu.memory_space<hbm>>) dst(%dma_wait3A_831 : memref<80x16xf32, #tpu.memory_space<vmem>>)
    %dma_wait3A_841 = arith.constant 0 : i32
    %dma_wait3A_842 = arith.constant 0 : i32
    %dma_wait3A_843 = arith.constant 1280 : i32
    %dma_wait3A_844 = arith.constant 0 : i32
    %dma_wait3A_845 = tpu.memref_slice %arg6[%dma_wait3A_842, %dma_wait3A_843, %dma_wait3A_844] : memref<2x1600x16xf32, #tpu.memory_space<vmem>> -> memref<1x80x16xf32, #tpu.memory_space<vmem>>
    %dma_wait3A_846 = tpu.memref_squeeze %dma_wait3A_845 : memref<1x80x16xf32, #tpu.memory_space<vmem>> -> memref<80x16xf32, #tpu.memory_space<vmem>>
    %dma_wait3A_847 = arith.constant 1280 : i32
    %dma_wait3A_848 = tpu.memref_slice %arg5[%dma_wait3A_847] : memref<1600xi32, #tpu.memory_space<vmem>> -> memref<80xi32, #tpu.memory_space<vmem>>
    %dma_wait3A_849 = arith.constant 0 : i32
    %dma_wait3A_850 = arith.constant 0 : i32
    %dma_wait3A_851 = tpu.memref_slice %arg2[%dma_wait3A_841, %dma_wait3A_849, %dma_wait3A_850] : memref<2x100000x16xf32, #tpu.memory_space<hbm>> -> memref<1x100000x16xf32, #tpu.memory_space<hbm>>
    %dma_wait3A_852 = tpu.memref_squeeze %dma_wait3A_851 : memref<1x100000x16xf32, #tpu.memory_space<hbm>> -> memref<100000x16xf32, #tpu.memory_space<hbm>>
    %dma_wait3A_853 = arith.constant 0 : i32
    %dma_wait3A_854 = arith.constant 0 : i32
    %dma_wait3A_855 = tpu.memref_slice %dma_wait3A_852[%dma_wait3A_853, %dma_wait3A_854] : memref<100000x16xf32, #tpu.memory_space<hbm>> -> memref<100000x16xf32, #tpu.memory_space<hbm>>
    tpu.wait_indirect_dma semaphore(%arg7 : memref<!tpu.dma_semaphore, #tpu.memory_space<semaphore_mem>>) src(%dma_wait3A_855 : memref<100000x16xf32, #tpu.memory_space<hbm>>) dst(%dma_wait3A_846 : memref<80x16xf32, #tpu.memory_space<vmem>>)
    %dma_wait3A_856 = arith.constant 0 : i32
    %dma_wait3A_857 = arith.constant 0 : i32
    %dma_wait3A_858 = arith.constant 1360 : i32
    %dma_wait3A_859 = arith.constant 0 : i32
    %dma_wait3A_860 = tpu.memref_slice %arg6[%dma_wait3A_857, %dma_wait3A_858, %dma_wait3A_859] : memref<2x1600x16xf32, #tpu.memory_space<vmem>> -> memref<1x80x16xf32, #tpu.memory_space<vmem>>
    %dma_wait3A_861 = tpu.memref_squeeze %dma_wait3A_860 : memref<1x80x16xf32, #tpu.memory_space<vmem>> -> memref<80x16xf32, #tpu.memory_space<vmem>>
    %dma_wait3A_862 = arith.constant 1360 : i32
    %dma_wait3A_863 = tpu.memref_slice %arg5[%dma_wait3A_862] : memref<1600xi32, #tpu.memory_space<vmem>> -> memref<80xi32, #tpu.memory_space<vmem>>
    %dma_wait3A_864 = arith.constant 0 : i32
    %dma_wait3A_865 = arith.constant 0 : i32
    %dma_wait3A_866 = tpu.memref_slice %arg2[%dma_wait3A_856, %dma_wait3A_864, %dma_wait3A_865] : memref<2x100000x16xf32, #tpu.memory_space<hbm>> -> memref<1x100000x16xf32, #tpu.memory_space<hbm>>
    %dma_wait3A_867 = tpu.memref_squeeze %dma_wait3A_866 : memref<1x100000x16xf32, #tpu.memory_space<hbm>> -> memref<100000x16xf32, #tpu.memory_space<hbm>>
    %dma_wait3A_868 = arith.constant 0 : i32
    %dma_wait3A_869 = arith.constant 0 : i32
    %dma_wait3A_870 = tpu.memref_slice %dma_wait3A_867[%dma_wait3A_868, %dma_wait3A_869] : memref<100000x16xf32, #tpu.memory_space<hbm>> -> memref<100000x16xf32, #tpu.memory_space<hbm>>
    tpu.wait_indirect_dma semaphore(%arg7 : memref<!tpu.dma_semaphore, #tpu.memory_space<semaphore_mem>>) src(%dma_wait3A_870 : memref<100000x16xf32, #tpu.memory_space<hbm>>) dst(%dma_wait3A_861 : memref<80x16xf32, #tpu.memory_space<vmem>>)
    %dma_wait3A_871 = arith.constant 0 : i32
    %dma_wait3A_872 = arith.constant 0 : i32
    %dma_wait3A_873 = arith.constant 1440 : i32
    %dma_wait3A_874 = arith.constant 0 : i32
    %dma_wait3A_875 = tpu.memref_slice %arg6[%dma_wait3A_872, %dma_wait3A_873, %dma_wait3A_874] : memref<2x1600x16xf32, #tpu.memory_space<vmem>> -> memref<1x80x16xf32, #tpu.memory_space<vmem>>
    %dma_wait3A_876 = tpu.memref_squeeze %dma_wait3A_875 : memref<1x80x16xf32, #tpu.memory_space<vmem>> -> memref<80x16xf32, #tpu.memory_space<vmem>>
    %dma_wait3A_877 = arith.constant 1440 : i32
    %dma_wait3A_878 = tpu.memref_slice %arg5[%dma_wait3A_877] : memref<1600xi32, #tpu.memory_space<vmem>> -> memref<80xi32, #tpu.memory_space<vmem>>
    %dma_wait3A_879 = arith.constant 0 : i32
    %dma_wait3A_880 = arith.constant 0 : i32
    %dma_wait3A_881 = tpu.memref_slice %arg2[%dma_wait3A_871, %dma_wait3A_879, %dma_wait3A_880] : memref<2x100000x16xf32, #tpu.memory_space<hbm>> -> memref<1x100000x16xf32, #tpu.memory_space<hbm>>
    %dma_wait3A_882 = tpu.memref_squeeze %dma_wait3A_881 : memref<1x100000x16xf32, #tpu.memory_space<hbm>> -> memref<100000x16xf32, #tpu.memory_space<hbm>>
    %dma_wait3A_883 = arith.constant 0 : i32
    %dma_wait3A_884 = arith.constant 0 : i32
    %dma_wait3A_885 = tpu.memref_slice %dma_wait3A_882[%dma_wait3A_883, %dma_wait3A_884] : memref<100000x16xf32, #tpu.memory_space<hbm>> -> memref<100000x16xf32, #tpu.memory_space<hbm>>
    tpu.wait_indirect_dma semaphore(%arg7 : memref<!tpu.dma_semaphore, #tpu.memory_space<semaphore_mem>>) src(%dma_wait3A_885 : memref<100000x16xf32, #tpu.memory_space<hbm>>) dst(%dma_wait3A_876 : memref<80x16xf32, #tpu.memory_space<vmem>>)
    %dma_wait3A_886 = arith.constant 0 : i32
    %dma_wait3A_887 = arith.constant 0 : i32
    %dma_wait3A_888 = arith.constant 1520 : i32
    %dma_wait3A_889 = arith.constant 0 : i32
    %dma_wait3A_890 = tpu.memref_slice %arg6[%dma_wait3A_887, %dma_wait3A_888, %dma_wait3A_889] : memref<2x1600x16xf32, #tpu.memory_space<vmem>> -> memref<1x80x16xf32, #tpu.memory_space<vmem>>
    %dma_wait3A_891 = tpu.memref_squeeze %dma_wait3A_890 : memref<1x80x16xf32, #tpu.memory_space<vmem>> -> memref<80x16xf32, #tpu.memory_space<vmem>>
    %dma_wait3A_892 = arith.constant 1520 : i32
    %dma_wait3A_893 = tpu.memref_slice %arg5[%dma_wait3A_892] : memref<1600xi32, #tpu.memory_space<vmem>> -> memref<80xi32, #tpu.memory_space<vmem>>
    %dma_wait3A_894 = arith.constant 0 : i32
    %dma_wait3A_895 = arith.constant 0 : i32
    %dma_wait3A_896 = tpu.memref_slice %arg2[%dma_wait3A_886, %dma_wait3A_894, %dma_wait3A_895] : memref<2x100000x16xf32, #tpu.memory_space<hbm>> -> memref<1x100000x16xf32, #tpu.memory_space<hbm>>
    %dma_wait3A_897 = tpu.memref_squeeze %dma_wait3A_896 : memref<1x100000x16xf32, #tpu.memory_space<hbm>> -> memref<100000x16xf32, #tpu.memory_space<hbm>>
    %dma_wait3A_898 = arith.constant 0 : i32
    %dma_wait3A_899 = arith.constant 0 : i32
    %dma_wait3A_900 = tpu.memref_slice %dma_wait3A_897[%dma_wait3A_898, %dma_wait3A_899] : memref<100000x16xf32, #tpu.memory_space<hbm>> -> memref<100000x16xf32, #tpu.memory_space<hbm>>
    tpu.wait_indirect_dma semaphore(%arg7 : memref<!tpu.dma_semaphore, #tpu.memory_space<semaphore_mem>>) src(%dma_wait3A_900 : memref<100000x16xf32, #tpu.memory_space<hbm>>) dst(%dma_wait3A_891 : memref<80x16xf32, #tpu.memory_space<vmem>>)
    %dma_wait3A_901 = arith.constant 1 : i32
    %dma_wait3A_902 = arith.constant 1 : i32
    %dma_wait3A_903 = arith.constant 0 : i32
    %dma_wait3A_904 = arith.constant 0 : i32
    %dma_wait3A_905 = tpu.memref_slice %arg6[%dma_wait3A_902, %dma_wait3A_903, %dma_wait3A_904] : memref<2x1600x16xf32, #tpu.memory_space<vmem>> -> memref<1x80x16xf32, #tpu.memory_space<vmem>>
    %dma_wait3A_906 = tpu.memref_squeeze %dma_wait3A_905 : memref<1x80x16xf32, #tpu.memory_space<vmem>> -> memref<80x16xf32, #tpu.memory_space<vmem>>
    %dma_wait3A_907 = arith.constant 0 : i32
    %dma_wait3A_908 = tpu.memref_slice %arg5[%dma_wait3A_907] : memref<1600xi32, #tpu.memory_space<vmem>> -> memref<80xi32, #tpu.memory_space<vmem>>
    %dma_wait3A_909 = arith.constant 0 : i32
    %dma_wait3A_910 = arith.constant 0 : i32
    %dma_wait3A_911 = tpu.memref_slice %arg2[%dma_wait3A_901, %dma_wait3A_909, %dma_wait3A_910] : memref<2x100000x16xf32, #tpu.memory_space<hbm>> -> memref<1x100000x16xf32, #tpu.memory_space<hbm>>
    %dma_wait3A_912 = tpu.memref_squeeze %dma_wait3A_911 : memref<1x100000x16xf32, #tpu.memory_space<hbm>> -> memref<100000x16xf32, #tpu.memory_space<hbm>>
    %dma_wait3A_913 = arith.constant 0 : i32
    %dma_wait3A_914 = arith.constant 0 : i32
    %dma_wait3A_915 = tpu.memref_slice %dma_wait3A_912[%dma_wait3A_913, %dma_wait3A_914] : memref<100000x16xf32, #tpu.memory_space<hbm>> -> memref<100000x16xf32, #tpu.memory_space<hbm>>
    tpu.wait_indirect_dma semaphore(%arg7 : memref<!tpu.dma_semaphore, #tpu.memory_space<semaphore_mem>>) src(%dma_wait3A_915 : memref<100000x16xf32, #tpu.memory_space<hbm>>) dst(%dma_wait3A_906 : memref<80x16xf32, #tpu.memory_space<vmem>>)
    %dma_wait3A_916 = arith.constant 1 : i32
    %dma_wait3A_917 = arith.constant 1 : i32
    %dma_wait3A_918 = arith.constant 80 : i32
    %dma_wait3A_919 = arith.constant 0 : i32
    %dma_wait3A_920 = tpu.memref_slice %arg6[%dma_wait3A_917, %dma_wait3A_918, %dma_wait3A_919] : memref<2x1600x16xf32, #tpu.memory_space<vmem>> -> memref<1x80x16xf32, #tpu.memory_space<vmem>>
    %dma_wait3A_921 = tpu.memref_squeeze %dma_wait3A_920 : memref<1x80x16xf32, #tpu.memory_space<vmem>> -> memref<80x16xf32, #tpu.memory_space<vmem>>
    %dma_wait3A_922 = arith.constant 80 : i32
    %dma_wait3A_923 = tpu.memref_slice %arg5[%dma_wait3A_922] : memref<1600xi32, #tpu.memory_space<vmem>> -> memref<80xi32, #tpu.memory_space<vmem>>
    %dma_wait3A_924 = arith.constant 0 : i32
    %dma_wait3A_925 = arith.constant 0 : i32
    %dma_wait3A_926 = tpu.memref_slice %arg2[%dma_wait3A_916, %dma_wait3A_924, %dma_wait3A_925] : memref<2x100000x16xf32, #tpu.memory_space<hbm>> -> memref<1x100000x16xf32, #tpu.memory_space<hbm>>
    %dma_wait3A_927 = tpu.memref_squeeze %dma_wait3A_926 : memref<1x100000x16xf32, #tpu.memory_space<hbm>> -> memref<100000x16xf32, #tpu.memory_space<hbm>>
    %dma_wait3A_928 = arith.constant 0 : i32
    %dma_wait3A_929 = arith.constant 0 : i32
    %dma_wait3A_930 = tpu.memref_slice %dma_wait3A_927[%dma_wait3A_928, %dma_wait3A_929] : memref<100000x16xf32, #tpu.memory_space<hbm>> -> memref<100000x16xf32, #tpu.memory_space<hbm>>
    tpu.wait_indirect_dma semaphore(%arg7 : memref<!tpu.dma_semaphore, #tpu.memory_space<semaphore_mem>>) src(%dma_wait3A_930 : memref<100000x16xf32, #tpu.memory_space<hbm>>) dst(%dma_wait3A_921 : memref<80x16xf32, #tpu.memory_space<vmem>>)
    %dma_wait3A_931 = arith.constant 1 : i32
    %dma_wait3A_932 = arith.constant 1 : i32
    %dma_wait3A_933 = arith.constant 160 : i32
    %dma_wait3A_934 = arith.constant 0 : i32
    %dma_wait3A_935 = tpu.memref_slice %arg6[%dma_wait3A_932, %dma_wait3A_933, %dma_wait3A_934] : memref<2x1600x16xf32, #tpu.memory_space<vmem>> -> memref<1x80x16xf32, #tpu.memory_space<vmem>>
    %dma_wait3A_936 = tpu.memref_squeeze %dma_wait3A_935 : memref<1x80x16xf32, #tpu.memory_space<vmem>> -> memref<80x16xf32, #tpu.memory_space<vmem>>
    %dma_wait3A_937 = arith.constant 160 : i32
    %dma_wait3A_938 = tpu.memref_slice %arg5[%dma_wait3A_937] : memref<1600xi32, #tpu.memory_space<vmem>> -> memref<80xi32, #tpu.memory_space<vmem>>
    %dma_wait3A_939 = arith.constant 0 : i32
    %dma_wait3A_940 = arith.constant 0 : i32
    %dma_wait3A_941 = tpu.memref_slice %arg2[%dma_wait3A_931, %dma_wait3A_939, %dma_wait3A_940] : memref<2x100000x16xf32, #tpu.memory_space<hbm>> -> memref<1x100000x16xf32, #tpu.memory_space<hbm>>
    %dma_wait3A_942 = tpu.memref_squeeze %dma_wait3A_941 : memref<1x100000x16xf32, #tpu.memory_space<hbm>> -> memref<100000x16xf32, #tpu.memory_space<hbm>>
    %dma_wait3A_943 = arith.constant 0 : i32
    %dma_wait3A_944 = arith.constant 0 : i32
    %dma_wait3A_945 = tpu.memref_slice %dma_wait3A_942[%dma_wait3A_943, %dma_wait3A_944] : memref<100000x16xf32, #tpu.memory_space<hbm>> -> memref<100000x16xf32, #tpu.memory_space<hbm>>
    tpu.wait_indirect_dma semaphore(%arg7 : memref<!tpu.dma_semaphore, #tpu.memory_space<semaphore_mem>>) src(%dma_wait3A_945 : memref<100000x16xf32, #tpu.memory_space<hbm>>) dst(%dma_wait3A_936 : memref<80x16xf32, #tpu.memory_space<vmem>>)
    %dma_wait3A_946 = arith.constant 1 : i32
    %dma_wait3A_947 = arith.constant 1 : i32
    %dma_wait3A_948 = arith.constant 240 : i32
    %dma_wait3A_949 = arith.constant 0 : i32
    %dma_wait3A_950 = tpu.memref_slice %arg6[%dma_wait3A_947, %dma_wait3A_948, %dma_wait3A_949] : memref<2x1600x16xf32, #tpu.memory_space<vmem>> -> memref<1x80x16xf32, #tpu.memory_space<vmem>>
    %dma_wait3A_951 = tpu.memref_squeeze %dma_wait3A_950 : memref<1x80x16xf32, #tpu.memory_space<vmem>> -> memref<80x16xf32, #tpu.memory_space<vmem>>
    %dma_wait3A_952 = arith.constant 240 : i32
    %dma_wait3A_953 = tpu.memref_slice %arg5[%dma_wait3A_952] : memref<1600xi32, #tpu.memory_space<vmem>> -> memref<80xi32, #tpu.memory_space<vmem>>
    %dma_wait3A_954 = arith.constant 0 : i32
    %dma_wait3A_955 = arith.constant 0 : i32
    %dma_wait3A_956 = tpu.memref_slice %arg2[%dma_wait3A_946, %dma_wait3A_954, %dma_wait3A_955] : memref<2x100000x16xf32, #tpu.memory_space<hbm>> -> memref<1x100000x16xf32, #tpu.memory_space<hbm>>
    %dma_wait3A_957 = tpu.memref_squeeze %dma_wait3A_956 : memref<1x100000x16xf32, #tpu.memory_space<hbm>> -> memref<100000x16xf32, #tpu.memory_space<hbm>>
    %dma_wait3A_958 = arith.constant 0 : i32
    %dma_wait3A_959 = arith.constant 0 : i32
    %dma_wait3A_960 = tpu.memref_slice %dma_wait3A_957[%dma_wait3A_958, %dma_wait3A_959] : memref<100000x16xf32, #tpu.memory_space<hbm>> -> memref<100000x16xf32, #tpu.memory_space<hbm>>
    tpu.wait_indirect_dma semaphore(%arg7 : memref<!tpu.dma_semaphore, #tpu.memory_space<semaphore_mem>>) src(%dma_wait3A_960 : memref<100000x16xf32, #tpu.memory_space<hbm>>) dst(%dma_wait3A_951 : memref<80x16xf32, #tpu.memory_space<vmem>>)
    %dma_wait3A_961 = arith.constant 1 : i32
    %dma_wait3A_962 = arith.constant 1 : i32
    %dma_wait3A_963 = arith.constant 320 : i32
    %dma_wait3A_964 = arith.constant 0 : i32
    %dma_wait3A_965 = tpu.memref_slice %arg6[%dma_wait3A_962, %dma_wait3A_963, %dma_wait3A_964] : memref<2x1600x16xf32, #tpu.memory_space<vmem>> -> memref<1x80x16xf32, #tpu.memory_space<vmem>>
    %dma_wait3A_966 = tpu.memref_squeeze %dma_wait3A_965 : memref<1x80x16xf32, #tpu.memory_space<vmem>> -> memref<80x16xf32, #tpu.memory_space<vmem>>
    %dma_wait3A_967 = arith.constant 320 : i32
    %dma_wait3A_968 = tpu.memref_slice %arg5[%dma_wait3A_967] : memref<1600xi32, #tpu.memory_space<vmem>> -> memref<80xi32, #tpu.memory_space<vmem>>
    %dma_wait3A_969 = arith.constant 0 : i32
    %dma_wait3A_970 = arith.constant 0 : i32
    %dma_wait3A_971 = tpu.memref_slice %arg2[%dma_wait3A_961, %dma_wait3A_969, %dma_wait3A_970] : memref<2x100000x16xf32, #tpu.memory_space<hbm>> -> memref<1x100000x16xf32, #tpu.memory_space<hbm>>
    %dma_wait3A_972 = tpu.memref_squeeze %dma_wait3A_971 : memref<1x100000x16xf32, #tpu.memory_space<hbm>> -> memref<100000x16xf32, #tpu.memory_space<hbm>>
    %dma_wait3A_973 = arith.constant 0 : i32
    %dma_wait3A_974 = arith.constant 0 : i32
    %dma_wait3A_975 = tpu.memref_slice %dma_wait3A_972[%dma_wait3A_973, %dma_wait3A_974] : memref<100000x16xf32, #tpu.memory_space<hbm>> -> memref<100000x16xf32, #tpu.memory_space<hbm>>
    tpu.wait_indirect_dma semaphore(%arg7 : memref<!tpu.dma_semaphore, #tpu.memory_space<semaphore_mem>>) src(%dma_wait3A_975 : memref<100000x16xf32, #tpu.memory_space<hbm>>) dst(%dma_wait3A_966 : memref<80x16xf32, #tpu.memory_space<vmem>>)
    %dma_wait3A_976 = arith.constant 1 : i32
    %dma_wait3A_977 = arith.constant 1 : i32
    %dma_wait3A_978 = arith.constant 400 : i32
    %dma_wait3A_979 = arith.constant 0 : i32
    %dma_wait3A_980 = tpu.memref_slice %arg6[%dma_wait3A_977, %dma_wait3A_978, %dma_wait3A_979] : memref<2x1600x16xf32, #tpu.memory_space<vmem>> -> memref<1x80x16xf32, #tpu.memory_space<vmem>>
    %dma_wait3A_981 = tpu.memref_squeeze %dma_wait3A_980 : memref<1x80x16xf32, #tpu.memory_space<vmem>> -> memref<80x16xf32, #tpu.memory_space<vmem>>
    %dma_wait3A_982 = arith.constant 400 : i32
    %dma_wait3A_983 = tpu.memref_slice %arg5[%dma_wait3A_982] : memref<1600xi32, #tpu.memory_space<vmem>> -> memref<80xi32, #tpu.memory_space<vmem>>
    %dma_wait3A_984 = arith.constant 0 : i32
    %dma_wait3A_985 = arith.constant 0 : i32
    %dma_wait3A_986 = tpu.memref_slice %arg2[%dma_wait3A_976, %dma_wait3A_984, %dma_wait3A_985] : memref<2x100000x16xf32, #tpu.memory_space<hbm>> -> memref<1x100000x16xf32, #tpu.memory_space<hbm>>
    %dma_wait3A_987 = tpu.memref_squeeze %dma_wait3A_986 : memref<1x100000x16xf32, #tpu.memory_space<hbm>> -> memref<100000x16xf32, #tpu.memory_space<hbm>>
    %dma_wait3A_988 = arith.constant 0 : i32
    %dma_wait3A_989 = arith.constant 0 : i32
    %dma_wait3A_990 = tpu.memref_slice %dma_wait3A_987[%dma_wait3A_988, %dma_wait3A_989] : memref<100000x16xf32, #tpu.memory_space<hbm>> -> memref<100000x16xf32, #tpu.memory_space<hbm>>
    tpu.wait_indirect_dma semaphore(%arg7 : memref<!tpu.dma_semaphore, #tpu.memory_space<semaphore_mem>>) src(%dma_wait3A_990 : memref<100000x16xf32, #tpu.memory_space<hbm>>) dst(%dma_wait3A_981 : memref<80x16xf32, #tpu.memory_space<vmem>>)
    %dma_wait3A_991 = arith.constant 1 : i32
    %dma_wait3A_992 = arith.constant 1 : i32
    %dma_wait3A_993 = arith.constant 480 : i32
    %dma_wait3A_994 = arith.constant 0 : i32
    %dma_wait3A_995 = tpu.memref_slice %arg6[%dma_wait3A_992, %dma_wait3A_993, %dma_wait3A_994] : memref<2x1600x16xf32, #tpu.memory_space<vmem>> -> memref<1x80x16xf32, #tpu.memory_space<vmem>>
    %dma_wait3A_996 = tpu.memref_squeeze %dma_wait3A_995 : memref<1x80x16xf32, #tpu.memory_space<vmem>> -> memref<80x16xf32, #tpu.memory_space<vmem>>
    %dma_wait3A_997 = arith.constant 480 : i32
    %dma_wait3A_998 = tpu.memref_slice %arg5[%dma_wait3A_997] : memref<1600xi32, #tpu.memory_space<vmem>> -> memref<80xi32, #tpu.memory_space<vmem>>
    %dma_wait3A_999 = arith.constant 0 : i32
    %dma_wait3A_1000 = arith.constant 0 : i32
    %dma_wait3A_1001 = tpu.memref_slice %arg2[%dma_wait3A_991, %dma_wait3A_999, %dma_wait3A_1000] : memref<2x100000x16xf32, #tpu.memory_space<hbm>> -> memref<1x100000x16xf32, #tpu.memory_space<hbm>>
    %dma_wait3A_1002 = tpu.memref_squeeze %dma_wait3A_1001 : memref<1x100000x16xf32, #tpu.memory_space<hbm>> -> memref<100000x16xf32, #tpu.memory_space<hbm>>
    %dma_wait3A_1003 = arith.constant 0 : i32
    %dma_wait3A_1004 = arith.constant 0 : i32
    %dma_wait3A_1005 = tpu.memref_slice %dma_wait3A_1002[%dma_wait3A_1003, %dma_wait3A_1004] : memref<100000x16xf32, #tpu.memory_space<hbm>> -> memref<100000x16xf32, #tpu.memory_space<hbm>>
    tpu.wait_indirect_dma semaphore(%arg7 : memref<!tpu.dma_semaphore, #tpu.memory_space<semaphore_mem>>) src(%dma_wait3A_1005 : memref<100000x16xf32, #tpu.memory_space<hbm>>) dst(%dma_wait3A_996 : memref<80x16xf32, #tpu.memory_space<vmem>>)
    %dma_wait3A_1006 = arith.constant 1 : i32
    %dma_wait3A_1007 = arith.constant 1 : i32
    %dma_wait3A_1008 = arith.constant 560 : i32
    %dma_wait3A_1009 = arith.constant 0 : i32
    %dma_wait3A_1010 = tpu.memref_slice %arg6[%dma_wait3A_1007, %dma_wait3A_1008, %dma_wait3A_1009] : memref<2x1600x16xf32, #tpu.memory_space<vmem>> -> memref<1x80x16xf32, #tpu.memory_space<vmem>>
    %dma_wait3A_1011 = tpu.memref_squeeze %dma_wait3A_1010 : memref<1x80x16xf32, #tpu.memory_space<vmem>> -> memref<80x16xf32, #tpu.memory_space<vmem>>
    %dma_wait3A_1012 = arith.constant 560 : i32
    %dma_wait3A_1013 = tpu.memref_slice %arg5[%dma_wait3A_1012] : memref<1600xi32, #tpu.memory_space<vmem>> -> memref<80xi32, #tpu.memory_space<vmem>>
    %dma_wait3A_1014 = arith.constant 0 : i32
    %dma_wait3A_1015 = arith.constant 0 : i32
    %dma_wait3A_1016 = tpu.memref_slice %arg2[%dma_wait3A_1006, %dma_wait3A_1014, %dma_wait3A_1015] : memref<2x100000x16xf32, #tpu.memory_space<hbm>> -> memref<1x100000x16xf32, #tpu.memory_space<hbm>>
    %dma_wait3A_1017 = tpu.memref_squeeze %dma_wait3A_1016 : memref<1x100000x16xf32, #tpu.memory_space<hbm>> -> memref<100000x16xf32, #tpu.memory_space<hbm>>
    %dma_wait3A_1018 = arith.constant 0 : i32
    %dma_wait3A_1019 = arith.constant 0 : i32
    %dma_wait3A_1020 = tpu.memref_slice %dma_wait3A_1017[%dma_wait3A_1018, %dma_wait3A_1019] : memref<100000x16xf32, #tpu.memory_space<hbm>> -> memref<100000x16xf32, #tpu.memory_space<hbm>>
    tpu.wait_indirect_dma semaphore(%arg7 : memref<!tpu.dma_semaphore, #tpu.memory_space<semaphore_mem>>) src(%dma_wait3A_1020 : memref<100000x16xf32, #tpu.memory_space<hbm>>) dst(%dma_wait3A_1011 : memref<80x16xf32, #tpu.memory_space<vmem>>)
    %dma_wait3A_1021 = arith.constant 1 : i32
    %dma_wait3A_1022 = arith.constant 1 : i32
    %dma_wait3A_1023 = arith.constant 640 : i32
    %dma_wait3A_1024 = arith.constant 0 : i32
    %dma_wait3A_1025 = tpu.memref_slice %arg6[%dma_wait3A_1022, %dma_wait3A_1023, %dma_wait3A_1024] : memref<2x1600x16xf32, #tpu.memory_space<vmem>> -> memref<1x80x16xf32, #tpu.memory_space<vmem>>
    %dma_wait3A_1026 = tpu.memref_squeeze %dma_wait3A_1025 : memref<1x80x16xf32, #tpu.memory_space<vmem>> -> memref<80x16xf32, #tpu.memory_space<vmem>>
    %dma_wait3A_1027 = arith.constant 640 : i32
    %dma_wait3A_1028 = tpu.memref_slice %arg5[%dma_wait3A_1027] : memref<1600xi32, #tpu.memory_space<vmem>> -> memref<80xi32, #tpu.memory_space<vmem>>
    %dma_wait3A_1029 = arith.constant 0 : i32
    %dma_wait3A_1030 = arith.constant 0 : i32
    %dma_wait3A_1031 = tpu.memref_slice %arg2[%dma_wait3A_1021, %dma_wait3A_1029, %dma_wait3A_1030] : memref<2x100000x16xf32, #tpu.memory_space<hbm>> -> memref<1x100000x16xf32, #tpu.memory_space<hbm>>
    %dma_wait3A_1032 = tpu.memref_squeeze %dma_wait3A_1031 : memref<1x100000x16xf32, #tpu.memory_space<hbm>> -> memref<100000x16xf32, #tpu.memory_space<hbm>>
    %dma_wait3A_1033 = arith.constant 0 : i32
    %dma_wait3A_1034 = arith.constant 0 : i32
    %dma_wait3A_1035 = tpu.memref_slice %dma_wait3A_1032[%dma_wait3A_1033, %dma_wait3A_1034] : memref<100000x16xf32, #tpu.memory_space<hbm>> -> memref<100000x16xf32, #tpu.memory_space<hbm>>
    tpu.wait_indirect_dma semaphore(%arg7 : memref<!tpu.dma_semaphore, #tpu.memory_space<semaphore_mem>>) src(%dma_wait3A_1035 : memref<100000x16xf32, #tpu.memory_space<hbm>>) dst(%dma_wait3A_1026 : memref<80x16xf32, #tpu.memory_space<vmem>>)
    %dma_wait3A_1036 = arith.constant 1 : i32
    %dma_wait3A_1037 = arith.constant 1 : i32
    %dma_wait3A_1038 = arith.constant 720 : i32
    %dma_wait3A_1039 = arith.constant 0 : i32
    %dma_wait3A_1040 = tpu.memref_slice %arg6[%dma_wait3A_1037, %dma_wait3A_1038, %dma_wait3A_1039] : memref<2x1600x16xf32, #tpu.memory_space<vmem>> -> memref<1x80x16xf32, #tpu.memory_space<vmem>>
    %dma_wait3A_1041 = tpu.memref_squeeze %dma_wait3A_1040 : memref<1x80x16xf32, #tpu.memory_space<vmem>> -> memref<80x16xf32, #tpu.memory_space<vmem>>
    %dma_wait3A_1042 = arith.constant 720 : i32
    %dma_wait3A_1043 = tpu.memref_slice %arg5[%dma_wait3A_1042] : memref<1600xi32, #tpu.memory_space<vmem>> -> memref<80xi32, #tpu.memory_space<vmem>>
    %dma_wait3A_1044 = arith.constant 0 : i32
    %dma_wait3A_1045 = arith.constant 0 : i32
    %dma_wait3A_1046 = tpu.memref_slice %arg2[%dma_wait3A_1036, %dma_wait3A_1044, %dma_wait3A_1045] : memref<2x100000x16xf32, #tpu.memory_space<hbm>> -> memref<1x100000x16xf32, #tpu.memory_space<hbm>>
    %dma_wait3A_1047 = tpu.memref_squeeze %dma_wait3A_1046 : memref<1x100000x16xf32, #tpu.memory_space<hbm>> -> memref<100000x16xf32, #tpu.memory_space<hbm>>
    %dma_wait3A_1048 = arith.constant 0 : i32
    %dma_wait3A_1049 = arith.constant 0 : i32
    %dma_wait3A_1050 = tpu.memref_slice %dma_wait3A_1047[%dma_wait3A_1048, %dma_wait3A_1049] : memref<100000x16xf32, #tpu.memory_space<hbm>> -> memref<100000x16xf32, #tpu.memory_space<hbm>>
    tpu.wait_indirect_dma semaphore(%arg7 : memref<!tpu.dma_semaphore, #tpu.memory_space<semaphore_mem>>) src(%dma_wait3A_1050 : memref<100000x16xf32, #tpu.memory_space<hbm>>) dst(%dma_wait3A_1041 : memref<80x16xf32, #tpu.memory_space<vmem>>)
    %dma_wait3A_1051 = arith.constant 1 : i32
    %dma_wait3A_1052 = arith.constant 1 : i32
    %dma_wait3A_1053 = arith.constant 800 : i32
    %dma_wait3A_1054 = arith.constant 0 : i32
    %dma_wait3A_1055 = tpu.memref_slice %arg6[%dma_wait3A_1052, %dma_wait3A_1053, %dma_wait3A_1054] : memref<2x1600x16xf32, #tpu.memory_space<vmem>> -> memref<1x80x16xf32, #tpu.memory_space<vmem>>
    %dma_wait3A_1056 = tpu.memref_squeeze %dma_wait3A_1055 : memref<1x80x16xf32, #tpu.memory_space<vmem>> -> memref<80x16xf32, #tpu.memory_space<vmem>>
    %dma_wait3A_1057 = arith.constant 800 : i32
    %dma_wait3A_1058 = tpu.memref_slice %arg5[%dma_wait3A_1057] : memref<1600xi32, #tpu.memory_space<vmem>> -> memref<80xi32, #tpu.memory_space<vmem>>
    %dma_wait3A_1059 = arith.constant 0 : i32
    %dma_wait3A_1060 = arith.constant 0 : i32
    %dma_wait3A_1061 = tpu.memref_slice %arg2[%dma_wait3A_1051, %dma_wait3A_1059, %dma_wait3A_1060] : memref<2x100000x16xf32, #tpu.memory_space<hbm>> -> memref<1x100000x16xf32, #tpu.memory_space<hbm>>
    %dma_wait3A_1062 = tpu.memref_squeeze %dma_wait3A_1061 : memref<1x100000x16xf32, #tpu.memory_space<hbm>> -> memref<100000x16xf32, #tpu.memory_space<hbm>>
    %dma_wait3A_1063 = arith.constant 0 : i32
    %dma_wait3A_1064 = arith.constant 0 : i32
    %dma_wait3A_1065 = tpu.memref_slice %dma_wait3A_1062[%dma_wait3A_1063, %dma_wait3A_1064] : memref<100000x16xf32, #tpu.memory_space<hbm>> -> memref<100000x16xf32, #tpu.memory_space<hbm>>
    tpu.wait_indirect_dma semaphore(%arg7 : memref<!tpu.dma_semaphore, #tpu.memory_space<semaphore_mem>>) src(%dma_wait3A_1065 : memref<100000x16xf32, #tpu.memory_space<hbm>>) dst(%dma_wait3A_1056 : memref<80x16xf32, #tpu.memory_space<vmem>>)
    %dma_wait3A_1066 = arith.constant 1 : i32
    %dma_wait3A_1067 = arith.constant 1 : i32
    %dma_wait3A_1068 = arith.constant 880 : i32
    %dma_wait3A_1069 = arith.constant 0 : i32
    %dma_wait3A_1070 = tpu.memref_slice %arg6[%dma_wait3A_1067, %dma_wait3A_1068, %dma_wait3A_1069] : memref<2x1600x16xf32, #tpu.memory_space<vmem>> -> memref<1x80x16xf32, #tpu.memory_space<vmem>>
    %dma_wait3A_1071 = tpu.memref_squeeze %dma_wait3A_1070 : memref<1x80x16xf32, #tpu.memory_space<vmem>> -> memref<80x16xf32, #tpu.memory_space<vmem>>
    %dma_wait3A_1072 = arith.constant 880 : i32
    %dma_wait3A_1073 = tpu.memref_slice %arg5[%dma_wait3A_1072] : memref<1600xi32, #tpu.memory_space<vmem>> -> memref<80xi32, #tpu.memory_space<vmem>>
    %dma_wait3A_1074 = arith.constant 0 : i32
    %dma_wait3A_1075 = arith.constant 0 : i32
    %dma_wait3A_1076 = tpu.memref_slice %arg2[%dma_wait3A_1066, %dma_wait3A_1074, %dma_wait3A_1075] : memref<2x100000x16xf32, #tpu.memory_space<hbm>> -> memref<1x100000x16xf32, #tpu.memory_space<hbm>>
    %dma_wait3A_1077 = tpu.memref_squeeze %dma_wait3A_1076 : memref<1x100000x16xf32, #tpu.memory_space<hbm>> -> memref<100000x16xf32, #tpu.memory_space<hbm>>
    %dma_wait3A_1078 = arith.constant 0 : i32
    %dma_wait3A_1079 = arith.constant 0 : i32
    %dma_wait3A_1080 = tpu.memref_slice %dma_wait3A_1077[%dma_wait3A_1078, %dma_wait3A_1079] : memref<100000x16xf32, #tpu.memory_space<hbm>> -> memref<100000x16xf32, #tpu.memory_space<hbm>>
    tpu.wait_indirect_dma semaphore(%arg7 : memref<!tpu.dma_semaphore, #tpu.memory_space<semaphore_mem>>) src(%dma_wait3A_1080 : memref<100000x16xf32, #tpu.memory_space<hbm>>) dst(%dma_wait3A_1071 : memref<80x16xf32, #tpu.memory_space<vmem>>)
    %dma_wait3A_1081 = arith.constant 1 : i32
    %dma_wait3A_1082 = arith.constant 1 : i32
    %dma_wait3A_1083 = arith.constant 960 : i32
    %dma_wait3A_1084 = arith.constant 0 : i32
    %dma_wait3A_1085 = tpu.memref_slice %arg6[%dma_wait3A_1082, %dma_wait3A_1083, %dma_wait3A_1084] : memref<2x1600x16xf32, #tpu.memory_space<vmem>> -> memref<1x80x16xf32, #tpu.memory_space<vmem>>
    %dma_wait3A_1086 = tpu.memref_squeeze %dma_wait3A_1085 : memref<1x80x16xf32, #tpu.memory_space<vmem>> -> memref<80x16xf32, #tpu.memory_space<vmem>>
    %dma_wait3A_1087 = arith.constant 960 : i32
    %dma_wait3A_1088 = tpu.memref_slice %arg5[%dma_wait3A_1087] : memref<1600xi32, #tpu.memory_space<vmem>> -> memref<80xi32, #tpu.memory_space<vmem>>
    %dma_wait3A_1089 = arith.constant 0 : i32
    %dma_wait3A_1090 = arith.constant 0 : i32
    %dma_wait3A_1091 = tpu.memref_slice %arg2[%dma_wait3A_1081, %dma_wait3A_1089, %dma_wait3A_1090] : memref<2x100000x16xf32, #tpu.memory_space<hbm>> -> memref<1x100000x16xf32, #tpu.memory_space<hbm>>
    %dma_wait3A_1092 = tpu.memref_squeeze %dma_wait3A_1091 : memref<1x100000x16xf32, #tpu.memory_space<hbm>> -> memref<100000x16xf32, #tpu.memory_space<hbm>>
    %dma_wait3A_1093 = arith.constant 0 : i32
    %dma_wait3A_1094 = arith.constant 0 : i32
    %dma_wait3A_1095 = tpu.memref_slice %dma_wait3A_1092[%dma_wait3A_1093, %dma_wait3A_1094] : memref<100000x16xf32, #tpu.memory_space<hbm>> -> memref<100000x16xf32, #tpu.memory_space<hbm>>
    tpu.wait_indirect_dma semaphore(%arg7 : memref<!tpu.dma_semaphore, #tpu.memory_space<semaphore_mem>>) src(%dma_wait3A_1095 : memref<100000x16xf32, #tpu.memory_space<hbm>>) dst(%dma_wait3A_1086 : memref<80x16xf32, #tpu.memory_space<vmem>>)
    %dma_wait3A_1096 = arith.constant 1 : i32
    %dma_wait3A_1097 = arith.constant 1 : i32
    %dma_wait3A_1098 = arith.constant 1040 : i32
    %dma_wait3A_1099 = arith.constant 0 : i32
    %dma_wait3A_1100 = tpu.memref_slice %arg6[%dma_wait3A_1097, %dma_wait3A_1098, %dma_wait3A_1099] : memref<2x1600x16xf32, #tpu.memory_space<vmem>> -> memref<1x80x16xf32, #tpu.memory_space<vmem>>
    %dma_wait3A_1101 = tpu.memref_squeeze %dma_wait3A_1100 : memref<1x80x16xf32, #tpu.memory_space<vmem>> -> memref<80x16xf32, #tpu.memory_space<vmem>>
    %dma_wait3A_1102 = arith.constant 1040 : i32
    %dma_wait3A_1103 = tpu.memref_slice %arg5[%dma_wait3A_1102] : memref<1600xi32, #tpu.memory_space<vmem>> -> memref<80xi32, #tpu.memory_space<vmem>>
    %dma_wait3A_1104 = arith.constant 0 : i32
    %dma_wait3A_1105 = arith.constant 0 : i32
    %dma_wait3A_1106 = tpu.memref_slice %arg2[%dma_wait3A_1096, %dma_wait3A_1104, %dma_wait3A_1105] : memref<2x100000x16xf32, #tpu.memory_space<hbm>> -> memref<1x100000x16xf32, #tpu.memory_space<hbm>>
    %dma_wait3A_1107 = tpu.memref_squeeze %dma_wait3A_1106 : memref<1x100000x16xf32, #tpu.memory_space<hbm>> -> memref<100000x16xf32, #tpu.memory_space<hbm>>
    %dma_wait3A_1108 = arith.constant 0 : i32
    %dma_wait3A_1109 = arith.constant 0 : i32
    %dma_wait3A_1110 = tpu.memref_slice %dma_wait3A_1107[%dma_wait3A_1108, %dma_wait3A_1109] : memref<100000x16xf32, #tpu.memory_space<hbm>> -> memref<100000x16xf32, #tpu.memory_space<hbm>>
    tpu.wait_indirect_dma semaphore(%arg7 : memref<!tpu.dma_semaphore, #tpu.memory_space<semaphore_mem>>) src(%dma_wait3A_1110 : memref<100000x16xf32, #tpu.memory_space<hbm>>) dst(%dma_wait3A_1101 : memref<80x16xf32, #tpu.memory_space<vmem>>)
    %dma_wait3A_1111 = arith.constant 1 : i32
    %dma_wait3A_1112 = arith.constant 1 : i32
    %dma_wait3A_1113 = arith.constant 1120 : i32
    %dma_wait3A_1114 = arith.constant 0 : i32
    %dma_wait3A_1115 = tpu.memref_slice %arg6[%dma_wait3A_1112, %dma_wait3A_1113, %dma_wait3A_1114] : memref<2x1600x16xf32, #tpu.memory_space<vmem>> -> memref<1x80x16xf32, #tpu.memory_space<vmem>>
    %dma_wait3A_1116 = tpu.memref_squeeze %dma_wait3A_1115 : memref<1x80x16xf32, #tpu.memory_space<vmem>> -> memref<80x16xf32, #tpu.memory_space<vmem>>
    %dma_wait3A_1117 = arith.constant 1120 : i32
    %dma_wait3A_1118 = tpu.memref_slice %arg5[%dma_wait3A_1117] : memref<1600xi32, #tpu.memory_space<vmem>> -> memref<80xi32, #tpu.memory_space<vmem>>
    %dma_wait3A_1119 = arith.constant 0 : i32
    %dma_wait3A_1120 = arith.constant 0 : i32
    %dma_wait3A_1121 = tpu.memref_slice %arg2[%dma_wait3A_1111, %dma_wait3A_1119, %dma_wait3A_1120] : memref<2x100000x16xf32, #tpu.memory_space<hbm>> -> memref<1x100000x16xf32, #tpu.memory_space<hbm>>
    %dma_wait3A_1122 = tpu.memref_squeeze %dma_wait3A_1121 : memref<1x100000x16xf32, #tpu.memory_space<hbm>> -> memref<100000x16xf32, #tpu.memory_space<hbm>>
    %dma_wait3A_1123 = arith.constant 0 : i32
    %dma_wait3A_1124 = arith.constant 0 : i32
    %dma_wait3A_1125 = tpu.memref_slice %dma_wait3A_1122[%dma_wait3A_1123, %dma_wait3A_1124] : memref<100000x16xf32, #tpu.memory_space<hbm>> -> memref<100000x16xf32, #tpu.memory_space<hbm>>
    tpu.wait_indirect_dma semaphore(%arg7 : memref<!tpu.dma_semaphore, #tpu.memory_space<semaphore_mem>>) src(%dma_wait3A_1125 : memref<100000x16xf32, #tpu.memory_space<hbm>>) dst(%dma_wait3A_1116 : memref<80x16xf32, #tpu.memory_space<vmem>>)
    %dma_wait3A_1126 = arith.constant 1 : i32
    %dma_wait3A_1127 = arith.constant 1 : i32
    %dma_wait3A_1128 = arith.constant 1200 : i32
    %dma_wait3A_1129 = arith.constant 0 : i32
    %dma_wait3A_1130 = tpu.memref_slice %arg6[%dma_wait3A_1127, %dma_wait3A_1128, %dma_wait3A_1129] : memref<2x1600x16xf32, #tpu.memory_space<vmem>> -> memref<1x80x16xf32, #tpu.memory_space<vmem>>
    %dma_wait3A_1131 = tpu.memref_squeeze %dma_wait3A_1130 : memref<1x80x16xf32, #tpu.memory_space<vmem>> -> memref<80x16xf32, #tpu.memory_space<vmem>>
    %dma_wait3A_1132 = arith.constant 1200 : i32
    %dma_wait3A_1133 = tpu.memref_slice %arg5[%dma_wait3A_1132] : memref<1600xi32, #tpu.memory_space<vmem>> -> memref<80xi32, #tpu.memory_space<vmem>>
    %dma_wait3A_1134 = arith.constant 0 : i32
    %dma_wait3A_1135 = arith.constant 0 : i32
    %dma_wait3A_1136 = tpu.memref_slice %arg2[%dma_wait3A_1126, %dma_wait3A_1134, %dma_wait3A_1135] : memref<2x100000x16xf32, #tpu.memory_space<hbm>> -> memref<1x100000x16xf32, #tpu.memory_space<hbm>>
    %dma_wait3A_1137 = tpu.memref_squeeze %dma_wait3A_1136 : memref<1x100000x16xf32, #tpu.memory_space<hbm>> -> memref<100000x16xf32, #tpu.memory_space<hbm>>
    %dma_wait3A_1138 = arith.constant 0 : i32
    %dma_wait3A_1139 = arith.constant 0 : i32
    %dma_wait3A_1140 = tpu.memref_slice %dma_wait3A_1137[%dma_wait3A_1138, %dma_wait3A_1139] : memref<100000x16xf32, #tpu.memory_space<hbm>> -> memref<100000x16xf32, #tpu.memory_space<hbm>>
    tpu.wait_indirect_dma semaphore(%arg7 : memref<!tpu.dma_semaphore, #tpu.memory_space<semaphore_mem>>) src(%dma_wait3A_1140 : memref<100000x16xf32, #tpu.memory_space<hbm>>) dst(%dma_wait3A_1131 : memref<80x16xf32, #tpu.memory_space<vmem>>)
    %dma_wait3A_1141 = arith.constant 1 : i32
    %dma_wait3A_1142 = arith.constant 1 : i32
    %dma_wait3A_1143 = arith.constant 1280 : i32
    %dma_wait3A_1144 = arith.constant 0 : i32
    %dma_wait3A_1145 = tpu.memref_slice %arg6[%dma_wait3A_1142, %dma_wait3A_1143, %dma_wait3A_1144] : memref<2x1600x16xf32, #tpu.memory_space<vmem>> -> memref<1x80x16xf32, #tpu.memory_space<vmem>>
    %dma_wait3A_1146 = tpu.memref_squeeze %dma_wait3A_1145 : memref<1x80x16xf32, #tpu.memory_space<vmem>> -> memref<80x16xf32, #tpu.memory_space<vmem>>
    %dma_wait3A_1147 = arith.constant 1280 : i32
    %dma_wait3A_1148 = tpu.memref_slice %arg5[%dma_wait3A_1147] : memref<1600xi32, #tpu.memory_space<vmem>> -> memref<80xi32, #tpu.memory_space<vmem>>
    %dma_wait3A_1149 = arith.constant 0 : i32
    %dma_wait3A_1150 = arith.constant 0 : i32
    %dma_wait3A_1151 = tpu.memref_slice %arg2[%dma_wait3A_1141, %dma_wait3A_1149, %dma_wait3A_1150] : memref<2x100000x16xf32, #tpu.memory_space<hbm>> -> memref<1x100000x16xf32, #tpu.memory_space<hbm>>
    %dma_wait3A_1152 = tpu.memref_squeeze %dma_wait3A_1151 : memref<1x100000x16xf32, #tpu.memory_space<hbm>> -> memref<100000x16xf32, #tpu.memory_space<hbm>>
    %dma_wait3A_1153 = arith.constant 0 : i32
    %dma_wait3A_1154 = arith.constant 0 : i32
    %dma_wait3A_1155 = tpu.memref_slice %dma_wait3A_1152[%dma_wait3A_1153, %dma_wait3A_1154] : memref<100000x16xf32, #tpu.memory_space<hbm>> -> memref<100000x16xf32, #tpu.memory_space<hbm>>
    tpu.wait_indirect_dma semaphore(%arg7 : memref<!tpu.dma_semaphore, #tpu.memory_space<semaphore_mem>>) src(%dma_wait3A_1155 : memref<100000x16xf32, #tpu.memory_space<hbm>>) dst(%dma_wait3A_1146 : memref<80x16xf32, #tpu.memory_space<vmem>>)
    %dma_wait3A_1156 = arith.constant 1 : i32
    %dma_wait3A_1157 = arith.constant 1 : i32
    %dma_wait3A_1158 = arith.constant 1360 : i32
    %dma_wait3A_1159 = arith.constant 0 : i32
    %dma_wait3A_1160 = tpu.memref_slice %arg6[%dma_wait3A_1157, %dma_wait3A_1158, %dma_wait3A_1159] : memref<2x1600x16xf32, #tpu.memory_space<vmem>> -> memref<1x80x16xf32, #tpu.memory_space<vmem>>
    %dma_wait3A_1161 = tpu.memref_squeeze %dma_wait3A_1160 : memref<1x80x16xf32, #tpu.memory_space<vmem>> -> memref<80x16xf32, #tpu.memory_space<vmem>>
    %dma_wait3A_1162 = arith.constant 1360 : i32
    %dma_wait3A_1163 = tpu.memref_slice %arg5[%dma_wait3A_1162] : memref<1600xi32, #tpu.memory_space<vmem>> -> memref<80xi32, #tpu.memory_space<vmem>>
    %dma_wait3A_1164 = arith.constant 0 : i32
    %dma_wait3A_1165 = arith.constant 0 : i32
    %dma_wait3A_1166 = tpu.memref_slice %arg2[%dma_wait3A_1156, %dma_wait3A_1164, %dma_wait3A_1165] : memref<2x100000x16xf32, #tpu.memory_space<hbm>> -> memref<1x100000x16xf32, #tpu.memory_space<hbm>>
    %dma_wait3A_1167 = tpu.memref_squeeze %dma_wait3A_1166 : memref<1x100000x16xf32, #tpu.memory_space<hbm>> -> memref<100000x16xf32, #tpu.memory_space<hbm>>
    %dma_wait3A_1168 = arith.constant 0 : i32
    %dma_wait3A_1169 = arith.constant 0 : i32
    %dma_wait3A_1170 = tpu.memref_slice %dma_wait3A_1167[%dma_wait3A_1168, %dma_wait3A_1169] : memref<100000x16xf32, #tpu.memory_space<hbm>> -> memref<100000x16xf32, #tpu.memory_space<hbm>>
    tpu.wait_indirect_dma semaphore(%arg7 : memref<!tpu.dma_semaphore, #tpu.memory_space<semaphore_mem>>) src(%dma_wait3A_1170 : memref<100000x16xf32, #tpu.memory_space<hbm>>) dst(%dma_wait3A_1161 : memref<80x16xf32, #tpu.memory_space<vmem>>)
    %dma_wait3A_1171 = arith.constant 1 : i32
    %dma_wait3A_1172 = arith.constant 1 : i32
    %dma_wait3A_1173 = arith.constant 1440 : i32
    %dma_wait3A_1174 = arith.constant 0 : i32
    %dma_wait3A_1175 = tpu.memref_slice %arg6[%dma_wait3A_1172, %dma_wait3A_1173, %dma_wait3A_1174] : memref<2x1600x16xf32, #tpu.memory_space<vmem>> -> memref<1x80x16xf32, #tpu.memory_space<vmem>>
    %dma_wait3A_1176 = tpu.memref_squeeze %dma_wait3A_1175 : memref<1x80x16xf32, #tpu.memory_space<vmem>> -> memref<80x16xf32, #tpu.memory_space<vmem>>
    %dma_wait3A_1177 = arith.constant 1440 : i32
    %dma_wait3A_1178 = tpu.memref_slice %arg5[%dma_wait3A_1177] : memref<1600xi32, #tpu.memory_space<vmem>> -> memref<80xi32, #tpu.memory_space<vmem>>
    %dma_wait3A_1179 = arith.constant 0 : i32
    %dma_wait3A_1180 = arith.constant 0 : i32
    %dma_wait3A_1181 = tpu.memref_slice %arg2[%dma_wait3A_1171, %dma_wait3A_1179, %dma_wait3A_1180] : memref<2x100000x16xf32, #tpu.memory_space<hbm>> -> memref<1x100000x16xf32, #tpu.memory_space<hbm>>
    %dma_wait3A_1182 = tpu.memref_squeeze %dma_wait3A_1181 : memref<1x100000x16xf32, #tpu.memory_space<hbm>> -> memref<100000x16xf32, #tpu.memory_space<hbm>>
    %dma_wait3A_1183 = arith.constant 0 : i32
    %dma_wait3A_1184 = arith.constant 0 : i32
    %dma_wait3A_1185 = tpu.memref_slice %dma_wait3A_1182[%dma_wait3A_1183, %dma_wait3A_1184] : memref<100000x16xf32, #tpu.memory_space<hbm>> -> memref<100000x16xf32, #tpu.memory_space<hbm>>
    tpu.wait_indirect_dma semaphore(%arg7 : memref<!tpu.dma_semaphore, #tpu.memory_space<semaphore_mem>>) src(%dma_wait3A_1185 : memref<100000x16xf32, #tpu.memory_space<hbm>>) dst(%dma_wait3A_1176 : memref<80x16xf32, #tpu.memory_space<vmem>>)
    %dma_wait3A_1186 = arith.constant 1 : i32
    %dma_wait3A_1187 = arith.constant 1 : i32
    %dma_wait3A_1188 = arith.constant 1520 : i32
    %dma_wait3A_1189 = arith.constant 0 : i32
    %dma_wait3A_1190 = tpu.memref_slice %arg6[%dma_wait3A_1187, %dma_wait3A_1188, %dma_wait3A_1189] : memref<2x1600x16xf32, #tpu.memory_space<vmem>> -> memref<1x80x16xf32, #tpu.memory_space<vmem>>
    %dma_wait3A_1191 = tpu.memref_squeeze %dma_wait3A_1190 : memref<1x80x16xf32, #tpu.memory_space<vmem>> -> memref<80x16xf32, #tpu.memory_space<vmem>>
    %dma_wait3A_1192 = arith.constant 1520 : i32
    %dma_wait3A_1193 = tpu.memref_slice %arg5[%dma_wait3A_1192] : memref<1600xi32, #tpu.memory_space<vmem>> -> memref<80xi32, #tpu.memory_space<vmem>>
    %dma_wait3A_1194 = arith.constant 0 : i32
    %dma_wait3A_1195 = arith.constant 0 : i32
    %dma_wait3A_1196 = tpu.memref_slice %arg2[%dma_wait3A_1186, %dma_wait3A_1194, %dma_wait3A_1195] : memref<2x100000x16xf32, #tpu.memory_space<hbm>> -> memref<1x100000x16xf32, #tpu.memory_space<hbm>>
    %dma_wait3A_1197 = tpu.memref_squeeze %dma_wait3A_1196 : memref<1x100000x16xf32, #tpu.memory_space<hbm>> -> memref<100000x16xf32, #tpu.memory_space<hbm>>
    %dma_wait3A_1198 = arith.constant 0 : i32
    %dma_wait3A_1199 = arith.constant 0 : i32
    %dma_wait3A_1200 = tpu.memref_slice %dma_wait3A_1197[%dma_wait3A_1198, %dma_wait3A_1199] : memref<100000x16xf32, #tpu.memory_space<hbm>> -> memref<100000x16xf32, #tpu.memory_space<hbm>>
    tpu.wait_indirect_dma semaphore(%arg7 : memref<!tpu.dma_semaphore, #tpu.memory_space<semaphore_mem>>) src(%dma_wait3A_1200 : memref<100000x16xf32, #tpu.memory_space<hbm>>) dst(%dma_wait3A_1191 : memref<80x16xf32, #tpu.memory_space<vmem>>)
    %run_scoped3A = arith.constant 0 : i32
    %run_scoped3A_1201 = arith.constant 0 : i32
    "tpu.region"() ({
      %run_scoped3A_1204 = tpu.sem_alloc : memref<!tpu.dma_semaphore, #tpu.memory_space<semaphore_mem>>
      %dma_start3A_1205 = arith.constant 0 : i32
      %dma_start3A_1206 = arith.constant 0 : i32
      %dma_start3A_1207 = tpu.memref_slice %arg6[%run_scoped3A, %dma_start3A_1205, %dma_start3A_1206] : memref<2x1600x16xf32, #tpu.memory_space<vmem>> -> memref<1x1600x16xf32, #tpu.memory_space<vmem>>
      %dma_start3A_1208 = tpu.memref_squeeze %dma_start3A_1207 : memref<1x1600x16xf32, #tpu.memory_space<vmem>> -> memref<1600x16xf32, #tpu.memory_space<vmem>>
      %dma_start3A_1209 = arith.constant 0 : i32
      %dma_start3A_1210 = tpu.memref_slice %arg4[%run_scoped3A_1201, %mul3A_2, %dma_start3A_1209] : memref<2x51200x16xf32, #tpu.memory_space<hbm>> -> memref<1x1600x16xf32, #tpu.memory_space<hbm>>
      %dma_start3A_1211 = tpu.memref_squeeze %dma_start3A_1210 : memref<1x1600x16xf32, #tpu.memory_space<hbm>> -> memref<1600x16xf32, #tpu.memory_space<hbm>>
      %dma_start3A_1212 = arith.constant 0 : i32
      %dma_start3A_1213 = tpu.memref_slice %arg4[%run_scoped3A_1201, %mul3A_2, %dma_start3A_1212] : memref<2x51200x16xf32, #tpu.memory_space<hbm>> -> memref<1x1600x16xf32, #tpu.memory_space<hbm>>
      %dma_start3A_1214 = tpu.memref_squeeze %dma_start3A_1213 : memref<1x1600x16xf32, #tpu.memory_space<hbm>> -> memref<1600x16xf32, #tpu.memory_space<hbm>>
      %dma_start3A_1215 = arith.constant 0 : i32
      %dma_start3A_1216 = arith.constant 0 : i32
      %dma_start3A_1217 = tpu.memref_slice %arg6[%run_scoped3A, %dma_start3A_1215, %dma_start3A_1216] : memref<2x1600x16xf32, #tpu.memory_space<vmem>> -> memref<1x1600x16xf32, #tpu.memory_space<vmem>>
      %dma_start3A_1218 = tpu.memref_squeeze %dma_start3A_1217 : memref<1x1600x16xf32, #tpu.memory_space<vmem>> -> memref<1600x16xf32, #tpu.memory_space<vmem>>
      tpu.enqueue_dma source(%dma_start3A_1218 : memref<1600x16xf32, #tpu.memory_space<vmem>>) target(%dma_start3A_1214 : memref<1600x16xf32, #tpu.memory_space<hbm>>) target_semaphore(%run_scoped3A_1204 : memref<!tpu.dma_semaphore, #tpu.memory_space<semaphore_mem>>)
      %dma_wait3A_1219 = arith.constant 0 : i32
      %dma_wait3A_1220 = arith.constant 0 : i32
      %dma_wait3A_1221 = tpu.memref_slice %arg6[%run_scoped3A, %dma_wait3A_1219, %dma_wait3A_1220] : memref<2x1600x16xf32, #tpu.memory_space<vmem>> -> memref<1x1600x16xf32, #tpu.memory_space<vmem>>
      %dma_wait3A_1222 = tpu.memref_squeeze %dma_wait3A_1221 : memref<1x1600x16xf32, #tpu.memory_space<vmem>> -> memref<1600x16xf32, #tpu.memory_space<vmem>>
      %dma_wait3A_1223 = arith.constant 0 : i32
      %dma_wait3A_1224 = tpu.memref_slice %arg4[%run_scoped3A_1201, %mul3A_2, %dma_wait3A_1223] : memref<2x51200x16xf32, #tpu.memory_space<hbm>> -> memref<1x1600x16xf32, #tpu.memory_space<hbm>>
      %dma_wait3A_1225 = tpu.memref_squeeze %dma_wait3A_1224 : memref<1x1600x16xf32, #tpu.memory_space<hbm>> -> memref<1600x16xf32, #tpu.memory_space<hbm>>
      %dma_wait3A_1226 = arith.constant 0 : i32
      %dma_wait3A_1227 = tpu.memref_slice %arg4[%run_scoped3A_1201, %mul3A_2, %dma_wait3A_1226] : memref<2x51200x16xf32, #tpu.memory_space<hbm>> -> memref<1x1600x16xf32, #tpu.memory_space<hbm>>
      %dma_wait3A_1228 = tpu.memref_squeeze %dma_wait3A_1227 : memref<1x1600x16xf32, #tpu.memory_space<hbm>> -> memref<1600x16xf32, #tpu.memory_space<hbm>>
      %dma_wait3A_1229 = arith.constant 0 : i32
      %dma_wait3A_1230 = arith.constant 0 : i32
      %dma_wait3A_1231 = tpu.memref_slice %arg6[%run_scoped3A, %dma_wait3A_1229, %dma_wait3A_1230] : memref<2x1600x16xf32, #tpu.memory_space<vmem>> -> memref<1x1600x16xf32, #tpu.memory_space<vmem>>
      %dma_wait3A_1232 = tpu.memref_squeeze %dma_wait3A_1231 : memref<1x1600x16xf32, #tpu.memory_space<vmem>> -> memref<1600x16xf32, #tpu.memory_space<vmem>>
      tpu.wait_dma2 semaphore(%run_scoped3A_1204 : memref<!tpu.dma_semaphore, #tpu.memory_space<semaphore_mem>>) src(%dma_wait3A_1232 : memref<1600x16xf32, #tpu.memory_space<vmem>>) dst(%dma_wait3A_1228 : memref<1600x16xf32, #tpu.memory_space<hbm>>)
      tpu.yield
    }) : () -> ()
    %run_scoped3A_1202 = arith.constant 1 : i32
    %run_scoped3A_1203 = arith.constant 1 : i32
    "tpu.region"() ({
      %run_scoped3A_1204 = tpu.sem_alloc : memref<!tpu.dma_semaphore, #tpu.memory_space<semaphore_mem>>
      %dma_start3A_1205 = arith.constant 0 : i32
      %dma_start3A_1206 = arith.constant 0 : i32
      %dma_start3A_1207 = tpu.memref_slice %arg6[%run_scoped3A_1202, %dma_start3A_1205, %dma_start3A_1206] : memref<2x1600x16xf32, #tpu.memory_space<vmem>> -> memref<1x1600x16xf32, #tpu.memory_space<vmem>>
      %dma_start3A_1208 = tpu.memref_squeeze %dma_start3A_1207 : memref<1x1600x16xf32, #tpu.memory_space<vmem>> -> memref<1600x16xf32, #tpu.memory_space<vmem>>
      %dma_start3A_1209 = arith.constant 0 : i32
      %dma_start3A_1210 = tpu.memref_slice %arg4[%run_scoped3A_1203, %mul3A_2, %dma_start3A_1209] : memref<2x51200x16xf32, #tpu.memory_space<hbm>> -> memref<1x1600x16xf32, #tpu.memory_space<hbm>>
      %dma_start3A_1211 = tpu.memref_squeeze %dma_start3A_1210 : memref<1x1600x16xf32, #tpu.memory_space<hbm>> -> memref<1600x16xf32, #tpu.memory_space<hbm>>
      %dma_start3A_1212 = arith.constant 0 : i32
      %dma_start3A_1213 = tpu.memref_slice %arg4[%run_scoped3A_1203, %mul3A_2, %dma_start3A_1212] : memref<2x51200x16xf32, #tpu.memory_space<hbm>> -> memref<1x1600x16xf32, #tpu.memory_space<hbm>>
      %dma_start3A_1214 = tpu.memref_squeeze %dma_start3A_1213 : memref<1x1600x16xf32, #tpu.memory_space<hbm>> -> memref<1600x16xf32, #tpu.memory_space<hbm>>
      %dma_start3A_1215 = arith.constant 0 : i32
      %dma_start3A_1216 = arith.constant 0 : i32
      %dma_start3A_1217 = tpu.memref_slice %arg6[%run_scoped3A_1202, %dma_start3A_1215, %dma_start3A_1216] : memref<2x1600x16xf32, #tpu.memory_space<vmem>> -> memref<1x1600x16xf32, #tpu.memory_space<vmem>>
      %dma_start3A_1218 = tpu.memref_squeeze %dma_start3A_1217 : memref<1x1600x16xf32, #tpu.memory_space<vmem>> -> memref<1600x16xf32, #tpu.memory_space<vmem>>
      tpu.enqueue_dma source(%dma_start3A_1218 : memref<1600x16xf32, #tpu.memory_space<vmem>>) target(%dma_start3A_1214 : memref<1600x16xf32, #tpu.memory_space<hbm>>) target_semaphore(%run_scoped3A_1204 : memref<!tpu.dma_semaphore, #tpu.memory_space<semaphore_mem>>)
      %dma_wait3A_1219 = arith.constant 0 : i32
      %dma_wait3A_1220 = arith.constant 0 : i32
      %dma_wait3A_1221 = tpu.memref_slice %arg6[%run_scoped3A_1202, %dma_wait3A_1219, %dma_wait3A_1220] : memref<2x1600x16xf32, #tpu.memory_space<vmem>> -> memref<1x1600x16xf32, #tpu.memory_space<vmem>>
      %dma_wait3A_1222 = tpu.memref_squeeze %dma_wait3A_1221 : memref<1x1600x16xf32, #tpu.memory_space<vmem>> -> memref<1600x16xf32, #tpu.memory_space<vmem>>
      %dma_wait3A_1223 = arith.constant 0 : i32
      %dma_wait3A_1224 = tpu.memref_slice %arg4[%run_scoped3A_1203, %mul3A_2, %dma_wait3A_1223] : memref<2x51200x16xf32, #tpu.memory_space<hbm>> -> memref<1x1600x16xf32, #tpu.memory_space<hbm>>
      %dma_wait3A_1225 = tpu.memref_squeeze %dma_wait3A_1224 : memref<1x1600x16xf32, #tpu.memory_space<hbm>> -> memref<1600x16xf32, #tpu.memory_space<hbm>>
      %dma_wait3A_1226 = arith.constant 0 : i32
      %dma_wait3A_1227 = tpu.memref_slice %arg4[%run_scoped3A_1203, %mul3A_2, %dma_wait3A_1226] : memref<2x51200x16xf32, #tpu.memory_space<hbm>> -> memref<1x1600x16xf32, #tpu.memory_space<hbm>>
      %dma_wait3A_1228 = tpu.memref_squeeze %dma_wait3A_1227 : memref<1x1600x16xf32, #tpu.memory_space<hbm>> -> memref<1600x16xf32, #tpu.memory_space<hbm>>
      %dma_wait3A_1229 = arith.constant 0 : i32
      %dma_wait3A_1230 = arith.constant 0 : i32
      %dma_wait3A_1231 = tpu.memref_slice %arg6[%run_scoped3A_1202, %dma_wait3A_1229, %dma_wait3A_1230] : memref<2x1600x16xf32, #tpu.memory_space<vmem>> -> memref<1x1600x16xf32, #tpu.memory_space<vmem>>
      %dma_wait3A_1232 = tpu.memref_squeeze %dma_wait3A_1231 : memref<1x1600x16xf32, #tpu.memory_space<vmem>> -> memref<1600x16xf32, #tpu.memory_space<vmem>>
      tpu.wait_dma2 semaphore(%run_scoped3A_1204 : memref<!tpu.dma_semaphore, #tpu.memory_space<semaphore_mem>>) src(%dma_wait3A_1232 : memref<1600x16xf32, #tpu.memory_space<vmem>>) dst(%dma_wait3A_1228 : memref<1600x16xf32, #tpu.memory_space<hbm>>)
      tpu.yield
    }) : () -> ()
    return
  }
}

module attributes {stable_mosaic.version = 14 : i64} {
  func.func @_build_x_body(%arg0: i32, %arg1: memref<5000x5xf32, #tpu.memory_space<vmem>>, %arg2: memref<5000x1xi32, #tpu.memory_space<vmem>>, %arg3: memref<6x5xf32, #tpu.memory_space<vmem>>, %arg4: memref<5000x16xf32, #tpu.memory_space<vmem>>) attributes {dimension_semantics = [#tpu.dimension_semantics<arbitrary>], iteration_bounds = array<i64: 20>, scalar_prefetch = 0 : i64, scratch_operands = 0 : i64, tpu.core_type = #tpu.core_type<tc>, window_params = [{transform_indices = @transform_0, window_bounds = array<i64: 5000, 5>}, {transform_indices = @transform_1, window_bounds = array<i64: 5000, 1>}, {pipeline_mode = #tpu.pipeline_mode<synchronous>, transform_indices = @transform_2, window_bounds = array<i64: 6, 5>}, {transform_indices = @transform_3, window_bounds = array<i64: 5000, 16>}]} {
    %get3A = arith.constant 0 : index
    %get3A_0 = arith.constant 0 : index
    %get3A_1 = vector.load %arg2[%get3A, %get3A_0] : memref<5000x1xi32, #tpu.memory_space<vmem>>, vector<5000x1xi32>
    %iota3A = tpu.iota {dimensions = array<i32: 1>} : vector<5000x6xi32>
    %eq3A = vector.broadcast %get3A_1 : vector<5000x1xi32> to vector<5000x6xi32>
    %eq3A_2 = arith.cmpi eq, %iota3A, %eq3A : vector<5000x6xi32>
    %convert_element_type3A = arith.extui %eq3A_2 : vector<5000x6xi1> to vector<5000x6xi32>
    %convert_element_type3A_3 = arith.sitofp %convert_element_type3A : vector<5000x6xi32> to vector<5000x6xf32>
    %get3A_4 = arith.constant 0 : index
    %get3A_5 = arith.constant 0 : index
    %get3A_6 = vector.load %arg3[%get3A_4, %get3A_5] : memref<6x5xf32, #tpu.memory_space<vmem>>, vector<6x5xf32>
    %dot_general3A = arith.constant dense<0.000000e+00> : vector<5000x5xf32>
    %dot_general3A_7 = tpu.matmul %convert_element_type3A_3, %get3A_6, %dot_general3A {dimension_numbers = #tpu.dot_dimension_numbers<[1], [0], [0], [1], [0, 0, 1, 1], [], []>, transpose_lhs_hint = false} : vector<5000x6xf32>, vector<6x5xf32>, vector<5000x5xf32> -> vector<5000x5xf32>
    %get3A_8 = arith.constant 0 : index
    %get3A_9 = arith.constant 0 : index
    %get3A_10 = vector.load %arg1[%get3A_8, %get3A_9] : memref<5000x5xf32, #tpu.memory_space<vmem>>, vector<5000x5xf32>
    %broadcast_in_dim3A = arith.constant 1.000000e+00 : f32
    %broadcast_in_dim3A_11 = vector.broadcast %broadcast_in_dim3A : f32 to vector<5000x1xf32>
    %broadcast_in_dim3A_12 = arith.constant 0.000000e+00 : f32
    %broadcast_in_dim3A_13 = vector.broadcast %broadcast_in_dim3A_12 : f32 to vector<5000x5xf32>
    %concatenate3A = tpu.concatenate %get3A_10, %dot_general3A_7, %broadcast_in_dim3A_11, %broadcast_in_dim3A_13 in 1 : vector<5000x5xf32>, vector<5000x5xf32>, vector<5000x1xf32>, vector<5000x5xf32> -> vector<5000x16xf32>
    %swap3A = arith.constant 0 : index
    %swap3A_14 = arith.constant 0 : index
    %swap3A_15 = vector.load %arg4[%swap3A, %swap3A_14] : memref<5000x16xf32, #tpu.memory_space<vmem>>, vector<5000x16xf32>
    tpu.vector_store %arg4[%swap3A, %swap3A_14], %concatenate3A {strides = array<i32>} : memref<5000x16xf32, #tpu.memory_space<vmem>>, vector<5000x16xf32>,
    return
  }
  func.func @transform_0(%arg0: i32) -> (i32, i32) {
    %c0_i32 = arith.constant 0 : i32
    %c0_i32_0 = arith.constant 0 : i32
    return %arg0, %c0_i32 : i32, i32
  }
  func.func @transform_1(%arg0: i32) -> (i32, i32) {
    %c0_i32 = arith.constant 0 : i32
    %c0_i32_0 = arith.constant 0 : i32
    return %arg0, %c0_i32 : i32, i32
  }
  func.func @transform_2(%arg0: i32) -> (i32, i32) {
    %c0_i32 = arith.constant 0 : i32
    %c0_i32_0 = arith.constant 0 : i32
    %c0_i32_1 = arith.constant 0 : i32
    return %c0_i32, %c0_i32_0 : i32, i32
  }
  func.func @transform_3(%arg0: i32) -> (i32, i32) {
    %c0_i32 = arith.constant 0 : i32
    %c0_i32_0 = arith.constant 0 : i32
    return %arg0, %c0_i32 : i32, i32
  }
}

module attributes {stable_mosaic.version = 14 : i64} {
  func.func @_mlp_body(%arg0: i32, %arg1: memref<2x6400x16xf32, #tpu.memory_space<vmem>>, %arg2: memref<16x16xf32, #tpu.memory_space<vmem>>, %arg3: memref<1x16xf32, #tpu.memory_space<vmem>>, %arg4: memref<16x24xf32, #tpu.memory_space<vmem>>, %arg5: memref<1x24xf32, #tpu.memory_space<vmem>>, %arg6: memref<24x1xf32, #tpu.memory_space<vmem>>, %arg7: memref<1x1xf32, #tpu.memory_space<vmem>>, %arg8: memref<6400x8xf32, #tpu.memory_space<vmem>>) attributes {dimension_semantics = [#tpu.dimension_semantics<arbitrary>], iteration_bounds = array<i64: 8>, scalar_prefetch = 0 : i64, scratch_operands = 0 : i64, tpu.core_type = #tpu.core_type<tc>, window_params = [{transform_indices = @transform_0, window_bounds = array<i64: 2, 6400, 16>}, {pipeline_mode = #tpu.pipeline_mode<synchronous>, transform_indices = @transform_1, window_bounds = array<i64: 16, 16>}, {pipeline_mode = #tpu.pipeline_mode<synchronous>, transform_indices = @transform_2, window_bounds = array<i64: 1, 16>}, {pipeline_mode = #tpu.pipeline_mode<synchronous>, transform_indices = @transform_3, window_bounds = array<i64: 16, 24>}, {pipeline_mode = #tpu.pipeline_mode<synchronous>, transform_indices = @transform_4, window_bounds = array<i64: 1, 24>}, {pipeline_mode = #tpu.pipeline_mode<synchronous>, transform_indices = @transform_5, window_bounds = array<i64: 24, 1>}, {pipeline_mode = #tpu.pipeline_mode<synchronous>, transform_indices = @transform_6, window_bounds = array<i64: 1, 1>}, {transform_indices = @transform_7, window_bounds = array<i64: 6400, 8>}]} {
    %get3A = arith.constant 0 : index
    %get3A_0 = arith.constant 0 : index
    %get3A_1 = arith.constant 0 : index
    %get3A_2 = vector.load %arg1[%get3A, %get3A_0, %get3A_1] : memref<2x6400x16xf32, #tpu.memory_space<vmem>>, vector<1x6400x16xf32>
    %get3A_3 = vector.shape_cast %get3A_2 : vector<1x6400x16xf32> to vector<6400x16xf32>
    %get3A_4 = arith.constant 1 : index
    %get3A_5 = arith.constant 0 : index
    %get3A_6 = arith.constant 0 : index
    %get3A_7 = vector.load %arg1[%get3A_4, %get3A_5, %get3A_6] : memref<2x6400x16xf32, #tpu.memory_space<vmem>>, vector<1x6400x16xf32>
    %get3A_8 = vector.shape_cast %get3A_7 : vector<1x6400x16xf32> to vector<6400x16xf32>
    %add3A = arith.addf %get3A_3, %get3A_8 : vector<6400x16xf32>
    %slice3A = vector.extract_strided_slice %add3A {offsets = [0, 10], sizes = [6400, 1], strides = [1, 1]} : vector<6400x16xf32> to vector<6400x1xf32>
    %max3A = arith.constant 1.000000e+00 : f32
    %max3A_9 = vector.broadcast %max3A : f32 to vector<6400x1xf32>
    %max3A_10 = arith.maximumf %slice3A, %max3A_9 : vector<6400x1xf32>
    %div3A = vector.broadcast %max3A_10 : vector<6400x1xf32> to vector<6400x16xf32>
    %div3A_11 = arith.divf %add3A, %div3A : vector<6400x16xf32>
    %get3A_12 = arith.constant 0 : index
    %get3A_13 = arith.constant 0 : index
    %get3A_14 = vector.load %arg2[%get3A_12, %get3A_13] : memref<16x16xf32, #tpu.memory_space<vmem>>, vector<16x16xf32>
    %dot_general3A = arith.constant dense<0.000000e+00> : vector<6400x16xf32>
    %dot_general3A_15 = tpu.matmul %div3A_11, %get3A_14, %dot_general3A {dimension_numbers = #tpu.dot_dimension_numbers<[1], [0], [0], [1], [0, 0, 1, 1], [], []>, transpose_lhs_hint = false} : vector<6400x16xf32>, vector<16x16xf32>, vector<6400x16xf32> -> vector<6400x16xf32>
    %get3A_16 = arith.constant 0 : index
    %get3A_17 = arith.constant 0 : index
    %get3A_18 = vector.load %arg3[%get3A_16, %get3A_17] : memref<1x16xf32, #tpu.memory_space<vmem>>, vector<1x16xf32>
    %add3A_19 = vector.broadcast %get3A_18 : vector<1x16xf32> to vector<6400x16xf32>
    %add3A_20 = arith.addf %dot_general3A_15, %add3A_19 : vector<6400x16xf32>
    %max3A_21 = arith.constant 0.000000e+00 : f32
    %max3A_22 = vector.broadcast %max3A_21 : f32 to vector<6400x16xf32>
    %max3A_23 = arith.maximumf %add3A_20, %max3A_22 : vector<6400x16xf32>
    %get3A_24 = arith.constant 0 : index
    %get3A_25 = arith.constant 0 : index
    %get3A_26 = vector.load %arg4[%get3A_24, %get3A_25] : memref<16x24xf32, #tpu.memory_space<vmem>>, vector<16x24xf32>
    %dot_general3A_27 = arith.constant dense<0.000000e+00> : vector<6400x24xf32>
    %dot_general3A_28 = tpu.matmul %max3A_23, %get3A_26, %dot_general3A_27 {dimension_numbers = #tpu.dot_dimension_numbers<[1], [0], [0], [1], [0, 0, 1, 1], [], []>, transpose_lhs_hint = false} : vector<6400x16xf32>, vector<16x24xf32>, vector<6400x24xf32> -> vector<6400x24xf32>
    %get3A_29 = arith.constant 0 : index
    %get3A_30 = arith.constant 0 : index
    %get3A_31 = vector.load %arg5[%get3A_29, %get3A_30] : memref<1x24xf32, #tpu.memory_space<vmem>>, vector<1x24xf32>
    %add3A_32 = vector.broadcast %get3A_31 : vector<1x24xf32> to vector<6400x24xf32>
    %add3A_33 = arith.addf %dot_general3A_28, %add3A_32 : vector<6400x24xf32>
    %max3A_34 = arith.constant 0.000000e+00 : f32
    %max3A_35 = vector.broadcast %max3A_34 : f32 to vector<6400x24xf32>
    %max3A_36 = arith.maximumf %add3A_33, %max3A_35 : vector<6400x24xf32>
    %get3A_37 = arith.constant 0 : index
    %get3A_38 = arith.constant 0 : index
    %get3A_39 = vector.load %arg6[%get3A_37, %get3A_38] : memref<24x1xf32, #tpu.memory_space<vmem>>, vector<24x1xf32>
    %dot_general3A_40 = arith.constant dense<0.000000e+00> : vector<6400x1xf32>
    %dot_general3A_41 = tpu.matmul %max3A_36, %get3A_39, %dot_general3A_40 {dimension_numbers = #tpu.dot_dimension_numbers<[1], [0], [0], [1], [0, 0, 1, 1], [], []>, transpose_lhs_hint = false} : vector<6400x24xf32>, vector<24x1xf32>, vector<6400x1xf32> -> vector<6400x1xf32>
    %get3A_42 = arith.constant 0 : index
    %get3A_43 = arith.constant 0 : index
    %get3A_44 = vector.load %arg7[%get3A_42, %get3A_43] : memref<1x1xf32, #tpu.memory_space<vmem>>, vector<1x1xf32>
    %add3A_45 = vector.broadcast %get3A_44 : vector<1x1xf32> to vector<6400x1xf32>
    %add3A_46 = arith.addf %dot_general3A_41, %add3A_45 : vector<6400x1xf32>
    %broadcast_in_dim3A = arith.constant 0.000000e+00 : f32
    %broadcast_in_dim3A_47 = vector.broadcast %broadcast_in_dim3A : f32 to vector<1x8xf32>
    %add3A_48 = vector.broadcast %add3A_46 : vector<6400x1xf32> to vector<6400x8xf32>
    %add3A_49 = vector.broadcast %broadcast_in_dim3A_47 : vector<1x8xf32> to vector<6400x8xf32>
    %add3A_50 = arith.addf %add3A_48, %add3A_49 : vector<6400x8xf32>
    %swap3A = arith.constant 0 : index
    %swap3A_51 = arith.constant 0 : index
    %swap3A_52 = vector.load %arg8[%swap3A, %swap3A_51] : memref<6400x8xf32, #tpu.memory_space<vmem>>, vector<6400x8xf32>
    tpu.vector_store %arg8[%swap3A, %swap3A_51], %add3A_50 {strides = array<i32>} : memref<6400x8xf32, #tpu.memory_space<vmem>>, vector<6400x8xf32>,
    return
  }
  func.func @transform_0(%arg0: i32) -> (i32, i32, i32) {
    %c0_i32 = arith.constant 0 : i32
    %c0_i32_0 = arith.constant 0 : i32
    %c0_i32_1 = arith.constant 0 : i32
    return %c0_i32, %arg0, %c0_i32_0 : i32, i32, i32
  }
  func.func @transform_1(%arg0: i32) -> (i32, i32) {
    %c0_i32 = arith.constant 0 : i32
    %c0_i32_0 = arith.constant 0 : i32
    %c0_i32_1 = arith.constant 0 : i32
    return %c0_i32, %c0_i32_0 : i32, i32
  }
  func.func @transform_2(%arg0: i32) -> (i32, i32) {
    %c0_i32 = arith.constant 0 : i32
    %c0_i32_0 = arith.constant 0 : i32
    %c0_i32_1 = arith.constant 0 : i32
    return %c0_i32, %c0_i32_0 : i32, i32
  }
  func.func @transform_3(%arg0: i32) -> (i32, i32) {
    %c0_i32 = arith.constant 0 : i32
    %c0_i32_0 = arith.constant 0 : i32
    %c0_i32_1 = arith.constant 0 : i32
    return %c0_i32, %c0_i32_0 : i32, i32
  }
  func.func @transform_4(%arg0: i32) -> (i32, i32) {
    %c0_i32 = arith.constant 0 : i32
    %c0_i32_0 = arith.constant 0 : i32
    %c0_i32_1 = arith.constant 0 : i32
    return %c0_i32, %c0_i32_0 : i32, i32
  }
  func.func @transform_5(%arg0: i32) -> (i32, i32) {
    %c0_i32 = arith.constant 0 : i32
    %c0_i32_0 = arith.constant 0 : i32
    %c0_i32_1 = arith.constant 0 : i32
    return %c0_i32, %c0_i32_0 : i32, i32
  }
  func.func @transform_6(%arg0: i32) -> (i32, i32) {
    %c0_i32 = arith.constant 0 : i32
    %c0_i32_0 = arith.constant 0 : i32
    %c0_i32_1 = arith.constant 0 : i32
    return %c0_i32, %c0_i32_0 : i32, i32
  }
  func.func @transform_7(%arg0: i32) -> (i32, i32) {
    %c0_i32 = arith.constant 0 : i32
    %c0_i32_0 = arith.constant 0 : i32
    return %arg0, %c0_i32 : i32, i32
  }
}

module attributes {stable_mosaic.version = 14 : i64} {
  func.func @_softmax_body(%arg0: memref<400x128xf32, #tpu.memory_space<vmem>>, %arg1: memref<400x128xf32, #tpu.memory_space<vmem>>) attributes {dimension_semantics = [], scalar_prefetch = 0 : i64, scratch_operands = 0 : i64, tpu.core_type = #tpu.core_type<tc>} {
    %get3A = arith.constant 0 : index
    %get3A_0 = arith.constant 0 : index
    %get3A_1 = vector.load %arg0[%get3A, %get3A_0] : memref<400x128xf32, #tpu.memory_space<vmem>>, vector<400x128xf32>
    %iota3A = tpu.iota {dimensions = array<i32: 0>} : vector<400x128xi32>
    %mul3A = arith.constant 128 : i32
    %mul3A_2 = vector.broadcast %mul3A : i32 to vector<400x128xi32>
    %mul3A_3 = arith.muli %iota3A, %mul3A_2 : vector<400x128xi32>
    %iota3A_4 = tpu.iota {dimensions = array<i32: 1>} : vector<400x128xi32>
    %add3A = arith.addi %mul3A_3, %iota3A_4 : vector<400x128xi32>
    %lt3A = arith.constant 50000 : i32
    %lt3A_5 = vector.broadcast %lt3A : i32 to vector<400x128xi32>
    %lt3A_6 = arith.cmpi slt, %add3A, %lt3A_5 : vector<400x128xi32>
    %broadcast_in_dim3A = arith.constant 0xFF800000 : f32
    %broadcast_in_dim3A_7 = vector.broadcast %broadcast_in_dim3A : f32 to vector<400x128xf32>
    %select_n3A = arith.select %lt3A_6, %get3A_1, %broadcast_in_dim3A_7 : vector<400x128xi1>, vector<400x128xf32>
    %reduce_max3A = vector.shape_cast %select_n3A : vector<400x128xf32> to vector<1x400x128xf32>
    %reduce_max3A_8 = arith.constant dense<0xFF800000> : vector<1xf32>
    %reduce_max3A_9 = vector.multi_reduction <maximumf>, %reduce_max3A, %reduce_max3A_8 [1, 2] : vector<1x400x128xf32> to vector<1xf32>
    %reduce_max3A_10 = vector.shape_cast %reduce_max3A_9 : vector<1xf32> to vector<1x1x1xf32>
    %reduce_max3A_11 = vector.extract %reduce_max3A_10[0, 0, 0] : f32 from vector<1x1x1xf32>
    %sub3A = vector.broadcast %reduce_max3A_11 : f32 to vector<400x128xf32>
    %sub3A_12 = arith.subf %get3A_1, %sub3A : vector<400x128xf32>
    %exp3A = math.exp %sub3A_12 : vector<400x128xf32>
    %jit3A = arith.constant 0.000000e+00 : f32
    %broadcast_in_dim3A_13 = vector.broadcast %jit3A : f32 to vector<400x128xf32>
    %select_n3A_14 = arith.select %lt3A_6, %exp3A, %broadcast_in_dim3A_13 : vector<400x128xi1>, vector<400x128xf32>
    %reduce_sum3A = vector.shape_cast %select_n3A_14 : vector<400x128xf32> to vector<1x400x128xf32>
    %reduce_sum3A_15 = arith.constant dense<0.000000e+00> : vector<1xf32>
    %reduce_sum3A_16 = vector.multi_reduction <add>, %reduce_sum3A, %reduce_sum3A_15 [1, 2] : vector<1x400x128xf32> to vector<1xf32>
    %reduce_sum3A_17 = vector.shape_cast %reduce_sum3A_16 : vector<1xf32> to vector<1x1x1xf32>
    %reduce_sum3A_18 = vector.extract %reduce_sum3A_17[0, 0, 0] : f32 from vector<1x1x1xf32>
    %div3A = vector.broadcast %reduce_sum3A_18 : f32 to vector<400x128xf32>
    %div3A_19 = arith.divf %select_n3A_14, %div3A : vector<400x128xf32>
    %swap3A = arith.constant 0 : index
    %swap3A_20 = arith.constant 0 : index
    %swap3A_21 = vector.load %arg1[%swap3A, %swap3A_20] : memref<400x128xf32, #tpu.memory_space<vmem>>, vector<400x128xf32>
    tpu.vector_store %arg1[%swap3A, %swap3A_20], %div3A_19 {strides = array<i32>} : memref<400x128xf32, #tpu.memory_space<vmem>>, vector<400x128xf32>,
    return
  }
}

</mosaic_0001>

<sc_bundles>
// kernel: kernel.10.cloned.1.call-start
scs
__scs_entry_jumppad:
0x0: {  	(pc) =	sbr.rel $0x88, $3  }
0x1: {  	(tag) =	ssettag $0x0;
	lr =	simm.s32 $0x1  }
0x2: {  	[smem:$0x3F96] =	sst lr;
	_ =	strace $0xD0000000  }
0x3: {  	_ = 	snop  }
0x4: {  	_ = 	snop  }
0x5: {  	_ = 	snop  }
0x6: {  	_ = 	snop  }
0x7: {  	_ = 	snop  }
__scs_overlays_trampoline_lowered:
0x8: {  	[smem:$0x3FA5] =	sst s0  }
0x9: {  	[smem:$0x3FA6] =	sst s1  }
0xa: {  	[smem:$0x3FA7] =	sst s2  }
0xb: {  	[smem:$0x3FA8] =	sst s3  }
0xc: {  	[smem:$0x3FA9] =	sst s4  }
0xd: {  	[smem:$0x3FAA] =	sst s5  }
0xe: {  	[smem:$0x3FAB] =	sst s6  }
0xf: {  	[smem:$0x3FAC] =	sst s7  }
0x10: {  	[smem:$0x3FAD] =	sst s8  }
0x11: {  	[smem:$0x3FAE] =	sst s9;
	s0 =	simm.s32 @!p0 $0x0  }
0x12: {  	s1 =	sld [smem:$0x3F94];
	s0 =	simm.s32 @p0 $0x1  }
0x13: {  	[smem:$0x3FAF] =	sst s0;
	s0 =	simm.s32 @!p1 $0x0  }
0x14: {  	s2 =	sld [smem:$0x3F93];
	s0 =	simm.s32 @p1 $0x1  }
0x15: {  	[smem:$0x3FB0] =	sst s0;
	s0 =	simm.s32 @!p2 $0x0  }
0x16: {  	s3 =	sld [smem:$0x3FDB];
	s0 =	simm.s32 @p2 $0x1  }
0x17: {  	s4 =	simm.s32 $0x1BF5;
	[smem:$0x3FB2] =	sst s0  }
0x18: {  	s0 =	sld [smem:$0x3F95];
	_ =	swait.ge [sflag:s4], $0x0  }
0x19: {  	s7 =	sld [smem:$0x3F96]  }
0x1a: {  	s8 =	sadd.s32 $0xFFFFE003, lr  }
0x1b: {  	s9 =	sadd.s32 $0xFFFFFEF7, lr;
	s5 =	simm.s32 $0xFFFFFFFF;
	p2 =	slt.u32 s8, $0xFFFFF086  }
0x1c: {  	p1 =	slt.u32 s9, $0xF7A;
	s5 =	simm.s32 @!p2 $0x0  }
0x1d: {  	s5 =	simm.s32 @p1 $0x1;
	p0 =	seq.s32 s7, s2  }
0x1e: {  	s7 =	smul.u32 @!p0 $0xF7A, s2;
	p2 =	seq.s32 @!p0 s5, $0x0  }
0x1f: {  	s9 =	smul.u32 $0xF7A, s1;
	s8 =	simm.s32 @!p0 $0x1BF5;
	p2 =	por !p2, p0  }
0x20: {  	[sflag:s8] =	ssyncset.s32 @!p0 $0xFFFFF086;
	s6 =	sadd.s32 @!p0 s3, s7;
	s7 =	simm.s32 @!p0 $0x108  }
0x21: {  	s3 =	sadd.s32 s3, s9;
	s6 =	sadd.s32 @!p0 $0x88, s6;
	s7 =	simm.s32 @p2 $0x1082  }
0x22: {  	[simem:s7], [sflag:s8] =	dma.local @!p0 [hbm:s6], $0xF7A  }
0x23: {  	s9 =	sor.u32 $0xD0000000, s2;
	s6 =	simm.s32 $0x108;
	_ =	swait.ge @!p0 [sflag:s8], $0x0  }
0x24: {  	s3 =	sadd.s32 $0x88, s3;
	s6 =	simm.s32 @!p1 $0x1082;
	[sflag:s4] =	ssyncset.s32 $0xFFFFF086  }
0x25: {  	[simem:s6], [sflag:s4] =	dma.local [hbm:s3], $0xF7A  }
0x26: {  	[smem:$0x3F96] =	sst s1;
	(tag) =	ssettag s2;
	_ =	strace s9  }
0x27: {  	s1 =	sld [smem:$0x3FA6]  }
0x28: {  	s2 =	sld [smem:$0x3FA7]  }
0x29: {  	s4 =	sld [smem:$0x3FA9]  }
0x2a: {  	p0 =	seq.s32 s5, $0x0;
	s5 =	sld [smem:$0x3FAA]  }
0x2b: {  	s6 =	sld [smem:$0x3FAB]  }
0x2c: {  	s7 =	sld [smem:$0x3FAC]  }
0x2d: {  	s3 =	simm.s32 $0x108;
	s8 =	sld [smem:$0x3FAD]  }
0x2e: {  	s3 =	simm.s32 @!p0 $0x1082;
	s9 =	sld [smem:$0x3FAE]  }
0x2f: {  	lr =	sadd.s32 s0, s3;
	s0 =	sld [smem:$0x3FA5]  }
0x30: {  	s3 =	sld [smem:$0x3FA8]  }
0x31: {  	[smem:$0x3FB1] =	sst s10  }
0x32: {  	s10 =	sld [smem:$0x3FAF];
	_ =	sdelay $0x3  }
0x33: {  	p0 =	seq.s32 s10, $0x1;
	s10 =	sld [smem:$0x3FB1];
	_ =	sdelay $0x3  }
0x34: {  	[smem:$0x3FB1] =	sst s10  }
0x35: {  	s10 =	sld [smem:$0x3FB0];
	_ =	sdelay $0x3  }
0x36: {  	p1 =	seq.s32 s10, $0x1;
	s10 =	sld [smem:$0x3FB1];
	_ =	sdelay $0x3  }
0x37: {  	[smem:$0x3FB1] =	sst s10  }
0x38: {  	s10 =	sld [smem:$0x3FB2]  }
0x39: {  	_ = 	snop;
	(pc) =	sbr.ind lr, $3  }
0x3a: {  	_ = 	snop  }
0x3b: {  	_ = 	snop  }
0x3c: {  	p2 =	seq.s32 s10, $0x1;
	s10 =	sld [smem:$0x3FB1]  }
0x3d: {  	_ =	shalt  }
0x3e: {  	_ =	shalt  }
0x3f: {  	_ =	shalt  }
0x40: {  	_ =	shalt  }
0x41: {  	_ =	shalt  }
0x42: {  	_ =	shalt  }
0x43: {  	_ =	shalt  }
0x44: {  	_ =	shalt  }
0x45: {  	_ =	shalt  }
0x46: {  	_ =	shalt  }
0x47: {  	_ =	shalt  }
0x48: {  	_ =	shalt  }
0x49: {  	_ =	shalt  }
0x4a: {  	_ =	shalt  }
0x4b: {  	_ =	shalt  }
0x4c: {  	_ =	shalt  }
0x4d: {  	_ =	shalt  }
0x4e: {  	_ =	shalt  }
0x4f: {  	_ =	shalt  }
0x50: {  	_ =	shalt  }
0x51: {  	_ =	shalt  }
0x52: {  	_ =	shalt  }
0x53: {  	_ =	shalt  }
0x54: {  	_ =	shalt  }
0x55: {  	_ =	shalt  }
0x56: {  	_ =	shalt  }
0x57: {  	_ =	shalt  }
0x58: {  	_ =	shalt  }
0x59: {  	_ =	shalt  }
0x5a: {  	_ =	shalt  }
0x5b: {  	_ =	shalt  }
0x5c: {  	_ =	shalt  }
0x5d: {  	_ =	shalt  }
0x5e: {  	_ =	shalt  }
0x5f: {  	_ =	shalt  }
0x60: {  	_ =	shalt  }
0x61: {  	_ =	shalt  }
0x62: {  	_ =	shalt  }
0x63: {  	_ =	shalt  }
0x64: {  	_ =	shalt  }
0x65: {  	_ =	shalt  }
0x66: {  	_ =	shalt  }
0x67: {  	_ =	shalt  }
0x68: {  	_ =	shalt  }
0x69: {  	_ =	shalt  }
0x6a: {  	_ =	shalt  }
0x6b: {  	_ =	shalt  }
0x6c: {  	_ =	shalt  }
0x6d: {  	_ =	shalt  }
0x6e: {  	_ =	shalt  }
0x6f: {  	_ =	shalt  }
0x70: {  	_ =	shalt  }
0x71: {  	_ =	shalt  }
0x72: {  	_ =	shalt  }
0x73: {  	_ =	shalt  }
0x74: {  	_ =	shalt  }
0x75: {  	_ =	shalt  }
0x76: {  	_ =	shalt  }
0x77: {  	_ =	shalt  }
0x78: {  	_ =	shalt  }
0x79: {  	_ =	shalt  }
0x7a: {  	_ =	shalt  }
0x7b: {  	_ =	shalt  }
0x7c: {  	_ =	shalt  }
0x7d: {  	_ =	shalt  }
0x7e: {  	_ =	shalt  }
0x7f: {  	_ =	shalt  }
0x80: {  	_ =	shalt  }
0x81: {  	_ =	shalt  }
0x82: {  	_ =	shalt  }
0x83: {  	_ =	shalt  }
0x84: {  	_ =	shalt  }
0x85: {  	_ =	shalt  }
0x86: {  	_ =	shalt  }
0x87: {  	_ =	shalt  }
.Lfunc_end0:
.L_simem_size_0:
called_computation.2_lowered:
.L_overlay_start_0:
0x88: {  	s2 =	sld [smem:$0x3FD9]  }
0x89: {  	s3 =	sld [smem:$0x3FFE];
	_ =	sdelay $0x1  }
0x8a: {  	s1 =	srdreg.scid  }
0x8b: {  	s0 =	sand.u32 $0x1, s1  }
0x8c: {  	s16 =	sshll.u32 s0, $0xA;
	s2 =	sadd.s32 s3, s2  }
0x8d: {  	s2 =	sadd.s32 s2, s16  }
0x8e: {  	[smem:$0x3FBD] =	sst s2  }
0x8f: {  	_ = 	snop  }
0x90: {  	(tm) =	ssettm $0x1  }
0x91: {  	s17 =	sld [smem:$0x3FFB];
	_ =	sdelay $0x3  }
0x92: {  	_ =	strace s17  }
0x93: {  	s2 =	sld [smem:$0x3FFC];
	_ =	sdelay $0x3  }
0x94: {  	_ =	strace s2  }
0x95: {  	s2 =	sld [smem:$0x3FFD];
	_ =	sdelay $0x3  }
0x96: {  	_ =	strace s2  }
0x97: {  	_ =	strace $0x8FFFFFFF  }
0x98: {  	s18 =	sld [smem:$0x3FDB];
	_ =	sdelay $0x1  }
0x99: {  	s19 =	simm.s32 $_scs_section_size  }
0x9a: {  	s4 =	simm.s32 $_size__tile_overlayer_lowered;
	s5 =	simm.s32 $_tile_overlayer_lowered  }
0x9b: {  	s22 =	simm.s32 $0x1BFF;
	s21 =	sshll.u32 s5, $0x1;
	s2 =	sadd.s32 s19, s18  }
0x9c: {  	s6 =	simm.s32 $0x0;
	s20 =	sshll.u32 s4, $0x1;
	s4 =	sadd.s32 s21, s2  }
0x9d: {  	[timem:s6], [sflag:s22] =	dma.local [hbm:s4], s20  }
0x9e: {  	_ =	swait.ge [sflag:s22], s20  }
0x9f: {  	s3 =	ssub.s32 $0x0, s20;
	[sflag:s22] =	ssyncset.done $0x0  }
0xa0: {  	[sflag:s22] =	ssyncadd.s32 s3;
	_ =	sdelay $0x1  }
0xa1: {  	s23 =	simm.s32 $0x1B8B  }
0xa2: {  	_ =	swait.ge [sflag:s23], $0x1  }
0xa3: {  	[sflag:s23] =	ssyncset.done $0x0  }
0xa4: {  	s25 =	simm.s32 $0x1B8E;
	s24 =	sld [smem:$0x3FFE];
	[sflag:s23] =	ssyncadd.s32 $0xFFFFFFFF  }
0xa5: {  	s26 =	simm.s32 $execute0_lowered;
	[smem:$0x3FD2] =	sst s25  }
0xa6: {  	s4 =	sshll.u32 s26, $0x1;
	_ =	strace $0x8000004C;
	[dreg:$0x1] =	wrdreg $0xFFFFFFFF  }
0xa7: {  	s28 =	simm.s32 $_size_execute0_lowered;
	s2 =	sadd.s32 s2, s4;
	[dreg:$0x0] =	wrdreg $0x0  }
0xa8: {  	s4 =	sshll.u32 s28, $0x1;
	[dreg:$0x2] =	wrdreg s2  }
0xa9: {  	[dreg:$0x3] =	wrdreg s4  }
0xaa: {  	[dreg:$0x4] =	wrdreg $0xC0  }
0xab: {  	_ =	task [dreg:s6], $0x5FFFF  }
0xac: {  	[dreg:$0x1] =	wrdreg $0xFFFFFFFF  }
0xad: {  	[dreg:$0x0] =	wrdreg $0x60  }
0xae: {  	[dreg:$0x2] =	wrdreg s24  }
0xaf: {  	[dreg:$0x3] =	wrdreg $0x9  }
0xb0: {  	_ =	task.clear_ibuf [dreg:s6], $0x4FFFF;
	_ =	strace $0x9000004C  }
0xb1: {  	s29 =	simm.s32 $0x9;
	_ =	strace $0x8000004E  }
0xb2: {  	_ =	swait.ge [sflag:s29], $0x1  }
0xb3: {  	[sflag:s29] =	ssyncadd.s32 $0xFFFFFFFF  }
0xb4: {  	_ =	strace $0x9000004E  }
0xb5: {  	_ =	sfence  }
0xb6: {  	s30 =	sld [smem:$0x0];
	_ =	sdelay $0x2  }
0xb7: {  	s31 =	sshll.u32 s1, $0xD;
	s1 =	sshrl.u32 s1, $0x2  }
0xb8: {  	s3 =	sand.u32 $0x4000, s31;
	s1 =	sadd.s32 s1, s30  }
0xb9: {  	s0 =	sor.u32 s3, s0;
	s1 =	sshll.u32 s1, $0x11  }
0xba: {  	s0 =	sor.u32 s1, s0  }
0xbb: {  	s0 =	sadd.s32 $0x8F2B, s0  }
0xbc: {  	[sflag:s0] =	ssyncadd.remote.s32 $0x1  }
0xbd: {  	_ =	sfence.sel $0xFFFF  }
0xbe: {  	[dreg:$0x0] =	wrdreg $0xFFFFFFFF;
	(pc) =	sbr.abs _section_cstart, $3  }
0xbf: {  	[dreg:$0x1] =	wrdreg $0xFFFFFFFF  }
0xc0: {  	_ =	task.clear_ibuf [dreg:s6], $0x2FFFF;
	_ =	strace $0x9FFFFFFF  }
0xc1: {  	(tm) =	ssettm $0x7FFFFFFF  }
tec
execute0_lowered:
.L_overlay_start_1:
0x0: {  	(tag) =	ssettag $0x1  }
0x1: {  	s0 =	srdreg.scid  }
0x2: {  	s0 =	sand.u32 $0x1, s0  }
0x3: {  	s2 =	stileid.u32;
	s1 =	sshll.u32 s0, $0x4  }
0x4: {  	s4 =	rddreg [dreg:$0x0];
	s1 =	sor.u32 s2, s1;
	s2 =	simm.s32 $0x0  }
0x5: {  	s14 =	simm.s32 $0xB40;
	[smem:$0x7FF] =	sst s2  }
0x6: {  	s15 =	simm.s32 $0x1040;
	_ =	strace $0x8000004D;
	[dreg:$0x5] =	wrdreg s14  }
0x7: {  	s16 =	simm.s32 $0x1540;
	[dreg:$0x6] =	wrdreg s15  }
0x8: {  	s17 =	simm.s32 $0x1A40;
	[dreg:$0x7] =	wrdreg s16  }
0x9: {  	s18 =	simm.s32 $0x1F40;
	[dreg:$0x8] =	wrdreg s17  }
0xa: {  	s19 =	simm.s32 $0x2440;
	s20 =	simm.s32 $0x2940;
	[dreg:$0x9] =	wrdreg s18  }
0xb: {  	s21 =	simm.s32 $0x2E40;
	s22 =	simm.s32 $0x3340;
	[dreg:$0xa] =	wrdreg s19  }
0xc: {  	s23 =	simm.s32 $0x3840;
	s24 =	simm.s32 $0x3D40;
	[dreg:$0xb] =	wrdreg s20  }
0xd: {  	s25 =	simm.s32 $0x4240;
	s5 =	simm.s32 $0x4740;
	[dreg:$0xc] =	wrdreg s21  }
0xe: {  	s6 =	simm.s32 $0x4C40;
	s8 =	simm.s32 $0x5140;
	[dreg:$0xd] =	wrdreg s22  }
0xf: {  	s10 =	simm.s32 $0x5640;
	s11 =	simm.s32 $0x5B40;
	[dreg:$0xe] =	wrdreg s23  }
0x10: {  	s12 =	simm.s32 $0x6040;
	p0 =	por $0x0, $0x0;
	[dreg:$0xf] =	wrdreg s24  }
0x11: {  	s28 =	simm.s32 $0x5F0;
	s31 =	simm.s32 $0xC440;
	[dreg:$0x10] =	wrdreg s25  }
0x12: {  	s30 =	simm.s32 $0xC940;
	s9 =	sadd.s32 $0x1EA000, s4;
	[dreg:$0x11] =	wrdreg s5  }
0x13: {  	s7 =	sadd.s32 $0x21AD40, s4;
	s0 =	ssub.s32 $0x2, s0;
	[dreg:$0x12] =	wrdreg s6  }
0x14: {  	s26 =	sshrl.u32 s0, $0x1;
	s3 =	smul.u32 $0xC8, s1;
	[dreg:$0x13] =	wrdreg s8  }
0x15: {  	s1 =	smul.u32 $0x6400, s1;
	s0 =	ssub.s32 s0, s26;
	[dreg:$0x14] =	wrdreg s10  }
0x16: {  	s26 =	simm.s32 $0xAB40;
	s8 =	simm.s32 $0x50;
	[dreg:$0x15] =	wrdreg s11  }
0x17: {  	[dreg:$0x16] =	wrdreg s12;
	s10 =	simm.s32 $0xA0;
	s14 =	simm.s32 $0x6F40  }
0x18: {  	s11 =	simm.s32 $0xF0;
	s15 =	simm.s32 $0x7440;
	s12 =	simm.s32 $0x140  }
0x19: {  	s16 =	simm.s32 $0x7940;
	s17 =	simm.s32 $0x7E40;
	[smem:$0x7FA] =	sst s26  }
0x1a: {  	s18 =	simm.s32 $0x8340;
	s19 =	simm.s32 $0x8840;
	[dreg:$0x18] =	wrdreg s14  }
0x1b: {  	s20 =	simm.s32 $0x8D40;
	s21 =	simm.s32 $0x9240;
	[dreg:$0x19] =	wrdreg s15  }
0x1c: {  	s22 =	simm.s32 $0x9740;
	s23 =	simm.s32 $0x9C40;
	[dreg:$0x1a] =	wrdreg s16  }
0x1d: {  	s24 =	simm.s32 $0xA140;
	s25 =	simm.s32 $0xA640;
	[dreg:$0x1b] =	wrdreg s17  }
0x1e: {  	s5 =	simm.s32 $0xB040;
	s6 =	simm.s32 $0xB540;
	[dreg:$0x1c] =	wrdreg s18  }
0x1f: {  	s26 =	simm.s32 $0xBA40;
	s3 =	sadd.s32 s3, s4;
	[dreg:$0x1d] =	wrdreg s19  }
0x20: {  	s1 =	sshrl.u32 s1, $0x3;
	s14 =	simm.s32 $0x1E0;
	[dreg:$0x1e] =	wrdreg s20  }
0x21: {  	s15 =	simm.s32 $0x230;
	s16 =	simm.s32 $0x280;
	[dreg:$0x1f] =	wrdreg s21  }
0x22: {  	s17 =	simm.s32 $0x2D0;
	s18 =	simm.s32 $0x320;
	[smem:$0x7F6] =	sst s22  }
0x23: {  	s19 =	simm.s32 $0x370;
	s20 =	simm.s32 $0x3C0;
	[smem:$0x7F7] =	sst s23  }
0x24: {  	s21 =	simm.s32 $0x410;
	[smem:$0x7F8] =	sst s24;
	s22 =	simm.s32 $0x460  }
0x25: {  	[smem:$0x7F9] =	sst s25;
	s23 =	simm.s32 $0x4B0;
	s1 =	sadd.s32 s1, s4  }
0x26: {  	[smem:$0x7FB] =	sst s5;
	s13 =	sadd.s32 $0x1A00, s1;
	s1 =	sadd.s32 $0x1AA00, s1  }
0x27: {  	s24 =	simm.s32 $0x500;
	[dreg:$0x4] =	wrdreg s1;
	s1 =	smax.u32 s0, $0x1  }
0x28: {  	s25 =	simm.s32 $0x550;
	[smem:$0x7FC] =	sst s6;
	p1 =	sne.s32 s1, $0x1  }
.Ltmp0:
0x29: {  	[smem:$0x7FD] =	sst s26;
	s3 =	sadd.s32 $0x24BC00, s3;
	(pc) =	sbr.rel @!p1 .LBB2_1-.Ltmp0, $4  }
0x2a: {  	s26 =	simm.s32 $0x5A0;
	s5 =	simm.s32 $0x6A40;
	[dreg:$0x2] =	wrdreg s3  }
0x2b: {  	s6 =	simm.s32 $0x1;
	s4 =	simm.s32 $0x640;
	[dreg:$0x3] =	wrdreg s13  }
0x2c: {  	s3 =	simm.s32 $0x2;
	s13 =	simm.s32 $0x6540;
	s0 =	rddreg [dreg:$0x2]  }
0x2d: {  	[dreg:$0x17] =	wrdreg s13;
	s13 =	simm.s32 $0x190;
	s29 =	sadd.s32 $0xFFFFFFFF, s1  }
0x2e: {  	[tilespmem:s2], [sflag:$0x2] =	stream.linear.gather [hbm4b:s0+s2], $0x640, $0x38;
	[tilespmem:$0xCE40] =	vst v63  }
0x2f: {  	_ =	swait.ge [sflag:s3], $0x640  }
0x30: {  	[sflag:s3] =	ssyncset.done $0x0  }
0x31: {  	[sflag:s3] =	ssyncadd.s32 $0xFFFFF9C0  }
0x32: {  	[tilespmem:s4], [sflag:$0x1] =	stream.indirect.gather [hbm4b:s9+s8], $0x10, s2, s8, $0xb8;
	[tilespmem:$0xCE40] =	vst v63  }
0x33: {  	s0 =	rddreg [dreg:$0x5]  }
0x34: {  	[tilespmem:s0], [sflag:$0x1] =	stream.indirect.gather [hbm4b:s9+s8], $0x10, s8, s8, $0xb8;
	[tilespmem:$0xCE40] =	vst v63  }
0x35: {  	s1 =	rddreg [dreg:$0x6]  }
0x36: {  	[tilespmem:s1], [sflag:$0x1] =	stream.indirect.gather [hbm4b:s9+s8], $0x10, s10, s8, $0xb8;
	[tilespmem:$0xCE40] =	vst v63  }
0x37: {  	s0 =	rddreg [dreg:$0x7]  }
0x38: {  	[tilespmem:s0], [sflag:$0x1] =	stream.indirect.gather [hbm4b:s9+s8], $0x10, s11, s8, $0xb8;
	[tilespmem:$0xCE40] =	vst v63  }
0x39: {  	s1 =	rddreg [dreg:$0x8]  }
0x3a: {  	[tilespmem:s1], [sflag:$0x1] =	stream.indirect.gather [hbm4b:s9+s8], $0x10, s12, s8, $0xb8;
	[tilespmem:$0xCE40] =	vst v63  }
0x3b: {  	s0 =	rddreg [dreg:$0x9]  }
0x3c: {  	[tilespmem:s0], [sflag:$0x1] =	stream.indirect.gather [hbm4b:s9+s8], $0x10, s13, s8, $0xb8;
	[tilespmem:$0xCE40] =	vst v63  }
0x3d: {  	s1 =	rddreg [dreg:$0xa]  }
0x3e: {  	[tilespmem:s1], [sflag:$0x1] =	stream.indirect.gather [hbm4b:s9+s8], $0x10, s14, s8, $0xb8;
	[tilespmem:$0xCE40] =	vst v63  }
0x3f: {  	s0 =	rddreg [dreg:$0xb]  }
0x40: {  	[tilespmem:s0], [sflag:$0x1] =	stream.indirect.gather [hbm4b:s9+s8], $0x10, s15, s8, $0xb8;
	[tilespmem:$0xCE40] =	vst v63  }
0x41: {  	s1 =	rddreg [dreg:$0xc]  }
0x42: {  	[tilespmem:s1], [sflag:$0x1] =	stream.indirect.gather [hbm4b:s9+s8], $0x10, s16, s8, $0xb8;
	[tilespmem:$0xCE40] =	vst v63  }
0x43: {  	s0 =	rddreg [dreg:$0xd]  }
0x44: {  	[tilespmem:s0], [sflag:$0x1] =	stream.indirect.gather [hbm4b:s9+s8], $0x10, s17, s8, $0xb8;
	[tilespmem:$0xCE40] =	vst v63  }
0x45: {  	s1 =	rddreg [dreg:$0xe]  }
0x46: {  	[tilespmem:s1], [sflag:$0x1] =	stream.indirect.gather [hbm4b:s9+s8], $0x10, s18, s8, $0xb8;
	[tilespmem:$0xCE40] =	vst v63  }
0x47: {  	s0 =	rddreg [dreg:$0xf]  }
0x48: {  	[tilespmem:s0], [sflag:$0x1] =	stream.indirect.gather [hbm4b:s9+s8], $0x10, s19, s8, $0xb8;
	[tilespmem:$0xCE40] =	vst v63  }
0x49: {  	s1 =	rddreg [dreg:$0x10]  }
0x4a: {  	[tilespmem:s1], [sflag:$0x1] =	stream.indirect.gather [hbm4b:s9+s8], $0x10, s20, s8, $0xb8;
	[tilespmem:$0xCE40] =	vst v63  }
0x4b: {  	s0 =	rddreg [dreg:$0x11]  }
0x4c: {  	[tilespmem:s0], [sflag:$0x1] =	stream.indirect.gather [hbm4b:s9+s8], $0x10, s21, s8, $0xb8;
	[tilespmem:$0xCE40] =	vst v63  }
0x4d: {  	s1 =	rddreg [dreg:$0x12]  }
0x4e: {  	[tilespmem:s1], [sflag:$0x1] =	stream.indirect.gather [hbm4b:s9+s8], $0x10, s22, s8, $0xb8;
	[tilespmem:$0xCE40] =	vst v63  }
0x4f: {  	s0 =	rddreg [dreg:$0x13]  }
0x50: {  	[tilespmem:s0], [sflag:$0x1] =	stream.indirect.gather [hbm4b:s9+s8], $0x10, s23, s8, $0xb8;
	[tilespmem:$0xCE40] =	vst v63  }
0x51: {  	s1 =	rddreg [dreg:$0x14]  }
0x52: {  	[tilespmem:s1], [sflag:$0x1] =	stream.indirect.gather [hbm4b:s9+s8], $0x10, s24, s8, $0xb8;
	[tilespmem:$0xCE40] =	vst v63  }
0x53: {  	s0 =	rddreg [dreg:$0x15]  }
0x54: {  	[tilespmem:s0], [sflag:$0x1] =	stream.indirect.gather [hbm4b:s9+s8], $0x10, s25, s8, $0xb8;
	[tilespmem:$0xCE40] =	vst v63  }
0x55: {  	s1 =	rddreg [dreg:$0x16]  }
0x56: {  	[tilespmem:s1], [sflag:$0x1] =	stream.indirect.gather [hbm4b:s9+s8], $0x10, s26, s8, $0xb8;
	[tilespmem:$0xCE40] =	vst v63  }
0x57: {  	s0 =	rddreg [dreg:$0x17]  }
0x58: {  	[tilespmem:s0], [sflag:$0x1] =	stream.indirect.gather [hbm4b:s9+s8], $0x10, s28, s8, $0xb8;
	[tilespmem:$0xCE40] =	vst v63  }
0x59: {  	s1 =	rddreg [dreg:$0x19]  }
0x5a: {  	[tilespmem:s5], [sflag:$0x1] =	stream.indirect.gather [hbm4b:s7+s8], $0x10, s2, s8, $0xb8;
	[tilespmem:$0xCE40] =	vst v63  }
0x5b: {  	s0 =	rddreg [dreg:$0x18]  }
0x5c: {  	[tilespmem:s0], [sflag:$0x1] =	stream.indirect.gather [hbm4b:s7+s8], $0x10, s8, s8, $0xb8;
	[tilespmem:$0xCE40] =	vst v63  }
0x5d: {  	s0 =	rddreg [dreg:$0x1a]  }
0x5e: {  	[tilespmem:s1], [sflag:$0x1] =	stream.indirect.gather [hbm4b:s7+s8], $0x10, s10, s8, $0xb8;
	[tilespmem:$0xCE40] =	vst v63  }
0x5f: {  	s1 =	rddreg [dreg:$0x1b]  }
0x60: {  	[tilespmem:s0], [sflag:$0x1] =	stream.indirect.gather [hbm4b:s7+s8], $0x10, s11, s8, $0xb8;
	[tilespmem:$0xCE40] =	vst v63  }
0x61: {  	s0 =	rddreg [dreg:$0x1c]  }
0x62: {  	[tilespmem:s1], [sflag:$0x1] =	stream.indirect.gather [hbm4b:s7+s8], $0x10, s12, s8, $0xb8;
	[tilespmem:$0xCE40] =	vst v63  }
0x63: {  	s1 =	rddreg [dreg:$0x1d]  }
0x64: {  	[tilespmem:s0], [sflag:$0x1] =	stream.indirect.gather [hbm4b:s7+s8], $0x10, s13, s8, $0xb8;
	[tilespmem:$0xCE40] =	vst v63  }
0x65: {  	s0 =	rddreg [dreg:$0x1e]  }
0x66: {  	[tilespmem:s1], [sflag:$0x1] =	stream.indirect.gather [hbm4b:s7+s8], $0x10, s14, s8, $0xb8;
	[tilespmem:$0xCE40] =	vst v63  }
0x67: {  	s1 =	rddreg [dreg:$0x1f]  }
0x68: {  	[tilespmem:s0], [sflag:$0x1] =	stream.indirect.gather [hbm4b:s7+s8], $0x10, s15, s8, $0xb8;
	[tilespmem:$0xCE40] =	vst v63  }
0x69: {  	s0 =	sld [smem:$0x7F6]  }
0x6a: {  	[tilespmem:s1], [sflag:$0x1] =	stream.indirect.gather [hbm4b:s7+s8], $0x10, s16, s8, $0xb8;
	[tilespmem:$0xCE40] =	vst v63  }
0x6b: {  	s1 =	sld [smem:$0x7F7]  }
0x6c: {  	[tilespmem:s0], [sflag:$0x1] =	stream.indirect.gather [hbm4b:s7+s8], $0x10, s17, s8, $0xb8;
	[tilespmem:$0xCE40] =	vst v63  }
0x6d: {  	s0 =	sld [smem:$0x7F8]  }
0x6e: {  	[tilespmem:s1], [sflag:$0x1] =	stream.indirect.gather [hbm4b:s7+s8], $0x10, s18, s8, $0xb8;
	[tilespmem:$0xCE40] =	vst v63  }
0x6f: {  	s1 =	sld [smem:$0x7F9]  }
0x70: {  	[tilespmem:s0], [sflag:$0x1] =	stream.indirect.gather [hbm4b:s7+s8], $0x10, s19, s8, $0xb8;
	[tilespmem:$0xCE40] =	vst v63  }
0x71: {  	s0 =	sld [smem:$0x7FA]  }
0x72: {  	[tilespmem:s1], [sflag:$0x1] =	stream.indirect.gather [hbm4b:s7+s8], $0x10, s20, s8, $0xb8;
	[tilespmem:$0xCE40] =	vst v63  }
0x73: {  	s1 =	sld [smem:$0x7FB]  }
0x74: {  	[tilespmem:s0], [sflag:$0x1] =	stream.indirect.gather [hbm4b:s7+s8], $0x10, s21, s8, $0xb8;
	[tilespmem:$0xCE40] =	vst v63  }
0x75: {  	s0 =	sld [smem:$0x7FC]  }
0x76: {  	[tilespmem:s1], [sflag:$0x1] =	stream.indirect.gather [hbm4b:s7+s8], $0x10, s22, s8, $0xb8;
	[tilespmem:$0xCE40] =	vst v63  }
0x77: {  	s1 =	sld [smem:$0x7FD]  }
0x78: {  	[tilespmem:s0], [sflag:$0x1] =	stream.indirect.gather [hbm4b:s7+s8], $0x10, s23, s8, $0xb8;
	[tilespmem:$0xCE40] =	vst v63  }
0x79: {  	_ = 	snop  }
0x7a: {  	[tilespmem:s1], [sflag:$0x1] =	stream.indirect.gather [hbm4b:s7+s8], $0x10, s24, s8, $0xb8;
	[tilespmem:$0xCE40] =	vst v63  }
0x7b: {  	s1 =	simm.s32 $0xBF40  }
0x7c: {  	[tilespmem:s1], [sflag:$0x1] =	stream.indirect.gather [hbm4b:s7+s8], $0x10, s25, s8, $0xb8;
	[tilespmem:$0xCE40] =	vst v63  }
0x7d: {  	_ = 	snop  }
0x7e: {  	[tilespmem:s31], [sflag:$0x1] =	stream.indirect.gather [hbm4b:s7+s8], $0x10, s26, s8, $0xb8;
	[tilespmem:$0xCE40] =	vst v63  }
0x7f: {  	_ = 	snop  }
0x80: {  	[tilespmem:s30], [sflag:$0x1] =	stream.indirect.gather [hbm4b:s7+s8], $0x10, s28, s8, $0xb8;
	[tilespmem:$0xCE40] =	vst v63  }
0x81: {  	_ =	swait.ge [sflag:s6], $0x500  }
0x82: {  	[sflag:s6] =	ssyncset.done $0x0  }
0x83: {  	[sflag:s6] =	ssyncadd.s32 $0xFFFFFB00  }
0x84: {  	_ =	swait.ge [sflag:s6], $0x500  }
0x85: {  	[sflag:s6] =	ssyncset.done $0x0  }
0x86: {  	[sflag:s6] =	ssyncadd.s32 $0xFFFFFB00  }
0x87: {  	_ =	swait.ge [sflag:s6], $0x500  }
0x88: {  	[sflag:s6] =	ssyncset.done $0x0  }
0x89: {  	[sflag:s6] =	ssyncadd.s32 $0xFFFFFB00  }
0x8a: {  	_ =	swait.ge [sflag:s6], $0x500  }
0x8b: {  	[sflag:s6] =	ssyncset.done $0x0  }
0x8c: {  	[sflag:s6] =	ssyncadd.s32 $0xFFFFFB00  }
0x8d: {  	_ =	swait.ge [sflag:s6], $0x500  }
0x8e: {  	[sflag:s6] =	ssyncset.done $0x0  }
0x8f: {  	[sflag:s6] =	ssyncadd.s32 $0xFFFFFB00  }
0x90: {  	_ =	swait.ge [sflag:s6], $0x500  }
0x91: {  	[sflag:s6] =	ssyncset.done $0x0  }
0x92: {  	[sflag:s6] =	ssyncadd.s32 $0xFFFFFB00  }
0x93: {  	_ =	swait.ge [sflag:s6], $0x500  }
0x94: {  	[sflag:s6] =	ssyncset.done $0x0  }
0x95: {  	[sflag:s6] =	ssyncadd.s32 $0xFFFFFB00  }
0x96: {  	_ =	swait.ge [sflag:s6], $0x500  }
0x97: {  	[sflag:s6] =	ssyncset.done $0x0  }
0x98: {  	[sflag:s6] =	ssyncadd.s32 $0xFFFFFB00  }
0x99: {  	_ =	swait.ge [sflag:s6], $0x500  }
0x9a: {  	[sflag:s6] =	ssyncset.done $0x0  }
0x9b: {  	[sflag:s6] =	ssyncadd.s32 $0xFFFFFB00  }
0x9c: {  	_ =	swait.ge [sflag:s6], $0x500  }
0x9d: {  	[sflag:s6] =	ssyncset.done $0x0  }
0x9e: {  	[sflag:s6] =	ssyncadd.s32 $0xFFFFFB00  }
0x9f: {  	_ =	swait.ge [sflag:s6], $0x500  }
0xa0: {  	[sflag:s6] =	ssyncset.done $0x0  }
0xa1: {  	[sflag:s6] =	ssyncadd.s32 $0xFFFFFB00  }
0xa2: {  	_ =	swait.ge [sflag:s6], $0x500  }
0xa3: {  	[sflag:s6] =	ssyncset.done $0x0  }
0xa4: {  	[sflag:s6] =	ssyncadd.s32 $0xFFFFFB00  }
0xa5: {  	_ =	swait.ge [sflag:s6], $0x500  }
0xa6: {  	[sflag:s6] =	ssyncset.done $0x0  }
0xa7: {  	[sflag:s6] =	ssyncadd.s32 $0xFFFFFB00  }
0xa8: {  	_ =	swait.ge [sflag:s6], $0x500  }
0xa9: {  	[sflag:s6] =	ssyncset.done $0x0  }
0xaa: {  	[sflag:s6] =	ssyncadd.s32 $0xFFFFFB00  }
0xab: {  	_ =	swait.ge [sflag:s6], $0x500  }
0xac: {  	[sflag:s6] =	ssyncset.done $0x0  }
0xad: {  	[sflag:s6] =	ssyncadd.s32 $0xFFFFFB00  }
0xae: {  	_ =	swait.ge [sflag:s6], $0x500  }
0xaf: {  	[sflag:s6] =	ssyncset.done $0x0  }
0xb0: {  	[sflag:s6] =	ssyncadd.s32 $0xFFFFFB00  }
0xb1: {  	_ =	swait.ge [sflag:s6], $0x500  }
0xb2: {  	[sflag:s6] =	ssyncset.done $0x0  }
0xb3: {  	[sflag:s6] =	ssyncadd.s32 $0xFFFFFB00  }
0xb4: {  	_ =	swait.ge [sflag:s6], $0x500  }
0xb5: {  	[sflag:s6] =	ssyncset.done $0x0  }
0xb6: {  	[sflag:s6] =	ssyncadd.s32 $0xFFFFFB00  }
0xb7: {  	_ =	swait.ge [sflag:s6], $0x500  }
0xb8: {  	[sflag:s6] =	ssyncset.done $0x0  }
0xb9: {  	[sflag:s6] =	ssyncadd.s32 $0xFFFFFB00  }
0xba: {  	_ =	swait.ge [sflag:s6], $0x500  }
0xbb: {  	[sflag:s6] =	ssyncset.done $0x0  }
0xbc: {  	[sflag:s6] =	ssyncadd.s32 $0xFFFFFB00  }
0xbd: {  	_ =	swait.ge [sflag:s6], $0x500  }
0xbe: {  	[sflag:s6] =	ssyncset.done $0x0  }
0xbf: {  	[sflag:s6] =	ssyncadd.s32 $0xFFFFFB00  }
0xc0: {  	_ =	swait.ge [sflag:s6], $0x500  }
0xc1: {  	[sflag:s6] =	ssyncset.done $0x0  }
0xc2: {  	[sflag:s6] =	ssyncadd.s32 $0xFFFFFB00  }
0xc3: {  	_ =	swait.ge [sflag:s6], $0x500  }
0xc4: {  	[sflag:s6] =	ssyncset.done $0x0  }
0xc5: {  	[sflag:s6] =	ssyncadd.s32 $0xFFFFFB00  }
0xc6: {  	_ =	swait.ge [sflag:s6], $0x500  }
0xc7: {  	[sflag:s6] =	ssyncset.done $0x0  }
0xc8: {  	[sflag:s6] =	ssyncadd.s32 $0xFFFFFB00  }
0xc9: {  	_ =	swait.ge [sflag:s6], $0x500  }
0xca: {  	[sflag:s6] =	ssyncset.done $0x0  }
0xcb: {  	[sflag:s6] =	ssyncadd.s32 $0xFFFFFB00  }
0xcc: {  	_ =	swait.ge [sflag:s6], $0x500  }
0xcd: {  	[sflag:s6] =	ssyncset.done $0x0  }
0xce: {  	[sflag:s6] =	ssyncadd.s32 $0xFFFFFB00  }
0xcf: {  	_ =	swait.ge [sflag:s6], $0x500  }
0xd0: {  	[sflag:s6] =	ssyncset.done $0x0  }
0xd1: {  	[sflag:s6] =	ssyncadd.s32 $0xFFFFFB00  }
0xd2: {  	_ =	swait.ge [sflag:s6], $0x500  }
0xd3: {  	[sflag:s6] =	ssyncset.done $0x0  }
0xd4: {  	[sflag:s6] =	ssyncadd.s32 $0xFFFFFB00  }
0xd5: {  	_ =	swait.ge [sflag:s6], $0x500  }
0xd6: {  	[sflag:s6] =	ssyncset.done $0x0  }
0xd7: {  	[sflag:s6] =	ssyncadd.s32 $0xFFFFFB00  }
0xd8: {  	_ =	swait.ge [sflag:s6], $0x500  }
0xd9: {  	[sflag:s6] =	ssyncset.done $0x0  }
0xda: {  	[sflag:s6] =	ssyncadd.s32 $0xFFFFFB00  }
0xdb: {  	_ =	swait.ge [sflag:s6], $0x500  }
0xdc: {  	[sflag:s6] =	ssyncset.done $0x0  }
0xdd: {  	[sflag:s6] =	ssyncadd.s32 $0xFFFFFB00  }
0xde: {  	_ =	swait.ge [sflag:s6], $0x500  }
0xdf: {  	[sflag:s6] =	ssyncset.done $0x0  }
0xe0: {  	[sflag:s6] =	ssyncadd.s32 $0xFFFFFB00  }
0xe1: {  	_ =	swait.ge [sflag:s6], $0x500  }
0xe2: {  	[sflag:s6] =	ssyncset.done $0x0  }
0xe3: {  	[sflag:s6] =	ssyncadd.s32 $0xFFFFFB00  }
0xe4: {  	_ =	swait.ge [sflag:s6], $0x500  }
0xe5: {  	[sflag:s6] =	ssyncset.done $0x0  }
0xe6: {  	[sflag:s6] =	ssyncadd.s32 $0xFFFFFB00  }
0xe7: {  	_ =	swait.ge [sflag:s6], $0x500  }
0xe8: {  	[sflag:s6] =	ssyncset.done $0x0  }
0xe9: {  	[sflag:s6] =	ssyncadd.s32 $0xFFFFFB00  }
0xea: {  	_ =	swait.ge [sflag:s6], $0x500  }
0xeb: {  	[sflag:s6] =	ssyncset.done $0x0  }
0xec: {  	[sflag:s6] =	ssyncadd.s32 $0xFFFFFB00  }
0xed: {  	_ =	swait.ge [sflag:s6], $0x500  }
0xee: {  	[sflag:s6] =	ssyncset.done $0x0  }
0xef: {  	[sflag:s6] =	ssyncadd.s32 $0xFFFFFB00  }
0xf0: {  	_ =	swait.ge [sflag:s6], $0x500  }
0xf1: {  	[sflag:s6] =	ssyncset.done $0x0  }
0xf2: {  	[sflag:s6] =	ssyncadd.s32 $0xFFFFFB00  }
0xf3: {  	_ =	swait.ge [sflag:s6], $0x500  }
0xf4: {  	[sflag:s6] =	ssyncset.done $0x0  }
0xf5: {  	[sflag:s6] =	ssyncadd.s32 $0xFFFFFB00  }
0xf6: {  	_ =	swait.ge [sflag:s6], $0x500  }
0xf7: {  	[sflag:s6] =	ssyncset.done $0x0  }
0xf8: {  	s1 =	rddreg [dreg:$0x3];
	[sflag:s6] =	ssyncadd.s32 $0xFFFFFB00  }
0xf9: {  	[hbm4b:s1+s2] =	stream.linear.scatter [tilespmem:s4], [sflag:$0x2], $0x6400, $0x38;
	[tilespmem:$0xCE40] =	vst v63  }
0xfa: {  	p1 =	sne.s32 s29, $0x1;
	_ =	swait.ge [sflag:s3], $0x6400  }
.Ltmp1:
0xfb: {  	[sflag:s3] =	ssyncset.done $0x0;
	(pc) =	sbr.rel @!p1 .LBB2_3-.Ltmp1, $4  }
0xfc: {  	s1 =	rddreg [dreg:$0x4];
	[sflag:s3] =	ssyncadd.s32 $0xFFFF9C00  }
0xfd: {  	[hbm4b:s1+s2] =	stream.linear.scatter [tilespmem:s5], [sflag:$0x2], $0x6400, $0x38;
	[tilespmem:$0xCE40] =	vst v63  }
0xfe: {  	p0 =	por $0x1, $0x1;
	_ =	swait.ge [sflag:s3], $0x6400  }
0xff: {  	s1 =	sadd.s32 $0xFFFFFFFF, s29;
	s0 =	rddreg [dreg:$0x2];
	[sflag:s3] =	ssyncset.done $0x0  }
.LBB2_4:
0x100: {  	[sflag:s3] =	ssyncadd.s32 $0xFFFF9C00  }
0x101: {  	[tilespmem:s2], [sflag:$0x2] =	stream.linear.gather [hbm4b:s0+s2], $0x640, $0x38;
	[tilespmem:$0xCE40] =	vst v63  }
0x102: {  	_ =	swait.ge [sflag:s3], $0x640  }
0x103: {  	[sflag:s3] =	ssyncset.done $0x0  }
0x104: {  	[sflag:s3] =	ssyncadd.s32 $0xFFFFF9C0  }
0x105: {  	[tilespmem:s4], [sflag:$0x1] =	stream.indirect.gather [hbm4b:s9+s8], $0x10, s2, s8, $0xb8;
	[tilespmem:$0xCE40] =	vst v63  }
0x106: {  	s0 =	rddreg [dreg:$0x5]  }
0x107: {  	[tilespmem:s0], [sflag:$0x1] =	stream.indirect.gather [hbm4b:s9+s8], $0x10, s8, s8, $0xb8;
	[tilespmem:$0xCE40] =	vst v63  }
0x108: {  	s29 =	rddreg [dreg:$0x6]  }
0x109: {  	[tilespmem:s29], [sflag:$0x1] =	stream.indirect.gather [hbm4b:s9+s8], $0x10, s10, s8, $0xb8;
	[tilespmem:$0xCE40] =	vst v63  }
0x10a: {  	s0 =	rddreg [dreg:$0x7]  }
0x10b: {  	[tilespmem:s0], [sflag:$0x1] =	stream.indirect.gather [hbm4b:s9+s8], $0x10, s11, s8, $0xb8;
	[tilespmem:$0xCE40] =	vst v63  }
0x10c: {  	s29 =	rddreg [dreg:$0x8]  }
0x10d: {  	[tilespmem:s29], [sflag:$0x1] =	stream.indirect.gather [hbm4b:s9+s8], $0x10, s12, s8, $0xb8;
	[tilespmem:$0xCE40] =	vst v63  }
0x10e: {  	s0 =	rddreg [dreg:$0x9]  }
0x10f: {  	[tilespmem:s0], [sflag:$0x1] =	stream.indirect.gather [hbm4b:s9+s8], $0x10, s13, s8, $0xb8;
	[tilespmem:$0xCE40] =	vst v63  }
0x110: {  	s29 =	rddreg [dreg:$0xa]  }
0x111: {  	[tilespmem:s29], [sflag:$0x1] =	stream.indirect.gather [hbm4b:s9+s8], $0x10, s14, s8, $0xb8;
	[tilespmem:$0xCE40] =	vst v63  }
0x112: {  	s0 =	rddreg [dreg:$0xb]  }
0x113: {  	[tilespmem:s0], [sflag:$0x1] =	stream.indirect.gather [hbm4b:s9+s8], $0x10, s15, s8, $0xb8;
	[tilespmem:$0xCE40] =	vst v63  }
0x114: {  	s29 =	rddreg [dreg:$0xc]  }
0x115: {  	[tilespmem:s29], [sflag:$0x1] =	stream.indirect.gather [hbm4b:s9+s8], $0x10, s16, s8, $0xb8;
	[tilespmem:$0xCE40] =	vst v63  }
0x116: {  	s0 =	rddreg [dreg:$0xd]  }
0x117: {  	[tilespmem:s0], [sflag:$0x1] =	stream.indirect.gather [hbm4b:s9+s8], $0x10, s17, s8, $0xb8;
	[tilespmem:$0xCE40] =	vst v63  }
0x118: {  	s29 =	rddreg [dreg:$0xe]  }
0x119: {  	[tilespmem:s29], [sflag:$0x1] =	stream.indirect.gather [hbm4b:s9+s8], $0x10, s18, s8, $0xb8;
	[tilespmem:$0xCE40] =	vst v63  }
0x11a: {  	s0 =	rddreg [dreg:$0xf]  }
0x11b: {  	[tilespmem:s0], [sflag:$0x1] =	stream.indirect.gather [hbm4b:s9+s8], $0x10, s19, s8, $0xb8;
	[tilespmem:$0xCE40] =	vst v63  }
0x11c: {  	s29 =	rddreg [dreg:$0x10]  }
0x11d: {  	[tilespmem:s29], [sflag:$0x1] =	stream.indirect.gather [hbm4b:s9+s8], $0x10, s20, s8, $0xb8;
	[tilespmem:$0xCE40] =	vst v63  }
0x11e: {  	s0 =	rddreg [dreg:$0x11]  }
0x11f: {  	[tilespmem:s0], [sflag:$0x1] =	stream.indirect.gather [hbm4b:s9+s8], $0x10, s21, s8, $0xb8;
	[tilespmem:$0xCE40] =	vst v63  }
0x120: {  	s29 =	rddreg [dreg:$0x12]  }
0x121: {  	[tilespmem:s29], [sflag:$0x1] =	stream.indirect.gather [hbm4b:s9+s8], $0x10, s22, s8, $0xb8;
	[tilespmem:$0xCE40] =	vst v63  }
0x122: {  	s0 =	rddreg [dreg:$0x13]  }
0x123: {  	[tilespmem:s0], [sflag:$0x1] =	stream.indirect.gather [hbm4b:s9+s8], $0x10, s23, s8, $0xb8;
	[tilespmem:$0xCE40] =	vst v63  }
0x124: {  	s29 =	rddreg [dreg:$0x14]  }
0x125: {  	[tilespmem:s29], [sflag:$0x1] =	stream.indirect.gather [hbm4b:s9+s8], $0x10, s24, s8, $0xb8;
	[tilespmem:$0xCE40] =	vst v63  }
0x126: {  	s0 =	rddreg [dreg:$0x15]  }
0x127: {  	[tilespmem:s0], [sflag:$0x1] =	stream.indirect.gather [hbm4b:s9+s8], $0x10, s25, s8, $0xb8;
	[tilespmem:$0xCE40] =	vst v63  }
0x128: {  	s29 =	rddreg [dreg:$0x16]  }
0x129: {  	[tilespmem:s29], [sflag:$0x1] =	stream.indirect.gather [hbm4b:s9+s8], $0x10, s26, s8, $0xb8;
	[tilespmem:$0xCE40] =	vst v63  }
0x12a: {  	s0 =	rddreg [dreg:$0x17]  }
0x12b: {  	[tilespmem:s0], [sflag:$0x1] =	stream.indirect.gather [hbm4b:s9+s8], $0x10, s28, s8, $0xb8;
	[tilespmem:$0xCE40] =	vst v63  }
0x12c: {  	s29 =	rddreg [dreg:$0x19]  }
0x12d: {  	[tilespmem:s5], [sflag:$0x1] =	stream.indirect.gather [hbm4b:s7+s8], $0x10, s2, s8, $0xb8;
	[tilespmem:$0xCE40] =	vst v63  }
0x12e: {  	s0 =	rddreg [dreg:$0x18]  }
0x12f: {  	[tilespmem:s0], [sflag:$0x1] =	stream.indirect.gather [hbm4b:s7+s8], $0x10, s8, s8, $0xb8;
	[tilespmem:$0xCE40] =	vst v63  }
0x130: {  	s0 =	rddreg [dreg:$0x1a]  }
0x131: {  	[tilespmem:s29], [sflag:$0x1] =	stream.indirect.gather [hbm4b:s7+s8], $0x10, s10, s8, $0xb8;
	[tilespmem:$0xCE40] =	vst v63  }
0x132: {  	s29 =	rddreg [dreg:$0x1b]  }
0x133: {  	[tilespmem:s0], [sflag:$0x1] =	stream.indirect.gather [hbm4b:s7+s8], $0x10, s11, s8, $0xb8;
	[tilespmem:$0xCE40] =	vst v63  }
0x134: {  	s0 =	rddreg [dreg:$0x1c]  }
0x135: {  	[tilespmem:s29], [sflag:$0x1] =	stream.indirect.gather [hbm4b:s7+s8], $0x10, s12, s8, $0xb8;
	[tilespmem:$0xCE40] =	vst v63  }
0x136: {  	s29 =	rddreg [dreg:$0x1d]  }
0x137: {  	[tilespmem:s0], [sflag:$0x1] =	stream.indirect.gather [hbm4b:s7+s8], $0x10, s13, s8, $0xb8;
	[tilespmem:$0xCE40] =	vst v63  }
0x138: {  	s0 =	rddreg [dreg:$0x1e]  }
0x139: {  	[tilespmem:s29], [sflag:$0x1] =	stream.indirect.gather [hbm4b:s7+s8], $0x10, s14, s8, $0xb8;
	[tilespmem:$0xCE40] =	vst v63  }
0x13a: {  	s29 =	rddreg [dreg:$0x1f]  }
0x13b: {  	[tilespmem:s0], [sflag:$0x1] =	stream.indirect.gather [hbm4b:s7+s8], $0x10, s15, s8, $0xb8;
	[tilespmem:$0xCE40] =	vst v63  }
0x13c: {  	s0 =	sld [smem:$0x7F6]  }
0x13d: {  	[tilespmem:s29], [sflag:$0x1] =	stream.indirect.gather [hbm4b:s7+s8], $0x10, s16, s8, $0xb8;
	[tilespmem:$0xCE40] =	vst v63  }
0x13e: {  	s29 =	sld [smem:$0x7F7]  }
0x13f: {  	[tilespmem:s0], [sflag:$0x1] =	stream.indirect.gather [hbm4b:s7+s8], $0x10, s17, s8, $0xb8;
	[tilespmem:$0xCE40] =	vst v63  }
0x140: {  	s0 =	sld [smem:$0x7F8]  }
0x141: {  	[tilespmem:s29], [sflag:$0x1] =	stream.indirect.gather [hbm4b:s7+s8], $0x10, s18, s8, $0xb8;
	[tilespmem:$0xCE40] =	vst v63  }
0x142: {  	s29 =	sld [smem:$0x7F9]  }
0x143: {  	[tilespmem:s0], [sflag:$0x1] =	stream.indirect.gather [hbm4b:s7+s8], $0x10, s19, s8, $0xb8;
	[tilespmem:$0xCE40] =	vst v63  }
0x144: {  	s0 =	sld [smem:$0x7FA]  }
0x145: {  	[tilespmem:s29], [sflag:$0x1] =	stream.indirect.gather [hbm4b:s7+s8], $0x10, s20, s8, $0xb8;
	[tilespmem:$0xCE40] =	vst v63  }
0x146: {  	s29 =	sld [smem:$0x7FB]  }
0x147: {  	[tilespmem:s0], [sflag:$0x1] =	stream.indirect.gather [hbm4b:s7+s8], $0x10, s21, s8, $0xb8;
	[tilespmem:$0xCE40] =	vst v63  }
0x148: {  	s0 =	sld [smem:$0x7FC]  }
0x149: {  	[tilespmem:s29], [sflag:$0x1] =	stream.indirect.gather [hbm4b:s7+s8], $0x10, s22, s8, $0xb8;
	[tilespmem:$0xCE40] =	vst v63  }
0x14a: {  	s29 =	sld [smem:$0x7FD]  }
0x14b: {  	[tilespmem:s0], [sflag:$0x1] =	stream.indirect.gather [hbm4b:s7+s8], $0x10, s23, s8, $0xb8;
	[tilespmem:$0xCE40] =	vst v63  }
0x14c: {  	_ = 	snop  }
0x14d: {  	[tilespmem:s29], [sflag:$0x1] =	stream.indirect.gather [hbm4b:s7+s8], $0x10, s24, s8, $0xb8;
	[tilespmem:$0xCE40] =	vst v63  }
0x14e: {  	s29 =	simm.s32 $0xBF40  }
0x14f: {  	[tilespmem:s29], [sflag:$0x1] =	stream.indirect.gather [hbm4b:s7+s8], $0x10, s25, s8, $0xb8;
	[tilespmem:$0xCE40] =	vst v63  }
0x150: {  	_ = 	snop  }
0x151: {  	[tilespmem:s31], [sflag:$0x1] =	stream.indirect.gather [hbm4b:s7+s8], $0x10, s26, s8, $0xb8;
	[tilespmem:$0xCE40] =	vst v63  }
0x152: {  	_ = 	snop  }
0x153: {  	[tilespmem:s30], [sflag:$0x1] =	stream.indirect.gather [hbm4b:s7+s8], $0x10, s28, s8, $0xb8;
	[tilespmem:$0xCE40] =	vst v63  }
0x154: {  	_ =	swait.ge [sflag:s6], $0x500  }
0x155: {  	[sflag:s6] =	ssyncset.done $0x0  }
0x156: {  	[sflag:s6] =	ssyncadd.s32 $0xFFFFFB00  }
0x157: {  	_ =	swait.ge [sflag:s6], $0x500  }
0x158: {  	[sflag:s6] =	ssyncset.done $0x0  }
0x159: {  	[sflag:s6] =	ssyncadd.s32 $0xFFFFFB00  }
0x15a: {  	_ =	swait.ge [sflag:s6], $0x500  }
0x15b: {  	[sflag:s6] =	ssyncset.done $0x0  }
0x15c: {  	[sflag:s6] =	ssyncadd.s32 $0xFFFFFB00  }
0x15d: {  	_ =	swait.ge [sflag:s6], $0x500  }
0x15e: {  	[sflag:s6] =	ssyncset.done $0x0  }
0x15f: {  	[sflag:s6] =	ssyncadd.s32 $0xFFFFFB00  }
0x160: {  	_ =	swait.ge [sflag:s6], $0x500  }
0x161: {  	[sflag:s6] =	ssyncset.done $0x0  }
0x162: {  	[sflag:s6] =	ssyncadd.s32 $0xFFFFFB00  }
0x163: {  	_ =	swait.ge [sflag:s6], $0x500  }
0x164: {  	[sflag:s6] =	ssyncset.done $0x0  }
0x165: {  	[sflag:s6] =	ssyncadd.s32 $0xFFFFFB00  }
0x166: {  	_ =	swait.ge [sflag:s6], $0x500  }
0x167: {  	[sflag:s6] =	ssyncset.done $0x0  }
0x168: {  	[sflag:s6] =	ssyncadd.s32 $0xFFFFFB00  }
0x169: {  	_ =	swait.ge [sflag:s6], $0x500  }
0x16a: {  	[sflag:s6] =	ssyncset.done $0x0  }
0x16b: {  	[sflag:s6] =	ssyncadd.s32 $0xFFFFFB00  }
0x16c: {  	_ =	swait.ge [sflag:s6], $0x500  }
0x16d: {  	[sflag:s6] =	ssyncset.done $0x0  }
0x16e: {  	[sflag:s6] =	ssyncadd.s32 $0xFFFFFB00  }
0x16f: {  	_ =	swait.ge [sflag:s6], $0x500  }
0x170: {  	[sflag:s6] =	ssyncset.done $0x0  }
0x171: {  	[sflag:s6] =	ssyncadd.s32 $0xFFFFFB00  }
0x172: {  	_ =	swait.ge [sflag:s6], $0x500  }
0x173: {  	[sflag:s6] =	ssyncset.done $0x0  }
0x174: {  	[sflag:s6] =	ssyncadd.s32 $0xFFFFFB00  }
0x175: {  	_ =	swait.ge [sflag:s6], $0x500  }
0x176: {  	[sflag:s6] =	ssyncset.done $0x0  }
0x177: {  	[sflag:s6] =	ssyncadd.s32 $0xFFFFFB00  }
0x178: {  	_ =	swait.ge [sflag:s6], $0x500  }
0x179: {  	[sflag:s6] =	ssyncset.done $0x0  }
0x17a: {  	[sflag:s6] =	ssyncadd.s32 $0xFFFFFB00  }
0x17b: {  	_ =	swait.ge [sflag:s6], $0x500  }
0x17c: {  	[sflag:s6] =	ssyncset.done $0x0  }
0x17d: {  	[sflag:s6] =	ssyncadd.s32 $0xFFFFFB00  }
0x17e: {  	_ =	swait.ge [sflag:s6], $0x500  }
0x17f: {  	[sflag:s6] =	ssyncset.done $0x0  }
0x180: {  	[sflag:s6] =	ssyncadd.s32 $0xFFFFFB00  }
0x181: {  	_ =	swait.ge [sflag:s6], $0x500  }
0x182: {  	[sflag:s6] =	ssyncset.done $0x0  }
0x183: {  	[sflag:s6] =	ssyncadd.s32 $0xFFFFFB00  }
0x184: {  	_ =	swait.ge [sflag:s6], $0x500  }
0x185: {  	[sflag:s6] =	ssyncset.done $0x0  }
0x186: {  	[sflag:s6] =	ssyncadd.s32 $0xFFFFFB00  }
0x187: {  	_ =	swait.ge [sflag:s6], $0x500  }
0x188: {  	[sflag:s6] =	ssyncset.done $0x0  }
0x189: {  	[sflag:s6] =	ssyncadd.s32 $0xFFFFFB00  }
0x18a: {  	_ =	swait.ge [sflag:s6], $0x500  }
0x18b: {  	[sflag:s6] =	ssyncset.done $0x0  }
0x18c: {  	[sflag:s6] =	ssyncadd.s32 $0xFFFFFB00  }
0x18d: {  	_ =	swait.ge [sflag:s6], $0x500  }
0x18e: {  	[sflag:s6] =	ssyncset.done $0x0  }
0x18f: {  	[sflag:s6] =	ssyncadd.s32 $0xFFFFFB00  }
0x190: {  	_ =	swait.ge [sflag:s6], $0x500  }
0x191: {  	[sflag:s6] =	ssyncset.done $0x0  }
0x192: {  	[sflag:s6] =	ssyncadd.s32 $0xFFFFFB00  }
0x193: {  	_ =	swait.ge [sflag:s6], $0x500  }
0x194: {  	[sflag:s6] =	ssyncset.done $0x0  }
0x195: {  	[sflag:s6] =	ssyncadd.s32 $0xFFFFFB00  }
0x196: {  	_ =	swait.ge [sflag:s6], $0x500  }
0x197: {  	[sflag:s6] =	ssyncset.done $0x0  }
0x198: {  	[sflag:s6] =	ssyncadd.s32 $0xFFFFFB00  }
0x199: {  	_ =	swait.ge [sflag:s6], $0x500  }
0x19a: {  	[sflag:s6] =	ssyncset.done $0x0  }
0x19b: {  	[sflag:s6] =	ssyncadd.s32 $0xFFFFFB00  }
0x19c: {  	_ =	swait.ge [sflag:s6], $0x500  }
0x19d: {  	[sflag:s6] =	ssyncset.done $0x0  }
0x19e: {  	[sflag:s6] =	ssyncadd.s32 $0xFFFFFB00  }
0x19f: {  	_ =	swait.ge [sflag:s6], $0x500  }
0x1a0: {  	[sflag:s6] =	ssyncset.done $0x0  }
0x1a1: {  	[sflag:s6] =	ssyncadd.s32 $0xFFFFFB00  }
0x1a2: {  	_ =	swait.ge [sflag:s6], $0x500  }
0x1a3: {  	[sflag:s6] =	ssyncset.done $0x0  }
0x1a4: {  	[sflag:s6] =	ssyncadd.s32 $0xFFFFFB00  }
0x1a5: {  	_ =	swait.ge [sflag:s6], $0x500  }
0x1a6: {  	[sflag:s6] =	ssyncset.done $0x0  }
0x1a7: {  	[sflag:s6] =	ssyncadd.s32 $0xFFFFFB00  }
0x1a8: {  	_ =	swait.ge [sflag:s6], $0x500  }
0x1a9: {  	[sflag:s6] =	ssyncset.done $0x0  }
0x1aa: {  	[sflag:s6] =	ssyncadd.s32 $0xFFFFFB00  }
0x1ab: {  	_ =	swait.ge [sflag:s6], $0x500  }
0x1ac: {  	[sflag:s6] =	ssyncset.done $0x0  }
0x1ad: {  	[sflag:s6] =	ssyncadd.s32 $0xFFFFFB00  }
0x1ae: {  	_ =	swait.ge [sflag:s6], $0x500  }
0x1af: {  	[sflag:s6] =	ssyncset.done $0x0  }
0x1b0: {  	[sflag:s6] =	ssyncadd.s32 $0xFFFFFB00  }
0x1b1: {  	_ =	swait.ge [sflag:s6], $0x500  }
0x1b2: {  	[sflag:s6] =	ssyncset.done $0x0  }
0x1b3: {  	[sflag:s6] =	ssyncadd.s32 $0xFFFFFB00  }
0x1b4: {  	_ =	swait.ge [sflag:s6], $0x500  }
0x1b5: {  	[sflag:s6] =	ssyncset.done $0x0  }
0x1b6: {  	[sflag:s6] =	ssyncadd.s32 $0xFFFFFB00  }
0x1b7: {  	_ =	swait.ge [sflag:s6], $0x500  }
0x1b8: {  	[sflag:s6] =	ssyncset.done $0x0  }
0x1b9: {  	[sflag:s6] =	ssyncadd.s32 $0xFFFFFB00  }
0x1ba: {  	_ =	swait.ge [sflag:s6], $0x500  }
0x1bb: {  	[sflag:s6] =	ssyncset.done $0x0  }
0x1bc: {  	[sflag:s6] =	ssyncadd.s32 $0xFFFFFB00  }
0x1bd: {  	_ =	swait.ge [sflag:s6], $0x500  }
0x1be: {  	[sflag:s6] =	ssyncset.done $0x0  }
0x1bf: {  	[sflag:s6] =	ssyncadd.s32 $0xFFFFFB00  }
0x1c0: {  	_ =	swait.ge [sflag:s6], $0x500  }
0x1c1: {  	[sflag:s6] =	ssyncset.done $0x0  }
0x1c2: {  	[sflag:s6] =	ssyncadd.s32 $0xFFFFFB00  }
0x1c3: {  	_ =	swait.ge [sflag:s6], $0x500  }
0x1c4: {  	[sflag:s6] =	ssyncset.done $0x0  }
0x1c5: {  	[sflag:s6] =	ssyncadd.s32 $0xFFFFFB00  }
0x1c6: {  	_ =	swait.ge [sflag:s6], $0x500  }
0x1c7: {  	[sflag:s6] =	ssyncset.done $0x0  }
0x1c8: {  	[sflag:s6] =	ssyncadd.s32 $0xFFFFFB00  }
0x1c9: {  	_ =	swait.ge [sflag:s6], $0x500  }
0x1ca: {  	[sflag:s6] =	ssyncset.done $0x0  }
0x1cb: {  	s29 =	rddreg [dreg:$0x3];
	[sflag:s6] =	ssyncadd.s32 $0xFFFFFB00  }
0x1cc: {  	[hbm4b:s29+s2] =	stream.linear.scatter [tilespmem:s4], [sflag:$0x2], $0x6400, $0x38;
	[tilespmem:$0xCE40] =	vst v63  }
0x1cd: {  	p1 =	sne.s32 s1, $0x1;
	_ =	swait.ge [sflag:s3], $0x6400  }
.Ltmp2:
0x1ce: {  	[sflag:s3] =	ssyncset.done $0x0;
	(pc) =	sbr.rel @p1 .LBB2_4-.Ltmp2, $4  }
0x1cf: {  	s29 =	rddreg [dreg:$0x4];
	[sflag:s3] =	ssyncadd.s32 $0xFFFF9C00  }
0x1d0: {  	[hbm4b:s29+s2] =	stream.linear.scatter [tilespmem:s5], [sflag:$0x2], $0x6400, $0x38;
	[tilespmem:$0xCE40] =	vst v63  }
0x1d1: {  	_ =	swait.ge [sflag:s3], $0x6400  }
0x1d2: {  	s1 =	sadd.s32 $0xFFFFFFFF, s1;
	s0 =	rddreg [dreg:$0x2];
	[sflag:s3] =	ssyncset.done $0x0  }
0x1d3: {  	s29 =	simm.s32 $0xC940;
	s31 =	simm.s32 $0xC440;
	s30 =	simm.s32 $0xBF40  }
.LBB2_6:
0x1d4: {  	[sflag:s3] =	ssyncadd.s32 @p0 $0xFFFF9C00  }
0x1d5: {  	[tilespmem:s2], [sflag:$0x2] =	stream.linear.gather [hbm4b:s0+s2], $0x640, $0x38;
	[tilespmem:$0xCE40] =	vst v63  }
0x1d6: {  	_ =	swait.ge [sflag:s3], $0x640  }
0x1d7: {  	[sflag:s3] =	ssyncset.done $0x0  }
0x1d8: {  	[sflag:s3] =	ssyncadd.s32 $0xFFFFF9C0  }
0x1d9: {  	[tilespmem:s4], [sflag:$0x1] =	stream.indirect.gather [hbm4b:s9+s8], $0x10, s2, s8, $0xb8;
	[tilespmem:$0xCE40] =	vst v63  }
0x1da: {  	s0 =	rddreg [dreg:$0x5]  }
0x1db: {  	[tilespmem:s0], [sflag:$0x1] =	stream.indirect.gather [hbm4b:s9+s8], $0x10, s8, s8, $0xb8;
	[tilespmem:$0xCE40] =	vst v63  }
0x1dc: {  	s1 =	rddreg [dreg:$0x6]  }
0x1dd: {  	[tilespmem:s1], [sflag:$0x1] =	stream.indirect.gather [hbm4b:s9+s8], $0x10, s10, s8, $0xb8;
	[tilespmem:$0xCE40] =	vst v63  }
0x1de: {  	s0 =	rddreg [dreg:$0x7]  }
0x1df: {  	[tilespmem:s0], [sflag:$0x1] =	stream.indirect.gather [hbm4b:s9+s8], $0x10, s11, s8, $0xb8;
	[tilespmem:$0xCE40] =	vst v63  }
0x1e0: {  	s1 =	rddreg [dreg:$0x8]  }
0x1e1: {  	[tilespmem:s1], [sflag:$0x1] =	stream.indirect.gather [hbm4b:s9+s8], $0x10, s12, s8, $0xb8;
	[tilespmem:$0xCE40] =	vst v63  }
0x1e2: {  	s0 =	rddreg [dreg:$0x9]  }
0x1e3: {  	[tilespmem:s0], [sflag:$0x1] =	stream.indirect.gather [hbm4b:s9+s8], $0x10, s13, s8, $0xb8;
	[tilespmem:$0xCE40] =	vst v63  }
0x1e4: {  	s1 =	rddreg [dreg:$0xa]  }
0x1e5: {  	[tilespmem:s1], [sflag:$0x1] =	stream.indirect.gather [hbm4b:s9+s8], $0x10, s14, s8, $0xb8;
	[tilespmem:$0xCE40] =	vst v63  }
0x1e6: {  	s0 =	rddreg [dreg:$0xb]  }
0x1e7: {  	[tilespmem:s0], [sflag:$0x1] =	stream.indirect.gather [hbm4b:s9+s8], $0x10, s15, s8, $0xb8;
	[tilespmem:$0xCE40] =	vst v63  }
0x1e8: {  	s1 =	rddreg [dreg:$0xc]  }
0x1e9: {  	[tilespmem:s1], [sflag:$0x1] =	stream.indirect.gather [hbm4b:s9+s8], $0x10, s16, s8, $0xb8;
	[tilespmem:$0xCE40] =	vst v63  }
0x1ea: {  	s0 =	rddreg [dreg:$0xd]  }
0x1eb: {  	[tilespmem:s0], [sflag:$0x1] =	stream.indirect.gather [hbm4b:s9+s8], $0x10, s17, s8, $0xb8;
	[tilespmem:$0xCE40] =	vst v63  }
0x1ec: {  	s1 =	rddreg [dreg:$0xe]  }
0x1ed: {  	[tilespmem:s1], [sflag:$0x1] =	stream.indirect.gather [hbm4b:s9+s8], $0x10, s18, s8, $0xb8;
	[tilespmem:$0xCE40] =	vst v63  }
0x1ee: {  	s0 =	rddreg [dreg:$0xf]  }
0x1ef: {  	[tilespmem:s0], [sflag:$0x1] =	stream.indirect.gather [hbm4b:s9+s8], $0x10, s19, s8, $0xb8;
	[tilespmem:$0xCE40] =	vst v63  }
0x1f0: {  	s1 =	rddreg [dreg:$0x10]  }
0x1f1: {  	[tilespmem:s1], [sflag:$0x1] =	stream.indirect.gather [hbm4b:s9+s8], $0x10, s20, s8, $0xb8;
	[tilespmem:$0xCE40] =	vst v63  }
0x1f2: {  	s0 =	rddreg [dreg:$0x11]  }
0x1f3: {  	[tilespmem:s0], [sflag:$0x1] =	stream.indirect.gather [hbm4b:s9+s8], $0x10, s21, s8, $0xb8;
	[tilespmem:$0xCE40] =	vst v63  }
0x1f4: {  	s1 =	rddreg [dreg:$0x12]  }
0x1f5: {  	[tilespmem:s1], [sflag:$0x1] =	stream.indirect.gather [hbm4b:s9+s8], $0x10, s22, s8, $0xb8;
	[tilespmem:$0xCE40] =	vst v63  }
0x1f6: {  	s0 =	rddreg [dreg:$0x13]  }
0x1f7: {  	[tilespmem:s0], [sflag:$0x1] =	stream.indirect.gather [hbm4b:s9+s8], $0x10, s23, s8, $0xb8;
	[tilespmem:$0xCE40] =	vst v63  }
0x1f8: {  	s1 =	rddreg [dreg:$0x14]  }
0x1f9: {  	[tilespmem:s1], [sflag:$0x1] =	stream.indirect.gather [hbm4b:s9+s8], $0x10, s24, s8, $0xb8;
	[tilespmem:$0xCE40] =	vst v63  }
0x1fa: {  	s0 =	rddreg [dreg:$0x15]  }
0x1fb: {  	[tilespmem:s0], [sflag:$0x1] =	stream.indirect.gather [hbm4b:s9+s8], $0x10, s25, s8, $0xb8;
	[tilespmem:$0xCE40] =	vst v63  }
0x1fc: {  	s1 =	rddreg [dreg:$0x16]  }
0x1fd: {  	[tilespmem:s1], [sflag:$0x1] =	stream.indirect.gather [hbm4b:s9+s8], $0x10, s26, s8, $0xb8;
	[tilespmem:$0xCE40] =	vst v63  }
0x1fe: {  	s0 =	rddreg [dreg:$0x17]  }
0x1ff: {  	[tilespmem:s0], [sflag:$0x1] =	stream.indirect.gather [hbm4b:s9+s8], $0x10, s28, s8, $0xb8;
	[tilespmem:$0xCE40] =	vst v63  }
0x200: {  	s1 =	rddreg [dreg:$0x19]  }
0x201: {  	[tilespmem:s5], [sflag:$0x1] =	stream.indirect.gather [hbm4b:s7+s8], $0x10, s2, s8, $0xb8;
	[tilespmem:$0xCE40] =	vst v63  }
0x202: {  	s9 =	rddreg [dreg:$0x18]  }
0x203: {  	[tilespmem:s9], [sflag:$0x1] =	stream.indirect.gather [hbm4b:s7+s8], $0x10, s8, s8, $0xb8;
	[tilespmem:$0xCE40] =	vst v63  }
0x204: {  	s9 =	rddreg [dreg:$0x1a]  }
0x205: {  	[tilespmem:s1], [sflag:$0x1] =	stream.indirect.gather [hbm4b:s7+s8], $0x10, s10, s8, $0xb8;
	[tilespmem:$0xCE40] =	vst v63  }
0x206: {  	s10 =	rddreg [dreg:$0x1b]  }
0x207: {  	[tilespmem:s9], [sflag:$0x1] =	stream.indirect.gather [hbm4b:s7+s8], $0x10, s11, s8, $0xb8;
	[tilespmem:$0xCE40] =	vst v63  }
0x208: {  	s11 =	rddreg [dreg:$0x1c]  }
0x209: {  	[tilespmem:s10], [sflag:$0x1] =	stream.indirect.gather [hbm4b:s7+s8], $0x10, s12, s8, $0xb8;
	[tilespmem:$0xCE40] =	vst v63  }
0x20a: {  	s12 =	rddreg [dreg:$0x1d]  }
0x20b: {  	[tilespmem:s11], [sflag:$0x1] =	stream.indirect.gather [hbm4b:s7+s8], $0x10, s13, s8, $0xb8;
	[tilespmem:$0xCE40] =	vst v63  }
0x20c: {  	s13 =	rddreg [dreg:$0x1e]  }
0x20d: {  	[tilespmem:s12], [sflag:$0x1] =	stream.indirect.gather [hbm4b:s7+s8], $0x10, s14, s8, $0xb8;
	[tilespmem:$0xCE40] =	vst v63  }
0x20e: {  	s14 =	rddreg [dreg:$0x1f]  }
0x20f: {  	[tilespmem:s13], [sflag:$0x1] =	stream.indirect.gather [hbm4b:s7+s8], $0x10, s15, s8, $0xb8;
	[tilespmem:$0xCE40] =	vst v63  }
0x210: {  	s15 =	sld [smem:$0x7F6]  }
0x211: {  	[tilespmem:s14], [sflag:$0x1] =	stream.indirect.gather [hbm4b:s7+s8], $0x10, s16, s8, $0xb8;
	[tilespmem:$0xCE40] =	vst v63  }
0x212: {  	s16 =	sld [smem:$0x7F7]  }
0x213: {  	[tilespmem:s15], [sflag:$0x1] =	stream.indirect.gather [hbm4b:s7+s8], $0x10, s17, s8, $0xb8;
	[tilespmem:$0xCE40] =	vst v63  }
0x214: {  	s17 =	sld [smem:$0x7F8]  }
0x215: {  	[tilespmem:s16], [sflag:$0x1] =	stream.indirect.gather [hbm4b:s7+s8], $0x10, s18, s8, $0xb8;
	[tilespmem:$0xCE40] =	vst v63  }
0x216: {  	s18 =	sld [smem:$0x7F9]  }
0x217: {  	[tilespmem:s17], [sflag:$0x1] =	stream.indirect.gather [hbm4b:s7+s8], $0x10, s19, s8, $0xb8;
	[tilespmem:$0xCE40] =	vst v63  }
0x218: {  	s19 =	sld [smem:$0x7FA]  }
0x219: {  	[tilespmem:s18], [sflag:$0x1] =	stream.indirect.gather [hbm4b:s7+s8], $0x10, s20, s8, $0xb8;
	[tilespmem:$0xCE40] =	vst v63  }
0x21a: {  	s20 =	sld [smem:$0x7FB]  }
0x21b: {  	[tilespmem:s19], [sflag:$0x1] =	stream.indirect.gather [hbm4b:s7+s8], $0x10, s21, s8, $0xb8;
	[tilespmem:$0xCE40] =	vst v63  }
0x21c: {  	s21 =	sld [smem:$0x7FC]  }
0x21d: {  	[tilespmem:s20], [sflag:$0x1] =	stream.indirect.gather [hbm4b:s7+s8], $0x10, s22, s8, $0xb8;
	[tilespmem:$0xCE40] =	vst v63  }
0x21e: {  	s22 =	sld [smem:$0x7FD]  }
0x21f: {  	[tilespmem:s21], [sflag:$0x1] =	stream.indirect.gather [hbm4b:s7+s8], $0x10, s23, s8, $0xb8;
	[tilespmem:$0xCE40] =	vst v63  }
0x220: {  	_ = 	snop  }
0x221: {  	[tilespmem:s22], [sflag:$0x1] =	stream.indirect.gather [hbm4b:s7+s8], $0x10, s24, s8, $0xb8;
	[tilespmem:$0xCE40] =	vst v63  }
0x222: {  	_ = 	snop  }
0x223: {  	[tilespmem:s30], [sflag:$0x1] =	stream.indirect.gather [hbm4b:s7+s8], $0x10, s25, s8, $0xb8;
	[tilespmem:$0xCE40] =	vst v63  }
0x224: {  	_ = 	snop  }
0x225: {  	[tilespmem:s31], [sflag:$0x1] =	stream.indirect.gather [hbm4b:s7+s8], $0x10, s26, s8, $0xb8;
	[tilespmem:$0xCE40] =	vst v63  }
0x226: {  	_ = 	snop  }
0x227: {  	[tilespmem:s29], [sflag:$0x1] =	stream.indirect.gather [hbm4b:s7+s8], $0x10, s28, s8, $0xb8;
	[tilespmem:$0xCE40] =	vst v63  }
0x228: {  	_ =	swait.ge [sflag:s6], $0x500  }
0x229: {  	[sflag:s6] =	ssyncset.done $0x0  }
0x22a: {  	[sflag:s6] =	ssyncadd.s32 $0xFFFFFB00  }
0x22b: {  	_ =	swait.ge [sflag:s6], $0x500  }
0x22c: {  	[sflag:s6] =	ssyncset.done $0x0  }
0x22d: {  	[sflag:s6] =	ssyncadd.s32 $0xFFFFFB00  }
0x22e: {  	_ =	swait.ge [sflag:s6], $0x500  }
0x22f: {  	[sflag:s6] =	ssyncset.done $0x0  }
0x230: {  	[sflag:s6] =	ssyncadd.s32 $0xFFFFFB00  }
0x231: {  	_ =	swait.ge [sflag:s6], $0x500  }
0x232: {  	[sflag:s6] =	ssyncset.done $0x0  }
0x233: {  	[sflag:s6] =	ssyncadd.s32 $0xFFFFFB00  }
0x234: {  	_ =	swait.ge [sflag:s6], $0x500  }
0x235: {  	[sflag:s6] =	ssyncset.done $0x0  }
0x236: {  	[sflag:s6] =	ssyncadd.s32 $0xFFFFFB00  }
0x237: {  	_ =	swait.ge [sflag:s6], $0x500  }
0x238: {  	[sflag:s6] =	ssyncset.done $0x0  }
0x239: {  	[sflag:s6] =	ssyncadd.s32 $0xFFFFFB00  }
0x23a: {  	_ =	swait.ge [sflag:s6], $0x500  }
0x23b: {  	[sflag:s6] =	ssyncset.done $0x0  }
0x23c: {  	[sflag:s6] =	ssyncadd.s32 $0xFFFFFB00  }
0x23d: {  	_ =	swait.ge [sflag:s6], $0x500  }
0x23e: {  	[sflag:s6] =	ssyncset.done $0x0  }
0x23f: {  	[sflag:s6] =	ssyncadd.s32 $0xFFFFFB00  }
0x240: {  	_ =	swait.ge [sflag:s6], $0x500  }
0x241: {  	[sflag:s6] =	ssyncset.done $0x0  }
0x242: {  	[sflag:s6] =	ssyncadd.s32 $0xFFFFFB00  }
0x243: {  	_ =	swait.ge [sflag:s6], $0x500  }
0x244: {  	[sflag:s6] =	ssyncset.done $0x0  }
0x245: {  	[sflag:s6] =	ssyncadd.s32 $0xFFFFFB00  }
0x246: {  	_ =	swait.ge [sflag:s6], $0x500  }
0x247: {  	[sflag:s6] =	ssyncset.done $0x0  }
0x248: {  	[sflag:s6] =	ssyncadd.s32 $0xFFFFFB00  }
0x249: {  	_ =	swait.ge [sflag:s6], $0x500  }
0x24a: {  	[sflag:s6] =	ssyncset.done $0x0  }
0x24b: {  	[sflag:s6] =	ssyncadd.s32 $0xFFFFFB00  }
0x24c: {  	_ =	swait.ge [sflag:s6], $0x500  }
0x24d: {  	[sflag:s6] =	ssyncset.done $0x0  }
0x24e: {  	[sflag:s6] =	ssyncadd.s32 $0xFFFFFB00  }
0x24f: {  	_ =	swait.ge [sflag:s6], $0x500  }
0x250: {  	[sflag:s6] =	ssyncset.done $0x0  }
0x251: {  	[sflag:s6] =	ssyncadd.s32 $0xFFFFFB00  }
0x252: {  	_ =	swait.ge [sflag:s6], $0x500  }
0x253: {  	[sflag:s6] =	ssyncset.done $0x0  }
0x254: {  	[sflag:s6] =	ssyncadd.s32 $0xFFFFFB00  }
0x255: {  	_ =	swait.ge [sflag:s6], $0x500  }
0x256: {  	[sflag:s6] =	ssyncset.done $0x0  }
0x257: {  	[sflag:s6] =	ssyncadd.s32 $0xFFFFFB00  }
0x258: {  	_ =	swait.ge [sflag:s6], $0x500  }
0x259: {  	[sflag:s6] =	ssyncset.done $0x0  }
0x25a: {  	[sflag:s6] =	ssyncadd.s32 $0xFFFFFB00  }
0x25b: {  	_ =	swait.ge [sflag:s6], $0x500  }
0x25c: {  	[sflag:s6] =	ssyncset.done $0x0  }
0x25d: {  	[sflag:s6] =	ssyncadd.s32 $0xFFFFFB00  }
0x25e: {  	_ =	swait.ge [sflag:s6], $0x500  }
0x25f: {  	[sflag:s6] =	ssyncset.done $0x0  }
0x260: {  	[sflag:s6] =	ssyncadd.s32 $0xFFFFFB00  }
0x261: {  	_ =	swait.ge [sflag:s6], $0x500  }
0x262: {  	[sflag:s6] =	ssyncset.done $0x0  }
0x263: {  	[sflag:s6] =	ssyncadd.s32 $0xFFFFFB00  }
0x264: {  	_ =	swait.ge [sflag:s6], $0x500  }
0x265: {  	[sflag:s6] =	ssyncset.done $0x0  }
0x266: {  	[sflag:s6] =	ssyncadd.s32 $0xFFFFFB00  }
0x267: {  	_ =	swait.ge [sflag:s6], $0x500  }
0x268: {  	[sflag:s6] =	ssyncset.done $0x0  }
0x269: {  	[sflag:s6] =	ssyncadd.s32 $0xFFFFFB00  }
0x26a: {  	_ =	swait.ge [sflag:s6], $0x500  }
0x26b: {  	[sflag:s6] =	ssyncset.done $0x0  }
0x26c: {  	[sflag:s6] =	ssyncadd.s32 $0xFFFFFB00  }
0x26d: {  	_ =	swait.ge [sflag:s6], $0x500  }
0x26e: {  	[sflag:s6] =	ssyncset.done $0x0  }
0x26f: {  	[sflag:s6] =	ssyncadd.s32 $0xFFFFFB00  }
0x270: {  	_ =	swait.ge [sflag:s6], $0x500  }
0x271: {  	[sflag:s6] =	ssyncset.done $0x0  }
0x272: {  	[sflag:s6] =	ssyncadd.s32 $0xFFFFFB00  }
0x273: {  	_ =	swait.ge [sflag:s6], $0x500  }
0x274: {  	[sflag:s6] =	ssyncset.done $0x0  }
0x275: {  	[sflag:s6] =	ssyncadd.s32 $0xFFFFFB00  }
0x276: {  	_ =	swait.ge [sflag:s6], $0x500  }
0x277: {  	[sflag:s6] =	ssyncset.done $0x0  }
0x278: {  	[sflag:s6] =	ssyncadd.s32 $0xFFFFFB00  }
0x279: {  	_ =	swait.ge [sflag:s6], $0x500  }
0x27a: {  	[sflag:s6] =	ssyncset.done $0x0  }
0x27b: {  	[sflag:s6] =	ssyncadd.s32 $0xFFFFFB00  }
0x27c: {  	_ =	swait.ge [sflag:s6], $0x500  }
0x27d: {  	[sflag:s6] =	ssyncset.done $0x0  }
0x27e: {  	[sflag:s6] =	ssyncadd.s32 $0xFFFFFB00  }
0x27f: {  	_ =	swait.ge [sflag:s6], $0x500  }
0x280: {  	[sflag:s6] =	ssyncset.done $0x0  }
0x281: {  	[sflag:s6] =	ssyncadd.s32 $0xFFFFFB00  }
0x282: {  	_ =	swait.ge [sflag:s6], $0x500  }
0x283: {  	[sflag:s6] =	ssyncset.done $0x0  }
0x284: {  	[sflag:s6] =	ssyncadd.s32 $0xFFFFFB00  }
0x285: {  	_ =	swait.ge [sflag:s6], $0x500  }
0x286: {  	[sflag:s6] =	ssyncset.done $0x0  }
0x287: {  	[sflag:s6] =	ssyncadd.s32 $0xFFFFFB00  }
0x288: {  	_ =	swait.ge [sflag:s6], $0x500  }
0x289: {  	[sflag:s6] =	ssyncset.done $0x0  }
0x28a: {  	[sflag:s6] =	ssyncadd.s32 $0xFFFFFB00  }
0x28b: {  	_ =	swait.ge [sflag:s6], $0x500  }
0x28c: {  	[sflag:s6] =	ssyncset.done $0x0  }
0x28d: {  	[sflag:s6] =	ssyncadd.s32 $0xFFFFFB00  }
0x28e: {  	_ =	swait.ge [sflag:s6], $0x500  }
0x28f: {  	[sflag:s6] =	ssyncset.done $0x0  }
0x290: {  	[sflag:s6] =	ssyncadd.s32 $0xFFFFFB00  }
0x291: {  	_ =	swait.ge [sflag:s6], $0x500  }
0x292: {  	[sflag:s6] =	ssyncset.done $0x0  }
0x293: {  	[sflag:s6] =	ssyncadd.s32 $0xFFFFFB00  }
0x294: {  	_ =	swait.ge [sflag:s6], $0x500  }
0x295: {  	[sflag:s6] =	ssyncset.done $0x0  }
0x296: {  	[sflag:s6] =	ssyncadd.s32 $0xFFFFFB00  }
0x297: {  	_ =	swait.ge [sflag:s6], $0x500  }
0x298: {  	[sflag:s6] =	ssyncset.done $0x0  }
0x299: {  	[sflag:s6] =	ssyncadd.s32 $0xFFFFFB00  }
0x29a: {  	_ =	swait.ge [sflag:s6], $0x500  }
0x29b: {  	[sflag:s6] =	ssyncset.done $0x0  }
0x29c: {  	[sflag:s6] =	ssyncadd.s32 $0xFFFFFB00  }
0x29d: {  	_ =	swait.ge [sflag:s6], $0x500  }
0x29e: {  	[sflag:s6] =	ssyncset.done $0x0  }
0x29f: {  	s29 =	rddreg [dreg:$0x3];
	[sflag:s6] =	ssyncadd.s32 $0xFFFFFB00  }
0x2a0: {  	[hbm4b:s29+s2] =	stream.linear.scatter [tilespmem:s4], [sflag:$0x2], $0x6400, $0x38;
	[tilespmem:$0xCE40] =	vst v63  }
0x2a1: {  	_ =	swait.ge [sflag:s3], $0x6400  }
0x2a2: {  	[sflag:s3] =	ssyncset.done $0x0  }
0x2a3: {  	s30 =	rddreg [dreg:$0x4];
	[sflag:s3] =	ssyncadd.s32 $0xFFFF9C00  }
0x2a4: {  	[hbm4b:s30+s2] =	stream.linear.scatter [tilespmem:s5], [sflag:$0x2], $0x6400, $0x38;
	[tilespmem:$0xCE40] =	vst v63  }
0x2a5: {  	_ =	swait.ge [sflag:s3], $0x6400  }
0x2a6: {  	[sflag:s3] =	ssyncset.done $0x0  }
0x2a7: {  	[sflag:s3] =	ssyncadd.s32 $0xFFFF9C00  }
0x2a8: {  	_ =	sfence.sel $0x180000  }
0x2a9: {  	[bflag:$0x0] =	sbarrier.arrive $0xFFFF  }
0x2aa: {  	_ =	strace $0x9000004D  }
0x2ab: {  	s31 =	stileid.u32;
	[bflag:$0x2] =	sbarrier.arrive $0xFFFF  }
0x2ac: {  	p0 =	sne.s32 s31, $0x0;
	s0 =	rddreg [dreg:$0x1]  }
0x2ad: {  	s0 =	sadd.s32 @!p0 $0x100000, s0  }
0x2ae: {  	[sflag:s0] =	ssyncadd.tile.s32 @!p0 $0x1;
	_ =	shalt  }
.LBB2_1:
.Ltmp3:
0x2af: {  	(pc) =	sbr.rel .LBB2_6-.Ltmp3, $2  }
0x2b0: {  	_ =	sdelay $0x2  }
0x2b1: {  	s29 =	simm.s32 $0xC940;
	s31 =	simm.s32 $0xC440;
	s30 =	simm.s32 $0xBF40  }
.LBB2_3:
.Ltmp4:
0x2b2: {  	(pc) =	sbr.rel .LBB2_6-.Ltmp4, $2  }
0x2b3: {  	_ =	sdelay $0x2  }
0x2b4: {  	s29 =	simm.s32 $0xC940;
	s31 =	simm.s32 $0xC440;
	s30 =	simm.s32 $0xBF40  }
.Lfunc_end2:
_tile_overlayer_lowered:
.L_overlay_start_2:
0x2b5: {  	(tag) =	ssettag $0x2  }
0x2b6: {  	s0 =	rddreg [dreg:$0x0];
	s2 =	stileid.u32  }
0x2b7: {  	s1 =	rddreg [dreg:$0x1];
	p0 =	sne.s32 s2, $0x0  }
0x2b8: {  	s3 =	rddreg [dreg:$0x2];
	[bflag:$0x3] =	sbarrier.arrive $0xFFFF;
	s2 =	simm.s32 @!p0 $0x1C02  }
0x2b9: {  	[timem:s3], [sflag:s2] =	dma.local @!p0 [hbm:s0], s1  }
0x2ba: {  	s0 =	simm.s32 @!p0 $0x2  }
0x2bb: {  	_ =	swait.ge @!p0 [sflag:s0], s1  }
0x2bc: {  	s1 =	ssub.s32 @!p0 $0x0, s1;
	[sflag:s0] =	ssyncset.done @!p0 $0x0  }
0x2bd: {  	[sflag:s0] =	ssyncadd.s32 @!p0 s1  }
0x2be: {  	[bflag:$0x3] =	sbarrier.arrive $0xFFFF  }
0x2bf: {  	_ =	shalt  }

// kernel: kernel.7.cloned.1.call-start
scs
__scs_entry_jumppad:
0x0: {  	(pc) =	sbr.rel $0x88, $3  }
0x1: {  	(tag) =	ssettag $0x0;
	lr =	simm.s32 $0x1  }
0x2: {  	[smem:$0x3F96] =	sst lr;
	_ =	strace $0xD0000000  }
0x3: {  	_ = 	snop  }
0x4: {  	_ = 	snop  }
0x5: {  	_ = 	snop  }
0x6: {  	_ = 	snop  }
0x7: {  	_ = 	snop  }
__scs_overlays_trampoline_lowered:
0x8: {  	[smem:$0x3FA5] =	sst s0  }
0x9: {  	[smem:$0x3FA6] =	sst s1  }
0xa: {  	[smem:$0x3FA7] =	sst s2  }
0xb: {  	[smem:$0x3FA8] =	sst s3  }
0xc: {  	[smem:$0x3FA9] =	sst s4  }
0xd: {  	[smem:$0x3FAA] =	sst s5  }
0xe: {  	[smem:$0x3FAB] =	sst s6  }
0xf: {  	[smem:$0x3FAC] =	sst s7  }
0x10: {  	[smem:$0x3FAD] =	sst s8  }
0x11: {  	[smem:$0x3FAE] =	sst s9;
	s0 =	simm.s32 @!p0 $0x0  }
0x12: {  	s1 =	sld [smem:$0x3F94];
	s0 =	simm.s32 @p0 $0x1  }
0x13: {  	[smem:$0x3FAF] =	sst s0;
	s0 =	simm.s32 @!p1 $0x0  }
0x14: {  	s2 =	sld [smem:$0x3F93];
	s0 =	simm.s32 @p1 $0x1  }
0x15: {  	[smem:$0x3FB0] =	sst s0;
	s0 =	simm.s32 @!p2 $0x0  }
0x16: {  	s3 =	sld [smem:$0x3FDB];
	s0 =	simm.s32 @p2 $0x1  }
0x17: {  	s4 =	simm.s32 $0x1BF5;
	[smem:$0x3FB2] =	sst s0  }
0x18: {  	s0 =	sld [smem:$0x3F95];
	_ =	swait.ge [sflag:s4], $0x0  }
0x19: {  	s7 =	sld [smem:$0x3F96]  }
0x1a: {  	s8 =	sadd.s32 $0xFFFFE003, lr  }
0x1b: {  	s9 =	sadd.s32 $0xFFFFFEF7, lr;
	s5 =	simm.s32 $0xFFFFFFFF;
	p2 =	slt.u32 s8, $0xFFFFF086  }
0x1c: {  	p1 =	slt.u32 s9, $0xF7A;
	s5 =	simm.s32 @!p2 $0x0  }
0x1d: {  	s5 =	simm.s32 @p1 $0x1;
	p0 =	seq.s32 s7, s2  }
0x1e: {  	s7 =	smul.u32 @!p0 $0xF7A, s2;
	p2 =	seq.s32 @!p0 s5, $0x0  }
0x1f: {  	s9 =	smul.u32 $0xF7A, s1;
	s8 =	simm.s32 @!p0 $0x1BF5;
	p2 =	por !p2, p0  }
0x20: {  	[sflag:s8] =	ssyncset.s32 @!p0 $0xFFFFF086;
	s6 =	sadd.s32 @!p0 s3, s7;
	s7 =	simm.s32 @!p0 $0x108  }
0x21: {  	s3 =	sadd.s32 s3, s9;
	s6 =	sadd.s32 @!p0 $0x88, s6;
	s7 =	simm.s32 @p2 $0x1082  }
0x22: {  	[simem:s7], [sflag:s8] =	dma.local @!p0 [hbm:s6], $0xF7A  }
0x23: {  	s9 =	sor.u32 $0xD0000000, s2;
	s6 =	simm.s32 $0x108;
	_ =	swait.ge @!p0 [sflag:s8], $0x0  }
0x24: {  	s3 =	sadd.s32 $0x88, s3;
	s6 =	simm.s32 @!p1 $0x1082;
	[sflag:s4] =	ssyncset.s32 $0xFFFFF086  }
0x25: {  	[simem:s6], [sflag:s4] =	dma.local [hbm:s3], $0xF7A  }
0x26: {  	[smem:$0x3F96] =	sst s1;
	(tag) =	ssettag s2;
	_ =	strace s9  }
0x27: {  	s1 =	sld [smem:$0x3FA6]  }
0x28: {  	s2 =	sld [smem:$0x3FA7]  }
0x29: {  	s4 =	sld [smem:$0x3FA9]  }
0x2a: {  	p0 =	seq.s32 s5, $0x0;
	s5 =	sld [smem:$0x3FAA]  }
0x2b: {  	s6 =	sld [smem:$0x3FAB]  }
0x2c: {  	s7 =	sld [smem:$0x3FAC]  }
0x2d: {  	s3 =	simm.s32 $0x108;
	s8 =	sld [smem:$0x3FAD]  }
0x2e: {  	s3 =	simm.s32 @!p0 $0x1082;
	s9 =	sld [smem:$0x3FAE]  }
0x2f: {  	lr =	sadd.s32 s0, s3;
	s0 =	sld [smem:$0x3FA5]  }
0x30: {  	s3 =	sld [smem:$0x3FA8]  }
0x31: {  	[smem:$0x3FB1] =	sst s10  }
0x32: {  	s10 =	sld [smem:$0x3FAF];
	_ =	sdelay $0x3  }
0x33: {  	p0 =	seq.s32 s10, $0x1;
	s10 =	sld [smem:$0x3FB1];
	_ =	sdelay $0x3  }
0x34: {  	[smem:$0x3FB1] =	sst s10  }
0x35: {  	s10 =	sld [smem:$0x3FB0];
	_ =	sdelay $0x3  }
0x36: {  	p1 =	seq.s32 s10, $0x1;
	s10 =	sld [smem:$0x3FB1];
	_ =	sdelay $0x3  }
0x37: {  	[smem:$0x3FB1] =	sst s10  }
0x38: {  	s10 =	sld [smem:$0x3FB2]  }
0x39: {  	_ = 	snop;
	(pc) =	sbr.ind lr, $3  }
0x3a: {  	_ = 	snop  }
0x3b: {  	_ = 	snop  }
0x3c: {  	p2 =	seq.s32 s10, $0x1;
	s10 =	sld [smem:$0x3FB1]  }
0x3d: {  	_ =	shalt  }
0x3e: {  	_ =	shalt  }
0x3f: {  	_ =	shalt  }
0x40: {  	_ =	shalt  }
0x41: {  	_ =	shalt  }
0x42: {  	_ =	shalt  }
0x43: {  	_ =	shalt  }
0x44: {  	_ =	shalt  }
0x45: {  	_ =	shalt  }
0x46: {  	_ =	shalt  }
0x47: {  	_ =	shalt  }
0x48: {  	_ =	shalt  }
0x49: {  	_ =	shalt  }
0x4a: {  	_ =	shalt  }
0x4b: {  	_ =	shalt  }
0x4c: {  	_ =	shalt  }
0x4d: {  	_ =	shalt  }
0x4e: {  	_ =	shalt  }
0x4f: {  	_ =	shalt  }
0x50: {  	_ =	shalt  }
0x51: {  	_ =	shalt  }
0x52: {  	_ =	shalt  }
0x53: {  	_ =	shalt  }
0x54: {  	_ =	shalt  }
0x55: {  	_ =	shalt  }
0x56: {  	_ =	shalt  }
0x57: {  	_ =	shalt  }
0x58: {  	_ =	shalt  }
0x59: {  	_ =	shalt  }
0x5a: {  	_ =	shalt  }
0x5b: {  	_ =	shalt  }
0x5c: {  	_ =	shalt  }
0x5d: {  	_ =	shalt  }
0x5e: {  	_ =	shalt  }
0x5f: {  	_ =	shalt  }
0x60: {  	_ =	shalt  }
0x61: {  	_ =	shalt  }
0x62: {  	_ =	shalt  }
0x63: {  	_ =	shalt  }
0x64: {  	_ =	shalt  }
0x65: {  	_ =	shalt  }
0x66: {  	_ =	shalt  }
0x67: {  	_ =	shalt  }
0x68: {  	_ =	shalt  }
0x69: {  	_ =	shalt  }
0x6a: {  	_ =	shalt  }
0x6b: {  	_ =	shalt  }
0x6c: {  	_ =	shalt  }
0x6d: {  	_ =	shalt  }
0x6e: {  	_ =	shalt  }
0x6f: {  	_ =	shalt  }
0x70: {  	_ =	shalt  }
0x71: {  	_ =	shalt  }
0x72: {  	_ =	shalt  }
0x73: {  	_ =	shalt  }
0x74: {  	_ =	shalt  }
0x75: {  	_ =	shalt  }
0x76: {  	_ =	shalt  }
0x77: {  	_ =	shalt  }
0x78: {  	_ =	shalt  }
0x79: {  	_ =	shalt  }
0x7a: {  	_ =	shalt  }
0x7b: {  	_ =	shalt  }
0x7c: {  	_ =	shalt  }
0x7d: {  	_ =	shalt  }
0x7e: {  	_ =	shalt  }
0x7f: {  	_ =	shalt  }
0x80: {  	_ =	shalt  }
0x81: {  	_ =	shalt  }
0x82: {  	_ =	shalt  }
0x83: {  	_ =	shalt  }
0x84: {  	_ =	shalt  }
0x85: {  	_ =	shalt  }
0x86: {  	_ =	shalt  }
0x87: {  	_ =	shalt  }
.Lfunc_end0:
.L_simem_size_0:
called_computation.1_lowered:
.L_overlay_start_0:
0x88: {  	s2 =	sld [smem:$0x3FD9]  }
0x89: {  	s3 =	sld [smem:$0x3FFE];
	_ =	sdelay $0x1  }
0x8a: {  	s1 =	srdreg.scid  }
0x8b: {  	s0 =	sand.u32 $0x1, s1  }
0x8c: {  	s16 =	sshll.u32 s0, $0xA;
	s2 =	sadd.s32 s3, s2  }
0x8d: {  	s2 =	sadd.s32 s2, s16  }
0x8e: {  	[smem:$0x3FBD] =	sst s2  }
0x8f: {  	_ = 	snop  }
0x90: {  	(tm) =	ssettm $0x1  }
0x91: {  	s17 =	sld [smem:$0x3FFB];
	_ =	sdelay $0x3  }
0x92: {  	_ =	strace s17  }
0x93: {  	s2 =	sld [smem:$0x3FFC];
	_ =	sdelay $0x3  }
0x94: {  	_ =	strace s2  }
0x95: {  	s2 =	sld [smem:$0x3FFD];
	_ =	sdelay $0x3  }
0x96: {  	_ =	strace s2  }
0x97: {  	_ =	strace $0x8FFFFFFF  }
0x98: {  	s18 =	sld [smem:$0x3FDB];
	_ =	sdelay $0x1  }
0x99: {  	s19 =	simm.s32 $_scs_section_size  }
0x9a: {  	s4 =	simm.s32 $_size__tile_overlayer_lowered;
	s5 =	simm.s32 $_tile_overlayer_lowered  }
0x9b: {  	s22 =	simm.s32 $0x1BFF;
	s21 =	sshll.u32 s5, $0x1;
	s2 =	sadd.s32 s19, s18  }
0x9c: {  	s6 =	simm.s32 $0x0;
	s20 =	sshll.u32 s4, $0x1;
	s4 =	sadd.s32 s21, s2  }
0x9d: {  	[timem:s6], [sflag:s22] =	dma.local [hbm:s4], s20  }
0x9e: {  	_ =	swait.ge [sflag:s22], s20  }
0x9f: {  	s3 =	ssub.s32 $0x0, s20;
	[sflag:s22] =	ssyncset.done $0x0  }
0xa0: {  	[sflag:s22] =	ssyncadd.s32 s3;
	_ =	sdelay $0x1  }
0xa1: {  	s23 =	simm.s32 $0x1B8B  }
0xa2: {  	_ =	swait.ge [sflag:s23], $0x1  }
0xa3: {  	[sflag:s23] =	ssyncset.done $0x0  }
0xa4: {  	s25 =	simm.s32 $0x1B8E;
	s24 =	sld [smem:$0x3FFE];
	[sflag:s23] =	ssyncadd.s32 $0xFFFFFFFF  }
0xa5: {  	s26 =	simm.s32 $execute0_lowered;
	[smem:$0x3FD2] =	sst s25  }
0xa6: {  	s4 =	sshll.u32 s26, $0x1;
	_ =	strace $0x80000049;
	[dreg:$0x1] =	wrdreg $0xFFFFFFFF  }
0xa7: {  	s28 =	simm.s32 $_size_execute0_lowered;
	s2 =	sadd.s32 s2, s4;
	[dreg:$0x0] =	wrdreg $0x0  }
0xa8: {  	s4 =	sshll.u32 s28, $0x1;
	[dreg:$0x2] =	wrdreg s2  }
0xa9: {  	[dreg:$0x3] =	wrdreg s4  }
0xaa: {  	[dreg:$0x4] =	wrdreg $0xC0  }
0xab: {  	_ =	task [dreg:s6], $0x5FFFF  }
0xac: {  	[dreg:$0x1] =	wrdreg $0xFFFFFFFF  }
0xad: {  	[dreg:$0x0] =	wrdreg $0x60  }
0xae: {  	[dreg:$0x2] =	wrdreg s24  }
0xaf: {  	[dreg:$0x3] =	wrdreg $0x73A00  }
0xb0: {  	[dreg:$0x4] =	wrdreg $0x9  }
0xb1: {  	_ =	task.clear_ibuf [dreg:s6], $0x5FFFF;
	_ =	strace $0x90000049  }
0xb2: {  	s29 =	simm.s32 $0x9;
	_ =	strace $0x8000004B  }
0xb3: {  	_ =	swait.ge [sflag:s29], $0x1  }
0xb4: {  	[sflag:s29] =	ssyncadd.s32 $0xFFFFFFFF  }
0xb5: {  	_ =	strace $0x9000004B  }
0xb6: {  	_ =	sfence  }
0xb7: {  	s30 =	sld [smem:$0x0];
	_ =	sdelay $0x2  }
0xb8: {  	s31 =	sshll.u32 s1, $0xD;
	s1 =	sshrl.u32 s1, $0x2  }
0xb9: {  	s3 =	sand.u32 $0x4000, s31;
	s1 =	sadd.s32 s1, s30  }
0xba: {  	s0 =	sor.u32 s3, s0;
	s1 =	sshll.u32 s1, $0x11  }
0xbb: {  	s0 =	sor.u32 s1, s0  }
0xbc: {  	s0 =	sadd.s32 $0x8F2B, s0  }
0xbd: {  	[sflag:s0] =	ssyncadd.remote.s32 $0x1  }
0xbe: {  	_ =	sfence.sel $0xFFFF  }
0xbf: {  	[dreg:$0x0] =	wrdreg $0xFFFFFFFF;
	(pc) =	sbr.abs _section_cstart, $3  }
0xc0: {  	[dreg:$0x1] =	wrdreg $0xFFFFFFFF  }
0xc1: {  	_ =	task.clear_ibuf [dreg:s6], $0x2FFFF;
	_ =	strace $0x9FFFFFFF  }
0xc2: {  	(tm) =	ssettm $0x7FFFFFFF  }
0xc3: {  	_ =	shalt  }
tec
execute0_lowered:
.L_overlay_start_1:
0x0: {  	(tag) =	ssettag $0x1  }
0x1: {  	s0 =	rddreg [dreg:$0x0]  }
0x2: {  	s2 =	rddreg [dreg:$0x1]  }
0x3: {  	s3 =	stileid.u32;
	s5 =	simm.s32 $0x0;
	s4 =	srdreg.scid  }
0x4: {  	s15 =	simm.s32 $0x4;
	s17 =	simm.s32 $0x3;
	s18 =	simm.s32 $0x50  }
0x5: {  	s19 =	simm.s32 $0x1;
	s20 =	simm.s32 $0x2;
	s21 =	simm.s32 $0x0  }
0x6: {  	s1 =	smul.u32 $0x30D4, s3;
	[smem:$0x7FF] =	sst s5;
	s6 =	sand.u32 $0x1, s4  }
0x7: {  	s7 =	smul.u32 $0x186A0, s3;
	s4 =	sadd.s32 $0x1A00, s0;
	s5 =	sadd.s32 $0x188400, s0  }
0x8: {  	s12 =	smul.u32 $0x30D40, s3;
	s24 =	sshll.u32 s3, $0x6;
	_ =	strace $0x8000004A  }
0x9: {  	s8 =	smul.u32 $0x186A00, s6;
	s9 =	sshll.u32 s6, $0x4;
	s10 =	ssub.s32 $0x2, s6  }
0xa: {  	s6 =	smul.u32 $0x30D400, s6;
	s1 =	sadd.s32 s1, s0;
	s9 =	sor.u32 s3, s9  }
0xb: {  	s23 =	sshrl.u32 s10, $0x1;
	s8 =	sadd.s32 s7, s8;
	s9 =	smul.u32 $0x30D40, s9  }
0xc: {  	s10 =	ssub.s32 s10, s23;
	s1 =	sadd.s32 $0x1B9200, s1;
	s28 =	sadd.s32 s12, s6  }
0xd: {  	s8 =	sshrl.u32 s8, $0x3;
	[dreg:$0x3] =	wrdreg s1;
	s31 =	smax.u32 s10, $0x1  }
0xe: {  	s1 =	sadd.s32 $0x320, s28;
	s25 =	sshrl.u32 s9, $0x3;
	[dreg:$0x7] =	wrdreg s31  }
0xf: {  	s0 =	sadd.s32 s8, s0;
	[dreg:$0x8] =	wrdreg s1;
	s26 =	sadd.s32 s4, s25  }
0x10: {  	s30 =	sadd.s32 $0x61AB20, s28;
	s0 =	sadd.s32 $0x1EA000, s0;
	[dreg:$0x4] =	wrdreg s26  }
0x11: {  	s29 =	sadd.s32 $0xC3500, s26;
	[dreg:$0x6] =	wrdreg s0;
	s0 =	sshrl.u32 s30, $0x3  }
0x12: {  	s11 =	sadd.s32 s7, s2;
	[dreg:$0x5] =	wrdreg s29;
	s0 =	sadd.s32 s0, s4  }
0x13: {  	s3 =	sor.u32 $0x1C04, s24;
	s14 =	sshrl.u32 s11, $0x3;
	[dreg:$0x9] =	wrdreg s0  }
.LBB2_1:
0x14: {  	s0 =	rddreg [dreg:$0x3]  }
0x15: {  	[spmem:s14], [sflag:s3] =	dma.local [hbm:s0], $0x30D4  }
0x16: {  	_ =	swait.ge [sflag:s15], $0x30D4  }
0x17: {  	[sflag:s15] =	ssyncset.done $0x0  }
0x18: {  	[sflag:s15] =	ssyncadd.s32 $0xFFFFCF2C  }
0x19: {  	s13 =	smov.u32 s3;
	p0 =	por $0x1, $0x1;
	[bflag:$0x0] =	sbarrier.arrive $0xFFFF  }
0x1a: {  	s3 =	simm.s32 $0x0;
	p0 =	por p0, p0;
	s24 =	rddreg [dreg:$0x4]  }
0x1b: {  	[tilespmem:s3], [sflag:$0x3] =	stream.linear.gather [hbm4b:s24+s3], $0x320, $0x38;
	[tilespmem:$0x1FA40] =	vst v63  }
0x1c: {  	s1 =	simm.s32 $0x640;
	s0 =	simm.s32 @!p0 $0x2;
	s25 =	rddreg [dreg:$0x5]  }
0x1d: {  	[tilespmem:s1], [sflag:$0x3] =	stream.linear.gather [hbm4b:s25+s3], $0x320, $0x38;
	[tilespmem:$0x1FA40] =	vst v63  }
0x1e: {  	_ =	swait.ge @!p0 [sflag:s0], $0x3200  }
0x1f: {  	[sflag:s0] =	ssyncset.done @!p0 $0x0  }
0x20: {  	[sflag:s0] =	ssyncadd.s32 @!p0 $0xFFFFCE00  }
0x21: {  	_ =	swait.ge [sflag:s17], $0x320  }
0x22: {  	s22 =	simm.s32 $0x1;
	s11 =	sand.u32 $0x1, s3;
	[sflag:s17] =	ssyncset.done $0x0  }
0x23: {  	s29 =	sand.u32 $0xFF, s22;
	s26 =	smul.u32 $0xC800, s11;
	[sflag:s17] =	ssyncadd.s32 $0xFFFFFCE0  }
0x24: {  	s6 =	smul.u32 $0xC80, s11;
	s24 =	sxor.u32 $0x1, s11;
	_ =	swait.ge [sflag:s17], $0x320  }
0x25: {  	s1 =	smul.u32 $0xAB, s29;
	s25 =	sshrl.u32 s26, $0x2;
	[sflag:s17] =	ssyncset.done $0x0  }
0x26: {  	s26 =	sshrl.u32 s6, $0x2;
	s0 =	sadd.s32 $0xFA0, s25;
	[sflag:s17] =	ssyncadd.s32 $0xFFFFFCE0  }
0x27: {  	[tilespmem:s0], [sflag:$0x1] =	stream.indirect.gather [hbm4b:s5+s18], $0x10, s26, s18, $0xb8;
	[tilespmem:$0x1FA40] =	vst v63  }
0x28: {  	s9 =	sadd.s32 $0x50, s26;
	s30 =	sshrl.u32 s1, $0x9;
	s1 =	sadd.s32 $0x14A0, s25  }
0x29: {  	[tilespmem:s1], [sflag:$0x1] =	stream.indirect.gather [hbm4b:s5+s18], $0x10, s9, s18, $0xb8;
	[tilespmem:$0x1FA40] =	vst v63  }
0x2a: {  	s6 =	sadd.s32 $0x19A0, s25;
	s10 =	sadd.s32 $0xA0, s26;
	s16 =	sadd.s32 $0xF0, s26  }
0x2b: {  	[tilespmem:s6], [sflag:$0x1] =	stream.indirect.gather [hbm4b:s5+s18], $0x10, s10, s18, $0xb8;
	[tilespmem:$0x1FA40] =	vst v63  }
0x2c: {  	s23 =	sadd.s32 $0x140, s26;
	s11 =	sadd.s32 $0x28A0, s25;
	s9 =	sadd.s32 $0x1EA0, s25  }
0x2d: {  	[tilespmem:s9], [sflag:$0x1] =	stream.indirect.gather [hbm4b:s5+s18], $0x10, s16, s18, $0xb8;
	[tilespmem:$0x1FA40] =	vst v63  }
0x2e: {  	s31 =	smul.u32 $0x3, s30;
	p0 =	por $0x0, $0x0;
	s10 =	sadd.s32 $0x23A0, s25  }
0x2f: {  	[tilespmem:s10], [sflag:$0x1] =	stream.indirect.gather [hbm4b:s5+s18], $0x10, s23, s18, $0xb8;
	[tilespmem:$0x1FA40] =	vst v63  }
0x30: {  	s8 =	sadd.s32 $0x190, s26;
	s28 =	sadd.s32 $0x1E0, s26;
	s29 =	smul.u32 @!p0 $0xC80, s24  }
0x31: {  	[tilespmem:s11], [sflag:$0x1] =	stream.indirect.gather [hbm4b:s5+s18], $0x10, s8, s18, $0xb8;
	[tilespmem:$0x1FA40] =	vst v63  }
0x32: {  	s24 =	sadd.s32 $0x32A0, s25;
	s7 =	ssub.s32 $0x1, s31;
	s23 =	sadd.s32 $0x2DA0, s25  }
0x33: {  	[tilespmem:s23], [sflag:$0x1] =	stream.indirect.gather [hbm4b:s5+s18], $0x10, s28, s18, $0xb8;
	[tilespmem:$0x1FA40] =	vst v63  }
0x34: {  	s16 =	sand.u32 $0xFF, s7;
	s7 =	rddreg [dreg:$0x8];
	s28 =	sadd.s32 $0x230, s26  }
0x35: {  	[tilespmem:s24], [sflag:$0x1] =	stream.indirect.gather [hbm4b:s5+s18], $0x10, s28, s18, $0xb8;
	[tilespmem:$0x1FA40] =	vst v63  }
0x36: {  	s30 =	smul.u32 @!p0 $0xC80, s16;
	s16 =	sadd.s32 $0x37A0, s25;
	s28 =	sadd.s32 $0x280, s26  }
0x37: {  	[tilespmem:s16], [sflag:$0x1] =	stream.indirect.gather [hbm4b:s5+s18], $0x10, s28, s18, $0xb8;
	[tilespmem:$0x1FA40] =	vst v63  }
0x38: {  	s12 =	sadd.s32 $0x2D0, s26;
	s26 =	sshrl.u32 @!p0 s7, $0x3;
	s28 =	sadd.s32 $0x3CA0, s25  }
0x39: {  	[tilespmem:s28], [sflag:$0x1] =	stream.indirect.gather [hbm4b:s5+s18], $0x10, s12, s18, $0xb8;
	[tilespmem:$0x1FA40] =	vst v63  }
0x3a: {  	s26 =	sadd.s32 @!p0 s4, s26;
	s25 =	sshrl.u32 @!p0 s29, $0x2;
	s29 =	simm.s32 @!p0 $0x0  }
0x3b: {  	[tilespmem:s25], [sflag:$0x3] =	stream.linear.gather @!p0 [hbm4b:s26+s29], $0x320, $0x38;
	[tilespmem:$0x1FA40] =	vst v63  }
0x3c: {  	s25 =	sshrl.u32 @!p0 s30, $0x2  }
0x3d: {  	s8 =	rddreg [dreg:$0x9];
	s25 =	sadd.s32 @!p0 $0x640, s25  }
0x3e: {  	[tilespmem:s25], [sflag:$0x3] =	stream.linear.gather @!p0 [hbm4b:s8+s29], $0x320, $0x38;
	[tilespmem:$0x1FA40] =	vst v63  }
0x3f: {  	_ =	swait.ge [sflag:s19], $0x500  }
0x40: {  	[sflag:s19] =	ssyncset.done $0x0  }
0x41: {  	[sflag:s19] =	ssyncadd.s32 $0xFFFFFB00  }
0x42: {  	_ =	swait.ge [sflag:s19], $0x500  }
0x43: {  	[sflag:s19] =	ssyncset.done $0x0  }
0x44: {  	[sflag:s19] =	ssyncadd.s32 $0xFFFFFB00  }
0x45: {  	_ =	swait.ge [sflag:s19], $0x500  }
0x46: {  	[sflag:s19] =	ssyncset.done $0x0  }
0x47: {  	[sflag:s19] =	ssyncadd.s32 $0xFFFFFB00  }
0x48: {  	_ =	swait.ge [sflag:s19], $0x500  }
0x49: {  	[sflag:s19] =	ssyncset.done $0x0  }
0x4a: {  	[sflag:s19] =	ssyncadd.s32 $0xFFFFFB00  }
0x4b: {  	_ =	swait.ge [sflag:s19], $0x500  }
0x4c: {  	[sflag:s19] =	ssyncset.done $0x0  }
0x4d: {  	[sflag:s19] =	ssyncadd.s32 $0xFFFFFB00  }
0x4e: {  	_ =	swait.ge [sflag:s19], $0x500  }
0x4f: {  	[sflag:s19] =	ssyncset.done $0x0  }
0x50: {  	[sflag:s19] =	ssyncadd.s32 $0xFFFFFB00  }
0x51: {  	s30 =	smul.u32 $0xAB, s3;
	_ =	swait.ge [sflag:s19], $0x500  }
0x52: {  	[sflag:s19] =	ssyncset.done $0x0  }
0x53: {  	s25 =	sshrl.u32 s30, $0x9;
	[sflag:s19] =	ssyncadd.s32 $0xFFFFFB00  }
0x54: {  	s25 =	sand.u32 $0x7F, s25;
	_ =	swait.ge [sflag:s19], $0x500  }
0x55: {  	s25 =	smul.u32 $0x3, s25;
	[sflag:s19] =	ssyncset.done $0x0  }
0x56: {  	[sflag:s19] =	ssyncadd.s32 $0xFFFFFB00  }
0x57: {  	s25 =	ssub.s32 $0x0, s25;
	_ =	swait.ge [sflag:s19], $0x500  }
0x58: {  	s25 =	sand.u32 $0xFF, s25;
	[sflag:s19] =	ssyncset.done $0x0  }
0x59: {  	s25 =	smul.u32 $0xC80, s25;
	[sflag:s19] =	ssyncadd.s32 $0xFFFFFB00  }
0x5a: {  	_ =	swait.ge [sflag:s19], $0x500  }
0x5b: {  	s29 =	sshrl.u32 s25, $0x2;
	[sflag:s19] =	ssyncset.done $0x0  }
0x5c: {  	s25 =	sadd.s32 $0x640, s29;
	[sflag:s19] =	ssyncadd.s32 $0xFFFFFB00  }
0x5d: {  	[spmem:s2] =	stream.indirect.scatter.add.f32 [tilespmem:s0], [sflag:$0x2], $0x10, s25, s18, $0xb8;
	[tilespmem:$0x1FA40] =	vst v63  }
0x5e: {  	s31 =	sadd.s32 $0x690, s29  }
0x5f: {  	[spmem:s2] =	stream.indirect.scatter.add.f32 [tilespmem:s1], [sflag:$0x2], $0x10, s31, s18, $0xb8;
	[tilespmem:$0x1FA40] =	vst v63  }
0x60: {  	s3 =	sadd.s32 $0x6E0, s29;
	s25 =	simm.s32 $0x2  }
0x61: {  	[spmem:s2] =	stream.indirect.scatter.add.f32 [tilespmem:s6], [sflag:$0x2], $0x10, s3, s18, $0xb8;
	[tilespmem:$0x1FA40] =	vst v63  }
0x62: {  	s26 =	sand.u32 $0xFF, s25;
	s6 =	sadd.s32 $0x730, s29  }
0x63: {  	[spmem:s2] =	stream.indirect.scatter.add.f32 [tilespmem:s9], [sflag:$0x2], $0x10, s6, s18, $0xb8;
	[tilespmem:$0x1FA40] =	vst v63  }
0x64: {  	s0 =	smul.u32 $0xAB, s26;
	s9 =	sadd.s32 $0x780, s29  }
0x65: {  	[spmem:s2] =	stream.indirect.scatter.add.f32 [tilespmem:s10], [sflag:$0x2], $0x10, s9, s18, $0xb8;
	[tilespmem:$0x1FA40] =	vst v63  }
0x66: {  	p6 =	por $0x1, $0x1;
	s0 =	sshrl.u32 s0, $0x9;
	s10 =	sadd.s32 $0x7D0, s29  }
0x67: {  	[spmem:s2] =	stream.indirect.scatter.add.f32 [tilespmem:s11], [sflag:$0x2], $0x10, s10, s18, $0xb8;
	[tilespmem:$0x1FA40] =	vst v63  }
0x68: {  	p0 =	por p6, p6;
	s12 =	sadd.s32 $0x820, s29;
	s0 =	smul.u32 $0x3, s0  }
0x69: {  	[spmem:s2] =	stream.indirect.scatter.add.f32 [tilespmem:s23], [sflag:$0x2], $0x10, s12, s18, $0xb8;
	[tilespmem:$0x1FA40] =	vst v63  }
0x6a: {  	s30 =	sadd.s32 $0x870, s29;
	s31 =	sadd.s32 $0x8C0, s29;
	s26 =	ssub.s32 $0x2, s0  }
0x6b: {  	[spmem:s2] =	stream.indirect.scatter.add.f32 [tilespmem:s24], [sflag:$0x2], $0x10, s30, s18, $0xb8;
	[tilespmem:$0x1FA40] =	vst v63  }
0x6c: {  	s0 =	sadd.s32 $0x910, s29;
	s23 =	sadd.s32 $0x64, s8;
	s24 =	sadd.s32 $0x320, s7  }
0x6d: {  	[spmem:s2] =	stream.indirect.scatter.add.f32 [tilespmem:s16], [sflag:$0x2], $0x10, s31, s18, $0xb8;
	[tilespmem:$0x1FA40] =	vst v63  }
.LBB2_2:
0x6e: {  	[spmem:s2] =	stream.indirect.scatter.add.f32 [tilespmem:s28], [sflag:$0x2], $0x10, s0, s18, $0xb8;
	[tilespmem:$0x1FA40] =	vst v63  }
0x6f: {  	s29 =	smov.u32 s25  }
0x70: {  	s25 =	sadd.s32 $0x1, s25;
	s0 =	simm.s32 @!p0 $0x2;
	p2 =	slt.u32 s29, $0x2  }
0x71: {  	s1 =	sand.u32 $0xFF, s25;
	p1 =	sne.s32 s25, $0xFA;
	_ =	swait.ge @!p0 [sflag:s0], $0x3200  }
0x72: {  	s1 =	smul.u32 $0xAB, s1;
	[sflag:s0] =	ssyncset.done @!p0 $0x0  }
0x73: {  	[sflag:s0] =	ssyncadd.s32 @!p0 $0xFFFFCE00;
	p0 =	por p2, p2  }
0x74: {  	s0 =	sshrl.u32 s1, $0x9;
	s1 =	sand.u32 $0xFF, s26;
	_ =	swait.ge [sflag:s17], $0x320  }
0x75: {  	s6 =	smul.u32 $0x3, s0;
	s0 =	sand.u32 $0x1, s22;
	[sflag:s17] =	ssyncset.done $0x0  }
0x76: {  	s9 =	sxor.u32 $0x1, s0;
	s10 =	smul.u32 $0xC800, s0;
	[sflag:s17] =	ssyncadd.s32 $0xFFFFFCE0  }
0x77: {  	p2 =	seq.s32 s22, $0xF9;
	s0 =	smul.u32 $0xC80, s0;
	_ =	swait.ge [sflag:s17], $0x320  }
0x78: {  	s8 =	smul.u32 @!p2 $0xC80, s9;
	s28 =	sshrl.u32 s10, $0x2;
	[sflag:s17] =	ssyncset.done $0x0  }
0x79: {  	s3 =	sshrl.u32 s0, $0x2;
	s30 =	sadd.s32 $0xFA0, s28;
	[sflag:s17] =	ssyncadd.s32 $0xFFFFFCE0  }
0x7a: {  	[tilespmem:s30], [sflag:$0x1] =	stream.indirect.gather [hbm4b:s5+s18], $0x10, s3, s18, $0xb8;
	[tilespmem:$0x1FA40] =	vst v63  }
0x7b: {  	s1 =	smul.u32 @!p2 $0xC80, s1;
	s31 =	sadd.s32 $0x14A0, s28;
	s0 =	sadd.s32 $0x50, s3  }
0x7c: {  	[tilespmem:s31], [sflag:$0x1] =	stream.indirect.gather [hbm4b:s5+s18], $0x10, s0, s18, $0xb8;
	[tilespmem:$0x1FA40] =	vst v63  }
0x7d: {  	s10 =	sshrl.u32 @!p2 s1, $0x2;
	s9 =	sadd.s32 $0xA0, s3;
	s0 =	sadd.s32 $0x19A0, s28  }
0x7e: {  	[tilespmem:s0], [sflag:$0x1] =	stream.indirect.gather [hbm4b:s5+s18], $0x10, s9, s18, $0xb8;
	[tilespmem:$0x1FA40] =	vst v63  }
0x7f: {  	s1 =	sadd.s32 $0x1EA0, s28;
	s7 =	sadd.s32 @!p2 $0x640, s10;
	s9 =	sadd.s32 $0xF0, s3  }
0x80: {  	[tilespmem:s1], [sflag:$0x1] =	stream.indirect.gather [hbm4b:s5+s18], $0x10, s9, s18, $0xb8;
	[tilespmem:$0x1FA40] =	vst v63  }
0x81: {  	s26 =	ssub.s32 s25, s6;
	s16 =	sadd.s32 $0x23A0, s28;
	s6 =	sadd.s32 $0x140, s3  }
0x82: {  	[tilespmem:s16], [sflag:$0x1] =	stream.indirect.gather [hbm4b:s5+s18], $0x10, s6, s18, $0xb8;
	[tilespmem:$0x1FA40] =	vst v63  }
0x83: {  	s9 =	sadd.s32 $0x190, s3;
	s6 =	sadd.s32 $0x28A0, s28  }
0x84: {  	[tilespmem:s6], [sflag:$0x1] =	stream.indirect.gather [hbm4b:s5+s18], $0x10, s9, s18, $0xb8;
	[tilespmem:$0x1FA40] =	vst v63  }
0x85: {  	s10 =	sadd.s32 $0x1E0, s3;
	s9 =	sadd.s32 $0x2DA0, s28  }
0x86: {  	[tilespmem:s9], [sflag:$0x1] =	stream.indirect.gather [hbm4b:s5+s18], $0x10, s10, s18, $0xb8;
	[tilespmem:$0x1FA40] =	vst v63  }
0x87: {  	s11 =	sadd.s32 $0x230, s3;
	s10 =	sadd.s32 $0x32A0, s28  }
0x88: {  	[tilespmem:s10], [sflag:$0x1] =	stream.indirect.gather [hbm4b:s5+s18], $0x10, s11, s18, $0xb8;
	[tilespmem:$0x1FA40] =	vst v63  }
0x89: {  	s12 =	sadd.s32 $0x280, s3;
	s11 =	sadd.s32 $0x37A0, s28  }
0x8a: {  	[tilespmem:s11], [sflag:$0x1] =	stream.indirect.gather [hbm4b:s5+s18], $0x10, s12, s18, $0xb8;
	[tilespmem:$0x1FA40] =	vst v63  }
0x8b: {  	s3 =	sadd.s32 $0x2D0, s3;
	s28 =	sadd.s32 $0x3CA0, s28;
	s12 =	sshrl.u32 @!p2 s24, $0x3  }
0x8c: {  	[tilespmem:s28], [sflag:$0x1] =	stream.indirect.gather [hbm4b:s5+s18], $0x10, s3, s18, $0xb8;
	[tilespmem:$0x1FA40] =	vst v63  }
0x8d: {  	s3 =	sshrl.u32 @!p2 s8, $0x2;
	s8 =	sadd.s32 @!p2 s4, s12;
	s12 =	simm.s32 @!p2 $0x0  }
0x8e: {  	[tilespmem:s3], [sflag:$0x3] =	stream.linear.gather @!p2 [hbm4b:s8+s12], $0x320, $0x38;
	[tilespmem:$0x1FA40] =	vst v63  }
0x8f: {  	_ = 	snop  }
0x90: {  	[tilespmem:s7], [sflag:$0x3] =	stream.linear.gather @!p2 [hbm4b:s23+s12], $0x320, $0x38;
	[tilespmem:$0x1FA40] =	vst v63  }
0x91: {  	_ =	swait.ge [sflag:s19], $0x500  }
0x92: {  	[sflag:s19] =	ssyncset.done $0x0  }
0x93: {  	[sflag:s19] =	ssyncadd.s32 $0xFFFFFB00  }
0x94: {  	_ =	swait.ge [sflag:s19], $0x500  }
0x95: {  	[sflag:s19] =	ssyncset.done $0x0  }
0x96: {  	[sflag:s19] =	ssyncadd.s32 $0xFFFFFB00  }
0x97: {  	_ =	swait.ge [sflag:s19], $0x500  }
0x98: {  	[sflag:s19] =	ssyncset.done $0x0  }
0x99: {  	[sflag:s19] =	ssyncadd.s32 $0xFFFFFB00  }
0x9a: {  	_ =	swait.ge [sflag:s19], $0x500  }
0x9b: {  	[sflag:s19] =	ssyncset.done $0x0  }
0x9c: {  	[sflag:s19] =	ssyncadd.s32 $0xFFFFFB00  }
0x9d: {  	_ =	swait.ge [sflag:s19], $0x500  }
0x9e: {  	[sflag:s19] =	ssyncset.done $0x0  }
0x9f: {  	[sflag:s19] =	ssyncadd.s32 $0xFFFFFB00  }
0xa0: {  	_ =	swait.ge [sflag:s19], $0x500  }
0xa1: {  	[sflag:s19] =	ssyncset.done $0x0  }
0xa2: {  	[sflag:s19] =	ssyncadd.s32 $0xFFFFFB00  }
0xa3: {  	s3 =	smul.u32 $0xAB, s22;
	_ =	swait.ge [sflag:s19], $0x500  }
0xa4: {  	[sflag:s19] =	ssyncset.done $0x0  }
0xa5: {  	s3 =	sshrl.u32 s3, $0x9;
	[sflag:s19] =	ssyncadd.s32 $0xFFFFFB00  }
0xa6: {  	s3 =	sand.u32 $0x7F, s3;
	_ =	swait.ge [sflag:s19], $0x500  }
0xa7: {  	s3 =	smul.u32 $0x3, s3;
	[sflag:s19] =	ssyncset.done $0x0  }
0xa8: {  	[sflag:s19] =	ssyncadd.s32 $0xFFFFFB00  }
0xa9: {  	s3 =	ssub.s32 s22, s3;
	s22 =	smov.u32 s29;
	_ =	swait.ge [sflag:s19], $0x500  }
0xaa: {  	s3 =	sand.u32 $0xFF, s3;
	[sflag:s19] =	ssyncset.done $0x0  }
0xab: {  	s3 =	smul.u32 $0xC80, s3;
	[sflag:s19] =	ssyncadd.s32 $0xFFFFFB00  }
0xac: {  	_ =	swait.ge [sflag:s19], $0x500  }
0xad: {  	s3 =	sshrl.u32 s3, $0x2;
	[sflag:s19] =	ssyncset.done $0x0  }
0xae: {  	s7 =	sadd.s32 $0x640, s3;
	[sflag:s19] =	ssyncadd.s32 $0xFFFFFB00  }
0xaf: {  	[spmem:s2] =	stream.indirect.scatter.add.f32 [tilespmem:s30], [sflag:$0x2], $0x10, s7, s18, $0xb8;
	[tilespmem:$0x1FA40] =	vst v63  }
0xb0: {  	s7 =	sadd.s32 $0x690, s3  }
0xb1: {  	[spmem:s2] =	stream.indirect.scatter.add.f32 [tilespmem:s31], [sflag:$0x2], $0x10, s7, s18, $0xb8;
	[tilespmem:$0x1FA40] =	vst v63  }
0xb2: {  	s7 =	sadd.s32 $0x6E0, s3  }
0xb3: {  	[spmem:s2] =	stream.indirect.scatter.add.f32 [tilespmem:s0], [sflag:$0x2], $0x10, s7, s18, $0xb8;
	[tilespmem:$0x1FA40] =	vst v63  }
0xb4: {  	s0 =	sadd.s32 $0x730, s3  }
0xb5: {  	[spmem:s2] =	stream.indirect.scatter.add.f32 [tilespmem:s1], [sflag:$0x2], $0x10, s0, s18, $0xb8;
	[tilespmem:$0x1FA40] =	vst v63  }
0xb6: {  	s0 =	sadd.s32 $0x780, s3  }
0xb7: {  	[spmem:s2] =	stream.indirect.scatter.add.f32 [tilespmem:s16], [sflag:$0x2], $0x10, s0, s18, $0xb8;
	[tilespmem:$0x1FA40] =	vst v63  }
0xb8: {  	s0 =	sadd.s32 $0x7D0, s3  }
0xb9: {  	[spmem:s2] =	stream.indirect.scatter.add.f32 [tilespmem:s6], [sflag:$0x2], $0x10, s0, s18, $0xb8;
	[tilespmem:$0x1FA40] =	vst v63  }
0xba: {  	s0 =	sadd.s32 $0x820, s3  }
0xbb: {  	[spmem:s2] =	stream.indirect.scatter.add.f32 [tilespmem:s9], [sflag:$0x2], $0x10, s0, s18, $0xb8;
	[tilespmem:$0x1FA40] =	vst v63  }
.Ltmp0:
0xbc: {  	s0 =	sadd.s32 $0x870, s3;
	(pc) =	sbr.rel @p1 .LBB2_2-.Ltmp0, $4  }
0xbd: {  	[spmem:s2] =	stream.indirect.scatter.add.f32 [tilespmem:s10], [sflag:$0x2], $0x10, s0, s18, $0xb8;
	[tilespmem:$0x1FA40] =	vst v63  }
0xbe: {  	s0 =	sadd.s32 $0x8C0, s3  }
0xbf: {  	[spmem:s2] =	stream.indirect.scatter.add.f32 [tilespmem:s11], [sflag:$0x2], $0x10, s0, s18, $0xb8;
	[tilespmem:$0x1FA40] =	vst v63  }
0xc0: {  	s24 =	sadd.s32 $0x320, s24;
	s23 =	sadd.s32 $0x64, s23;
	s0 =	sadd.s32 $0x910, s3  }
0xc1: {  	[spmem:s2] =	stream.indirect.scatter.add.f32 [tilespmem:s28], [sflag:$0x2], $0x10, s0, s18, $0xb8;
	[tilespmem:$0x1FA40] =	vst v63  }
0xc2: {  	s0 =	simm.s32 @!p0 $0x2  }
0xc3: {  	_ =	swait.ge @!p0 [sflag:s0], $0x3200  }
0xc4: {  	[sflag:s0] =	ssyncset.done @!p0 $0x0  }
0xc5: {  	[sflag:s0] =	ssyncadd.s32 @!p0 $0xFFFFCE00  }
0xc6: {  	_ =	swait.ge [sflag:s17], $0x320  }
0xc7: {  	s3 =	sand.u32 $0x1, s22;
	[sflag:s17] =	ssyncset.done $0x0  }
0xc8: {  	s25 =	smul.u32 $0xC800, s3;
	[sflag:s17] =	ssyncadd.s32 $0xFFFFFCE0  }
0xc9: {  	s1 =	smul.u32 $0xC80, s3;
	_ =	swait.ge [sflag:s17], $0x320  }
0xca: {  	s7 =	sshrl.u32 s25, $0x2;
	[sflag:s17] =	ssyncset.done $0x0  }
0xcb: {  	s8 =	sshrl.u32 s1, $0x2;
	s0 =	sadd.s32 $0xFA0, s7;
	[sflag:s17] =	ssyncadd.s32 $0xFFFFFCE0  }
0xcc: {  	[tilespmem:s0], [sflag:$0x1] =	stream.indirect.gather [hbm4b:s5+s18], $0x10, s8, s18, $0xb8;
	[tilespmem:$0x1FA40] =	vst v63  }
0xcd: {  	s1 =	sadd.s32 $0x14A0, s7;
	s6 =	sadd.s32 $0x50, s8  }
0xce: {  	[tilespmem:s1], [sflag:$0x1] =	stream.indirect.gather [hbm4b:s5+s18], $0x10, s6, s18, $0xb8;
	[tilespmem:$0x1FA40] =	vst v63  }
0xcf: {  	s9 =	sadd.s32 $0xA0, s8;
	s6 =	sadd.s32 $0x19A0, s7  }
0xd0: {  	[tilespmem:s6], [sflag:$0x1] =	stream.indirect.gather [hbm4b:s5+s18], $0x10, s9, s18, $0xb8;
	[tilespmem:$0x1FA40] =	vst v63  }
0xd1: {  	s10 =	sadd.s32 $0xF0, s8;
	s9 =	sadd.s32 $0x1EA0, s7  }
0xd2: {  	[tilespmem:s9], [sflag:$0x1] =	stream.indirect.gather [hbm4b:s5+s18], $0x10, s10, s18, $0xb8;
	[tilespmem:$0x1FA40] =	vst v63  }
0xd3: {  	s3 =	sxor.u32 $0x1, s3;
	s11 =	sadd.s32 $0x140, s8;
	s10 =	sadd.s32 $0x23A0, s7  }
0xd4: {  	[tilespmem:s10], [sflag:$0x1] =	stream.indirect.gather [hbm4b:s5+s18], $0x10, s11, s18, $0xb8;
	[tilespmem:$0x1FA40] =	vst v63  }
0xd5: {  	p0 =	seq.s32 s22, $0xF9;
	s12 =	sadd.s32 $0x190, s8;
	s11 =	sadd.s32 $0x28A0, s7  }
0xd6: {  	[tilespmem:s11], [sflag:$0x1] =	stream.indirect.gather [hbm4b:s5+s18], $0x10, s12, s18, $0xb8;
	[tilespmem:$0x1FA40] =	vst v63  }
0xd7: {  	s16 =	sadd.s32 $0x2DA0, s7;
	s28 =	sadd.s32 $0x1E0, s8;
	s25 =	sadd.s32 $0x32A0, s7  }
0xd8: {  	[tilespmem:s16], [sflag:$0x1] =	stream.indirect.gather [hbm4b:s5+s18], $0x10, s28, s18, $0xb8;
	[tilespmem:$0x1FA40] =	vst v63  }
0xd9: {  	s29 =	sadd.s32 $0x230, s8;
	s30 =	sadd.s32 $0x280, s8;
	s3 =	smul.u32 @!p0 $0xC80, s3  }
0xda: {  	[tilespmem:s25], [sflag:$0x1] =	stream.indirect.gather [hbm4b:s5+s18], $0x10, s29, s18, $0xb8;
	[tilespmem:$0x1FA40] =	vst v63  }
0xdb: {  	s31 =	sadd.s32 $0x2D0, s8;
	s3 =	sshrl.u32 @!p0 s3, $0x2;
	s28 =	sadd.s32 $0x37A0, s7  }
0xdc: {  	[tilespmem:s28], [sflag:$0x1] =	stream.indirect.gather [hbm4b:s5+s18], $0x10, s30, s18, $0xb8;
	[tilespmem:$0x1FA40] =	vst v63  }
0xdd: {  	s8 =	sshrl.u32 @!p0 s24, $0x3;
	s12 =	sand.u32 $0xFF, s26;
	s26 =	sadd.s32 $0x3CA0, s7  }
0xde: {  	[tilespmem:s26], [sflag:$0x1] =	stream.indirect.gather [hbm4b:s5+s18], $0x10, s31, s18, $0xb8;
	[tilespmem:$0x1FA40] =	vst v63  }
0xdf: {  	s12 =	smul.u32 @!p0 $0xC80, s12;
	s7 =	sadd.s32 @!p0 s4, s8;
	s8 =	simm.s32 @!p0 $0x0  }
0xe0: {  	[tilespmem:s3], [sflag:$0x3] =	stream.linear.gather @!p0 [hbm4b:s7+s8], $0x320, $0x38;
	[tilespmem:$0x1FA40] =	vst v63  }
0xe1: {  	s3 =	sshrl.u32 @!p0 s12, $0x2  }
0xe2: {  	s3 =	sadd.s32 @!p0 $0x640, s3  }
0xe3: {  	[tilespmem:s3], [sflag:$0x3] =	stream.linear.gather @!p0 [hbm4b:s23+s8], $0x320, $0x38;
	[tilespmem:$0x1FA40] =	vst v63  }
0xe4: {  	_ =	swait.ge [sflag:s19], $0x500  }
0xe5: {  	[sflag:s19] =	ssyncset.done $0x0  }
0xe6: {  	[sflag:s19] =	ssyncadd.s32 $0xFFFFFB00  }
0xe7: {  	_ =	swait.ge [sflag:s19], $0x500  }
0xe8: {  	[sflag:s19] =	ssyncset.done $0x0  }
0xe9: {  	[sflag:s19] =	ssyncadd.s32 $0xFFFFFB00  }
0xea: {  	_ =	swait.ge [sflag:s19], $0x500  }
0xeb: {  	[sflag:s19] =	ssyncset.done $0x0  }
0xec: {  	[sflag:s19] =	ssyncadd.s32 $0xFFFFFB00  }
0xed: {  	_ =	swait.ge [sflag:s19], $0x500  }
0xee: {  	[sflag:s19] =	ssyncset.done $0x0  }
0xef: {  	[sflag:s19] =	ssyncadd.s32 $0xFFFFFB00  }
0xf0: {  	_ =	swait.ge [sflag:s19], $0x500  }
0xf1: {  	[sflag:s19] =	ssyncset.done $0x0  }
0xf2: {  	[sflag:s19] =	ssyncadd.s32 $0xFFFFFB00  }
0xf3: {  	_ =	swait.ge [sflag:s19], $0x500  }
0xf4: {  	[sflag:s19] =	ssyncset.done $0x0  }
0xf5: {  	[sflag:s19] =	ssyncadd.s32 $0xFFFFFB00  }
0xf6: {  	s29 =	smul.u32 $0xAB, s22;
	_ =	swait.ge [sflag:s19], $0x500  }
0xf7: {  	[sflag:s19] =	ssyncset.done $0x0  }
0xf8: {  	s3 =	sshrl.u32 s29, $0x9;
	[sflag:s19] =	ssyncadd.s32 $0xFFFFFB00  }
0xf9: {  	s3 =	sand.u32 $0x7F, s3;
	_ =	swait.ge [sflag:s19], $0x500  }
0xfa: {  	s3 =	smul.u32 $0x3, s3;
	[sflag:s19] =	ssyncset.done $0x0  }
0xfb: {  	[sflag:s19] =	ssyncadd.s32 $0xFFFFFB00  }
0xfc: {  	s3 =	ssub.s32 s22, s3;
	_ =	swait.ge [sflag:s19], $0x500  }
0xfd: {  	s3 =	sand.u32 $0xFF, s3;
	[sflag:s19] =	ssyncset.done $0x0  }
0xfe: {  	s3 =	smul.u32 $0xC80, s3;
	[sflag:s19] =	ssyncadd.s32 $0xFFFFFB00  }
0xff: {  	_ =	swait.ge [sflag:s19], $0x500  }
0x100: {  	s3 =	sshrl.u32 s3, $0x2;
	[sflag:s19] =	ssyncset.done $0x0  }
0x101: {  	s30 =	sadd.s32 $0x640, s3;
	[sflag:s19] =	ssyncadd.s32 $0xFFFFFB00  }
0x102: {  	[spmem:s2] =	stream.indirect.scatter.add.f32 [tilespmem:s0], [sflag:$0x2], $0x10, s30, s18, $0xb8;
	[tilespmem:$0x1FA40] =	vst v63  }
0x103: {  	s31 =	sadd.s32 $0x690, s3  }
0x104: {  	[spmem:s2] =	stream.indirect.scatter.add.f32 [tilespmem:s1], [sflag:$0x2], $0x10, s31, s18, $0xb8;
	[tilespmem:$0x1FA40] =	vst v63  }
0x105: {  	s7 =	sadd.s32 $0x6E0, s3  }
0x106: {  	[spmem:s2] =	stream.indirect.scatter.add.f32 [tilespmem:s6], [sflag:$0x2], $0x10, s7, s18, $0xb8;
	[tilespmem:$0x1FA40] =	vst v63  }
0x107: {  	s8 =	sadd.s32 $0x730, s3  }
0x108: {  	[spmem:s2] =	stream.indirect.scatter.add.f32 [tilespmem:s9], [sflag:$0x2], $0x10, s8, s18, $0xb8;
	[tilespmem:$0x1FA40] =	vst v63  }
0x109: {  	s12 =	sadd.s32 $0x780, s3  }
0x10a: {  	[spmem:s2] =	stream.indirect.scatter.add.f32 [tilespmem:s10], [sflag:$0x2], $0x10, s12, s18, $0xb8;
	[tilespmem:$0x1FA40] =	vst v63  }
0x10b: {  	s22 =	sadd.s32 $0x7D0, s3  }
0x10c: {  	[spmem:s2] =	stream.indirect.scatter.add.f32 [tilespmem:s11], [sflag:$0x2], $0x10, s22, s18, $0xb8;
	[tilespmem:$0x1FA40] =	vst v63  }
0x10d: {  	s23 =	sadd.s32 $0x820, s3  }
0x10e: {  	[spmem:s2] =	stream.indirect.scatter.add.f32 [tilespmem:s16], [sflag:$0x2], $0x10, s23, s18, $0xb8;
	[tilespmem:$0x1FA40] =	vst v63  }
0x10f: {  	s24 =	sadd.s32 $0x870, s3  }
0x110: {  	[spmem:s2] =	stream.indirect.scatter.add.f32 [tilespmem:s25], [sflag:$0x2], $0x10, s24, s18, $0xb8;
	[tilespmem:$0x1FA40] =	vst v63  }
0x111: {  	s25 =	sadd.s32 $0x8C0, s3  }
0x112: {  	[spmem:s2] =	stream.indirect.scatter.add.f32 [tilespmem:s28], [sflag:$0x2], $0x10, s25, s18, $0xb8;
	[tilespmem:$0x1FA40] =	vst v63  }
0x113: {  	s29 =	sadd.s32 $0x910, s3  }
0x114: {  	[spmem:s2] =	stream.indirect.scatter.add.f32 [tilespmem:s26], [sflag:$0x2], $0x10, s29, s18, $0xb8;
	[tilespmem:$0x1FA40] =	vst v63  }
0x115: {  	_ =	swait.ge [sflag:s20], $0x3200  }
0x116: {  	[sflag:s20] =	ssyncset.done $0x0  }
0x117: {  	[sflag:s20] =	ssyncadd.s32 $0xFFFFCE00  }
0x118: {  	_ =	swait.ge [sflag:s20], $0x3200  }
0x119: {  	[sflag:s20] =	ssyncset.done $0x0  }
0x11a: {  	[sflag:s20] =	ssyncadd.s32 $0xFFFFCE00  }
0x11b: {  	[bflag:$0x0] =	sbarrier.arrive $0xFFFF  }
0x11c: {  	s30 =	rddreg [dreg:$0x6]  }
0x11d: {  	[hbm:s30], [sflag:s13] =	dma.local [spmem:s14], $0x30D4  }
0x11e: {  	_ =	swait.ge [sflag:s15], $0x30D4  }
0x11f: {  	s21 =	sadd.s32 $0x1, s21;
	s31 =	rddreg [dreg:$0x7]  }
0x120: {  	p0 =	sne.s32 s21, s31  }
.Ltmp1:
0x121: {  	_ = 	snop;
	(pc) =	sbr.rel @p0 .LBB2_1-.Ltmp1, $3  }
0x122: {  	_ =	sdelay $0x1  }
0x123: {  	[sflag:s15] =	ssyncset.done $0x0  }
0x124: {  	s3 =	smov.u32 s13;
	[sflag:s15] =	ssyncadd.s32 $0xFFFFCF2C  }
0x125: {  	_ =	sfence.sel $0x180000  }
0x126: {  	[bflag:$0x0] =	sbarrier.arrive $0xFFFF  }
0x127: {  	_ =	strace $0x9000004A  }
0x128: {  	s0 =	stileid.u32;
	[bflag:$0x2] =	sbarrier.arrive $0xFFFF  }
0x129: {  	p0 =	sne.s32 s0, $0x0;
	s0 =	rddreg [dreg:$0x2]  }
0x12a: {  	s0 =	sadd.s32 @!p0 $0x100000, s0  }
0x12b: {  	[sflag:s0] =	ssyncadd.tile.s32 @!p0 $0x1;
	_ =	shalt  }
.Lfunc_end2:
_tile_overlayer_lowered:
.L_overlay_start_2:
0x12c: {  	(tag) =	ssettag $0x2  }
0x12d: {  	s0 =	rddreg [dreg:$0x0];
	s2 =	stileid.u32  }
0x12e: {  	s1 =	rddreg [dreg:$0x1];
	p0 =	sne.s32 s2, $0x0  }
0x12f: {  	s3 =	rddreg [dreg:$0x2];
	[bflag:$0x3] =	sbarrier.arrive $0xFFFF;
	s2 =	simm.s32 @!p0 $0x1C04  }
0x130: {  	[timem:s3], [sflag:s2] =	dma.local @!p0 [hbm:s0], s1  }
0x131: {  	s0 =	simm.s32 @!p0 $0x4  }
0x132: {  	_ =	swait.ge @!p0 [sflag:s0], s1  }
0x133: {  	s1 =	ssub.s32 @!p0 $0x0, s1;
	[sflag:s0] =	ssyncset.done @!p0 $0x0  }
0x134: {  	[sflag:s0] =	ssyncadd.s32 @!p0 s1  }
0x135: {  	[bflag:$0x3] =	sbarrier.arrive $0xFFFF  }
0x136: {  	_ =	shalt  }

// kernel: sparse-core-data-format-call.cloned.1.call-start
scs
called_computation_lowered:
.L_overlay_start_0:
0x0: {  	s2 =	sld [smem:$0x3FD9]  }
0x1: {  	s3 =	sld [smem:$0x3FFE];
	_ =	sdelay $0x1  }
0x2: {  	s1 =	srdreg.scid  }
0x3: {  	s0 =	sand.u32 $0x1, s1  }
0x4: {  	s18 =	sshll.u32 s0, $0xA;
	s2 =	sadd.s32 s3, s2  }
0x5: {  	s2 =	sadd.s32 s2, s18  }
0x6: {  	[smem:$0x3FBD] =	sst s2  }
0x7: {  	_ = 	snop  }
0x8: {  	s2 =	sld [smem:$0x3FC9];
	(tm) =	ssettm $0x1  }
0x9: {  	s19 =	sld [smem:$0x3FFB];
	_ =	sdelay $0x3  }
0xa: {  	_ =	strace s19  }
0xb: {  	s3 =	sld [smem:$0x3FFC];
	_ =	sdelay $0x3  }
0xc: {  	_ =	strace s3  }
0xd: {  	s3 =	sld [smem:$0x3FFD];
	_ =	sdelay $0x3  }
0xe: {  	_ =	strace s3  }
0xf: {  	_ =	strace $0x8FFFFFFF  }
0x10: {  	s20 =	sld [smem:$0x3FDB];
	_ =	sdelay $0x1  }
0x11: {  	s4 =	simm.s32 $_scs_section_size  }
0x12: {  	s5 =	simm.s32 $_size__tile_overlayer_lowered;
	s6 =	simm.s32 $_tile_overlayer_lowered  }
0x13: {  	s23 =	simm.s32 $0x1BFF;
	s22 =	sshll.u32 s6, $0x1;
	s3 =	sadd.s32 s4, s20  }
0x14: {  	s7 =	simm.s32 $0x0;
	s21 =	sshll.u32 s5, $0x1;
	s5 =	sadd.s32 s22, s3  }
0x15: {  	[timem:s7], [sflag:s23] =	dma.local [hbm:s5], s21  }
0x16: {  	_ =	swait.ge [sflag:s23], s21  }
0x17: {  	s4 =	ssub.s32 $0x0, s21;
	[sflag:s23] =	ssyncset.done $0x0  }
0x18: {  	[sflag:s23] =	ssyncadd.s32 s4;
	_ =	sdelay $0x1  }
0x19: {  	s24 =	simm.s32 $0x1B8B  }
0x1a: {  	_ =	swait.ge [sflag:s24], $0x1  }
0x1b: {  	[sflag:s24] =	ssyncset.done $0x0  }
0x1c: {  	s26 =	simm.s32 $0x1B8E;
	s25 =	sld [smem:$0x3FFE];
	[sflag:s24] =	ssyncadd.s32 $0xFFFFFFFF  }
0x1d: {  	s27 =	simm.s32 $execute0_lowered;
	[smem:$0x3FD2] =	sst s26  }
0x1e: {  	s5 =	sshll.u32 s27, $0x1;
	_ =	strace $0x80000046;
	[dreg:$0x1] =	wrdreg $0xFFFFFFFF  }
0x1f: {  	s28 =	simm.s32 $_size_execute0_lowered;
	s3 =	sadd.s32 s3, s5;
	[dreg:$0x0] =	wrdreg $0x0  }
0x20: {  	s5 =	sshll.u32 s28, $0x1;
	[dreg:$0x2] =	wrdreg s3  }
0x21: {  	[dreg:$0x3] =	wrdreg s5  }
0x22: {  	[dreg:$0x4] =	wrdreg $0xC0  }
0x23: {  	_ =	task [dreg:s7], $0x5FFFF  }
0x24: {  	[dreg:$0x1] =	wrdreg $0xFFFFFFFF  }
0x25: {  	[dreg:$0x0] =	wrdreg $0x60  }
0x26: {  	[dreg:$0x2] =	wrdreg s2  }
0x27: {  	[dreg:$0x3] =	wrdreg s25  }
0x28: {  	[dreg:$0x4] =	wrdreg $0x9  }
0x29: {  	_ =	task.clear_ibuf [dreg:s7], $0x5FFFF;
	_ =	strace $0x90000046  }
0x2a: {  	s29 =	simm.s32 $0x9;
	_ =	strace $0x80000048  }
0x2b: {  	_ =	swait.ge [sflag:s29], $0x1  }
0x2c: {  	[sflag:s29] =	ssyncadd.s32 $0xFFFFFFFF  }
0x2d: {  	_ =	strace $0x90000048  }
0x2e: {  	_ =	sfence  }
0x2f: {  	s30 =	sld [smem:$0x0];
	_ =	sdelay $0x2  }
0x30: {  	s31 =	sshll.u32 s1, $0xD;
	s1 =	sshrl.u32 s1, $0x2  }
0x31: {  	s3 =	sand.u32 $0x4000, s31;
	s1 =	sadd.s32 s1, s30  }
0x32: {  	s0 =	sor.u32 s3, s0;
	s1 =	sshll.u32 s1, $0x11  }
0x33: {  	s0 =	sor.u32 s1, s0  }
0x34: {  	s0 =	sadd.s32 $0x8F2B, s0  }
0x35: {  	[sflag:s0] =	ssyncadd.remote.s32 $0x1  }
0x36: {  	_ =	sfence.sel $0xFFFF  }
0x37: {  	[dreg:$0x0] =	wrdreg $0xFFFFFFFF;
	(pc) =	sbr.abs _section_cstart, $3  }
0x38: {  	[dreg:$0x1] =	wrdreg $0xFFFFFFFF  }
0x39: {  	_ =	task.clear_ibuf [dreg:s7], $0x2FFFF;
	_ =	strace $0x9FFFFFFF  }
0x3a: {  	(tm) =	ssettm $0x7FFFFFFF  }
0x3b: {  	_ =	shalt  }
tec
execute0_lowered:
.L_overlay_start_1:
0x0: {  	(tag) =	ssettag $0x1  }
0x1: {  	s0 =	stileid.u32;
	s7 =	rddreg [dreg:$0x0]  }
0x2: {  	s1 =	srdreg.scid;
	s4 =	rddreg [dreg:$0x1]  }
0x3: {  	s30 =	simm.s32 $0x2;
	s10 =	simm.s32 $0x0;
	s14 =	simm.s32 $0x0  }
0x4: {  	s15 =	simm.s32 $0x0;
	s11 =	simm.s32 $0x0;
	s13 =	simm.s32 $0x0  }
0x5: {  	s2 =	sand.u32 $0x1, s1;
	s3 =	sshll.u32 s0, $0x7;
	s1 =	rddreg [dreg:$0x2]  }
0x6: {  	_ =	strace $0x80000047;
	s5 =	ssub.s32 $0xC300, s3;
	s6 =	ssub.s32 $0x2, s2  }
.Ltmp0:
0x7: {  	s5 =	sshrl.u32 s5, $0xB;
	s8 =	sshrl.u32 s6, $0x1;
	(pc) =	sbr.rel .LBB1_1-.Ltmp0, $4  }
0x8: {  	s4 =	sadd.s32 $0x1A00, s4;
	s9 =	sadd.s32 $0x1, s5;
	s6 =	ssub.s32 s6, s8  }
0x9: {  	s31 =	sshll.u32 s2, $0x4;
	s5 =	simm.s32 $0x1;
	s6 =	smul.u32 s9, s6  }
0xa: {  	s12 =	smov.u32 s3;
	s7 =	sadd.s32 s7, s31;
	[sflag:s5] =	ssyncpa.u1 $0x0  }
0xb: {  	s9 =	simm.s32 $0x0;
	[sflag:s30] =	ssyncpa.u1 $0x0;
	s8 =	sadd.s32 $0x1, s6  }
.LBB1_4:
0xc: {  	s21 =	simm.s32 $0x0  }
.LBB1_8:
0xd: {  	_ =	sdelay $0x3  }
0xe: {  	v6 =	vld [tilespmem:s18+$0xFFFFFFC0];
	[tilespmem:v0+s20+$0x30 ss:$0x1] =	vst.idx.msk @p0 $0xffff, v2  }
0xf: {  	v58 =	vld [tilespmem:s18+$0xFFFFFFD0];
	[tilespmem:v0+s20+$0x40 ss:$0x1] =	vst.idx.msk @p0 $0xffff, v3;
	s21 =	sadd.s32 @p0 $0x80, s21  }
0x10: {  	v59 =	vld [tilespmem:s18+$0xFFFFFFE0];
	[tilespmem:v0+s20+$0x50 ss:$0x1] =	vst.idx.msk @p0 $0xffff, v5;
	s19 =	smov.u32 @p0 s21  }
0x11: {  	v60 =	vld [tilespmem:s18+$0xFFFFFFF0];
	[tilespmem:v0+s20+$0x60 ss:$0x1] =	vst.idx.msk @p0 $0xffff, v4;
	s19 =	sand.u32 $0x3F80, s19  }
0x12: {  	v61 =	vld [tilespmem:s18+$0x0];
	[tilespmem:v0+s19+$0x70 ss:$0x1] =	vst.idx.msk $0xffff, v1  }
0x13: {  	v62 =	vld [tilespmem:s18+$0x10];
	[tilespmem:v0+s19+$0x0 ss:$0x1] =	vst.idx.msk $0xffff, v6  }
0x14: {  	v63 =	vld [tilespmem:s18+$0x20];
	[tilespmem:v0+s19+$0x10 ss:$0x1] =	vst.idx.msk $0xffff, v58  }
0x15: {  	[tilespmem:v0+s19+$0x20 ss:$0x1] =	vst.idx.msk $0xffff, v59  }
0x16: {  	[tilespmem:v0+s19+$0x30 ss:$0x1] =	vst.idx.msk $0xffff, v60  }
0x17: {  	[tilespmem:v0+s19+$0x40 ss:$0x1] =	vst.idx.msk $0xffff, v61  }
0x18: {  	[tilespmem:v0+s19+$0x50 ss:$0x1] =	vst.idx.msk $0xffff, v62  }
0x19: {  	[tilespmem:v0+s19+$0x60 ss:$0x1] =	vst.idx.msk $0xffff, v63  }
.LBB1_9:
0x1a: {  	s18 =	sand.u32 $0x1FFFFFF, s11  }
0x1b: {  	s19 =	smulhi.u32 $0x14F8B59, s18;
	_ =	sdelay $0x1  }
0x1c: {  	s19 =	sshrl.u32 s19, $0x8  }
0x1d: {  	s19 =	smul.u32 $0xC350, s19  }
0x1e: {  	s15 =	smul.u32 $0xC3500, s15  }
0x1f: {  	s18 =	ssub.s32 s18, s19  }
0x20: {  	s15 =	sadd.s32 s4, s15;
	s18 =	sshll.u32 s18, $0x4  }
0x21: {  	s15 =	sadd.s32 s18, s15  }
0x22: {  	[hbm4b:s15+s9] =	stream.linear.scatter [tilespmem:s17], [sflag:$0x2], s16, $0x38;
	[tilespmem:$0x10000] =	vst v63  }
.LBB1_10:
0x23: {  	p0 =	slt.u32 s13, $0x2  }
0x24: {  	p1 =	sgt.s32 @!p0 s14, $0xC2D0  }
0x25: {  	s15 =	smov.u32 s14;
	s16 =	sshra.s32 @!p0 s14, $0x1F;
	p1 =	por !p1, p0  }
0x26: {  	s14 =	sand.u32 @!p0 s16, s14;
	s15 =	simm.s32 @p1 $0xC2D0  }
0x27: {  	s14 =	ssub.s32 @!p0 s15, s14  }
0x28: {  	s14 =	sadd.s32 @!p0 $0xFFFF3D30, s14  }
0x29: {  	s15 =	sshll.u32 @!p0 s14, $0x7  }
0x2a: {  	p1 =	sgt.s32 @!p0 s14, $0x7F;
	s14 =	ssub.s32 @!p0 $0x4000, s15  }
0x2b: {  	s16 =	sadd.s32 $0x800, s12;
	p1 =	por !p1, p0;
	s14 =	sand.u32 @!p0 $0x3FFFFF80, s14  }
0x2c: {  	s14 =	simm.s32 @!p1 $0x0;
	p1 =	sgt.s32 s16, $0xC34F  }
0x2d: {  	s16 =	smov.u32 @p1 s3;
	p1 =	sne.s32 s13, s8  }
.Ltmp1:
0x2e: {  	_ = 	snop;
	(pc) =	sbr.rel @!p1 .LBB1_11-.Ltmp1, $4  }
0x2f: {  	s10 =	sadd.s32 $0x4000, s10;
	s15 =	simm.s32 @!p0 $0x2  }
0x30: {  	_ =	swait.ge @!p0 [sflag:s15], s14;
	s17 =	ssub.s32 @!p0 $0x0, s14;
	s14 =	smov.u32 s11  }
0x31: {  	s13 =	sadd.s32 $0x1, s13;
	s11 =	smov.u32 s12;
	[sflag:s15] =	ssyncset.done @!p0 $0x0  }
0x32: {  	s12 =	smov.u32 s16;
	[sflag:s15] =	ssyncadd.s32 @!p0 s17;
	s15 =	smov.u32 s2  }
.LBB1_1:
0x33: {  	p0 =	sge.u32 s13, s6  }
0x34: {  	p1 =	sgt.s32 @!p0 s12, $0xC2D0  }
0x35: {  	s16 =	smov.u32 s12;
	s17 =	sshra.s32 @!p0 s12, $0x1F;
	p1 =	por !p1, p0  }
0x36: {  	s17 =	sand.u32 @!p0 s17, s12;
	s16 =	simm.s32 @p1 $0xC2D0  }
0x37: {  	s16 =	ssub.s32 @!p0 s16, s17  }
0x38: {  	s31 =	sadd.s32 $0xFFFFFFFF, s13;
	s18 =	sxor.u32 @!p0 $0xFFFFFFFF, s13;
	s16 =	sadd.s32 @!p0 $0xFFFF3D30, s16  }
0x39: {  	s19 =	simm.s32 @!p0 $0x80;
	s20 =	simm.s32 @!p0 $0x100;
	s17 =	sshll.u32 @!p0 s16, $0x7  }
0x3a: {  	p1 =	sgt.s32 @!p0 s16, $0x7F;
	s16 =	ssub.s32 @!p0 $0x4000, s17;
	s17 =	sshll.u32 @!p0 s18, $0xE  }
0x3b: {  	p1 =	por !p1, p0;
	s18 =	sshll.u32 @!p0 s12, $0x5;
	s16 =	sand.u32 @!p0 $0x3FFFFF80, s16  }
0x3c: {  	s17 =	sand.u32 @!p0 $0x4000, s17;
	s18 =	sadd.s32 @!p0 s18, s7;
	s16 =	simm.s32 @!p1 $0x0  }
0x3d: {  	[tilespmem:s17], [sflag:$0x1] =	stream.strided.gather @!p0 [hbm4b:s18+s19], s16, s20, s19, $0x38;
	[tilespmem:$0x10000] =	vst v63  }
0x3e: {  	p0 =	sge.u32 s31, s6  }
.Ltmp2:
0x3f: {  	_ = 	snop;
	(pc) =	sbr.rel @p0 .LBB1_10-.Ltmp2, $1  }
0x40: {  	_ =	sdelay $0x3  }
0x41: {  	p0 =	sgt.s32 s11, $0xC2D0;
	s16 =	smov.u32 s11;
	s17 =	sshra.s32 s11, $0x1F  }
0x42: {  	s16 =	simm.s32 @!p0 $0xC2D0;
	s17 =	sand.u32 s17, s11  }
0x43: {  	s16 =	ssub.s32 s16, s17  }
0x44: {  	s16 =	sadd.s32 $0xFFFF3D30, s16  }
0x45: {  	s30 =	sshll.u32 s16, $0x7  }
0x46: {  	s17 =	ssub.s32 $0x4000, s30  }
0x47: {  	p0 =	sgt.s32 s16, $0x7F;
	s16 =	sand.u32 $0x3FFFFF80, s17;
	s17 =	sadd.s32 $0x80, s11  }
0x48: {  	s16 =	simm.s32 @p0 $0x0;
	p0 =	slt.s32 s17, $0xC350  }
0x49: {  	s17 =	simm.s32 @!p0 $0xC350  }
0x4a: {  	s20 =	ssub.s32 s17, s11  }
0x4b: {  	p0 =	slt.s32 s20, $0x1  }
.Ltmp3:
0x4c: {  	_ = 	snop;
	(pc) =	sbr.rel @p0 .LBB1_9-.Ltmp3, $4  }
0x4d: {  	_ = 	snop  }
0x4e: {  	s19 =	sshll.u32 s13, $0xE;
	_ =	swait.ge [sflag:s5], s16  }
0x4f: {  	s31 =	sand.u32 $0x4000, s19;
	s18 =	ssub.s32 $0x0, s16;
	[sflag:s5] =	ssyncset.done $0x0  }
0x50: {  	s17 =	sor.u32 $0x8000, s31;
	[sflag:s5] =	ssyncadd.s32 s18  }
0x51: {  	p1 =	sne.s32 s20, $0x1  }
.Ltmp4:
0x52: {  	v0 =	vmov s17;
	(pc) =	sbr.rel @!p1 .LBB1_4-.Ltmp4, $4  }
0x53: {  	_ = 	snop  }
0x54: {  	s18 =	sand.u32 $0x4000, s10  }
0x55: {  	s18 =	sor.u32 $0x40, s18  }
0x56: {  	s19 =	simm.s32 $0x0;
	s21 =	sadd.s32 $0xFFFFFFFF, s20;
	p0 =	por $0x0, $0x0;
	v1 =	vld [tilespmem:s18+$0x30]  }
0x57: {  	v4 =	vld [tilespmem:s18+$0xFFFFFFC0]  }
0x58: {  	v6 =	vld [tilespmem:s18+$0xFFFFFFD0]  }
0x59: {  	v7 =	vld [tilespmem:s18+$0xFFFFFFE0];
	p1 =	sne.s32 s21, $0x1  }
.Ltmp5:
0x5a: {  	v2 =	vld [tilespmem:s18+$0xFFFFFFF0];
	s20 =	sand.u32 $0x3F80, s19;
	(pc) =	sbr.rel @!p1 .LBB1_6-.Ltmp5, $4  }
0x5b: {  	v3 =	vld [tilespmem:s18+$0x0];
	[tilespmem:v0+s20+$0x70 ss:$0x1] =	vst.idx.msk $0xffff, v1  }
0x5c: {  	v5 =	vld [tilespmem:s18+$0x10];
	[tilespmem:v0+s20+$0x0 ss:$0x1] =	vst.idx.msk $0xffff, v4  }
0x5d: {  	v4 =	vld [tilespmem:s18+$0x20];
	[tilespmem:v0+s20+$0x10 ss:$0x1] =	vst.idx.msk $0xffff, v6;
	s18 =	sadd.s32 $0x80, s18  }
0x5e: {  	s22 =	sadd.s32 $0xFFFFFFFF, s21;
	p0 =	por $0x1, $0x1;
	s21 =	simm.s32 $0x0;
	[tilespmem:v0+s20+$0x20 ss:$0x1] =	vst.idx.msk $0xffff, v7;
	v1 =	vld [tilespmem:s18+$0x30]  }
.LBB1_7:
0x5f: {  	p1 =	sne.s32 s22, $0x1;
	v6 =	vld [tilespmem:s18+$0xFFFFFFC0];
	[tilespmem:v0+s20+$0x30 ss:$0x1] =	vst.idx.msk $0xffff, v2  }
0x60: {  	v7 =	vld [tilespmem:s18+$0xFFFFFFD0];
	[tilespmem:v0+s20+$0x40 ss:$0x1] =	vst.idx.msk $0xffff, v3  }
0x61: {  	s21 =	sadd.s32 $0x80, s21;
	v8 =	vld [tilespmem:s18+$0xFFFFFFE0];
	[tilespmem:v0+s20+$0x50 ss:$0x1] =	vst.idx.msk $0xffff, v5  }
.Ltmp6:
0x62: {  	v2 =	vld [tilespmem:s18+$0xFFFFFFF0];
	[tilespmem:v0+s20+$0x60 ss:$0x1] =	vst.idx.msk $0xffff, v4;
	s20 =	sand.u32 $0x3F80, s21;
	(pc) =	sbr.rel @p1 .LBB1_7-.Ltmp6, $4  }
0x63: {  	v3 =	vld [tilespmem:s18+$0x0];
	[tilespmem:v0+s20+$0x70 ss:$0x1] =	vst.idx.msk $0xffff, v1  }
0x64: {  	[tilespmem:v0+s20+$0x0 ss:$0x1] =	vst.idx.msk $0xffff, v6;
	v5 =	vld [tilespmem:s18+$0x10]  }
0x65: {  	[tilespmem:v0+s20+$0x10 ss:$0x1] =	vst.idx.msk $0xffff, v7;
	v4 =	vld [tilespmem:s18+$0x20];
	s18 =	sadd.s32 $0x80, s18  }
0x66: {  	s22 =	sadd.s32 $0xFFFFFFFF, s22;
	v1 =	vld [tilespmem:s18+$0x30];
	[tilespmem:v0+s20+$0x20 ss:$0x1] =	vst.idx.msk $0xffff, v8  }
.Ltmp7:
0x67: {  	_ = 	snop;
	(pc) =	sbr.rel .LBB1_8-.Ltmp7, $1  }
0x68: {  	_ =	sdelay $0x3  }
.LBB1_6:
.Ltmp8:
0x69: {  	(pc) =	sbr.rel .LBB1_8-.Ltmp8, $2  }
0x6a: {  	_ =	sdelay $0x2  }
0x6b: {  	s21 =	simm.s32 $0x0  }
.LBB1_11:
0x6c: {  	_ =	sfence.sel $0x180000  }
0x6d: {  	s2 =	simm.s32 $0x1;
	[bflag:$0x0] =	sbarrier.arrive $0xFFFF  }
0x6e: {  	s31 =	simm.s32 $0x2;
	[sflag:s2] =	ssyncpa.u1 $0x1  }
0x6f: {  	[sflag:s31] =	ssyncpa.u1 $0x1  }
0x70: {  	p0 =	sne.s32 s0, $0x0;
	_ =	strace $0x90000047  }
0x71: {  	s0 =	sadd.s32 @!p0 $0x100000, s1;
	[bflag:$0x2] =	sbarrier.arrive $0xFFFF  }
0x72: {  	[sflag:s0] =	ssyncadd.tile.s32 @!p0 $0x1;
	_ =	shalt  }
.Lfunc_end1:
_tile_overlayer_lowered:
.L_overlay_start_2:
0x73: {  	(tag) =	ssettag $0x2  }
0x74: {  	s0 =	rddreg [dreg:$0x0];
	s2 =	stileid.u32  }
0x75: {  	s1 =	rddreg [dreg:$0x1];
	p0 =	sne.s32 s2, $0x0  }
0x76: {  	s3 =	rddreg [dreg:$0x2];
	[bflag:$0x3] =	sbarrier.arrive $0xFFFF;
	s2 =	simm.s32 @!p0 $0x1C01  }
0x77: {  	[timem:s3], [sflag:s2] =	dma.local @!p0 [hbm:s0], s1  }
0x78: {  	s0 =	simm.s32 @!p0 $0x1  }
0x79: {  	_ =	swait.ge @!p0 [sflag:s0], s1  }
0x7a: {  	s1 =	ssub.s32 @!p0 $0x0, s1;
	[sflag:s0] =	ssyncset.done @!p0 $0x0  }
0x7b: {  	[sflag:s0] =	ssyncadd.s32 @!p0 s1  }
0x7c: {  	[bflag:$0x3] =	sbarrier.arrive $0xFFFF  }
0x7d: {  	_ =	shalt  }

</sc_bundles>
